<compile_context>
chip_gen: v7x
topology: tpu7x:2x2x1
jax: 0.10.2.dev20260603
libtpu: 0.0.44.dev20260713+nightly
codegen_flags: <defaults>
</compile_context>

<pallas_src>
import functools

import jax
import jax.numpy as jnp
from jax import lax
from jax.experimental import pallas as pl
from jax.experimental.pallas import tpu as pltpu
from jax.experimental.pallas import tpu_sc as plsc

N_NODES = 10000
N_EDGES = 320000
D = 128

NC = 2
NS = 16
NW = NC * NS

EDGES_PER_TILE = N_EDGES // NW
CHUNK = 100
NCHUNK = EDGES_PER_TILE // CHUNK
NBLK = 5
BLKCHUNK = NCHUNK // NBLK
PAIRS = BLKCHUNK // 2
N_PAD = 10240
ROWS_PER_TILE = N_PAD // NS
ZCOPY = 80

ROW_BLOCK = 2000


_sc_mesh = plsc.VectorSubcoreMesh(core_axis_name="c", subcore_axis_name="s")


@functools.partial(
    pl.kernel,
    out_type=jax.ShapeDtypeStruct((NC, N_PAD, D), jnp.float32),
    mesh=_sc_mesh,
    scratch_types=[
        pltpu.VMEM((2, BLKCHUNK, CHUNK), jnp.int32),
        pltpu.VMEM((2, BLKCHUNK, CHUNK), jnp.int32),
        pltpu.VMEM((CHUNK, D), jnp.float32),
        pltpu.VMEM((CHUNK, D), jnp.float32),
        pltpu.VMEM_SHARED((N_PAD, D), jnp.float32),
        pltpu.SemaphoreType.DMA,
        pltpu.SemaphoreType.DMA,
        pltpu.SemaphoreType.DMA,
        pltpu.SemaphoreType.DMA,
        pltpu.SemaphoreType.DMA,
    ],
)
def _sc_segment_sum(idx_hbm, t_hbm, out_hbm,
                    idx_p, idx_q, buf_a, buf_b, acc,
                    sem_ga, sem_gb, sem_sa, sem_sb, sem_i):
    c = lax.axis_index("c")
    s = lax.axis_index("s")

    pltpu.async_copy(idx_hbm.at[c, s, 0], idx_p, sem_i)
    zeros16 = jnp.zeros((16,), jnp.float32)

    def _zero_body(i, carry):
        buf_a[i // 8, pl.ds((i % 8) * 16, 16)] = zeros16
        return carry

    lax.fori_loop(0, CHUNK * 8, _zero_body, 0)
    base = s * ROWS_PER_TILE
    for z in range(ROWS_PER_TILE // ZCOPY):
        pltpu.async_copy(buf_a.at[pl.ds(0, ZCOPY)],
                        acc.at[pl.ds(base + z * ZCOPY, ZCOPY)], sem_sa)
    for z in range(ROWS_PER_TILE // ZCOPY):
        pltpu.make_async_copy(buf_a.at[pl.ds(0, ZCOPY)],
                              acc.at[pl.ds(base + z * ZCOPY, ZCOPY)],
                              sem_sa).wait()
    pltpu.make_async_copy(idx_hbm.at[c, s, 0], idx_p, sem_i).wait()
    plsc.subcore_barrier()

    for b in range(NBLK):
        idx_v = idx_p if b % 2 == 0 else idx_q
        idx_n = idx_q if b % 2 == 0 else idx_p
        if b + 1 < NBLK:
            pltpu.async_copy(idx_hbm.at[c, s, b + 1], idx_n, sem_i)
        pltpu.async_copy(t_hbm.at[idx_v.at[0, 0]], buf_a, sem_ga)
        pltpu.async_copy(t_hbm.at[idx_v.at[0, 1]], buf_b, sem_gb)

        def _pair_body(i, carry, idx_v=idx_v):
            ja = 2 * i
            jb = 2 * i + 1
            pltpu.make_async_copy(t_hbm.at[idx_v.at[0, ja]], buf_a,
                                  sem_ga).wait()
            pltpu.sync_copy(buf_a, acc.at[idx_v.at[1, ja]], add=True)

            @pl.when(i < PAIRS - 1)
            def _():
                pltpu.async_copy(t_hbm.at[idx_v.at[0, ja + 2]], buf_a, sem_ga)

            pltpu.make_async_copy(t_hbm.at[idx_v.at[0, jb]], buf_b,
                                  sem_gb).wait()
            pltpu.sync_copy(buf_b, acc.at[idx_v.at[1, jb]], add=True)

            @pl.when(i < PAIRS - 1)
            def _():
                pltpu.async_copy(t_hbm.at[idx_v.at[0, jb + 2]], buf_b, sem_gb)

            return carry

        lax.fori_loop(0, PAIRS, _pair_body, 0)
        if b + 1 < NBLK:
            pltpu.make_async_copy(idx_hbm.at[c, s, b + 1], idx_n, sem_i).wait()
    plsc.subcore_barrier()

    pltpu.sync_copy(acc.at[pl.ds(base, ROWS_PER_TILE)],
                    out_hbm.at[c, pl.ds(base, ROWS_PER_TILE)])


def _mm(a, w):
    return lax.dot_general(a, w, (((1,), (1,)), ((), ())),
                           preferred_element_type=jnp.float32,
                           precision=lax.Precision.HIGHEST)


def _dense1_body(x_ref, wr_ref, b_ref, wo_ref, t_ref, r_ref):
    xb = x_ref[...]
    t_ref[...] = _mm(xb, wr_ref[...])
    r_ref[...] = _mm(xb, wo_ref[...]) + b_ref[...]


def _dense1(x, w_rel, b_rel, w_root):
    grid = (N_NODES // ROW_BLOCK,)
    return pl.pallas_call(
        _dense1_body,
        grid=grid,
        in_specs=[
            pl.BlockSpec((ROW_BLOCK, D), lambda i: (i, 0)),
            pl.BlockSpec((D, D), lambda i: (0, 0)),
            pl.BlockSpec((1, D), lambda i: (0, 0)),
            pl.BlockSpec((D, D), lambda i: (0, 0)),
        ],
        out_specs=[
            pl.BlockSpec((ROW_BLOCK, D), lambda i: (i, 0)),
            pl.BlockSpec((ROW_BLOCK, D), lambda i: (i, 0)),
        ],
        out_shape=[
            jax.ShapeDtypeStruct((N_NODES, D), jnp.float32),
            jax.ShapeDtypeStruct((N_NODES, D), jnp.float32),
        ],
    )(x, w_rel, b_rel, w_root)


def _dense2_body(p_ref, r_ref, wr_ref, b_ref, wo_ref, t_ref, r2_ref):
    h = jnp.maximum(p_ref[0] + p_ref[1] + r_ref[...], 0.0)
    t_ref[...] = _mm(h, wr_ref[...])
    r2_ref[...] = _mm(h, wo_ref[...]) + b_ref[...]


def _dense2(p, r, w_rel, b_rel, w_root):
    grid = (N_NODES // ROW_BLOCK,)
    return pl.pallas_call(
        _dense2_body,
        grid=grid,
        in_specs=[
            pl.BlockSpec((NC, ROW_BLOCK, D), lambda i: (0, i, 0)),
            pl.BlockSpec((ROW_BLOCK, D), lambda i: (i, 0)),
            pl.BlockSpec((D, D), lambda i: (0, 0)),
            pl.BlockSpec((1, D), lambda i: (0, 0)),
            pl.BlockSpec((D, D), lambda i: (0, 0)),
        ],
        out_specs=[
            pl.BlockSpec((ROW_BLOCK, D), lambda i: (i, 0)),
            pl.BlockSpec((ROW_BLOCK, D), lambda i: (i, 0)),
        ],
        out_shape=[
            jax.ShapeDtypeStruct((N_NODES, D), jnp.float32),
            jax.ShapeDtypeStruct((N_NODES, D), jnp.float32),
        ],
    )(p, r, w_rel, b_rel, w_root)


def _dense3_body(p_ref, r_ref, o_ref):
    h = jnp.maximum(p_ref[0] + p_ref[1] + r_ref[...], 0.0)
    m = jnp.max(h, axis=1, keepdims=True)
    lse = m + jnp.log(jnp.sum(jnp.exp(h - m), axis=1, keepdims=True))
    o_ref[...] = h - lse


def _dense3(p, r):
    grid = (N_NODES // ROW_BLOCK,)
    return pl.pallas_call(
        _dense3_body,
        grid=grid,
        in_specs=[
            pl.BlockSpec((NC, ROW_BLOCK, D), lambda i: (0, i, 0)),
            pl.BlockSpec((ROW_BLOCK, D), lambda i: (i, 0)),
        ],
        out_specs=pl.BlockSpec((ROW_BLOCK, D), lambda i: (i, 0)),
        out_shape=jax.ShapeDtypeStruct((N_NODES, D), jnp.float32),
    )(p, r)


def kernel(x, edge_index, W_rel1, b_rel1, W_root1, W_rel2, b_rel2, W_root2):
    idx = jnp.transpose(
        edge_index.reshape(2, NC, NS, NBLK, BLKCHUNK, CHUNK),
        (1, 2, 3, 0, 4, 5))
    b1 = b_rel1.reshape(1, D)
    b2 = b_rel2.reshape(1, D)

    t1, r1 = _dense1(x, W_rel1, b1, W_root1)
    p1 = _sc_segment_sum(idx, t1)
    t2, r2 = _dense2(p1, r1, W_rel2, b2, W_root2)
    p2 = _sc_segment_sum(idx, t2)
    return _dense3(p2, r2)

# --- scband reference (transcript-rebuilt; emitter-appended) ---
"""Pipeline reference for scband-graph-conv-37194416783908 (READ-ONLY COPY).

The authoritative reference and input builder live on the scoring server;
editing this copy changes nothing except your own understanding.
"""

import jax, jax.numpy as jnp
import numpy as np

N = 10000
E = 320000
D_IN = 128
D_H = 128
D_OUT = 128


def _glorot(key, shape):
    fan_in = shape[1]
    bound = 1.0 / np.sqrt(fan_in)
    return jax.random.uniform(key, shape, dtype=jnp.float32, minval=-bound, maxval=bound)


def setup_inputs(seed: int = 0) -> dict:
    key = jax.random.key(seed)
    ks = jax.random.split(key, 8)
    x = jax.random.normal(ks[0], (N, D_IN), dtype=jnp.float32)
    edge_index = jax.random.randint(ks[1], (2, E), 0, N, dtype=jnp.int32)
    # Layer 1: GraphConv(in=128, out=128): lin_rel (with bias), lin_root (no bias)
    W_rel1 = _glorot(ks[2], (D_H, D_IN))
    b_rel1 = _glorot(ks[3], (1, D_H))[0]
    W_root1 = _glorot(ks[4], (D_H, D_IN))
    # Layer 2: GraphConv(in=128, out=128)
    W_rel2 = _glorot(ks[5], (D_OUT, D_H))
    b_rel2 = _glorot(ks[6], (1, D_OUT))[0]
    W_root2 = _glorot(ks[7], (D_OUT, D_H))
    return {"x": x, "edge_index": edge_index,
            "W_rel1": W_rel1, "b_rel1": b_rel1, "W_root1": W_root1,
            "W_rel2": W_rel2, "b_rel2": b_rel2, "W_root2": W_root2}


def _graph_conv(h, edge_index, W_rel, b_rel, W_root):
    # PyG GraphConv with aggr='add': out_i = W_rel @ (sum_{j in N(i)} x_j) + b_rel + W_root @ x_i
    src = edge_index[0]
    dst = edge_index[1]
    msgs = jnp.take(h, src, axis=0)                      # gather
    agg = jax.ops.segment_sum(msgs, dst, num_segments=N)  # scatter-add
    return agg @ W_rel.T + b_rel + h @ W_root.T


def reference(x, edge_index, W_rel1, b_rel1, W_root1, W_rel2, b_rel2, W_root2):
    h = _graph_conv(x, edge_index, W_rel1, b_rel1, W_root1)
    h = jax.nn.relu(h)
    # dropout p=0 -> identity
    h = _graph_conv(h, edge_index, W_rel2, b_rel2, W_root2)
    h = jax.nn.relu(h)
    # skip_connections=False -> no concat/linear
    return jax.nn.log_softmax(h, axis=1)

if __name__ == "__main__":
    import jax
    _d = setup_inputs()
    print(jax.jit(kernel)(*tuple(_d.values())))

</pallas_src>

<mosaic_0001>
#map = affine_map<(d0, d1) -> (0, 0, 0, 0, 0, 0)>
#map1 = affine_map<(d0, d1) -> (0, 0)>
#map2 = affine_map<(d0, d1) -> (0, 0, 0)>
module attributes {stable_mosaic.version = 14 : i64} {
  func.func @_sc_segment_sum(%arg0: i32, %arg1: i32, %arg2: memref<2x16x5x2x20x100xi32, #tpu.memory_space<hbm>>, %arg3: memref<10000x128xf32, #tpu.memory_space<hbm>>, %arg4: memref<2x10240x128xf32, #tpu.memory_space<hbm>>, %arg5: memref<2x20x100xi32, #tpu.memory_space<vmem>>, %arg6: memref<2x20x100xi32, #tpu.memory_space<vmem>>, %arg7: memref<100x128xf32, #tpu.memory_space<vmem>>, %arg8: memref<100x128xf32, #tpu.memory_space<vmem>>, %arg9: memref<10240x128xf32, #tpu.memory_space<vmem_shared>>, %arg10: memref<!tpu.dma_semaphore, #tpu.memory_space<semaphore_mem>>, %arg11: memref<!tpu.dma_semaphore, #tpu.memory_space<semaphore_mem>>, %arg12: memref<!tpu.dma_semaphore, #tpu.memory_space<semaphore_mem>>, %arg13: memref<!tpu.dma_semaphore, #tpu.memory_space<semaphore_mem>>, %arg14: memref<!tpu.dma_semaphore, #tpu.memory_space<semaphore_mem>>) attributes {dimension_semantics = [#tpu.dimension_semantics<core_parallel>, #tpu.dimension_semantics<subcore_parallel>], iteration_bounds = array<i64: 2, 16>, scalar_prefetch = 0 : i64, scratch_operands = 10 : i64, tpu.core_type = #tpu.core_type<sc_vector_subcore>, window_params = [{transform_indices = #map}, {transform_indices = #map1}, {transform_indices = #map2}]} {
    %dma_start3A = arith.constant 0 : i32
    %dma_start3A_0 = arith.constant 0 : i32
    %dma_start3A_1 = arith.constant 0 : i32
    %dma_start3A_2 = arith.constant 0 : i32
    %dma_start3A_3 = tpu.memref_slice %arg2[%arg0, %arg1, %dma_start3A, %dma_start3A_0, %dma_start3A_1, %dma_start3A_2] : memref<2x16x5x2x20x100xi32, #tpu.memory_space<hbm>> -> memref<1x1x1x2x20x100xi32, #tpu.memory_space<hbm>>
    %dma_start3A_4 = tpu.memref_squeeze %dma_start3A_3 : memref<1x1x1x2x20x100xi32, #tpu.memory_space<hbm>> -> memref<2x20x100xi32, #tpu.memory_space<hbm>>
    %dma_start3A_5 = arith.constant 0 : i32
    %dma_start3A_6 = arith.constant 0 : i32
    %dma_start3A_7 = arith.constant 0 : i32
    %dma_start3A_8 = tpu.memref_slice %arg2[%arg0, %arg1, %dma_start3A, %dma_start3A_5, %dma_start3A_6, %dma_start3A_7] : memref<2x16x5x2x20x100xi32, #tpu.memory_space<hbm>> -> memref<1x1x1x2x20x100xi32, #tpu.memory_space<hbm>>
    %dma_start3A_9 = tpu.memref_squeeze %dma_start3A_8 : memref<1x1x1x2x20x100xi32, #tpu.memory_space<hbm>> -> memref<2x20x100xi32, #tpu.memory_space<hbm>>
    tpu.enqueue_dma source(%dma_start3A_9 : memref<2x20x100xi32, #tpu.memory_space<hbm>>) target(%arg5 : memref<2x20x100xi32, #tpu.memory_space<vmem>>) target_semaphore(%arg14 : memref<!tpu.dma_semaphore, #tpu.memory_space<semaphore_mem>>)
    %broadcast_in_dim3A = arith.constant 0.000000e+00 : f32
    %broadcast_in_dim3A_10 = vector.broadcast %broadcast_in_dim3A : f32 to vector<16xf32>
    %scan3A = arith.constant 0 : i32
    %scan3A_11 = arith.constant 0 : i32
    %scan3A_12 = arith.constant 800 : i32
    %scan3A_13 = arith.addi %scan3A_11, %scan3A_12 : i32
    %scan3A_14 = arith.constant 1 : i32
    scf.for %scan3A_417 = %scan3A_11 to %scan3A_13 step %scan3A_14  : i32 {
      %jit3A = arith.constant 8 : i32
      %div3A = arith.divsi %scan3A_417, %jit3A : i32
      %sign3A = arith.constant 0 : i32
      %sign3A_418 = arith.cmpi sgt, %scan3A_417, %sign3A : i32
      %sign3A_419 = arith.extui %sign3A_418 : i1 to i32
      %sign3A_420 = arith.constant 0 : i32
      %sign3A_421 = arith.cmpi slt, %scan3A_417, %sign3A_420 : i32
      %sign3A_422 = arith.extui %sign3A_421 : i1 to i32
      %sign3A_423 = arith.subi %sign3A_419, %sign3A_422 : i32
      %sign3A_424 = arith.constant 0 : i32
      %sign3A_425 = arith.cmpi sgt, %jit3A, %sign3A_424 : i32
      %sign3A_426 = arith.extui %sign3A_425 : i1 to i32
      %sign3A_427 = arith.constant 0 : i32
      %sign3A_428 = arith.cmpi slt, %jit3A, %sign3A_427 : i32
      %sign3A_429 = arith.extui %sign3A_428 : i1 to i32
      %sign3A_430 = arith.subi %sign3A_426, %sign3A_429 : i32
      %ne3A = arith.cmpi ne, %sign3A_423, %sign3A_430 : i32
      %rem3A = arith.remsi %scan3A_417, %jit3A : i32
      %ne3A_431 = arith.constant 0 : i32
      %ne3A_432 = arith.cmpi ne, %rem3A, %ne3A_431 : i32
      %and3A = arith.andi %ne3A, %ne3A_432 : i1
      %sub3A = arith.constant 1 : i32
      %sub3A_433 = arith.subi %div3A, %sub3A : i32
      %select_n3A = arith.select %and3A, %sub3A_433, %div3A : i32
      %jit3A_434 = arith.constant 8 : i32
      %eq3A = arith.constant 0 : i32
      %eq3A_435 = arith.cmpi eq, %jit3A_434, %eq3A : i32
      %jit3A_436 = arith.constant 1 : i32
      %select_n3A_437 = arith.select %eq3A_435, %jit3A_436, %jit3A_434 : i32
      %rem3A_438 = arith.remsi %scan3A_417, %select_n3A_437 : i32
      %ne3A_439 = arith.constant 0 : i32
      %ne3A_440 = arith.cmpi ne, %rem3A_438, %ne3A_439 : i32
      %lt3A = arith.constant 0 : i32
      %lt3A_441 = arith.cmpi slt, %rem3A_438, %lt3A : i32
      %lt3A_442 = arith.constant 0 : i32
      %lt3A_443 = arith.cmpi slt, %select_n3A_437, %lt3A_442 : i32
      %ne3A_444 = arith.xori %lt3A_441, %lt3A_443 : i1
      %and3A_445 = arith.andi %ne3A_444, %ne3A_440 : i1
      %add3A_446 = arith.addi %rem3A_438, %select_n3A_437 : i32
      %select_n3A_447 = arith.select %and3A_445, %add3A_446, %rem3A_438 : i32
      %mul3A_448 = arith.constant 16 : i32
      %mul3A_449 = arith.muli %select_n3A_447, %mul3A_448 : i32
      %swap3A = arith.index_cast %select_n3A : i32 to index
      %swap3A_450 = arith.index_cast %mul3A_449 : i32 to index
      %swap3A_451 = tpu.vector_load %arg7[%swap3A, %swap3A_450] {strides = array<i32>} : memref<100x128xf32, #tpu.memory_space<vmem>>, vector<1x16xf32>,
      %swap3A_452 = vector.shape_cast %swap3A_451 : vector<1x16xf32> to vector<16xf32>
      %swap3A_453 = vector.shape_cast %broadcast_in_dim3A_10 : vector<16xf32> to vector<1x16xf32>
      tpu.vector_store %arg7[%swap3A, %swap3A_450], %swap3A_453 {strides = array<i32>} : memref<100x128xf32, #tpu.memory_space<vmem>>, vector<1x16xf32>,
    }
    %scan3A_15 = arith.constant 800 : i32
    %mul3A = arith.constant 640 : i32
    %mul3A_16 = arith.muli %arg1, %mul3A : i32
    %add3A = arith.constant 0 : i32
    %add3A_17 = arith.addi %mul3A_16, %add3A : i32
    %dma_start3A_18 = arith.constant 0 : i32
    %dma_start3A_19 = arith.constant 0 : i32
    %dma_start3A_20 = tpu.memref_slice %arg7[%dma_start3A_18, %dma_start3A_19] : memref<100x128xf32, #tpu.memory_space<vmem>> -> memref<80x128xf32, #tpu.memory_space<vmem>>
    %dma_start3A_21 = arith.constant 0 : i32
    %dma_start3A_22 = tpu.memref_slice %arg9[%add3A_17, %dma_start3A_21] : memref<10240x128xf32, #tpu.memory_space<vmem_shared>> -> memref<80x128xf32, #tpu.memory_space<vmem_shared>>
    %dma_start3A_23 = arith.constant 0 : i32
    %dma_start3A_24 = tpu.memref_slice %arg9[%add3A_17, %dma_start3A_23] : memref<10240x128xf32, #tpu.memory_space<vmem_shared>> -> memref<80x128xf32, #tpu.memory_space<vmem_shared>>
    %dma_start3A_25 = arith.constant 0 : i32
    %dma_start3A_26 = arith.constant 0 : i32
    %dma_start3A_27 = tpu.memref_slice %arg7[%dma_start3A_25, %dma_start3A_26] : memref<100x128xf32, #tpu.memory_space<vmem>> -> memref<80x128xf32, #tpu.memory_space<vmem>>
    tpu.enqueue_dma source(%dma_start3A_27 : memref<80x128xf32, #tpu.memory_space<vmem>>) target(%dma_start3A_24 : memref<80x128xf32, #tpu.memory_space<vmem_shared>>) target_semaphore(%arg12 : memref<!tpu.dma_semaphore, #tpu.memory_space<semaphore_mem>>)
    %add3A_28 = arith.constant 80 : i32
    %add3A_29 = arith.addi %mul3A_16, %add3A_28 : i32
    %dma_start3A_30 = arith.constant 0 : i32
    %dma_start3A_31 = arith.constant 0 : i32
    %dma_start3A_32 = tpu.memref_slice %arg7[%dma_start3A_30, %dma_start3A_31] : memref<100x128xf32, #tpu.memory_space<vmem>> -> memref<80x128xf32, #tpu.memory_space<vmem>>
    %dma_start3A_33 = arith.constant 0 : i32
    %dma_start3A_34 = tpu.memref_slice %arg9[%add3A_29, %dma_start3A_33] : memref<10240x128xf32, #tpu.memory_space<vmem_shared>> -> memref<80x128xf32, #tpu.memory_space<vmem_shared>>
    %dma_start3A_35 = arith.constant 0 : i32
    %dma_start3A_36 = tpu.memref_slice %arg9[%add3A_29, %dma_start3A_35] : memref<10240x128xf32, #tpu.memory_space<vmem_shared>> -> memref<80x128xf32, #tpu.memory_space<vmem_shared>>
    %dma_start3A_37 = arith.constant 0 : i32
    %dma_start3A_38 = arith.constant 0 : i32
    %dma_start3A_39 = tpu.memref_slice %arg7[%dma_start3A_37, %dma_start3A_38] : memref<100x128xf32, #tpu.memory_space<vmem>> -> memref<80x128xf32, #tpu.memory_space<vmem>>
    tpu.enqueue_dma source(%dma_start3A_39 : memref<80x128xf32, #tpu.memory_space<vmem>>) target(%dma_start3A_36 : memref<80x128xf32, #tpu.memory_space<vmem_shared>>) target_semaphore(%arg12 : memref<!tpu.dma_semaphore, #tpu.memory_space<semaphore_mem>>)
    %add3A_40 = arith.constant 160 : i32
    %add3A_41 = arith.addi %mul3A_16, %add3A_40 : i32
    %dma_start3A_42 = arith.constant 0 : i32
    %dma_start3A_43 = arith.constant 0 : i32
    %dma_start3A_44 = tpu.memref_slice %arg7[%dma_start3A_42, %dma_start3A_43] : memref<100x128xf32, #tpu.memory_space<vmem>> -> memref<80x128xf32, #tpu.memory_space<vmem>>
    %dma_start3A_45 = arith.constant 0 : i32
    %dma_start3A_46 = tpu.memref_slice %arg9[%add3A_41, %dma_start3A_45] : memref<10240x128xf32, #tpu.memory_space<vmem_shared>> -> memref<80x128xf32, #tpu.memory_space<vmem_shared>>
    %dma_start3A_47 = arith.constant 0 : i32
    %dma_start3A_48 = tpu.memref_slice %arg9[%add3A_41, %dma_start3A_47] : memref<10240x128xf32, #tpu.memory_space<vmem_shared>> -> memref<80x128xf32, #tpu.memory_space<vmem_shared>>
    %dma_start3A_49 = arith.constant 0 : i32
    %dma_start3A_50 = arith.constant 0 : i32
    %dma_start3A_51 = tpu.memref_slice %arg7[%dma_start3A_49, %dma_start3A_50] : memref<100x128xf32, #tpu.memory_space<vmem>> -> memref<80x128xf32, #tpu.memory_space<vmem>>
    tpu.enqueue_dma source(%dma_start3A_51 : memref<80x128xf32, #tpu.memory_space<vmem>>) target(%dma_start3A_48 : memref<80x128xf32, #tpu.memory_space<vmem_shared>>) target_semaphore(%arg12 : memref<!tpu.dma_semaphore, #tpu.memory_space<semaphore_mem>>)
    %add3A_52 = arith.constant 240 : i32
    %add3A_53 = arith.addi %mul3A_16, %add3A_52 : i32
    %dma_start3A_54 = arith.constant 0 : i32
    %dma_start3A_55 = arith.constant 0 : i32
    %dma_start3A_56 = tpu.memref_slice %arg7[%dma_start3A_54, %dma_start3A_55] : memref<100x128xf32, #tpu.memory_space<vmem>> -> memref<80x128xf32, #tpu.memory_space<vmem>>
    %dma_start3A_57 = arith.constant 0 : i32
    %dma_start3A_58 = tpu.memref_slice %arg9[%add3A_53, %dma_start3A_57] : memref<10240x128xf32, #tpu.memory_space<vmem_shared>> -> memref<80x128xf32, #tpu.memory_space<vmem_shared>>
    %dma_start3A_59 = arith.constant 0 : i32
    %dma_start3A_60 = tpu.memref_slice %arg9[%add3A_53, %dma_start3A_59] : memref<10240x128xf32, #tpu.memory_space<vmem_shared>> -> memref<80x128xf32, #tpu.memory_space<vmem_shared>>
    %dma_start3A_61 = arith.constant 0 : i32
    %dma_start3A_62 = arith.constant 0 : i32
    %dma_start3A_63 = tpu.memref_slice %arg7[%dma_start3A_61, %dma_start3A_62] : memref<100x128xf32, #tpu.memory_space<vmem>> -> memref<80x128xf32, #tpu.memory_space<vmem>>
    tpu.enqueue_dma source(%dma_start3A_63 : memref<80x128xf32, #tpu.memory_space<vmem>>) target(%dma_start3A_60 : memref<80x128xf32, #tpu.memory_space<vmem_shared>>) target_semaphore(%arg12 : memref<!tpu.dma_semaphore, #tpu.memory_space<semaphore_mem>>)
    %add3A_64 = arith.constant 320 : i32
    %add3A_65 = arith.addi %mul3A_16, %add3A_64 : i32
    %dma_start3A_66 = arith.constant 0 : i32
    %dma_start3A_67 = arith.constant 0 : i32
    %dma_start3A_68 = tpu.memref_slice %arg7[%dma_start3A_66, %dma_start3A_67] : memref<100x128xf32, #tpu.memory_space<vmem>> -> memref<80x128xf32, #tpu.memory_space<vmem>>
    %dma_start3A_69 = arith.constant 0 : i32
    %dma_start3A_70 = tpu.memref_slice %arg9[%add3A_65, %dma_start3A_69] : memref<10240x128xf32, #tpu.memory_space<vmem_shared>> -> memref<80x128xf32, #tpu.memory_space<vmem_shared>>
    %dma_start3A_71 = arith.constant 0 : i32
    %dma_start3A_72 = tpu.memref_slice %arg9[%add3A_65, %dma_start3A_71] : memref<10240x128xf32, #tpu.memory_space<vmem_shared>> -> memref<80x128xf32, #tpu.memory_space<vmem_shared>>
    %dma_start3A_73 = arith.constant 0 : i32
    %dma_start3A_74 = arith.constant 0 : i32
    %dma_start3A_75 = tpu.memref_slice %arg7[%dma_start3A_73, %dma_start3A_74] : memref<100x128xf32, #tpu.memory_space<vmem>> -> memref<80x128xf32, #tpu.memory_space<vmem>>
    tpu.enqueue_dma source(%dma_start3A_75 : memref<80x128xf32, #tpu.memory_space<vmem>>) target(%dma_start3A_72 : memref<80x128xf32, #tpu.memory_space<vmem_shared>>) target_semaphore(%arg12 : memref<!tpu.dma_semaphore, #tpu.memory_space<semaphore_mem>>)
    %add3A_76 = arith.constant 400 : i32
    %add3A_77 = arith.addi %mul3A_16, %add3A_76 : i32
    %dma_start3A_78 = arith.constant 0 : i32
    %dma_start3A_79 = arith.constant 0 : i32
    %dma_start3A_80 = tpu.memref_slice %arg7[%dma_start3A_78, %dma_start3A_79] : memref<100x128xf32, #tpu.memory_space<vmem>> -> memref<80x128xf32, #tpu.memory_space<vmem>>
    %dma_start3A_81 = arith.constant 0 : i32
    %dma_start3A_82 = tpu.memref_slice %arg9[%add3A_77, %dma_start3A_81] : memref<10240x128xf32, #tpu.memory_space<vmem_shared>> -> memref<80x128xf32, #tpu.memory_space<vmem_shared>>
    %dma_start3A_83 = arith.constant 0 : i32
    %dma_start3A_84 = tpu.memref_slice %arg9[%add3A_77, %dma_start3A_83] : memref<10240x128xf32, #tpu.memory_space<vmem_shared>> -> memref<80x128xf32, #tpu.memory_space<vmem_shared>>
    %dma_start3A_85 = arith.constant 0 : i32
    %dma_start3A_86 = arith.constant 0 : i32
    %dma_start3A_87 = tpu.memref_slice %arg7[%dma_start3A_85, %dma_start3A_86] : memref<100x128xf32, #tpu.memory_space<vmem>> -> memref<80x128xf32, #tpu.memory_space<vmem>>
    tpu.enqueue_dma source(%dma_start3A_87 : memref<80x128xf32, #tpu.memory_space<vmem>>) target(%dma_start3A_84 : memref<80x128xf32, #tpu.memory_space<vmem_shared>>) target_semaphore(%arg12 : memref<!tpu.dma_semaphore, #tpu.memory_space<semaphore_mem>>)
    %add3A_88 = arith.constant 480 : i32
    %add3A_89 = arith.addi %mul3A_16, %add3A_88 : i32
    %dma_start3A_90 = arith.constant 0 : i32
    %dma_start3A_91 = arith.constant 0 : i32
    %dma_start3A_92 = tpu.memref_slice %arg7[%dma_start3A_90, %dma_start3A_91] : memref<100x128xf32, #tpu.memory_space<vmem>> -> memref<80x128xf32, #tpu.memory_space<vmem>>
    %dma_start3A_93 = arith.constant 0 : i32
    %dma_start3A_94 = tpu.memref_slice %arg9[%add3A_89, %dma_start3A_93] : memref<10240x128xf32, #tpu.memory_space<vmem_shared>> -> memref<80x128xf32, #tpu.memory_space<vmem_shared>>
    %dma_start3A_95 = arith.constant 0 : i32
    %dma_start3A_96 = tpu.memref_slice %arg9[%add3A_89, %dma_start3A_95] : memref<10240x128xf32, #tpu.memory_space<vmem_shared>> -> memref<80x128xf32, #tpu.memory_space<vmem_shared>>
    %dma_start3A_97 = arith.constant 0 : i32
    %dma_start3A_98 = arith.constant 0 : i32
    %dma_start3A_99 = tpu.memref_slice %arg7[%dma_start3A_97, %dma_start3A_98] : memref<100x128xf32, #tpu.memory_space<vmem>> -> memref<80x128xf32, #tpu.memory_space<vmem>>
    tpu.enqueue_dma source(%dma_start3A_99 : memref<80x128xf32, #tpu.memory_space<vmem>>) target(%dma_start3A_96 : memref<80x128xf32, #tpu.memory_space<vmem_shared>>) target_semaphore(%arg12 : memref<!tpu.dma_semaphore, #tpu.memory_space<semaphore_mem>>)
    %add3A_100 = arith.constant 560 : i32
    %add3A_101 = arith.addi %mul3A_16, %add3A_100 : i32
    %dma_start3A_102 = arith.constant 0 : i32
    %dma_start3A_103 = arith.constant 0 : i32
    %dma_start3A_104 = tpu.memref_slice %arg7[%dma_start3A_102, %dma_start3A_103] : memref<100x128xf32, #tpu.memory_space<vmem>> -> memref<80x128xf32, #tpu.memory_space<vmem>>
    %dma_start3A_105 = arith.constant 0 : i32
    %dma_start3A_106 = tpu.memref_slice %arg9[%add3A_101, %dma_start3A_105] : memref<10240x128xf32, #tpu.memory_space<vmem_shared>> -> memref<80x128xf32, #tpu.memory_space<vmem_shared>>
    %dma_start3A_107 = arith.constant 0 : i32
    %dma_start3A_108 = tpu.memref_slice %arg9[%add3A_101, %dma_start3A_107] : memref<10240x128xf32, #tpu.memory_space<vmem_shared>> -> memref<80x128xf32, #tpu.memory_space<vmem_shared>>
    %dma_start3A_109 = arith.constant 0 : i32
    %dma_start3A_110 = arith.constant 0 : i32
    %dma_start3A_111 = tpu.memref_slice %arg7[%dma_start3A_109, %dma_start3A_110] : memref<100x128xf32, #tpu.memory_space<vmem>> -> memref<80x128xf32, #tpu.memory_space<vmem>>
    tpu.enqueue_dma source(%dma_start3A_111 : memref<80x128xf32, #tpu.memory_space<vmem>>) target(%dma_start3A_108 : memref<80x128xf32, #tpu.memory_space<vmem_shared>>) target_semaphore(%arg12 : memref<!tpu.dma_semaphore, #tpu.memory_space<semaphore_mem>>)
    %add3A_112 = arith.constant 0 : i32
    %add3A_113 = arith.addi %mul3A_16, %add3A_112 : i32
    %dma_wait3A = arith.constant 0 : i32
    %dma_wait3A_114 = arith.constant 0 : i32
    %dma_wait3A_115 = tpu.memref_slice %arg7[%dma_wait3A, %dma_wait3A_114] : memref<100x128xf32, #tpu.memory_space<vmem>> -> memref<80x128xf32, #tpu.memory_space<vmem>>
    %dma_wait3A_116 = arith.constant 0 : i32
    %dma_wait3A_117 = tpu.memref_slice %arg9[%add3A_113, %dma_wait3A_116] : memref<10240x128xf32, #tpu.memory_space<vmem_shared>> -> memref<80x128xf32, #tpu.memory_space<vmem_shared>>
    %dma_wait3A_118 = arith.constant 0 : i32
    %dma_wait3A_119 = tpu.memref_slice %arg9[%add3A_113, %dma_wait3A_118] : memref<10240x128xf32, #tpu.memory_space<vmem_shared>> -> memref<80x128xf32, #tpu.memory_space<vmem_shared>>
    %dma_wait3A_120 = arith.constant 0 : i32
    %dma_wait3A_121 = arith.constant 0 : i32
    %dma_wait3A_122 = tpu.memref_slice %arg7[%dma_wait3A_120, %dma_wait3A_121] : memref<100x128xf32, #tpu.memory_space<vmem>> -> memref<80x128xf32, #tpu.memory_space<vmem>>
    tpu.wait_dma2 semaphore(%arg12 : memref<!tpu.dma_semaphore, #tpu.memory_space<semaphore_mem>>) src(%dma_wait3A_122 : memref<80x128xf32, #tpu.memory_space<vmem>>) dst(%dma_wait3A_119 : memref<80x128xf32, #tpu.memory_space<vmem_shared>>)
    %add3A_123 = arith.constant 80 : i32
    %add3A_124 = arith.addi %mul3A_16, %add3A_123 : i32
    %dma_wait3A_125 = arith.constant 0 : i32
    %dma_wait3A_126 = arith.constant 0 : i32
    %dma_wait3A_127 = tpu.memref_slice %arg7[%dma_wait3A_125, %dma_wait3A_126] : memref<100x128xf32, #tpu.memory_space<vmem>> -> memref<80x128xf32, #tpu.memory_space<vmem>>
    %dma_wait3A_128 = arith.constant 0 : i32
    %dma_wait3A_129 = tpu.memref_slice %arg9[%add3A_124, %dma_wait3A_128] : memref<10240x128xf32, #tpu.memory_space<vmem_shared>> -> memref<80x128xf32, #tpu.memory_space<vmem_shared>>
    %dma_wait3A_130 = arith.constant 0 : i32
    %dma_wait3A_131 = tpu.memref_slice %arg9[%add3A_124, %dma_wait3A_130] : memref<10240x128xf32, #tpu.memory_space<vmem_shared>> -> memref<80x128xf32, #tpu.memory_space<vmem_shared>>
    %dma_wait3A_132 = arith.constant 0 : i32
    %dma_wait3A_133 = arith.constant 0 : i32
    %dma_wait3A_134 = tpu.memref_slice %arg7[%dma_wait3A_132, %dma_wait3A_133] : memref<100x128xf32, #tpu.memory_space<vmem>> -> memref<80x128xf32, #tpu.memory_space<vmem>>
    tpu.wait_dma2 semaphore(%arg12 : memref<!tpu.dma_semaphore, #tpu.memory_space<semaphore_mem>>) src(%dma_wait3A_134 : memref<80x128xf32, #tpu.memory_space<vmem>>) dst(%dma_wait3A_131 : memref<80x128xf32, #tpu.memory_space<vmem_shared>>)
    %add3A_135 = arith.constant 160 : i32
    %add3A_136 = arith.addi %mul3A_16, %add3A_135 : i32
    %dma_wait3A_137 = arith.constant 0 : i32
    %dma_wait3A_138 = arith.constant 0 : i32
    %dma_wait3A_139 = tpu.memref_slice %arg7[%dma_wait3A_137, %dma_wait3A_138] : memref<100x128xf32, #tpu.memory_space<vmem>> -> memref<80x128xf32, #tpu.memory_space<vmem>>
    %dma_wait3A_140 = arith.constant 0 : i32
    %dma_wait3A_141 = tpu.memref_slice %arg9[%add3A_136, %dma_wait3A_140] : memref<10240x128xf32, #tpu.memory_space<vmem_shared>> -> memref<80x128xf32, #tpu.memory_space<vmem_shared>>
    %dma_wait3A_142 = arith.constant 0 : i32
    %dma_wait3A_143 = tpu.memref_slice %arg9[%add3A_136, %dma_wait3A_142] : memref<10240x128xf32, #tpu.memory_space<vmem_shared>> -> memref<80x128xf32, #tpu.memory_space<vmem_shared>>
    %dma_wait3A_144 = arith.constant 0 : i32
    %dma_wait3A_145 = arith.constant 0 : i32
    %dma_wait3A_146 = tpu.memref_slice %arg7[%dma_wait3A_144, %dma_wait3A_145] : memref<100x128xf32, #tpu.memory_space<vmem>> -> memref<80x128xf32, #tpu.memory_space<vmem>>
    tpu.wait_dma2 semaphore(%arg12 : memref<!tpu.dma_semaphore, #tpu.memory_space<semaphore_mem>>) src(%dma_wait3A_146 : memref<80x128xf32, #tpu.memory_space<vmem>>) dst(%dma_wait3A_143 : memref<80x128xf32, #tpu.memory_space<vmem_shared>>)
    %add3A_147 = arith.constant 240 : i32
    %add3A_148 = arith.addi %mul3A_16, %add3A_147 : i32
    %dma_wait3A_149 = arith.constant 0 : i32
    %dma_wait3A_150 = arith.constant 0 : i32
    %dma_wait3A_151 = tpu.memref_slice %arg7[%dma_wait3A_149, %dma_wait3A_150] : memref<100x128xf32, #tpu.memory_space<vmem>> -> memref<80x128xf32, #tpu.memory_space<vmem>>
    %dma_wait3A_152 = arith.constant 0 : i32
    %dma_wait3A_153 = tpu.memref_slice %arg9[%add3A_148, %dma_wait3A_152] : memref<10240x128xf32, #tpu.memory_space<vmem_shared>> -> memref<80x128xf32, #tpu.memory_space<vmem_shared>>
    %dma_wait3A_154 = arith.constant 0 : i32
    %dma_wait3A_155 = tpu.memref_slice %arg9[%add3A_148, %dma_wait3A_154] : memref<10240x128xf32, #tpu.memory_space<vmem_shared>> -> memref<80x128xf32, #tpu.memory_space<vmem_shared>>
    %dma_wait3A_156 = arith.constant 0 : i32
    %dma_wait3A_157 = arith.constant 0 : i32
    %dma_wait3A_158 = tpu.memref_slice %arg7[%dma_wait3A_156, %dma_wait3A_157] : memref<100x128xf32, #tpu.memory_space<vmem>> -> memref<80x128xf32, #tpu.memory_space<vmem>>
    tpu.wait_dma2 semaphore(%arg12 : memref<!tpu.dma_semaphore, #tpu.memory_space<semaphore_mem>>) src(%dma_wait3A_158 : memref<80x128xf32, #tpu.memory_space<vmem>>) dst(%dma_wait3A_155 : memref<80x128xf32, #tpu.memory_space<vmem_shared>>)
    %add3A_159 = arith.constant 320 : i32
    %add3A_160 = arith.addi %mul3A_16, %add3A_159 : i32
    %dma_wait3A_161 = arith.constant 0 : i32
    %dma_wait3A_162 = arith.constant 0 : i32
    %dma_wait3A_163 = tpu.memref_slice %arg7[%dma_wait3A_161, %dma_wait3A_162] : memref<100x128xf32, #tpu.memory_space<vmem>> -> memref<80x128xf32, #tpu.memory_space<vmem>>
    %dma_wait3A_164 = arith.constant 0 : i32
    %dma_wait3A_165 = tpu.memref_slice %arg9[%add3A_160, %dma_wait3A_164] : memref<10240x128xf32, #tpu.memory_space<vmem_shared>> -> memref<80x128xf32, #tpu.memory_space<vmem_shared>>
    %dma_wait3A_166 = arith.constant 0 : i32
    %dma_wait3A_167 = tpu.memref_slice %arg9[%add3A_160, %dma_wait3A_166] : memref<10240x128xf32, #tpu.memory_space<vmem_shared>> -> memref<80x128xf32, #tpu.memory_space<vmem_shared>>
    %dma_wait3A_168 = arith.constant 0 : i32
    %dma_wait3A_169 = arith.constant 0 : i32
    %dma_wait3A_170 = tpu.memref_slice %arg7[%dma_wait3A_168, %dma_wait3A_169] : memref<100x128xf32, #tpu.memory_space<vmem>> -> memref<80x128xf32, #tpu.memory_space<vmem>>
    tpu.wait_dma2 semaphore(%arg12 : memref<!tpu.dma_semaphore, #tpu.memory_space<semaphore_mem>>) src(%dma_wait3A_170 : memref<80x128xf32, #tpu.memory_space<vmem>>) dst(%dma_wait3A_167 : memref<80x128xf32, #tpu.memory_space<vmem_shared>>)
    %add3A_171 = arith.constant 400 : i32
    %add3A_172 = arith.addi %mul3A_16, %add3A_171 : i32
    %dma_wait3A_173 = arith.constant 0 : i32
    %dma_wait3A_174 = arith.constant 0 : i32
    %dma_wait3A_175 = tpu.memref_slice %arg7[%dma_wait3A_173, %dma_wait3A_174] : memref<100x128xf32, #tpu.memory_space<vmem>> -> memref<80x128xf32, #tpu.memory_space<vmem>>
    %dma_wait3A_176 = arith.constant 0 : i32
    %dma_wait3A_177 = tpu.memref_slice %arg9[%add3A_172, %dma_wait3A_176] : memref<10240x128xf32, #tpu.memory_space<vmem_shared>> -> memref<80x128xf32, #tpu.memory_space<vmem_shared>>
    %dma_wait3A_178 = arith.constant 0 : i32
    %dma_wait3A_179 = tpu.memref_slice %arg9[%add3A_172, %dma_wait3A_178] : memref<10240x128xf32, #tpu.memory_space<vmem_shared>> -> memref<80x128xf32, #tpu.memory_space<vmem_shared>>
    %dma_wait3A_180 = arith.constant 0 : i32
    %dma_wait3A_181 = arith.constant 0 : i32
    %dma_wait3A_182 = tpu.memref_slice %arg7[%dma_wait3A_180, %dma_wait3A_181] : memref<100x128xf32, #tpu.memory_space<vmem>> -> memref<80x128xf32, #tpu.memory_space<vmem>>
    tpu.wait_dma2 semaphore(%arg12 : memref<!tpu.dma_semaphore, #tpu.memory_space<semaphore_mem>>) src(%dma_wait3A_182 : memref<80x128xf32, #tpu.memory_space<vmem>>) dst(%dma_wait3A_179 : memref<80x128xf32, #tpu.memory_space<vmem_shared>>)
    %add3A_183 = arith.constant 480 : i32
    %add3A_184 = arith.addi %mul3A_16, %add3A_183 : i32
    %dma_wait3A_185 = arith.constant 0 : i32
    %dma_wait3A_186 = arith.constant 0 : i32
    %dma_wait3A_187 = tpu.memref_slice %arg7[%dma_wait3A_185, %dma_wait3A_186] : memref<100x128xf32, #tpu.memory_space<vmem>> -> memref<80x128xf32, #tpu.memory_space<vmem>>
    %dma_wait3A_188 = arith.constant 0 : i32
    %dma_wait3A_189 = tpu.memref_slice %arg9[%add3A_184, %dma_wait3A_188] : memref<10240x128xf32, #tpu.memory_space<vmem_shared>> -> memref<80x128xf32, #tpu.memory_space<vmem_shared>>
    %dma_wait3A_190 = arith.constant 0 : i32
    %dma_wait3A_191 = tpu.memref_slice %arg9[%add3A_184, %dma_wait3A_190] : memref<10240x128xf32, #tpu.memory_space<vmem_shared>> -> memref<80x128xf32, #tpu.memory_space<vmem_shared>>
    %dma_wait3A_192 = arith.constant 0 : i32
    %dma_wait3A_193 = arith.constant 0 : i32
    %dma_wait3A_194 = tpu.memref_slice %arg7[%dma_wait3A_192, %dma_wait3A_193] : memref<100x128xf32, #tpu.memory_space<vmem>> -> memref<80x128xf32, #tpu.memory_space<vmem>>
    tpu.wait_dma2 semaphore(%arg12 : memref<!tpu.dma_semaphore, #tpu.memory_space<semaphore_mem>>) src(%dma_wait3A_194 : memref<80x128xf32, #tpu.memory_space<vmem>>) dst(%dma_wait3A_191 : memref<80x128xf32, #tpu.memory_space<vmem_shared>>)
    %add3A_195 = arith.constant 560 : i32
    %add3A_196 = arith.addi %mul3A_16, %add3A_195 : i32
    %dma_wait3A_197 = arith.constant 0 : i32
    %dma_wait3A_198 = arith.constant 0 : i32
    %dma_wait3A_199 = tpu.memref_slice %arg7[%dma_wait3A_197, %dma_wait3A_198] : memref<100x128xf32, #tpu.memory_space<vmem>> -> memref<80x128xf32, #tpu.memory_space<vmem>>
    %dma_wait3A_200 = arith.constant 0 : i32
    %dma_wait3A_201 = tpu.memref_slice %arg9[%add3A_196, %dma_wait3A_200] : memref<10240x128xf32, #tpu.memory_space<vmem_shared>> -> memref<80x128xf32, #tpu.memory_space<vmem_shared>>
    %dma_wait3A_202 = arith.constant 0 : i32
    %dma_wait3A_203 = tpu.memref_slice %arg9[%add3A_196, %dma_wait3A_202] : memref<10240x128xf32, #tpu.memory_space<vmem_shared>> -> memref<80x128xf32, #tpu.memory_space<vmem_shared>>
    %dma_wait3A_204 = arith.constant 0 : i32
    %dma_wait3A_205 = arith.constant 0 : i32
    %dma_wait3A_206 = tpu.memref_slice %arg7[%dma_wait3A_204, %dma_wait3A_205] : memref<100x128xf32, #tpu.memory_space<vmem>> -> memref<80x128xf32, #tpu.memory_space<vmem>>
    tpu.wait_dma2 semaphore(%arg12 : memref<!tpu.dma_semaphore, #tpu.memory_space<semaphore_mem>>) src(%dma_wait3A_206 : memref<80x128xf32, #tpu.memory_space<vmem>>) dst(%dma_wait3A_203 : memref<80x128xf32, #tpu.memory_space<vmem_shared>>)
    %dma_wait3A_207 = arith.constant 0 : i32
    %dma_wait3A_208 = arith.constant 0 : i32
    %dma_wait3A_209 = arith.constant 0 : i32
    %dma_wait3A_210 = arith.constant 0 : i32
    %dma_wait3A_211 = tpu.memref_slice %arg2[%arg0, %arg1, %dma_wait3A_207, %dma_wait3A_208, %dma_wait3A_209, %dma_wait3A_210] : memref<2x16x5x2x20x100xi32, #tpu.memory_space<hbm>> -> memref<1x1x1x2x20x100xi32, #tpu.memory_space<hbm>>
    %dma_wait3A_212 = tpu.memref_squeeze %dma_wait3A_211 : memref<1x1x1x2x20x100xi32, #tpu.memory_space<hbm>> -> memref<2x20x100xi32, #tpu.memory_space<hbm>>
    %dma_wait3A_213 = arith.constant 0 : i32
    %dma_wait3A_214 = arith.constant 0 : i32
    %dma_wait3A_215 = arith.constant 0 : i32
    %dma_wait3A_216 = tpu.memref_slice %arg2[%arg0, %arg1, %dma_wait3A_207, %dma_wait3A_213, %dma_wait3A_214, %dma_wait3A_215] : memref<2x16x5x2x20x100xi32, #tpu.memory_space<hbm>> -> memref<1x1x1x2x20x100xi32, #tpu.memory_space<hbm>>
    %dma_wait3A_217 = tpu.memref_squeeze %dma_wait3A_216 : memref<1x1x1x2x20x100xi32, #tpu.memory_space<hbm>> -> memref<2x20x100xi32, #tpu.memory_space<hbm>>
    tpu.wait_dma2 semaphore(%arg14 : memref<!tpu.dma_semaphore, #tpu.memory_space<semaphore_mem>>) src(%dma_wait3A_217 : memref<2x20x100xi32, #tpu.memory_space<hbm>>) dst(%arg5 : memref<2x20x100xi32, #tpu.memory_space<vmem>>)
    %barrier3A = arith.constant 0 : index
    tpu.barrier barrier_id(%barrier3A)
    %dma_start3A_218 = arith.constant 1 : i32
    %dma_start3A_219 = arith.constant 0 : i32
    %dma_start3A_220 = arith.constant 0 : i32
    %dma_start3A_221 = arith.constant 0 : i32
    %dma_start3A_222 = tpu.memref_slice %arg2[%arg0, %arg1, %dma_start3A_218, %dma_start3A_219, %dma_start3A_220, %dma_start3A_221] : memref<2x16x5x2x20x100xi32, #tpu.memory_space<hbm>> -> memref<1x1x1x2x20x100xi32, #tpu.memory_space<hbm>>
    %dma_start3A_223 = tpu.memref_squeeze %dma_start3A_222 : memref<1x1x1x2x20x100xi32, #tpu.memory_space<hbm>> -> memref<2x20x100xi32, #tpu.memory_space<hbm>>
    %dma_start3A_224 = arith.constant 0 : i32
    %dma_start3A_225 = arith.constant 0 : i32
    %dma_start3A_226 = arith.constant 0 : i32
    %dma_start3A_227 = tpu.memref_slice %arg2[%arg0, %arg1, %dma_start3A_218, %dma_start3A_224, %dma_start3A_225, %dma_start3A_226] : memref<2x16x5x2x20x100xi32, #tpu.memory_space<hbm>> -> memref<1x1x1x2x20x100xi32, #tpu.memory_space<hbm>>
    %dma_start3A_228 = tpu.memref_squeeze %dma_start3A_227 : memref<1x1x1x2x20x100xi32, #tpu.memory_space<hbm>> -> memref<2x20x100xi32, #tpu.memory_space<hbm>>
    tpu.enqueue_dma source(%dma_start3A_228 : memref<2x20x100xi32, #tpu.memory_space<hbm>>) target(%arg6 : memref<2x20x100xi32, #tpu.memory_space<vmem>>) target_semaphore(%arg14 : memref<!tpu.dma_semaphore, #tpu.memory_space<semaphore_mem>>)
    %dma_start3A_229 = arith.constant 0 : i32
    %dma_start3A_230 = arith.constant 0 : i32
    %dma_start3A_231 = arith.constant 0 : i32
    %dma_start3A_232 = tpu.memref_slice %arg5[%dma_start3A_229, %dma_start3A_230, %dma_start3A_231] : memref<2x20x100xi32, #tpu.memory_space<vmem>> -> memref<1x1x100xi32, #tpu.memory_space<vmem>>
    %dma_start3A_233 = tpu.memref_squeeze %dma_start3A_232 : memref<1x1x100xi32, #tpu.memory_space<vmem>> -> memref<100xi32, #tpu.memory_space<vmem>>
    %dma_start3A_234 = arith.constant 0 : i32
    %dma_start3A_235 = arith.constant 0 : i32
    %dma_start3A_236 = tpu.memref_slice %arg3[%dma_start3A_234, %dma_start3A_235] : memref<10000x128xf32, #tpu.memory_space<hbm>> -> memref<10000x128xf32, #tpu.memory_space<hbm>>
    tpu.enqueue_indirect_dma source(%dma_start3A_236 : memref<10000x128xf32, #tpu.memory_space<hbm>>) target(%arg7 : memref<100x128xf32, #tpu.memory_space<vmem>>) offsets(%dma_start3A_233 : memref<100xi32, #tpu.memory_space<vmem>>) semaphore(%arg10 : memref<!tpu.dma_semaphore, #tpu.memory_space<semaphore_mem>>)
    %dma_start3A_237 = arith.constant 0 : i32
    %dma_start3A_238 = arith.constant 1 : i32
    %dma_start3A_239 = arith.constant 0 : i32
    %dma_start3A_240 = tpu.memref_slice %arg5[%dma_start3A_237, %dma_start3A_238, %dma_start3A_239] : memref<2x20x100xi32, #tpu.memory_space<vmem>> -> memref<1x1x100xi32, #tpu.memory_space<vmem>>
    %dma_start3A_241 = tpu.memref_squeeze %dma_start3A_240 : memref<1x1x100xi32, #tpu.memory_space<vmem>> -> memref<100xi32, #tpu.memory_space<vmem>>
    %dma_start3A_242 = arith.constant 0 : i32
    %dma_start3A_243 = arith.constant 0 : i32
    %dma_start3A_244 = tpu.memref_slice %arg3[%dma_start3A_242, %dma_start3A_243] : memref<10000x128xf32, #tpu.memory_space<hbm>> -> memref<10000x128xf32, #tpu.memory_space<hbm>>
    tpu.enqueue_indirect_dma source(%dma_start3A_244 : memref<10000x128xf32, #tpu.memory_space<hbm>>) target(%arg8 : memref<100x128xf32, #tpu.memory_space<vmem>>) offsets(%dma_start3A_241 : memref<100xi32, #tpu.memory_space<vmem>>) semaphore(%arg11 : memref<!tpu.dma_semaphore, #tpu.memory_space<semaphore_mem>>)
    %scan3A_245 = arith.constant 0 : i32
    %scan3A_246 = arith.constant 0 : i32
    %scan3A_247 = arith.constant 10 : i32
    %scan3A_248 = arith.addi %scan3A_246, %scan3A_247 : i32
    %scan3A_249 = arith.constant 1 : i32
    scf.for %scan3A_417 = %scan3A_246 to %scan3A_248 step %scan3A_249  : i32 {
      %mul3A_418 = arith.constant 2 : i32
      %mul3A_419 = arith.muli %mul3A_418, %scan3A_417 : i32
      %mul3A_420 = arith.constant 2 : i32
      %mul3A_421 = arith.muli %mul3A_420, %scan3A_417 : i32
      %add3A_422 = arith.constant 1 : i32
      %add3A_423 = arith.addi %mul3A_421, %add3A_422 : i32
      %dma_wait3A_424 = arith.constant 0 : i32
      %dma_wait3A_425 = arith.constant 0 : i32
      %dma_wait3A_426 = tpu.memref_slice %arg5[%dma_wait3A_424, %mul3A_419, %dma_wait3A_425] : memref<2x20x100xi32, #tpu.memory_space<vmem>> -> memref<1x1x100xi32, #tpu.memory_space<vmem>>
      %dma_wait3A_427 = tpu.memref_squeeze %dma_wait3A_426 : memref<1x1x100xi32, #tpu.memory_space<vmem>> -> memref<100xi32, #tpu.memory_space<vmem>>
      %dma_wait3A_428 = arith.constant 0 : i32
      %dma_wait3A_429 = arith.constant 0 : i32
      %dma_wait3A_430 = tpu.memref_slice %arg3[%dma_wait3A_428, %dma_wait3A_429] : memref<10000x128xf32, #tpu.memory_space<hbm>> -> memref<10000x128xf32, #tpu.memory_space<hbm>>
      tpu.wait_indirect_dma semaphore(%arg10 : memref<!tpu.dma_semaphore, #tpu.memory_space<semaphore_mem>>) src(%dma_wait3A_430 : memref<10000x128xf32, #tpu.memory_space<hbm>>) dst(%arg7 : memref<100x128xf32, #tpu.memory_space<vmem>>)
      %run_scoped3A = arith.constant 1 : i32
      "tpu.region"() ({
        %run_scoped3A_446 = tpu.sem_alloc : memref<!tpu.dma_semaphore, #tpu.memory_space<semaphore_mem>>
        %dma_start3A_447 = arith.constant 0 : i32
        %dma_start3A_448 = tpu.memref_slice %arg5[%run_scoped3A, %mul3A_419, %dma_start3A_447] : memref<2x20x100xi32, #tpu.memory_space<vmem>> -> memref<1x1x100xi32, #tpu.memory_space<vmem>>
        %dma_start3A_449 = tpu.memref_squeeze %dma_start3A_448 : memref<1x1x100xi32, #tpu.memory_space<vmem>> -> memref<100xi32, #tpu.memory_space<vmem>>
        %dma_start3A_450 = arith.constant 0 : i32
        %dma_start3A_451 = arith.constant 0 : i32
        %dma_start3A_452 = tpu.memref_slice %arg9[%dma_start3A_450, %dma_start3A_451] : memref<10240x128xf32, #tpu.memory_space<vmem_shared>> -> memref<10240x128xf32, #tpu.memory_space<vmem_shared>>
        tpu.enqueue_indirect_dma source(%arg7 : memref<100x128xf32, #tpu.memory_space<vmem>>) target(%dma_start3A_452 : memref<10240x128xf32, #tpu.memory_space<vmem_shared>>) offsets(%dma_start3A_449 : memref<100xi32, #tpu.memory_space<vmem>>) semaphore(%run_scoped3A_446 : memref<!tpu.dma_semaphore, #tpu.memory_space<semaphore_mem>>) {add = true}
        %dma_wait3A_453 = arith.constant 0 : i32
        %dma_wait3A_454 = tpu.memref_slice %arg5[%run_scoped3A, %mul3A_419, %dma_wait3A_453] : memref<2x20x100xi32, #tpu.memory_space<vmem>> -> memref<1x1x100xi32, #tpu.memory_space<vmem>>
        %dma_wait3A_455 = tpu.memref_squeeze %dma_wait3A_454 : memref<1x1x100xi32, #tpu.memory_space<vmem>> -> memref<100xi32, #tpu.memory_space<vmem>>
        %dma_wait3A_456 = arith.constant 0 : i32
        %dma_wait3A_457 = arith.constant 0 : i32
        %dma_wait3A_458 = tpu.memref_slice %arg9[%dma_wait3A_456, %dma_wait3A_457] : memref<10240x128xf32, #tpu.memory_space<vmem_shared>> -> memref<10240x128xf32, #tpu.memory_space<vmem_shared>>
        tpu.wait_indirect_dma semaphore(%run_scoped3A_446 : memref<!tpu.dma_semaphore, #tpu.memory_space<semaphore_mem>>) src(%arg7 : memref<100x128xf32, #tpu.memory_space<vmem>>) dst(%dma_wait3A_458 : memref<10240x128xf32, #tpu.memory_space<vmem_shared>>)
        tpu.yield
      }) : () -> ()
      %lt3A = arith.constant 9 : i32
      %lt3A_431 = arith.cmpi slt, %scan3A_417, %lt3A : i32
      %convert_element_type3A = arith.extui %lt3A_431 : i1 to i32
      %cond3A = arith.constant 0 : i32
      %cond3A_432 = arith.cmpi ne, %convert_element_type3A, %cond3A : i32
      scf.if %cond3A_432 {
        %add3A_446 = arith.constant 2 : i32
        %add3A_447 = arith.addi %mul3A_419, %add3A_446 : i32
        %dma_start3A_448 = arith.constant 0 : i32
        %dma_start3A_449 = arith.constant 0 : i32
        %dma_start3A_450 = tpu.memref_slice %arg5[%dma_start3A_448, %add3A_447, %dma_start3A_449] : memref<2x20x100xi32, #tpu.memory_space<vmem>> -> memref<1x1x100xi32, #tpu.memory_space<vmem>>
        %dma_start3A_451 = tpu.memref_squeeze %dma_start3A_450 : memref<1x1x100xi32, #tpu.memory_space<vmem>> -> memref<100xi32, #tpu.memory_space<vmem>>
        %dma_start3A_452 = arith.constant 0 : i32
        %dma_start3A_453 = arith.constant 0 : i32
        %dma_start3A_454 = tpu.memref_slice %arg3[%dma_start3A_452, %dma_start3A_453] : memref<10000x128xf32, #tpu.memory_space<hbm>> -> memref<10000x128xf32, #tpu.memory_space<hbm>>
        tpu.enqueue_indirect_dma source(%dma_start3A_454 : memref<10000x128xf32, #tpu.memory_space<hbm>>) target(%arg7 : memref<100x128xf32, #tpu.memory_space<vmem>>) offsets(%dma_start3A_451 : memref<100xi32, #tpu.memory_space<vmem>>) semaphore(%arg10 : memref<!tpu.dma_semaphore, #tpu.memory_space<semaphore_mem>>)
      } else {
      }
      %dma_wait3A_433 = arith.constant 0 : i32
      %dma_wait3A_434 = arith.constant 0 : i32
      %dma_wait3A_435 = tpu.memref_slice %arg5[%dma_wait3A_433, %add3A_423, %dma_wait3A_434] : memref<2x20x100xi32, #tpu.memory_space<vmem>> -> memref<1x1x100xi32, #tpu.memory_space<vmem>>
      %dma_wait3A_436 = tpu.memref_squeeze %dma_wait3A_435 : memref<1x1x100xi32, #tpu.memory_space<vmem>> -> memref<100xi32, #tpu.memory_space<vmem>>
      %dma_wait3A_437 = arith.constant 0 : i32
      %dma_wait3A_438 = arith.constant 0 : i32
      %dma_wait3A_439 = tpu.memref_slice %arg3[%dma_wait3A_437, %dma_wait3A_438] : memref<10000x128xf32, #tpu.memory_space<hbm>> -> memref<10000x128xf32, #tpu.memory_space<hbm>>
      tpu.wait_indirect_dma semaphore(%arg11 : memref<!tpu.dma_semaphore, #tpu.memory_space<semaphore_mem>>) src(%dma_wait3A_439 : memref<10000x128xf32, #tpu.memory_space<hbm>>) dst(%arg8 : memref<100x128xf32, #tpu.memory_space<vmem>>)
      %run_scoped3A_440 = arith.constant 1 : i32
      "tpu.region"() ({
        %run_scoped3A_446 = tpu.sem_alloc : memref<!tpu.dma_semaphore, #tpu.memory_space<semaphore_mem>>
        %dma_start3A_447 = arith.constant 0 : i32
        %dma_start3A_448 = tpu.memref_slice %arg5[%run_scoped3A_440, %add3A_423, %dma_start3A_447] : memref<2x20x100xi32, #tpu.memory_space<vmem>> -> memref<1x1x100xi32, #tpu.memory_space<vmem>>
        %dma_start3A_449 = tpu.memref_squeeze %dma_start3A_448 : memref<1x1x100xi32, #tpu.memory_space<vmem>> -> memref<100xi32, #tpu.memory_space<vmem>>
        %dma_start3A_450 = arith.constant 0 : i32
        %dma_start3A_451 = arith.constant 0 : i32
        %dma_start3A_452 = tpu.memref_slice %arg9[%dma_start3A_450, %dma_start3A_451] : memref<10240x128xf32, #tpu.memory_space<vmem_shared>> -> memref<10240x128xf32, #tpu.memory_space<vmem_shared>>
        tpu.enqueue_indirect_dma source(%arg8 : memref<100x128xf32, #tpu.memory_space<vmem>>) target(%dma_start3A_452 : memref<10240x128xf32, #tpu.memory_space<vmem_shared>>) offsets(%dma_start3A_449 : memref<100xi32, #tpu.memory_space<vmem>>) semaphore(%run_scoped3A_446 : memref<!tpu.dma_semaphore, #tpu.memory_space<semaphore_mem>>) {add = true}
        %dma_wait3A_453 = arith.constant 0 : i32
        %dma_wait3A_454 = tpu.memref_slice %arg5[%run_scoped3A_440, %add3A_423, %dma_wait3A_453] : memref<2x20x100xi32, #tpu.memory_space<vmem>> -> memref<1x1x100xi32, #tpu.memory_space<vmem>>
        %dma_wait3A_455 = tpu.memref_squeeze %dma_wait3A_454 : memref<1x1x100xi32, #tpu.memory_space<vmem>> -> memref<100xi32, #tpu.memory_space<vmem>>
        %dma_wait3A_456 = arith.constant 0 : i32
        %dma_wait3A_457 = arith.constant 0 : i32
        %dma_wait3A_458 = tpu.memref_slice %arg9[%dma_wait3A_456, %dma_wait3A_457] : memref<10240x128xf32, #tpu.memory_space<vmem_shared>> -> memref<10240x128xf32, #tpu.memory_space<vmem_shared>>
        tpu.wait_indirect_dma semaphore(%run_scoped3A_446 : memref<!tpu.dma_semaphore, #tpu.memory_space<semaphore_mem>>) src(%arg8 : memref<100x128xf32, #tpu.memory_space<vmem>>) dst(%dma_wait3A_458 : memref<10240x128xf32, #tpu.memory_space<vmem_shared>>)
        tpu.yield
      }) : () -> ()
      %lt3A_441 = arith.constant 9 : i32
      %lt3A_442 = arith.cmpi slt, %scan3A_417, %lt3A_441 : i32
      %convert_element_type3A_443 = arith.extui %lt3A_442 : i1 to i32
      %cond3A_444 = arith.constant 0 : i32
      %cond3A_445 = arith.cmpi ne, %convert_element_type3A_443, %cond3A_444 : i32
      scf.if %cond3A_445 {
        %add3A_446 = arith.constant 2 : i32
        %add3A_447 = arith.addi %add3A_423, %add3A_446 : i32
        %dma_start3A_448 = arith.constant 0 : i32
        %dma_start3A_449 = arith.constant 0 : i32
        %dma_start3A_450 = tpu.memref_slice %arg5[%dma_start3A_448, %add3A_447, %dma_start3A_449] : memref<2x20x100xi32, #tpu.memory_space<vmem>> -> memref<1x1x100xi32, #tpu.memory_space<vmem>>
        %dma_start3A_451 = tpu.memref_squeeze %dma_start3A_450 : memref<1x1x100xi32, #tpu.memory_space<vmem>> -> memref<100xi32, #tpu.memory_space<vmem>>
        %dma_start3A_452 = arith.constant 0 : i32
        %dma_start3A_453 = arith.constant 0 : i32
        %dma_start3A_454 = tpu.memref_slice %arg3[%dma_start3A_452, %dma_start3A_453] : memref<10000x128xf32, #tpu.memory_space<hbm>> -> memref<10000x128xf32, #tpu.memory_space<hbm>>
        tpu.enqueue_indirect_dma source(%dma_start3A_454 : memref<10000x128xf32, #tpu.memory_space<hbm>>) target(%arg8 : memref<100x128xf32, #tpu.memory_space<vmem>>) offsets(%dma_start3A_451 : memref<100xi32, #tpu.memory_space<vmem>>) semaphore(%arg11 : memref<!tpu.dma_semaphore, #tpu.memory_space<semaphore_mem>>)
      } else {
      }
    }
    %scan3A_250 = arith.constant 10 : i32
    %dma_wait3A_251 = arith.constant 1 : i32
    %dma_wait3A_252 = arith.constant 0 : i32
    %dma_wait3A_253 = arith.constant 0 : i32
    %dma_wait3A_254 = arith.constant 0 : i32
    %dma_wait3A_255 = tpu.memref_slice %arg2[%arg0, %arg1, %dma_wait3A_251, %dma_wait3A_252, %dma_wait3A_253, %dma_wait3A_254] : memref<2x16x5x2x20x100xi32, #tpu.memory_space<hbm>> -> memref<1x1x1x2x20x100xi32, #tpu.memory_space<hbm>>
    %dma_wait3A_256 = tpu.memref_squeeze %dma_wait3A_255 : memref<1x1x1x2x20x100xi32, #tpu.memory_space<hbm>> -> memref<2x20x100xi32, #tpu.memory_space<hbm>>
    %dma_wait3A_257 = arith.constant 0 : i32
    %dma_wait3A_258 = arith.constant 0 : i32
    %dma_wait3A_259 = arith.constant 0 : i32
    %dma_wait3A_260 = tpu.memref_slice %arg2[%arg0, %arg1, %dma_wait3A_251, %dma_wait3A_257, %dma_wait3A_258, %dma_wait3A_259] : memref<2x16x5x2x20x100xi32, #tpu.memory_space<hbm>> -> memref<1x1x1x2x20x100xi32, #tpu.memory_space<hbm>>
    %dma_wait3A_261 = tpu.memref_squeeze %dma_wait3A_260 : memref<1x1x1x2x20x100xi32, #tpu.memory_space<hbm>> -> memref<2x20x100xi32, #tpu.memory_space<hbm>>
    tpu.wait_dma2 semaphore(%arg14 : memref<!tpu.dma_semaphore, #tpu.memory_space<semaphore_mem>>) src(%dma_wait3A_261 : memref<2x20x100xi32, #tpu.memory_space<hbm>>) dst(%arg6 : memref<2x20x100xi32, #tpu.memory_space<vmem>>)
    %dma_start3A_262 = arith.constant 2 : i32
    %dma_start3A_263 = arith.constant 0 : i32
    %dma_start3A_264 = arith.constant 0 : i32
    %dma_start3A_265 = arith.constant 0 : i32
    %dma_start3A_266 = tpu.memref_slice %arg2[%arg0, %arg1, %dma_start3A_262, %dma_start3A_263, %dma_start3A_264, %dma_start3A_265] : memref<2x16x5x2x20x100xi32, #tpu.memory_space<hbm>> -> memref<1x1x1x2x20x100xi32, #tpu.memory_space<hbm>>
    %dma_start3A_267 = tpu.memref_squeeze %dma_start3A_266 : memref<1x1x1x2x20x100xi32, #tpu.memory_space<hbm>> -> memref<2x20x100xi32, #tpu.memory_space<hbm>>
    %dma_start3A_268 = arith.constant 0 : i32
    %dma_start3A_269 = arith.constant 0 : i32
    %dma_start3A_270 = arith.constant 0 : i32
    %dma_start3A_271 = tpu.memref_slice %arg2[%arg0, %arg1, %dma_start3A_262, %dma_start3A_268, %dma_start3A_269, %dma_start3A_270] : memref<2x16x5x2x20x100xi32, #tpu.memory_space<hbm>> -> memref<1x1x1x2x20x100xi32, #tpu.memory_space<hbm>>
    %dma_start3A_272 = tpu.memref_squeeze %dma_start3A_271 : memref<1x1x1x2x20x100xi32, #tpu.memory_space<hbm>> -> memref<2x20x100xi32, #tpu.memory_space<hbm>>
    tpu.enqueue_dma source(%dma_start3A_272 : memref<2x20x100xi32, #tpu.memory_space<hbm>>) target(%arg5 : memref<2x20x100xi32, #tpu.memory_space<vmem>>) target_semaphore(%arg14 : memref<!tpu.dma_semaphore, #tpu.memory_space<semaphore_mem>>)
    %dma_start3A_273 = arith.constant 0 : i32
    %dma_start3A_274 = arith.constant 0 : i32
    %dma_start3A_275 = arith.constant 0 : i32
    %dma_start3A_276 = tpu.memref_slice %arg6[%dma_start3A_273, %dma_start3A_274, %dma_start3A_275] : memref<2x20x100xi32, #tpu.memory_space<vmem>> -> memref<1x1x100xi32, #tpu.memory_space<vmem>>
    %dma_start3A_277 = tpu.memref_squeeze %dma_start3A_276 : memref<1x1x100xi32, #tpu.memory_space<vmem>> -> memref<100xi32, #tpu.memory_space<vmem>>
    %dma_start3A_278 = arith.constant 0 : i32
    %dma_start3A_279 = arith.constant 0 : i32
    %dma_start3A_280 = tpu.memref_slice %arg3[%dma_start3A_278, %dma_start3A_279] : memref<10000x128xf32, #tpu.memory_space<hbm>> -> memref<10000x128xf32, #tpu.memory_space<hbm>>
    tpu.enqueue_indirect_dma source(%dma_start3A_280 : memref<10000x128xf32, #tpu.memory_space<hbm>>) target(%arg7 : memref<100x128xf32, #tpu.memory_space<vmem>>) offsets(%dma_start3A_277 : memref<100xi32, #tpu.memory_space<vmem>>) semaphore(%arg10 : memref<!tpu.dma_semaphore, #tpu.memory_space<semaphore_mem>>)
    %dma_start3A_281 = arith.constant 0 : i32
    %dma_start3A_282 = arith.constant 1 : i32
    %dma_start3A_283 = arith.constant 0 : i32
    %dma_start3A_284 = tpu.memref_slice %arg6[%dma_start3A_281, %dma_start3A_282, %dma_start3A_283] : memref<2x20x100xi32, #tpu.memory_space<vmem>> -> memref<1x1x100xi32, #tpu.memory_space<vmem>>
    %dma_start3A_285 = tpu.memref_squeeze %dma_start3A_284 : memref<1x1x100xi32, #tpu.memory_space<vmem>> -> memref<100xi32, #tpu.memory_space<vmem>>
    %dma_start3A_286 = arith.constant 0 : i32
    %dma_start3A_287 = arith.constant 0 : i32
    %dma_start3A_288 = tpu.memref_slice %arg3[%dma_start3A_286, %dma_start3A_287] : memref<10000x128xf32, #tpu.memory_space<hbm>> -> memref<10000x128xf32, #tpu.memory_space<hbm>>
    tpu.enqueue_indirect_dma source(%dma_start3A_288 : memref<10000x128xf32, #tpu.memory_space<hbm>>) target(%arg8 : memref<100x128xf32, #tpu.memory_space<vmem>>) offsets(%dma_start3A_285 : memref<100xi32, #tpu.memory_space<vmem>>) semaphore(%arg11 : memref<!tpu.dma_semaphore, #tpu.memory_space<semaphore_mem>>)
    %scan3A_289 = arith.constant 0 : i32
    %scan3A_290 = arith.constant 0 : i32
    %scan3A_291 = arith.constant 10 : i32
    %scan3A_292 = arith.addi %scan3A_290, %scan3A_291 : i32
    %scan3A_293 = arith.constant 1 : i32
    scf.for %scan3A_417 = %scan3A_290 to %scan3A_292 step %scan3A_293  : i32 {
      %mul3A_418 = arith.constant 2 : i32
      %mul3A_419 = arith.muli %mul3A_418, %scan3A_417 : i32
      %mul3A_420 = arith.constant 2 : i32
      %mul3A_421 = arith.muli %mul3A_420, %scan3A_417 : i32
      %add3A_422 = arith.constant 1 : i32
      %add3A_423 = arith.addi %mul3A_421, %add3A_422 : i32
      %dma_wait3A_424 = arith.constant 0 : i32
      %dma_wait3A_425 = arith.constant 0 : i32
      %dma_wait3A_426 = tpu.memref_slice %arg6[%dma_wait3A_424, %mul3A_419, %dma_wait3A_425] : memref<2x20x100xi32, #tpu.memory_space<vmem>> -> memref<1x1x100xi32, #tpu.memory_space<vmem>>
      %dma_wait3A_427 = tpu.memref_squeeze %dma_wait3A_426 : memref<1x1x100xi32, #tpu.memory_space<vmem>> -> memref<100xi32, #tpu.memory_space<vmem>>
      %dma_wait3A_428 = arith.constant 0 : i32
      %dma_wait3A_429 = arith.constant 0 : i32
      %dma_wait3A_430 = tpu.memref_slice %arg3[%dma_wait3A_428, %dma_wait3A_429] : memref<10000x128xf32, #tpu.memory_space<hbm>> -> memref<10000x128xf32, #tpu.memory_space<hbm>>
      tpu.wait_indirect_dma semaphore(%arg10 : memref<!tpu.dma_semaphore, #tpu.memory_space<semaphore_mem>>) src(%dma_wait3A_430 : memref<10000x128xf32, #tpu.memory_space<hbm>>) dst(%arg7 : memref<100x128xf32, #tpu.memory_space<vmem>>)
      %run_scoped3A = arith.constant 1 : i32
      "tpu.region"() ({
        %run_scoped3A_446 = tpu.sem_alloc : memref<!tpu.dma_semaphore, #tpu.memory_space<semaphore_mem>>
        %dma_start3A_447 = arith.constant 0 : i32
        %dma_start3A_448 = tpu.memref_slice %arg6[%run_scoped3A, %mul3A_419, %dma_start3A_447] : memref<2x20x100xi32, #tpu.memory_space<vmem>> -> memref<1x1x100xi32, #tpu.memory_space<vmem>>
        %dma_start3A_449 = tpu.memref_squeeze %dma_start3A_448 : memref<1x1x100xi32, #tpu.memory_space<vmem>> -> memref<100xi32, #tpu.memory_space<vmem>>
        %dma_start3A_450 = arith.constant 0 : i32
        %dma_start3A_451 = arith.constant 0 : i32
        %dma_start3A_452 = tpu.memref_slice %arg9[%dma_start3A_450, %dma_start3A_451] : memref<10240x128xf32, #tpu.memory_space<vmem_shared>> -> memref<10240x128xf32, #tpu.memory_space<vmem_shared>>
        tpu.enqueue_indirect_dma source(%arg7 : memref<100x128xf32, #tpu.memory_space<vmem>>) target(%dma_start3A_452 : memref<10240x128xf32, #tpu.memory_space<vmem_shared>>) offsets(%dma_start3A_449 : memref<100xi32, #tpu.memory_space<vmem>>) semaphore(%run_scoped3A_446 : memref<!tpu.dma_semaphore, #tpu.memory_space<semaphore_mem>>) {add = true}
        %dma_wait3A_453 = arith.constant 0 : i32
        %dma_wait3A_454 = tpu.memref_slice %arg6[%run_scoped3A, %mul3A_419, %dma_wait3A_453] : memref<2x20x100xi32, #tpu.memory_space<vmem>> -> memref<1x1x100xi32, #tpu.memory_space<vmem>>
        %dma_wait3A_455 = tpu.memref_squeeze %dma_wait3A_454 : memref<1x1x100xi32, #tpu.memory_space<vmem>> -> memref<100xi32, #tpu.memory_space<vmem>>
        %dma_wait3A_456 = arith.constant 0 : i32
        %dma_wait3A_457 = arith.constant 0 : i32
        %dma_wait3A_458 = tpu.memref_slice %arg9[%dma_wait3A_456, %dma_wait3A_457] : memref<10240x128xf32, #tpu.memory_space<vmem_shared>> -> memref<10240x128xf32, #tpu.memory_space<vmem_shared>>
        tpu.wait_indirect_dma semaphore(%run_scoped3A_446 : memref<!tpu.dma_semaphore, #tpu.memory_space<semaphore_mem>>) src(%arg7 : memref<100x128xf32, #tpu.memory_space<vmem>>) dst(%dma_wait3A_458 : memref<10240x128xf32, #tpu.memory_space<vmem_shared>>)
        tpu.yield
      }) : () -> ()
      %lt3A = arith.constant 9 : i32
      %lt3A_431 = arith.cmpi slt, %scan3A_417, %lt3A : i32
      %convert_element_type3A = arith.extui %lt3A_431 : i1 to i32
      %cond3A = arith.constant 0 : i32
      %cond3A_432 = arith.cmpi ne, %convert_element_type3A, %cond3A : i32
      scf.if %cond3A_432 {
        %add3A_446 = arith.constant 2 : i32
        %add3A_447 = arith.addi %mul3A_419, %add3A_446 : i32
        %dma_start3A_448 = arith.constant 0 : i32
        %dma_start3A_449 = arith.constant 0 : i32
        %dma_start3A_450 = tpu.memref_slice %arg6[%dma_start3A_448, %add3A_447, %dma_start3A_449] : memref<2x20x100xi32, #tpu.memory_space<vmem>> -> memref<1x1x100xi32, #tpu.memory_space<vmem>>
        %dma_start3A_451 = tpu.memref_squeeze %dma_start3A_450 : memref<1x1x100xi32, #tpu.memory_space<vmem>> -> memref<100xi32, #tpu.memory_space<vmem>>
        %dma_start3A_452 = arith.constant 0 : i32
        %dma_start3A_453 = arith.constant 0 : i32
        %dma_start3A_454 = tpu.memref_slice %arg3[%dma_start3A_452, %dma_start3A_453] : memref<10000x128xf32, #tpu.memory_space<hbm>> -> memref<10000x128xf32, #tpu.memory_space<hbm>>
        tpu.enqueue_indirect_dma source(%dma_start3A_454 : memref<10000x128xf32, #tpu.memory_space<hbm>>) target(%arg7 : memref<100x128xf32, #tpu.memory_space<vmem>>) offsets(%dma_start3A_451 : memref<100xi32, #tpu.memory_space<vmem>>) semaphore(%arg10 : memref<!tpu.dma_semaphore, #tpu.memory_space<semaphore_mem>>)
      } else {
      }
      %dma_wait3A_433 = arith.constant 0 : i32
      %dma_wait3A_434 = arith.constant 0 : i32
      %dma_wait3A_435 = tpu.memref_slice %arg6[%dma_wait3A_433, %add3A_423, %dma_wait3A_434] : memref<2x20x100xi32, #tpu.memory_space<vmem>> -> memref<1x1x100xi32, #tpu.memory_space<vmem>>
      %dma_wait3A_436 = tpu.memref_squeeze %dma_wait3A_435 : memref<1x1x100xi32, #tpu.memory_space<vmem>> -> memref<100xi32, #tpu.memory_space<vmem>>
      %dma_wait3A_437 = arith.constant 0 : i32
      %dma_wait3A_438 = arith.constant 0 : i32
      %dma_wait3A_439 = tpu.memref_slice %arg3[%dma_wait3A_437, %dma_wait3A_438] : memref<10000x128xf32, #tpu.memory_space<hbm>> -> memref<10000x128xf32, #tpu.memory_space<hbm>>
      tpu.wait_indirect_dma semaphore(%arg11 : memref<!tpu.dma_semaphore, #tpu.memory_space<semaphore_mem>>) src(%dma_wait3A_439 : memref<10000x128xf32, #tpu.memory_space<hbm>>) dst(%arg8 : memref<100x128xf32, #tpu.memory_space<vmem>>)
      %run_scoped3A_440 = arith.constant 1 : i32
      "tpu.region"() ({
        %run_scoped3A_446 = tpu.sem_alloc : memref<!tpu.dma_semaphore, #tpu.memory_space<semaphore_mem>>
        %dma_start3A_447 = arith.constant 0 : i32
        %dma_start3A_448 = tpu.memref_slice %arg6[%run_scoped3A_440, %add3A_423, %dma_start3A_447] : memref<2x20x100xi32, #tpu.memory_space<vmem>> -> memref<1x1x100xi32, #tpu.memory_space<vmem>>
        %dma_start3A_449 = tpu.memref_squeeze %dma_start3A_448 : memref<1x1x100xi32, #tpu.memory_space<vmem>> -> memref<100xi32, #tpu.memory_space<vmem>>
        %dma_start3A_450 = arith.constant 0 : i32
        %dma_start3A_451 = arith.constant 0 : i32
        %dma_start3A_452 = tpu.memref_slice %arg9[%dma_start3A_450, %dma_start3A_451] : memref<10240x128xf32, #tpu.memory_space<vmem_shared>> -> memref<10240x128xf32, #tpu.memory_space<vmem_shared>>
        tpu.enqueue_indirect_dma source(%arg8 : memref<100x128xf32, #tpu.memory_space<vmem>>) target(%dma_start3A_452 : memref<10240x128xf32, #tpu.memory_space<vmem_shared>>) offsets(%dma_start3A_449 : memref<100xi32, #tpu.memory_space<vmem>>) semaphore(%run_scoped3A_446 : memref<!tpu.dma_semaphore, #tpu.memory_space<semaphore_mem>>) {add = true}
        %dma_wait3A_453 = arith.constant 0 : i32
        %dma_wait3A_454 = tpu.memref_slice %arg6[%run_scoped3A_440, %add3A_423, %dma_wait3A_453] : memref<2x20x100xi32, #tpu.memory_space<vmem>> -> memref<1x1x100xi32, #tpu.memory_space<vmem>>
        %dma_wait3A_455 = tpu.memref_squeeze %dma_wait3A_454 : memref<1x1x100xi32, #tpu.memory_space<vmem>> -> memref<100xi32, #tpu.memory_space<vmem>>
        %dma_wait3A_456 = arith.constant 0 : i32
        %dma_wait3A_457 = arith.constant 0 : i32
        %dma_wait3A_458 = tpu.memref_slice %arg9[%dma_wait3A_456, %dma_wait3A_457] : memref<10240x128xf32, #tpu.memory_space<vmem_shared>> -> memref<10240x128xf32, #tpu.memory_space<vmem_shared>>
        tpu.wait_indirect_dma semaphore(%run_scoped3A_446 : memref<!tpu.dma_semaphore, #tpu.memory_space<semaphore_mem>>) src(%arg8 : memref<100x128xf32, #tpu.memory_space<vmem>>) dst(%dma_wait3A_458 : memref<10240x128xf32, #tpu.memory_space<vmem_shared>>)
        tpu.yield
      }) : () -> ()
      %lt3A_441 = arith.constant 9 : i32
      %lt3A_442 = arith.cmpi slt, %scan3A_417, %lt3A_441 : i32
      %convert_element_type3A_443 = arith.extui %lt3A_442 : i1 to i32
      %cond3A_444 = arith.constant 0 : i32
      %cond3A_445 = arith.cmpi ne, %convert_element_type3A_443, %cond3A_444 : i32
      scf.if %cond3A_445 {
        %add3A_446 = arith.constant 2 : i32
        %add3A_447 = arith.addi %add3A_423, %add3A_446 : i32
        %dma_start3A_448 = arith.constant 0 : i32
        %dma_start3A_449 = arith.constant 0 : i32
        %dma_start3A_450 = tpu.memref_slice %arg6[%dma_start3A_448, %add3A_447, %dma_start3A_449] : memref<2x20x100xi32, #tpu.memory_space<vmem>> -> memref<1x1x100xi32, #tpu.memory_space<vmem>>
        %dma_start3A_451 = tpu.memref_squeeze %dma_start3A_450 : memref<1x1x100xi32, #tpu.memory_space<vmem>> -> memref<100xi32, #tpu.memory_space<vmem>>
        %dma_start3A_452 = arith.constant 0 : i32
        %dma_start3A_453 = arith.constant 0 : i32
        %dma_start3A_454 = tpu.memref_slice %arg3[%dma_start3A_452, %dma_start3A_453] : memref<10000x128xf32, #tpu.memory_space<hbm>> -> memref<10000x128xf32, #tpu.memory_space<hbm>>
        tpu.enqueue_indirect_dma source(%dma_start3A_454 : memref<10000x128xf32, #tpu.memory_space<hbm>>) target(%arg8 : memref<100x128xf32, #tpu.memory_space<vmem>>) offsets(%dma_start3A_451 : memref<100xi32, #tpu.memory_space<vmem>>) semaphore(%arg11 : memref<!tpu.dma_semaphore, #tpu.memory_space<semaphore_mem>>)
      } else {
      }
    }
    %scan3A_294 = arith.constant 10 : i32
    %dma_wait3A_295 = arith.constant 2 : i32
    %dma_wait3A_296 = arith.constant 0 : i32
    %dma_wait3A_297 = arith.constant 0 : i32
    %dma_wait3A_298 = arith.constant 0 : i32
    %dma_wait3A_299 = tpu.memref_slice %arg2[%arg0, %arg1, %dma_wait3A_295, %dma_wait3A_296, %dma_wait3A_297, %dma_wait3A_298] : memref<2x16x5x2x20x100xi32, #tpu.memory_space<hbm>> -> memref<1x1x1x2x20x100xi32, #tpu.memory_space<hbm>>
    %dma_wait3A_300 = tpu.memref_squeeze %dma_wait3A_299 : memref<1x1x1x2x20x100xi32, #tpu.memory_space<hbm>> -> memref<2x20x100xi32, #tpu.memory_space<hbm>>
    %dma_wait3A_301 = arith.constant 0 : i32
    %dma_wait3A_302 = arith.constant 0 : i32
    %dma_wait3A_303 = arith.constant 0 : i32
    %dma_wait3A_304 = tpu.memref_slice %arg2[%arg0, %arg1, %dma_wait3A_295, %dma_wait3A_301, %dma_wait3A_302, %dma_wait3A_303] : memref<2x16x5x2x20x100xi32, #tpu.memory_space<hbm>> -> memref<1x1x1x2x20x100xi32, #tpu.memory_space<hbm>>
    %dma_wait3A_305 = tpu.memref_squeeze %dma_wait3A_304 : memref<1x1x1x2x20x100xi32, #tpu.memory_space<hbm>> -> memref<2x20x100xi32, #tpu.memory_space<hbm>>
    tpu.wait_dma2 semaphore(%arg14 : memref<!tpu.dma_semaphore, #tpu.memory_space<semaphore_mem>>) src(%dma_wait3A_305 : memref<2x20x100xi32, #tpu.memory_space<hbm>>) dst(%arg5 : memref<2x20x100xi32, #tpu.memory_space<vmem>>)
    %dma_start3A_306 = arith.constant 3 : i32
    %dma_start3A_307 = arith.constant 0 : i32
    %dma_start3A_308 = arith.constant 0 : i32
    %dma_start3A_309 = arith.constant 0 : i32
    %dma_start3A_310 = tpu.memref_slice %arg2[%arg0, %arg1, %dma_start3A_306, %dma_start3A_307, %dma_start3A_308, %dma_start3A_309] : memref<2x16x5x2x20x100xi32, #tpu.memory_space<hbm>> -> memref<1x1x1x2x20x100xi32, #tpu.memory_space<hbm>>
    %dma_start3A_311 = tpu.memref_squeeze %dma_start3A_310 : memref<1x1x1x2x20x100xi32, #tpu.memory_space<hbm>> -> memref<2x20x100xi32, #tpu.memory_space<hbm>>
    %dma_start3A_312 = arith.constant 0 : i32
    %dma_start3A_313 = arith.constant 0 : i32
    %dma_start3A_314 = arith.constant 0 : i32
    %dma_start3A_315 = tpu.memref_slice %arg2[%arg0, %arg1, %dma_start3A_306, %dma_start3A_312, %dma_start3A_313, %dma_start3A_314] : memref<2x16x5x2x20x100xi32, #tpu.memory_space<hbm>> -> memref<1x1x1x2x20x100xi32, #tpu.memory_space<hbm>>
    %dma_start3A_316 = tpu.memref_squeeze %dma_start3A_315 : memref<1x1x1x2x20x100xi32, #tpu.memory_space<hbm>> -> memref<2x20x100xi32, #tpu.memory_space<hbm>>
    tpu.enqueue_dma source(%dma_start3A_316 : memref<2x20x100xi32, #tpu.memory_space<hbm>>) target(%arg6 : memref<2x20x100xi32, #tpu.memory_space<vmem>>) target_semaphore(%arg14 : memref<!tpu.dma_semaphore, #tpu.memory_space<semaphore_mem>>)
    %dma_start3A_317 = arith.constant 0 : i32
    %dma_start3A_318 = arith.constant 0 : i32
    %dma_start3A_319 = arith.constant 0 : i32
    %dma_start3A_320 = tpu.memref_slice %arg5[%dma_start3A_317, %dma_start3A_318, %dma_start3A_319] : memref<2x20x100xi32, #tpu.memory_space<vmem>> -> memref<1x1x100xi32, #tpu.memory_space<vmem>>
    %dma_start3A_321 = tpu.memref_squeeze %dma_start3A_320 : memref<1x1x100xi32, #tpu.memory_space<vmem>> -> memref<100xi32, #tpu.memory_space<vmem>>
    %dma_start3A_322 = arith.constant 0 : i32
    %dma_start3A_323 = arith.constant 0 : i32
    %dma_start3A_324 = tpu.memref_slice %arg3[%dma_start3A_322, %dma_start3A_323] : memref<10000x128xf32, #tpu.memory_space<hbm>> -> memref<10000x128xf32, #tpu.memory_space<hbm>>
    tpu.enqueue_indirect_dma source(%dma_start3A_324 : memref<10000x128xf32, #tpu.memory_space<hbm>>) target(%arg7 : memref<100x128xf32, #tpu.memory_space<vmem>>) offsets(%dma_start3A_321 : memref<100xi32, #tpu.memory_space<vmem>>) semaphore(%arg10 : memref<!tpu.dma_semaphore, #tpu.memory_space<semaphore_mem>>)
    %dma_start3A_325 = arith.constant 0 : i32
    %dma_start3A_326 = arith.constant 1 : i32
    %dma_start3A_327 = arith.constant 0 : i32
    %dma_start3A_328 = tpu.memref_slice %arg5[%dma_start3A_325, %dma_start3A_326, %dma_start3A_327] : memref<2x20x100xi32, #tpu.memory_space<vmem>> -> memref<1x1x100xi32, #tpu.memory_space<vmem>>
    %dma_start3A_329 = tpu.memref_squeeze %dma_start3A_328 : memref<1x1x100xi32, #tpu.memory_space<vmem>> -> memref<100xi32, #tpu.memory_space<vmem>>
    %dma_start3A_330 = arith.constant 0 : i32
    %dma_start3A_331 = arith.constant 0 : i32
    %dma_start3A_332 = tpu.memref_slice %arg3[%dma_start3A_330, %dma_start3A_331] : memref<10000x128xf32, #tpu.memory_space<hbm>> -> memref<10000x128xf32, #tpu.memory_space<hbm>>
    tpu.enqueue_indirect_dma source(%dma_start3A_332 : memref<10000x128xf32, #tpu.memory_space<hbm>>) target(%arg8 : memref<100x128xf32, #tpu.memory_space<vmem>>) offsets(%dma_start3A_329 : memref<100xi32, #tpu.memory_space<vmem>>) semaphore(%arg11 : memref<!tpu.dma_semaphore, #tpu.memory_space<semaphore_mem>>)
    %scan3A_333 = arith.constant 0 : i32
    %scan3A_334 = arith.constant 0 : i32
    %scan3A_335 = arith.constant 10 : i32
    %scan3A_336 = arith.addi %scan3A_334, %scan3A_335 : i32
    %scan3A_337 = arith.constant 1 : i32
    scf.for %scan3A_417 = %scan3A_334 to %scan3A_336 step %scan3A_337  : i32 {
      %mul3A_418 = arith.constant 2 : i32
      %mul3A_419 = arith.muli %mul3A_418, %scan3A_417 : i32
      %mul3A_420 = arith.constant 2 : i32
      %mul3A_421 = arith.muli %mul3A_420, %scan3A_417 : i32
      %add3A_422 = arith.constant 1 : i32
      %add3A_423 = arith.addi %mul3A_421, %add3A_422 : i32
      %dma_wait3A_424 = arith.constant 0 : i32
      %dma_wait3A_425 = arith.constant 0 : i32
      %dma_wait3A_426 = tpu.memref_slice %arg5[%dma_wait3A_424, %mul3A_419, %dma_wait3A_425] : memref<2x20x100xi32, #tpu.memory_space<vmem>> -> memref<1x1x100xi32, #tpu.memory_space<vmem>>
      %dma_wait3A_427 = tpu.memref_squeeze %dma_wait3A_426 : memref<1x1x100xi32, #tpu.memory_space<vmem>> -> memref<100xi32, #tpu.memory_space<vmem>>
      %dma_wait3A_428 = arith.constant 0 : i32
      %dma_wait3A_429 = arith.constant 0 : i32
      %dma_wait3A_430 = tpu.memref_slice %arg3[%dma_wait3A_428, %dma_wait3A_429] : memref<10000x128xf32, #tpu.memory_space<hbm>> -> memref<10000x128xf32, #tpu.memory_space<hbm>>
      tpu.wait_indirect_dma semaphore(%arg10 : memref<!tpu.dma_semaphore, #tpu.memory_space<semaphore_mem>>) src(%dma_wait3A_430 : memref<10000x128xf32, #tpu.memory_space<hbm>>) dst(%arg7 : memref<100x128xf32, #tpu.memory_space<vmem>>)
      %run_scoped3A = arith.constant 1 : i32
      "tpu.region"() ({
        %run_scoped3A_446 = tpu.sem_alloc : memref<!tpu.dma_semaphore, #tpu.memory_space<semaphore_mem>>
        %dma_start3A_447 = arith.constant 0 : i32
        %dma_start3A_448 = tpu.memref_slice %arg5[%run_scoped3A, %mul3A_419, %dma_start3A_447] : memref<2x20x100xi32, #tpu.memory_space<vmem>> -> memref<1x1x100xi32, #tpu.memory_space<vmem>>
        %dma_start3A_449 = tpu.memref_squeeze %dma_start3A_448 : memref<1x1x100xi32, #tpu.memory_space<vmem>> -> memref<100xi32, #tpu.memory_space<vmem>>
        %dma_start3A_450 = arith.constant 0 : i32
        %dma_start3A_451 = arith.constant 0 : i32
        %dma_start3A_452 = tpu.memref_slice %arg9[%dma_start3A_450, %dma_start3A_451] : memref<10240x128xf32, #tpu.memory_space<vmem_shared>> -> memref<10240x128xf32, #tpu.memory_space<vmem_shared>>
        tpu.enqueue_indirect_dma source(%arg7 : memref<100x128xf32, #tpu.memory_space<vmem>>) target(%dma_start3A_452 : memref<10240x128xf32, #tpu.memory_space<vmem_shared>>) offsets(%dma_start3A_449 : memref<100xi32, #tpu.memory_space<vmem>>) semaphore(%run_scoped3A_446 : memref<!tpu.dma_semaphore, #tpu.memory_space<semaphore_mem>>) {add = true}
        %dma_wait3A_453 = arith.constant 0 : i32
        %dma_wait3A_454 = tpu.memref_slice %arg5[%run_scoped3A, %mul3A_419, %dma_wait3A_453] : memref<2x20x100xi32, #tpu.memory_space<vmem>> -> memref<1x1x100xi32, #tpu.memory_space<vmem>>
        %dma_wait3A_455 = tpu.memref_squeeze %dma_wait3A_454 : memref<1x1x100xi32, #tpu.memory_space<vmem>> -> memref<100xi32, #tpu.memory_space<vmem>>
        %dma_wait3A_456 = arith.constant 0 : i32
        %dma_wait3A_457 = arith.constant 0 : i32
        %dma_wait3A_458 = tpu.memref_slice %arg9[%dma_wait3A_456, %dma_wait3A_457] : memref<10240x128xf32, #tpu.memory_space<vmem_shared>> -> memref<10240x128xf32, #tpu.memory_space<vmem_shared>>
        tpu.wait_indirect_dma semaphore(%run_scoped3A_446 : memref<!tpu.dma_semaphore, #tpu.memory_space<semaphore_mem>>) src(%arg7 : memref<100x128xf32, #tpu.memory_space<vmem>>) dst(%dma_wait3A_458 : memref<10240x128xf32, #tpu.memory_space<vmem_shared>>)
        tpu.yield
      }) : () -> ()
      %lt3A = arith.constant 9 : i32
      %lt3A_431 = arith.cmpi slt, %scan3A_417, %lt3A : i32
      %convert_element_type3A = arith.extui %lt3A_431 : i1 to i32
      %cond3A = arith.constant 0 : i32
      %cond3A_432 = arith.cmpi ne, %convert_element_type3A, %cond3A : i32
      scf.if %cond3A_432 {
        %add3A_446 = arith.constant 2 : i32
        %add3A_447 = arith.addi %mul3A_419, %add3A_446 : i32
        %dma_start3A_448 = arith.constant 0 : i32
        %dma_start3A_449 = arith.constant 0 : i32
        %dma_start3A_450 = tpu.memref_slice %arg5[%dma_start3A_448, %add3A_447, %dma_start3A_449] : memref<2x20x100xi32, #tpu.memory_space<vmem>> -> memref<1x1x100xi32, #tpu.memory_space<vmem>>
        %dma_start3A_451 = tpu.memref_squeeze %dma_start3A_450 : memref<1x1x100xi32, #tpu.memory_space<vmem>> -> memref<100xi32, #tpu.memory_space<vmem>>
        %dma_start3A_452 = arith.constant 0 : i32
        %dma_start3A_453 = arith.constant 0 : i32
        %dma_start3A_454 = tpu.memref_slice %arg3[%dma_start3A_452, %dma_start3A_453] : memref<10000x128xf32, #tpu.memory_space<hbm>> -> memref<10000x128xf32, #tpu.memory_space<hbm>>
        tpu.enqueue_indirect_dma source(%dma_start3A_454 : memref<10000x128xf32, #tpu.memory_space<hbm>>) target(%arg7 : memref<100x128xf32, #tpu.memory_space<vmem>>) offsets(%dma_start3A_451 : memref<100xi32, #tpu.memory_space<vmem>>) semaphore(%arg10 : memref<!tpu.dma_semaphore, #tpu.memory_space<semaphore_mem>>)
      } else {
      }
      %dma_wait3A_433 = arith.constant 0 : i32
      %dma_wait3A_434 = arith.constant 0 : i32
      %dma_wait3A_435 = tpu.memref_slice %arg5[%dma_wait3A_433, %add3A_423, %dma_wait3A_434] : memref<2x20x100xi32, #tpu.memory_space<vmem>> -> memref<1x1x100xi32, #tpu.memory_space<vmem>>
      %dma_wait3A_436 = tpu.memref_squeeze %dma_wait3A_435 : memref<1x1x100xi32, #tpu.memory_space<vmem>> -> memref<100xi32, #tpu.memory_space<vmem>>
      %dma_wait3A_437 = arith.constant 0 : i32
      %dma_wait3A_438 = arith.constant 0 : i32
      %dma_wait3A_439 = tpu.memref_slice %arg3[%dma_wait3A_437, %dma_wait3A_438] : memref<10000x128xf32, #tpu.memory_space<hbm>> -> memref<10000x128xf32, #tpu.memory_space<hbm>>
      tpu.wait_indirect_dma semaphore(%arg11 : memref<!tpu.dma_semaphore, #tpu.memory_space<semaphore_mem>>) src(%dma_wait3A_439 : memref<10000x128xf32, #tpu.memory_space<hbm>>) dst(%arg8 : memref<100x128xf32, #tpu.memory_space<vmem>>)
      %run_scoped3A_440 = arith.constant 1 : i32
      "tpu.region"() ({
        %run_scoped3A_446 = tpu.sem_alloc : memref<!tpu.dma_semaphore, #tpu.memory_space<semaphore_mem>>
        %dma_start3A_447 = arith.constant 0 : i32
        %dma_start3A_448 = tpu.memref_slice %arg5[%run_scoped3A_440, %add3A_423, %dma_start3A_447] : memref<2x20x100xi32, #tpu.memory_space<vmem>> -> memref<1x1x100xi32, #tpu.memory_space<vmem>>
        %dma_start3A_449 = tpu.memref_squeeze %dma_start3A_448 : memref<1x1x100xi32, #tpu.memory_space<vmem>> -> memref<100xi32, #tpu.memory_space<vmem>>
        %dma_start3A_450 = arith.constant 0 : i32
        %dma_start3A_451 = arith.constant 0 : i32
        %dma_start3A_452 = tpu.memref_slice %arg9[%dma_start3A_450, %dma_start3A_451] : memref<10240x128xf32, #tpu.memory_space<vmem_shared>> -> memref<10240x128xf32, #tpu.memory_space<vmem_shared>>
        tpu.enqueue_indirect_dma source(%arg8 : memref<100x128xf32, #tpu.memory_space<vmem>>) target(%dma_start3A_452 : memref<10240x128xf32, #tpu.memory_space<vmem_shared>>) offsets(%dma_start3A_449 : memref<100xi32, #tpu.memory_space<vmem>>) semaphore(%run_scoped3A_446 : memref<!tpu.dma_semaphore, #tpu.memory_space<semaphore_mem>>) {add = true}
        %dma_wait3A_453 = arith.constant 0 : i32
        %dma_wait3A_454 = tpu.memref_slice %arg5[%run_scoped3A_440, %add3A_423, %dma_wait3A_453] : memref<2x20x100xi32, #tpu.memory_space<vmem>> -> memref<1x1x100xi32, #tpu.memory_space<vmem>>
        %dma_wait3A_455 = tpu.memref_squeeze %dma_wait3A_454 : memref<1x1x100xi32, #tpu.memory_space<vmem>> -> memref<100xi32, #tpu.memory_space<vmem>>
        %dma_wait3A_456 = arith.constant 0 : i32
        %dma_wait3A_457 = arith.constant 0 : i32
        %dma_wait3A_458 = tpu.memref_slice %arg9[%dma_wait3A_456, %dma_wait3A_457] : memref<10240x128xf32, #tpu.memory_space<vmem_shared>> -> memref<10240x128xf32, #tpu.memory_space<vmem_shared>>
        tpu.wait_indirect_dma semaphore(%run_scoped3A_446 : memref<!tpu.dma_semaphore, #tpu.memory_space<semaphore_mem>>) src(%arg8 : memref<100x128xf32, #tpu.memory_space<vmem>>) dst(%dma_wait3A_458 : memref<10240x128xf32, #tpu.memory_space<vmem_shared>>)
        tpu.yield
      }) : () -> ()
      %lt3A_441 = arith.constant 9 : i32
      %lt3A_442 = arith.cmpi slt, %scan3A_417, %lt3A_441 : i32
      %convert_element_type3A_443 = arith.extui %lt3A_442 : i1 to i32
      %cond3A_444 = arith.constant 0 : i32
      %cond3A_445 = arith.cmpi ne, %convert_element_type3A_443, %cond3A_444 : i32
      scf.if %cond3A_445 {
        %add3A_446 = arith.constant 2 : i32
        %add3A_447 = arith.addi %add3A_423, %add3A_446 : i32
        %dma_start3A_448 = arith.constant 0 : i32
        %dma_start3A_449 = arith.constant 0 : i32
        %dma_start3A_450 = tpu.memref_slice %arg5[%dma_start3A_448, %add3A_447, %dma_start3A_449] : memref<2x20x100xi32, #tpu.memory_space<vmem>> -> memref<1x1x100xi32, #tpu.memory_space<vmem>>
        %dma_start3A_451 = tpu.memref_squeeze %dma_start3A_450 : memref<1x1x100xi32, #tpu.memory_space<vmem>> -> memref<100xi32, #tpu.memory_space<vmem>>
        %dma_start3A_452 = arith.constant 0 : i32
        %dma_start3A_453 = arith.constant 0 : i32
        %dma_start3A_454 = tpu.memref_slice %arg3[%dma_start3A_452, %dma_start3A_453] : memref<10000x128xf32, #tpu.memory_space<hbm>> -> memref<10000x128xf32, #tpu.memory_space<hbm>>
        tpu.enqueue_indirect_dma source(%dma_start3A_454 : memref<10000x128xf32, #tpu.memory_space<hbm>>) target(%arg8 : memref<100x128xf32, #tpu.memory_space<vmem>>) offsets(%dma_start3A_451 : memref<100xi32, #tpu.memory_space<vmem>>) semaphore(%arg11 : memref<!tpu.dma_semaphore, #tpu.memory_space<semaphore_mem>>)
      } else {
      }
    }
    %scan3A_338 = arith.constant 10 : i32
    %dma_wait3A_339 = arith.constant 3 : i32
    %dma_wait3A_340 = arith.constant 0 : i32
    %dma_wait3A_341 = arith.constant 0 : i32
    %dma_wait3A_342 = arith.constant 0 : i32
    %dma_wait3A_343 = tpu.memref_slice %arg2[%arg0, %arg1, %dma_wait3A_339, %dma_wait3A_340, %dma_wait3A_341, %dma_wait3A_342] : memref<2x16x5x2x20x100xi32, #tpu.memory_space<hbm>> -> memref<1x1x1x2x20x100xi32, #tpu.memory_space<hbm>>
    %dma_wait3A_344 = tpu.memref_squeeze %dma_wait3A_343 : memref<1x1x1x2x20x100xi32, #tpu.memory_space<hbm>> -> memref<2x20x100xi32, #tpu.memory_space<hbm>>
    %dma_wait3A_345 = arith.constant 0 : i32
    %dma_wait3A_346 = arith.constant 0 : i32
    %dma_wait3A_347 = arith.constant 0 : i32
    %dma_wait3A_348 = tpu.memref_slice %arg2[%arg0, %arg1, %dma_wait3A_339, %dma_wait3A_345, %dma_wait3A_346, %dma_wait3A_347] : memref<2x16x5x2x20x100xi32, #tpu.memory_space<hbm>> -> memref<1x1x1x2x20x100xi32, #tpu.memory_space<hbm>>
    %dma_wait3A_349 = tpu.memref_squeeze %dma_wait3A_348 : memref<1x1x1x2x20x100xi32, #tpu.memory_space<hbm>> -> memref<2x20x100xi32, #tpu.memory_space<hbm>>
    tpu.wait_dma2 semaphore(%arg14 : memref<!tpu.dma_semaphore, #tpu.memory_space<semaphore_mem>>) src(%dma_wait3A_349 : memref<2x20x100xi32, #tpu.memory_space<hbm>>) dst(%arg6 : memref<2x20x100xi32, #tpu.memory_space<vmem>>)
    %dma_start3A_350 = arith.constant 4 : i32
    %dma_start3A_351 = arith.constant 0 : i32
    %dma_start3A_352 = arith.constant 0 : i32
    %dma_start3A_353 = arith.constant 0 : i32
    %dma_start3A_354 = tpu.memref_slice %arg2[%arg0, %arg1, %dma_start3A_350, %dma_start3A_351, %dma_start3A_352, %dma_start3A_353] : memref<2x16x5x2x20x100xi32, #tpu.memory_space<hbm>> -> memref<1x1x1x2x20x100xi32, #tpu.memory_space<hbm>>
    %dma_start3A_355 = tpu.memref_squeeze %dma_start3A_354 : memref<1x1x1x2x20x100xi32, #tpu.memory_space<hbm>> -> memref<2x20x100xi32, #tpu.memory_space<hbm>>
    %dma_start3A_356 = arith.constant 0 : i32
    %dma_start3A_357 = arith.constant 0 : i32
    %dma_start3A_358 = arith.constant 0 : i32
    %dma_start3A_359 = tpu.memref_slice %arg2[%arg0, %arg1, %dma_start3A_350, %dma_start3A_356, %dma_start3A_357, %dma_start3A_358] : memref<2x16x5x2x20x100xi32, #tpu.memory_space<hbm>> -> memref<1x1x1x2x20x100xi32, #tpu.memory_space<hbm>>
    %dma_start3A_360 = tpu.memref_squeeze %dma_start3A_359 : memref<1x1x1x2x20x100xi32, #tpu.memory_space<hbm>> -> memref<2x20x100xi32, #tpu.memory_space<hbm>>
    tpu.enqueue_dma source(%dma_start3A_360 : memref<2x20x100xi32, #tpu.memory_space<hbm>>) target(%arg5 : memref<2x20x100xi32, #tpu.memory_space<vmem>>) target_semaphore(%arg14 : memref<!tpu.dma_semaphore, #tpu.memory_space<semaphore_mem>>)
    %dma_start3A_361 = arith.constant 0 : i32
    %dma_start3A_362 = arith.constant 0 : i32
    %dma_start3A_363 = arith.constant 0 : i32
    %dma_start3A_364 = tpu.memref_slice %arg6[%dma_start3A_361, %dma_start3A_362, %dma_start3A_363] : memref<2x20x100xi32, #tpu.memory_space<vmem>> -> memref<1x1x100xi32, #tpu.memory_space<vmem>>
    %dma_start3A_365 = tpu.memref_squeeze %dma_start3A_364 : memref<1x1x100xi32, #tpu.memory_space<vmem>> -> memref<100xi32, #tpu.memory_space<vmem>>
    %dma_start3A_366 = arith.constant 0 : i32
    %dma_start3A_367 = arith.constant 0 : i32
    %dma_start3A_368 = tpu.memref_slice %arg3[%dma_start3A_366, %dma_start3A_367] : memref<10000x128xf32, #tpu.memory_space<hbm>> -> memref<10000x128xf32, #tpu.memory_space<hbm>>
    tpu.enqueue_indirect_dma source(%dma_start3A_368 : memref<10000x128xf32, #tpu.memory_space<hbm>>) target(%arg7 : memref<100x128xf32, #tpu.memory_space<vmem>>) offsets(%dma_start3A_365 : memref<100xi32, #tpu.memory_space<vmem>>) semaphore(%arg10 : memref<!tpu.dma_semaphore, #tpu.memory_space<semaphore_mem>>)
    %dma_start3A_369 = arith.constant 0 : i32
    %dma_start3A_370 = arith.constant 1 : i32
    %dma_start3A_371 = arith.constant 0 : i32
    %dma_start3A_372 = tpu.memref_slice %arg6[%dma_start3A_369, %dma_start3A_370, %dma_start3A_371] : memref<2x20x100xi32, #tpu.memory_space<vmem>> -> memref<1x1x100xi32, #tpu.memory_space<vmem>>
    %dma_start3A_373 = tpu.memref_squeeze %dma_start3A_372 : memref<1x1x100xi32, #tpu.memory_space<vmem>> -> memref<100xi32, #tpu.memory_space<vmem>>
    %dma_start3A_374 = arith.constant 0 : i32
    %dma_start3A_375 = arith.constant 0 : i32
    %dma_start3A_376 = tpu.memref_slice %arg3[%dma_start3A_374, %dma_start3A_375] : memref<10000x128xf32, #tpu.memory_space<hbm>> -> memref<10000x128xf32, #tpu.memory_space<hbm>>
    tpu.enqueue_indirect_dma source(%dma_start3A_376 : memref<10000x128xf32, #tpu.memory_space<hbm>>) target(%arg8 : memref<100x128xf32, #tpu.memory_space<vmem>>) offsets(%dma_start3A_373 : memref<100xi32, #tpu.memory_space<vmem>>) semaphore(%arg11 : memref<!tpu.dma_semaphore, #tpu.memory_space<semaphore_mem>>)
    %scan3A_377 = arith.constant 0 : i32
    %scan3A_378 = arith.constant 0 : i32
    %scan3A_379 = arith.constant 10 : i32
    %scan3A_380 = arith.addi %scan3A_378, %scan3A_379 : i32
    %scan3A_381 = arith.constant 1 : i32
    scf.for %scan3A_417 = %scan3A_378 to %scan3A_380 step %scan3A_381  : i32 {
      %mul3A_418 = arith.constant 2 : i32
      %mul3A_419 = arith.muli %mul3A_418, %scan3A_417 : i32
      %mul3A_420 = arith.constant 2 : i32
      %mul3A_421 = arith.muli %mul3A_420, %scan3A_417 : i32
      %add3A_422 = arith.constant 1 : i32
      %add3A_423 = arith.addi %mul3A_421, %add3A_422 : i32
      %dma_wait3A_424 = arith.constant 0 : i32
      %dma_wait3A_425 = arith.constant 0 : i32
      %dma_wait3A_426 = tpu.memref_slice %arg6[%dma_wait3A_424, %mul3A_419, %dma_wait3A_425] : memref<2x20x100xi32, #tpu.memory_space<vmem>> -> memref<1x1x100xi32, #tpu.memory_space<vmem>>
      %dma_wait3A_427 = tpu.memref_squeeze %dma_wait3A_426 : memref<1x1x100xi32, #tpu.memory_space<vmem>> -> memref<100xi32, #tpu.memory_space<vmem>>
      %dma_wait3A_428 = arith.constant 0 : i32
      %dma_wait3A_429 = arith.constant 0 : i32
      %dma_wait3A_430 = tpu.memref_slice %arg3[%dma_wait3A_428, %dma_wait3A_429] : memref<10000x128xf32, #tpu.memory_space<hbm>> -> memref<10000x128xf32, #tpu.memory_space<hbm>>
      tpu.wait_indirect_dma semaphore(%arg10 : memref<!tpu.dma_semaphore, #tpu.memory_space<semaphore_mem>>) src(%dma_wait3A_430 : memref<10000x128xf32, #tpu.memory_space<hbm>>) dst(%arg7 : memref<100x128xf32, #tpu.memory_space<vmem>>)
      %run_scoped3A = arith.constant 1 : i32
      "tpu.region"() ({
        %run_scoped3A_446 = tpu.sem_alloc : memref<!tpu.dma_semaphore, #tpu.memory_space<semaphore_mem>>
        %dma_start3A_447 = arith.constant 0 : i32
        %dma_start3A_448 = tpu.memref_slice %arg6[%run_scoped3A, %mul3A_419, %dma_start3A_447] : memref<2x20x100xi32, #tpu.memory_space<vmem>> -> memref<1x1x100xi32, #tpu.memory_space<vmem>>
        %dma_start3A_449 = tpu.memref_squeeze %dma_start3A_448 : memref<1x1x100xi32, #tpu.memory_space<vmem>> -> memref<100xi32, #tpu.memory_space<vmem>>
        %dma_start3A_450 = arith.constant 0 : i32
        %dma_start3A_451 = arith.constant 0 : i32
        %dma_start3A_452 = tpu.memref_slice %arg9[%dma_start3A_450, %dma_start3A_451] : memref<10240x128xf32, #tpu.memory_space<vmem_shared>> -> memref<10240x128xf32, #tpu.memory_space<vmem_shared>>
        tpu.enqueue_indirect_dma source(%arg7 : memref<100x128xf32, #tpu.memory_space<vmem>>) target(%dma_start3A_452 : memref<10240x128xf32, #tpu.memory_space<vmem_shared>>) offsets(%dma_start3A_449 : memref<100xi32, #tpu.memory_space<vmem>>) semaphore(%run_scoped3A_446 : memref<!tpu.dma_semaphore, #tpu.memory_space<semaphore_mem>>) {add = true}
        %dma_wait3A_453 = arith.constant 0 : i32
        %dma_wait3A_454 = tpu.memref_slice %arg6[%run_scoped3A, %mul3A_419, %dma_wait3A_453] : memref<2x20x100xi32, #tpu.memory_space<vmem>> -> memref<1x1x100xi32, #tpu.memory_space<vmem>>
        %dma_wait3A_455 = tpu.memref_squeeze %dma_wait3A_454 : memref<1x1x100xi32, #tpu.memory_space<vmem>> -> memref<100xi32, #tpu.memory_space<vmem>>
        %dma_wait3A_456 = arith.constant 0 : i32
        %dma_wait3A_457 = arith.constant 0 : i32
        %dma_wait3A_458 = tpu.memref_slice %arg9[%dma_wait3A_456, %dma_wait3A_457] : memref<10240x128xf32, #tpu.memory_space<vmem_shared>> -> memref<10240x128xf32, #tpu.memory_space<vmem_shared>>
        tpu.wait_indirect_dma semaphore(%run_scoped3A_446 : memref<!tpu.dma_semaphore, #tpu.memory_space<semaphore_mem>>) src(%arg7 : memref<100x128xf32, #tpu.memory_space<vmem>>) dst(%dma_wait3A_458 : memref<10240x128xf32, #tpu.memory_space<vmem_shared>>)
        tpu.yield
      }) : () -> ()
      %lt3A = arith.constant 9 : i32
      %lt3A_431 = arith.cmpi slt, %scan3A_417, %lt3A : i32
      %convert_element_type3A = arith.extui %lt3A_431 : i1 to i32
      %cond3A = arith.constant 0 : i32
      %cond3A_432 = arith.cmpi ne, %convert_element_type3A, %cond3A : i32
      scf.if %cond3A_432 {
        %add3A_446 = arith.constant 2 : i32
        %add3A_447 = arith.addi %mul3A_419, %add3A_446 : i32
        %dma_start3A_448 = arith.constant 0 : i32
        %dma_start3A_449 = arith.constant 0 : i32
        %dma_start3A_450 = tpu.memref_slice %arg6[%dma_start3A_448, %add3A_447, %dma_start3A_449] : memref<2x20x100xi32, #tpu.memory_space<vmem>> -> memref<1x1x100xi32, #tpu.memory_space<vmem>>
        %dma_start3A_451 = tpu.memref_squeeze %dma_start3A_450 : memref<1x1x100xi32, #tpu.memory_space<vmem>> -> memref<100xi32, #tpu.memory_space<vmem>>
        %dma_start3A_452 = arith.constant 0 : i32
        %dma_start3A_453 = arith.constant 0 : i32
        %dma_start3A_454 = tpu.memref_slice %arg3[%dma_start3A_452, %dma_start3A_453] : memref<10000x128xf32, #tpu.memory_space<hbm>> -> memref<10000x128xf32, #tpu.memory_space<hbm>>
        tpu.enqueue_indirect_dma source(%dma_start3A_454 : memref<10000x128xf32, #tpu.memory_space<hbm>>) target(%arg7 : memref<100x128xf32, #tpu.memory_space<vmem>>) offsets(%dma_start3A_451 : memref<100xi32, #tpu.memory_space<vmem>>) semaphore(%arg10 : memref<!tpu.dma_semaphore, #tpu.memory_space<semaphore_mem>>)
      } else {
      }
      %dma_wait3A_433 = arith.constant 0 : i32
      %dma_wait3A_434 = arith.constant 0 : i32
      %dma_wait3A_435 = tpu.memref_slice %arg6[%dma_wait3A_433, %add3A_423, %dma_wait3A_434] : memref<2x20x100xi32, #tpu.memory_space<vmem>> -> memref<1x1x100xi32, #tpu.memory_space<vmem>>
      %dma_wait3A_436 = tpu.memref_squeeze %dma_wait3A_435 : memref<1x1x100xi32, #tpu.memory_space<vmem>> -> memref<100xi32, #tpu.memory_space<vmem>>
      %dma_wait3A_437 = arith.constant 0 : i32
      %dma_wait3A_438 = arith.constant 0 : i32
      %dma_wait3A_439 = tpu.memref_slice %arg3[%dma_wait3A_437, %dma_wait3A_438] : memref<10000x128xf32, #tpu.memory_space<hbm>> -> memref<10000x128xf32, #tpu.memory_space<hbm>>
      tpu.wait_indirect_dma semaphore(%arg11 : memref<!tpu.dma_semaphore, #tpu.memory_space<semaphore_mem>>) src(%dma_wait3A_439 : memref<10000x128xf32, #tpu.memory_space<hbm>>) dst(%arg8 : memref<100x128xf32, #tpu.memory_space<vmem>>)
      %run_scoped3A_440 = arith.constant 1 : i32
      "tpu.region"() ({
        %run_scoped3A_446 = tpu.sem_alloc : memref<!tpu.dma_semaphore, #tpu.memory_space<semaphore_mem>>
        %dma_start3A_447 = arith.constant 0 : i32
        %dma_start3A_448 = tpu.memref_slice %arg6[%run_scoped3A_440, %add3A_423, %dma_start3A_447] : memref<2x20x100xi32, #tpu.memory_space<vmem>> -> memref<1x1x100xi32, #tpu.memory_space<vmem>>
        %dma_start3A_449 = tpu.memref_squeeze %dma_start3A_448 : memref<1x1x100xi32, #tpu.memory_space<vmem>> -> memref<100xi32, #tpu.memory_space<vmem>>
        %dma_start3A_450 = arith.constant 0 : i32
        %dma_start3A_451 = arith.constant 0 : i32
        %dma_start3A_452 = tpu.memref_slice %arg9[%dma_start3A_450, %dma_start3A_451] : memref<10240x128xf32, #tpu.memory_space<vmem_shared>> -> memref<10240x128xf32, #tpu.memory_space<vmem_shared>>
        tpu.enqueue_indirect_dma source(%arg8 : memref<100x128xf32, #tpu.memory_space<vmem>>) target(%dma_start3A_452 : memref<10240x128xf32, #tpu.memory_space<vmem_shared>>) offsets(%dma_start3A_449 : memref<100xi32, #tpu.memory_space<vmem>>) semaphore(%run_scoped3A_446 : memref<!tpu.dma_semaphore, #tpu.memory_space<semaphore_mem>>) {add = true}
        %dma_wait3A_453 = arith.constant 0 : i32
        %dma_wait3A_454 = tpu.memref_slice %arg6[%run_scoped3A_440, %add3A_423, %dma_wait3A_453] : memref<2x20x100xi32, #tpu.memory_space<vmem>> -> memref<1x1x100xi32, #tpu.memory_space<vmem>>
        %dma_wait3A_455 = tpu.memref_squeeze %dma_wait3A_454 : memref<1x1x100xi32, #tpu.memory_space<vmem>> -> memref<100xi32, #tpu.memory_space<vmem>>
        %dma_wait3A_456 = arith.constant 0 : i32
        %dma_wait3A_457 = arith.constant 0 : i32
        %dma_wait3A_458 = tpu.memref_slice %arg9[%dma_wait3A_456, %dma_wait3A_457] : memref<10240x128xf32, #tpu.memory_space<vmem_shared>> -> memref<10240x128xf32, #tpu.memory_space<vmem_shared>>
        tpu.wait_indirect_dma semaphore(%run_scoped3A_446 : memref<!tpu.dma_semaphore, #tpu.memory_space<semaphore_mem>>) src(%arg8 : memref<100x128xf32, #tpu.memory_space<vmem>>) dst(%dma_wait3A_458 : memref<10240x128xf32, #tpu.memory_space<vmem_shared>>)
        tpu.yield
      }) : () -> ()
      %lt3A_441 = arith.constant 9 : i32
      %lt3A_442 = arith.cmpi slt, %scan3A_417, %lt3A_441 : i32
      %convert_element_type3A_443 = arith.extui %lt3A_442 : i1 to i32
      %cond3A_444 = arith.constant 0 : i32
      %cond3A_445 = arith.cmpi ne, %convert_element_type3A_443, %cond3A_444 : i32
      scf.if %cond3A_445 {
        %add3A_446 = arith.constant 2 : i32
        %add3A_447 = arith.addi %add3A_423, %add3A_446 : i32
        %dma_start3A_448 = arith.constant 0 : i32
        %dma_start3A_449 = arith.constant 0 : i32
        %dma_start3A_450 = tpu.memref_slice %arg6[%dma_start3A_448, %add3A_447, %dma_start3A_449] : memref<2x20x100xi32, #tpu.memory_space<vmem>> -> memref<1x1x100xi32, #tpu.memory_space<vmem>>
        %dma_start3A_451 = tpu.memref_squeeze %dma_start3A_450 : memref<1x1x100xi32, #tpu.memory_space<vmem>> -> memref<100xi32, #tpu.memory_space<vmem>>
        %dma_start3A_452 = arith.constant 0 : i32
        %dma_start3A_453 = arith.constant 0 : i32
        %dma_start3A_454 = tpu.memref_slice %arg3[%dma_start3A_452, %dma_start3A_453] : memref<10000x128xf32, #tpu.memory_space<hbm>> -> memref<10000x128xf32, #tpu.memory_space<hbm>>
        tpu.enqueue_indirect_dma source(%dma_start3A_454 : memref<10000x128xf32, #tpu.memory_space<hbm>>) target(%arg8 : memref<100x128xf32, #tpu.memory_space<vmem>>) offsets(%dma_start3A_451 : memref<100xi32, #tpu.memory_space<vmem>>) semaphore(%arg11 : memref<!tpu.dma_semaphore, #tpu.memory_space<semaphore_mem>>)
      } else {
      }
    }
    %scan3A_382 = arith.constant 10 : i32
    %dma_wait3A_383 = arith.constant 4 : i32
    %dma_wait3A_384 = arith.constant 0 : i32
    %dma_wait3A_385 = arith.constant 0 : i32
    %dma_wait3A_386 = arith.constant 0 : i32
    %dma_wait3A_387 = tpu.memref_slice %arg2[%arg0, %arg1, %dma_wait3A_383, %dma_wait3A_384, %dma_wait3A_385, %dma_wait3A_386] : memref<2x16x5x2x20x100xi32, #tpu.memory_space<hbm>> -> memref<1x1x1x2x20x100xi32, #tpu.memory_space<hbm>>
    %dma_wait3A_388 = tpu.memref_squeeze %dma_wait3A_387 : memref<1x1x1x2x20x100xi32, #tpu.memory_space<hbm>> -> memref<2x20x100xi32, #tpu.memory_space<hbm>>
    %dma_wait3A_389 = arith.constant 0 : i32
    %dma_wait3A_390 = arith.constant 0 : i32
    %dma_wait3A_391 = arith.constant 0 : i32
    %dma_wait3A_392 = tpu.memref_slice %arg2[%arg0, %arg1, %dma_wait3A_383, %dma_wait3A_389, %dma_wait3A_390, %dma_wait3A_391] : memref<2x16x5x2x20x100xi32, #tpu.memory_space<hbm>> -> memref<1x1x1x2x20x100xi32, #tpu.memory_space<hbm>>
    %dma_wait3A_393 = tpu.memref_squeeze %dma_wait3A_392 : memref<1x1x1x2x20x100xi32, #tpu.memory_space<hbm>> -> memref<2x20x100xi32, #tpu.memory_space<hbm>>
    tpu.wait_dma2 semaphore(%arg14 : memref<!tpu.dma_semaphore, #tpu.memory_space<semaphore_mem>>) src(%dma_wait3A_393 : memref<2x20x100xi32, #tpu.memory_space<hbm>>) dst(%arg5 : memref<2x20x100xi32, #tpu.memory_space<vmem>>)
    %dma_start3A_394 = arith.constant 0 : i32
    %dma_start3A_395 = arith.constant 0 : i32
    %dma_start3A_396 = arith.constant 0 : i32
    %dma_start3A_397 = tpu.memref_slice %arg5[%dma_start3A_394, %dma_start3A_395, %dma_start3A_396] : memref<2x20x100xi32, #tpu.memory_space<vmem>> -> memref<1x1x100xi32, #tpu.memory_space<vmem>>
    %dma_start3A_398 = tpu.memref_squeeze %dma_start3A_397 : memref<1x1x100xi32, #tpu.memory_space<vmem>> -> memref<100xi32, #tpu.memory_space<vmem>>
    %dma_start3A_399 = arith.constant 0 : i32
    %dma_start3A_400 = arith.constant 0 : i32
    %dma_start3A_401 = tpu.memref_slice %arg3[%dma_start3A_399, %dma_start3A_400] : memref<10000x128xf32, #tpu.memory_space<hbm>> -> memref<10000x128xf32, #tpu.memory_space<hbm>>
    tpu.enqueue_indirect_dma source(%dma_start3A_401 : memref<10000x128xf32, #tpu.memory_space<hbm>>) target(%arg7 : memref<100x128xf32, #tpu.memory_space<vmem>>) offsets(%dma_start3A_398 : memref<100xi32, #tpu.memory_space<vmem>>) semaphore(%arg10 : memref<!tpu.dma_semaphore, #tpu.memory_space<semaphore_mem>>)
    %dma_start3A_402 = arith.constant 0 : i32
    %dma_start3A_403 = arith.constant 1 : i32
    %dma_start3A_404 = arith.constant 0 : i32
    %dma_start3A_405 = tpu.memref_slice %arg5[%dma_start3A_402, %dma_start3A_403, %dma_start3A_404] : memref<2x20x100xi32, #tpu.memory_space<vmem>> -> memref<1x1x100xi32, #tpu.memory_space<vmem>>
    %dma_start3A_406 = tpu.memref_squeeze %dma_start3A_405 : memref<1x1x100xi32, #tpu.memory_space<vmem>> -> memref<100xi32, #tpu.memory_space<vmem>>
    %dma_start3A_407 = arith.constant 0 : i32
    %dma_start3A_408 = arith.constant 0 : i32
    %dma_start3A_409 = tpu.memref_slice %arg3[%dma_start3A_407, %dma_start3A_408] : memref<10000x128xf32, #tpu.memory_space<hbm>> -> memref<10000x128xf32, #tpu.memory_space<hbm>>
    tpu.enqueue_indirect_dma source(%dma_start3A_409 : memref<10000x128xf32, #tpu.memory_space<hbm>>) target(%arg8 : memref<100x128xf32, #tpu.memory_space<vmem>>) offsets(%dma_start3A_406 : memref<100xi32, #tpu.memory_space<vmem>>) semaphore(%arg11 : memref<!tpu.dma_semaphore, #tpu.memory_space<semaphore_mem>>)
    %scan3A_410 = arith.constant 0 : i32
    %scan3A_411 = arith.constant 0 : i32
    %scan3A_412 = arith.constant 10 : i32
    %scan3A_413 = arith.addi %scan3A_411, %scan3A_412 : i32
    %scan3A_414 = arith.constant 1 : i32
    scf.for %scan3A_417 = %scan3A_411 to %scan3A_413 step %scan3A_414  : i32 {
      %mul3A_418 = arith.constant 2 : i32
      %mul3A_419 = arith.muli %mul3A_418, %scan3A_417 : i32
      %mul3A_420 = arith.constant 2 : i32
      %mul3A_421 = arith.muli %mul3A_420, %scan3A_417 : i32
      %add3A_422 = arith.constant 1 : i32
      %add3A_423 = arith.addi %mul3A_421, %add3A_422 : i32
      %dma_wait3A_424 = arith.constant 0 : i32
      %dma_wait3A_425 = arith.constant 0 : i32
      %dma_wait3A_426 = tpu.memref_slice %arg5[%dma_wait3A_424, %mul3A_419, %dma_wait3A_425] : memref<2x20x100xi32, #tpu.memory_space<vmem>> -> memref<1x1x100xi32, #tpu.memory_space<vmem>>
      %dma_wait3A_427 = tpu.memref_squeeze %dma_wait3A_426 : memref<1x1x100xi32, #tpu.memory_space<vmem>> -> memref<100xi32, #tpu.memory_space<vmem>>
      %dma_wait3A_428 = arith.constant 0 : i32
      %dma_wait3A_429 = arith.constant 0 : i32
      %dma_wait3A_430 = tpu.memref_slice %arg3[%dma_wait3A_428, %dma_wait3A_429] : memref<10000x128xf32, #tpu.memory_space<hbm>> -> memref<10000x128xf32, #tpu.memory_space<hbm>>
      tpu.wait_indirect_dma semaphore(%arg10 : memref<!tpu.dma_semaphore, #tpu.memory_space<semaphore_mem>>) src(%dma_wait3A_430 : memref<10000x128xf32, #tpu.memory_space<hbm>>) dst(%arg7 : memref<100x128xf32, #tpu.memory_space<vmem>>)
      %run_scoped3A = arith.constant 1 : i32
      "tpu.region"() ({
        %run_scoped3A_446 = tpu.sem_alloc : memref<!tpu.dma_semaphore, #tpu.memory_space<semaphore_mem>>
        %dma_start3A_447 = arith.constant 0 : i32
        %dma_start3A_448 = tpu.memref_slice %arg5[%run_scoped3A, %mul3A_419, %dma_start3A_447] : memref<2x20x100xi32, #tpu.memory_space<vmem>> -> memref<1x1x100xi32, #tpu.memory_space<vmem>>
        %dma_start3A_449 = tpu.memref_squeeze %dma_start3A_448 : memref<1x1x100xi32, #tpu.memory_space<vmem>> -> memref<100xi32, #tpu.memory_space<vmem>>
        %dma_start3A_450 = arith.constant 0 : i32
        %dma_start3A_451 = arith.constant 0 : i32
        %dma_start3A_452 = tpu.memref_slice %arg9[%dma_start3A_450, %dma_start3A_451] : memref<10240x128xf32, #tpu.memory_space<vmem_shared>> -> memref<10240x128xf32, #tpu.memory_space<vmem_shared>>
        tpu.enqueue_indirect_dma source(%arg7 : memref<100x128xf32, #tpu.memory_space<vmem>>) target(%dma_start3A_452 : memref<10240x128xf32, #tpu.memory_space<vmem_shared>>) offsets(%dma_start3A_449 : memref<100xi32, #tpu.memory_space<vmem>>) semaphore(%run_scoped3A_446 : memref<!tpu.dma_semaphore, #tpu.memory_space<semaphore_mem>>) {add = true}
        %dma_wait3A_453 = arith.constant 0 : i32
        %dma_wait3A_454 = tpu.memref_slice %arg5[%run_scoped3A, %mul3A_419, %dma_wait3A_453] : memref<2x20x100xi32, #tpu.memory_space<vmem>> -> memref<1x1x100xi32, #tpu.memory_space<vmem>>
        %dma_wait3A_455 = tpu.memref_squeeze %dma_wait3A_454 : memref<1x1x100xi32, #tpu.memory_space<vmem>> -> memref<100xi32, #tpu.memory_space<vmem>>
        %dma_wait3A_456 = arith.constant 0 : i32
        %dma_wait3A_457 = arith.constant 0 : i32
        %dma_wait3A_458 = tpu.memref_slice %arg9[%dma_wait3A_456, %dma_wait3A_457] : memref<10240x128xf32, #tpu.memory_space<vmem_shared>> -> memref<10240x128xf32, #tpu.memory_space<vmem_shared>>
        tpu.wait_indirect_dma semaphore(%run_scoped3A_446 : memref<!tpu.dma_semaphore, #tpu.memory_space<semaphore_mem>>) src(%arg7 : memref<100x128xf32, #tpu.memory_space<vmem>>) dst(%dma_wait3A_458 : memref<10240x128xf32, #tpu.memory_space<vmem_shared>>)
        tpu.yield
      }) : () -> ()
      %lt3A = arith.constant 9 : i32
      %lt3A_431 = arith.cmpi slt, %scan3A_417, %lt3A : i32
      %convert_element_type3A = arith.extui %lt3A_431 : i1 to i32
      %cond3A = arith.constant 0 : i32
      %cond3A_432 = arith.cmpi ne, %convert_element_type3A, %cond3A : i32
      scf.if %cond3A_432 {
        %add3A_446 = arith.constant 2 : i32
        %add3A_447 = arith.addi %mul3A_419, %add3A_446 : i32
        %dma_start3A_448 = arith.constant 0 : i32
        %dma_start3A_449 = arith.constant 0 : i32
        %dma_start3A_450 = tpu.memref_slice %arg5[%dma_start3A_448, %add3A_447, %dma_start3A_449] : memref<2x20x100xi32, #tpu.memory_space<vmem>> -> memref<1x1x100xi32, #tpu.memory_space<vmem>>
        %dma_start3A_451 = tpu.memref_squeeze %dma_start3A_450 : memref<1x1x100xi32, #tpu.memory_space<vmem>> -> memref<100xi32, #tpu.memory_space<vmem>>
        %dma_start3A_452 = arith.constant 0 : i32
        %dma_start3A_453 = arith.constant 0 : i32
        %dma_start3A_454 = tpu.memref_slice %arg3[%dma_start3A_452, %dma_start3A_453] : memref<10000x128xf32, #tpu.memory_space<hbm>> -> memref<10000x128xf32, #tpu.memory_space<hbm>>
        tpu.enqueue_indirect_dma source(%dma_start3A_454 : memref<10000x128xf32, #tpu.memory_space<hbm>>) target(%arg7 : memref<100x128xf32, #tpu.memory_space<vmem>>) offsets(%dma_start3A_451 : memref<100xi32, #tpu.memory_space<vmem>>) semaphore(%arg10 : memref<!tpu.dma_semaphore, #tpu.memory_space<semaphore_mem>>)
      } else {
      }
      %dma_wait3A_433 = arith.constant 0 : i32
      %dma_wait3A_434 = arith.constant 0 : i32
      %dma_wait3A_435 = tpu.memref_slice %arg5[%dma_wait3A_433, %add3A_423, %dma_wait3A_434] : memref<2x20x100xi32, #tpu.memory_space<vmem>> -> memref<1x1x100xi32, #tpu.memory_space<vmem>>
      %dma_wait3A_436 = tpu.memref_squeeze %dma_wait3A_435 : memref<1x1x100xi32, #tpu.memory_space<vmem>> -> memref<100xi32, #tpu.memory_space<vmem>>
      %dma_wait3A_437 = arith.constant 0 : i32
      %dma_wait3A_438 = arith.constant 0 : i32
      %dma_wait3A_439 = tpu.memref_slice %arg3[%dma_wait3A_437, %dma_wait3A_438] : memref<10000x128xf32, #tpu.memory_space<hbm>> -> memref<10000x128xf32, #tpu.memory_space<hbm>>
      tpu.wait_indirect_dma semaphore(%arg11 : memref<!tpu.dma_semaphore, #tpu.memory_space<semaphore_mem>>) src(%dma_wait3A_439 : memref<10000x128xf32, #tpu.memory_space<hbm>>) dst(%arg8 : memref<100x128xf32, #tpu.memory_space<vmem>>)
      %run_scoped3A_440 = arith.constant 1 : i32
      "tpu.region"() ({
        %run_scoped3A_446 = tpu.sem_alloc : memref<!tpu.dma_semaphore, #tpu.memory_space<semaphore_mem>>
        %dma_start3A_447 = arith.constant 0 : i32
        %dma_start3A_448 = tpu.memref_slice %arg5[%run_scoped3A_440, %add3A_423, %dma_start3A_447] : memref<2x20x100xi32, #tpu.memory_space<vmem>> -> memref<1x1x100xi32, #tpu.memory_space<vmem>>
        %dma_start3A_449 = tpu.memref_squeeze %dma_start3A_448 : memref<1x1x100xi32, #tpu.memory_space<vmem>> -> memref<100xi32, #tpu.memory_space<vmem>>
        %dma_start3A_450 = arith.constant 0 : i32
        %dma_start3A_451 = arith.constant 0 : i32
        %dma_start3A_452 = tpu.memref_slice %arg9[%dma_start3A_450, %dma_start3A_451] : memref<10240x128xf32, #tpu.memory_space<vmem_shared>> -> memref<10240x128xf32, #tpu.memory_space<vmem_shared>>
        tpu.enqueue_indirect_dma source(%arg8 : memref<100x128xf32, #tpu.memory_space<vmem>>) target(%dma_start3A_452 : memref<10240x128xf32, #tpu.memory_space<vmem_shared>>) offsets(%dma_start3A_449 : memref<100xi32, #tpu.memory_space<vmem>>) semaphore(%run_scoped3A_446 : memref<!tpu.dma_semaphore, #tpu.memory_space<semaphore_mem>>) {add = true}
        %dma_wait3A_453 = arith.constant 0 : i32
        %dma_wait3A_454 = tpu.memref_slice %arg5[%run_scoped3A_440, %add3A_423, %dma_wait3A_453] : memref<2x20x100xi32, #tpu.memory_space<vmem>> -> memref<1x1x100xi32, #tpu.memory_space<vmem>>
        %dma_wait3A_455 = tpu.memref_squeeze %dma_wait3A_454 : memref<1x1x100xi32, #tpu.memory_space<vmem>> -> memref<100xi32, #tpu.memory_space<vmem>>
        %dma_wait3A_456 = arith.constant 0 : i32
        %dma_wait3A_457 = arith.constant 0 : i32
        %dma_wait3A_458 = tpu.memref_slice %arg9[%dma_wait3A_456, %dma_wait3A_457] : memref<10240x128xf32, #tpu.memory_space<vmem_shared>> -> memref<10240x128xf32, #tpu.memory_space<vmem_shared>>
        tpu.wait_indirect_dma semaphore(%run_scoped3A_446 : memref<!tpu.dma_semaphore, #tpu.memory_space<semaphore_mem>>) src(%arg8 : memref<100x128xf32, #tpu.memory_space<vmem>>) dst(%dma_wait3A_458 : memref<10240x128xf32, #tpu.memory_space<vmem_shared>>)
        tpu.yield
      }) : () -> ()
      %lt3A_441 = arith.constant 9 : i32
      %lt3A_442 = arith.cmpi slt, %scan3A_417, %lt3A_441 : i32
      %convert_element_type3A_443 = arith.extui %lt3A_442 : i1 to i32
      %cond3A_444 = arith.constant 0 : i32
      %cond3A_445 = arith.cmpi ne, %convert_element_type3A_443, %cond3A_444 : i32
      scf.if %cond3A_445 {
        %add3A_446 = arith.constant 2 : i32
        %add3A_447 = arith.addi %add3A_423, %add3A_446 : i32
        %dma_start3A_448 = arith.constant 0 : i32
        %dma_start3A_449 = arith.constant 0 : i32
        %dma_start3A_450 = tpu.memref_slice %arg5[%dma_start3A_448, %add3A_447, %dma_start3A_449] : memref<2x20x100xi32, #tpu.memory_space<vmem>> -> memref<1x1x100xi32, #tpu.memory_space<vmem>>
        %dma_start3A_451 = tpu.memref_squeeze %dma_start3A_450 : memref<1x1x100xi32, #tpu.memory_space<vmem>> -> memref<100xi32, #tpu.memory_space<vmem>>
        %dma_start3A_452 = arith.constant 0 : i32
        %dma_start3A_453 = arith.constant 0 : i32
        %dma_start3A_454 = tpu.memref_slice %arg3[%dma_start3A_452, %dma_start3A_453] : memref<10000x128xf32, #tpu.memory_space<hbm>> -> memref<10000x128xf32, #tpu.memory_space<hbm>>
        tpu.enqueue_indirect_dma source(%dma_start3A_454 : memref<10000x128xf32, #tpu.memory_space<hbm>>) target(%arg8 : memref<100x128xf32, #tpu.memory_space<vmem>>) offsets(%dma_start3A_451 : memref<100xi32, #tpu.memory_space<vmem>>) semaphore(%arg11 : memref<!tpu.dma_semaphore, #tpu.memory_space<semaphore_mem>>)
      } else {
      }
    }
    %scan3A_415 = arith.constant 10 : i32
    %barrier3A_416 = arith.constant 0 : index
    tpu.barrier barrier_id(%barrier3A_416)
    "tpu.region"() ({
      %run_scoped3A = tpu.sem_alloc : memref<!tpu.dma_semaphore, #tpu.memory_space<semaphore_mem>>
      %dma_start3A_417 = arith.constant 0 : i32
      %dma_start3A_418 = tpu.memref_slice %arg4[%arg0, %mul3A_16, %dma_start3A_417] : memref<2x10240x128xf32, #tpu.memory_space<hbm>> -> memref<1x640x128xf32, #tpu.memory_space<hbm>>
      %dma_start3A_419 = tpu.memref_squeeze %dma_start3A_418 : memref<1x640x128xf32, #tpu.memory_space<hbm>> -> memref<640x128xf32, #tpu.memory_space<hbm>>
      %dma_start3A_420 = arith.constant 0 : i32
      %dma_start3A_421 = tpu.memref_slice %arg9[%mul3A_16, %dma_start3A_420] : memref<10240x128xf32, #tpu.memory_space<vmem_shared>> -> memref<640x128xf32, #tpu.memory_space<vmem_shared>>
      tpu.enqueue_dma source(%dma_start3A_421 : memref<640x128xf32, #tpu.memory_space<vmem_shared>>) target(%dma_start3A_419 : memref<640x128xf32, #tpu.memory_space<hbm>>) target_semaphore(%run_scoped3A : memref<!tpu.dma_semaphore, #tpu.memory_space<semaphore_mem>>)
      %dma_wait3A_422 = arith.constant 0 : i32
      %dma_wait3A_423 = tpu.memref_slice %arg4[%arg0, %mul3A_16, %dma_wait3A_422] : memref<2x10240x128xf32, #tpu.memory_space<hbm>> -> memref<1x640x128xf32, #tpu.memory_space<hbm>>
      %dma_wait3A_424 = tpu.memref_squeeze %dma_wait3A_423 : memref<1x640x128xf32, #tpu.memory_space<hbm>> -> memref<640x128xf32, #tpu.memory_space<hbm>>
      %dma_wait3A_425 = arith.constant 0 : i32
      %dma_wait3A_426 = tpu.memref_slice %arg9[%mul3A_16, %dma_wait3A_425] : memref<10240x128xf32, #tpu.memory_space<vmem_shared>> -> memref<640x128xf32, #tpu.memory_space<vmem_shared>>
      tpu.wait_dma2 semaphore(%run_scoped3A : memref<!tpu.dma_semaphore, #tpu.memory_space<semaphore_mem>>) src(%dma_wait3A_426 : memref<640x128xf32, #tpu.memory_space<vmem_shared>>) dst(%dma_wait3A_424 : memref<640x128xf32, #tpu.memory_space<hbm>>)
      tpu.yield
    }) : () -> ()
    return
  }
}

#map = affine_map<(d0, d1) -> (0, 0, 0, 0, 0, 0)>
#map1 = affine_map<(d0, d1) -> (0, 0)>
#map2 = affine_map<(d0, d1) -> (0, 0, 0)>
module attributes {stable_mosaic.version = 14 : i64} {
  func.func @_sc_segment_sum(%arg0: i32, %arg1: i32, %arg2: memref<2x16x5x2x20x100xi32, #tpu.memory_space<hbm>>, %arg3: memref<10000x128xf32, #tpu.memory_space<hbm>>, %arg4: memref<2x10240x128xf32, #tpu.memory_space<hbm>>, %arg5: memref<2x20x100xi32, #tpu.memory_space<vmem>>, %arg6: memref<2x20x100xi32, #tpu.memory_space<vmem>>, %arg7: memref<100x128xf32, #tpu.memory_space<vmem>>, %arg8: memref<100x128xf32, #tpu.memory_space<vmem>>, %arg9: memref<10240x128xf32, #tpu.memory_space<vmem_shared>>, %arg10: memref<!tpu.dma_semaphore, #tpu.memory_space<semaphore_mem>>, %arg11: memref<!tpu.dma_semaphore, #tpu.memory_space<semaphore_mem>>, %arg12: memref<!tpu.dma_semaphore, #tpu.memory_space<semaphore_mem>>, %arg13: memref<!tpu.dma_semaphore, #tpu.memory_space<semaphore_mem>>, %arg14: memref<!tpu.dma_semaphore, #tpu.memory_space<semaphore_mem>>) attributes {dimension_semantics = [#tpu.dimension_semantics<core_parallel>, #tpu.dimension_semantics<subcore_parallel>], iteration_bounds = array<i64: 2, 16>, scalar_prefetch = 0 : i64, scratch_operands = 10 : i64, tpu.core_type = #tpu.core_type<sc_vector_subcore>, window_params = [{transform_indices = #map}, {transform_indices = #map1}, {transform_indices = #map2}]} {
    %dma_start3A = arith.constant 0 : i32
    %dma_start3A_0 = arith.constant 0 : i32
    %dma_start3A_1 = arith.constant 0 : i32
    %dma_start3A_2 = arith.constant 0 : i32
    %dma_start3A_3 = tpu.memref_slice %arg2[%arg0, %arg1, %dma_start3A, %dma_start3A_0, %dma_start3A_1, %dma_start3A_2] : memref<2x16x5x2x20x100xi32, #tpu.memory_space<hbm>> -> memref<1x1x1x2x20x100xi32, #tpu.memory_space<hbm>>
    %dma_start3A_4 = tpu.memref_squeeze %dma_start3A_3 : memref<1x1x1x2x20x100xi32, #tpu.memory_space<hbm>> -> memref<2x20x100xi32, #tpu.memory_space<hbm>>
    %dma_start3A_5 = arith.constant 0 : i32
    %dma_start3A_6 = arith.constant 0 : i32
    %dma_start3A_7 = arith.constant 0 : i32
    %dma_start3A_8 = tpu.memref_slice %arg2[%arg0, %arg1, %dma_start3A, %dma_start3A_5, %dma_start3A_6, %dma_start3A_7] : memref<2x16x5x2x20x100xi32, #tpu.memory_space<hbm>> -> memref<1x1x1x2x20x100xi32, #tpu.memory_space<hbm>>
    %dma_start3A_9 = tpu.memref_squeeze %dma_start3A_8 : memref<1x1x1x2x20x100xi32, #tpu.memory_space<hbm>> -> memref<2x20x100xi32, #tpu.memory_space<hbm>>
    tpu.enqueue_dma source(%dma_start3A_9 : memref<2x20x100xi32, #tpu.memory_space<hbm>>) target(%arg5 : memref<2x20x100xi32, #tpu.memory_space<vmem>>) target_semaphore(%arg14 : memref<!tpu.dma_semaphore, #tpu.memory_space<semaphore_mem>>)
    %broadcast_in_dim3A = arith.constant 0.000000e+00 : f32
    %broadcast_in_dim3A_10 = vector.broadcast %broadcast_in_dim3A : f32 to vector<16xf32>
    %scan3A = arith.constant 0 : i32
    %scan3A_11 = arith.constant 0 : i32
    %scan3A_12 = arith.constant 800 : i32
    %scan3A_13 = arith.addi %scan3A_11, %scan3A_12 : i32
    %scan3A_14 = arith.constant 1 : i32
    scf.for %scan3A_417 = %scan3A_11 to %scan3A_13 step %scan3A_14  : i32 {
      %jit3A = arith.constant 8 : i32
      %div3A = arith.divsi %scan3A_417, %jit3A : i32
      %sign3A = arith.constant 0 : i32
      %sign3A_418 = arith.cmpi sgt, %scan3A_417, %sign3A : i32
      %sign3A_419 = arith.extui %sign3A_418 : i1 to i32
      %sign3A_420 = arith.constant 0 : i32
      %sign3A_421 = arith.cmpi slt, %scan3A_417, %sign3A_420 : i32
      %sign3A_422 = arith.extui %sign3A_421 : i1 to i32
      %sign3A_423 = arith.subi %sign3A_419, %sign3A_422 : i32
      %sign3A_424 = arith.constant 0 : i32
      %sign3A_425 = arith.cmpi sgt, %jit3A, %sign3A_424 : i32
      %sign3A_426 = arith.extui %sign3A_425 : i1 to i32
      %sign3A_427 = arith.constant 0 : i32
      %sign3A_428 = arith.cmpi slt, %jit3A, %sign3A_427 : i32
      %sign3A_429 = arith.extui %sign3A_428 : i1 to i32
      %sign3A_430 = arith.subi %sign3A_426, %sign3A_429 : i32
      %ne3A = arith.cmpi ne, %sign3A_423, %sign3A_430 : i32
      %rem3A = arith.remsi %scan3A_417, %jit3A : i32
      %ne3A_431 = arith.constant 0 : i32
      %ne3A_432 = arith.cmpi ne, %rem3A, %ne3A_431 : i32
      %and3A = arith.andi %ne3A, %ne3A_432 : i1
      %sub3A = arith.constant 1 : i32
      %sub3A_433 = arith.subi %div3A, %sub3A : i32
      %select_n3A = arith.select %and3A, %sub3A_433, %div3A : i32
      %jit3A_434 = arith.constant 8 : i32
      %eq3A = arith.constant 0 : i32
      %eq3A_435 = arith.cmpi eq, %jit3A_434, %eq3A : i32
      %jit3A_436 = arith.constant 1 : i32
      %select_n3A_437 = arith.select %eq3A_435, %jit3A_436, %jit3A_434 : i32
      %rem3A_438 = arith.remsi %scan3A_417, %select_n3A_437 : i32
      %ne3A_439 = arith.constant 0 : i32
      %ne3A_440 = arith.cmpi ne, %rem3A_438, %ne3A_439 : i32
      %lt3A = arith.constant 0 : i32
      %lt3A_441 = arith.cmpi slt, %rem3A_438, %lt3A : i32
      %lt3A_442 = arith.constant 0 : i32
      %lt3A_443 = arith.cmpi slt, %select_n3A_437, %lt3A_442 : i32
      %ne3A_444 = arith.xori %lt3A_441, %lt3A_443 : i1
      %and3A_445 = arith.andi %ne3A_444, %ne3A_440 : i1
      %add3A_446 = arith.addi %rem3A_438, %select_n3A_437 : i32
      %select_n3A_447 = arith.select %and3A_445, %add3A_446, %rem3A_438 : i32
      %mul3A_448 = arith.constant 16 : i32
      %mul3A_449 = arith.muli %select_n3A_447, %mul3A_448 : i32
      %swap3A = arith.index_cast %select_n3A : i32 to index
      %swap3A_450 = arith.index_cast %mul3A_449 : i32 to index
      %swap3A_451 = tpu.vector_load %arg7[%swap3A, %swap3A_450] {strides = array<i32>} : memref<100x128xf32, #tpu.memory_space<vmem>>, vector<1x16xf32>,
      %swap3A_452 = vector.shape_cast %swap3A_451 : vector<1x16xf32> to vector<16xf32>
      %swap3A_453 = vector.shape_cast %broadcast_in_dim3A_10 : vector<16xf32> to vector<1x16xf32>
      tpu.vector_store %arg7[%swap3A, %swap3A_450], %swap3A_453 {strides = array<i32>} : memref<100x128xf32, #tpu.memory_space<vmem>>, vector<1x16xf32>,
    }
    %scan3A_15 = arith.constant 800 : i32
    %mul3A = arith.constant 640 : i32
    %mul3A_16 = arith.muli %arg1, %mul3A : i32
    %add3A = arith.constant 0 : i32
    %add3A_17 = arith.addi %mul3A_16, %add3A : i32
    %dma_start3A_18 = arith.constant 0 : i32
    %dma_start3A_19 = arith.constant 0 : i32
    %dma_start3A_20 = tpu.memref_slice %arg7[%dma_start3A_18, %dma_start3A_19] : memref<100x128xf32, #tpu.memory_space<vmem>> -> memref<80x128xf32, #tpu.memory_space<vmem>>
    %dma_start3A_21 = arith.constant 0 : i32
    %dma_start3A_22 = tpu.memref_slice %arg9[%add3A_17, %dma_start3A_21] : memref<10240x128xf32, #tpu.memory_space<vmem_shared>> -> memref<80x128xf32, #tpu.memory_space<vmem_shared>>
    %dma_start3A_23 = arith.constant 0 : i32
    %dma_start3A_24 = tpu.memref_slice %arg9[%add3A_17, %dma_start3A_23] : memref<10240x128xf32, #tpu.memory_space<vmem_shared>> -> memref<80x128xf32, #tpu.memory_space<vmem_shared>>
    %dma_start3A_25 = arith.constant 0 : i32
    %dma_start3A_26 = arith.constant 0 : i32
    %dma_start3A_27 = tpu.memref_slice %arg7[%dma_start3A_25, %dma_start3A_26] : memref<100x128xf32, #tpu.memory_space<vmem>> -> memref<80x128xf32, #tpu.memory_space<vmem>>
    tpu.enqueue_dma source(%dma_start3A_27 : memref<80x128xf32, #tpu.memory_space<vmem>>) target(%dma_start3A_24 : memref<80x128xf32, #tpu.memory_space<vmem_shared>>) target_semaphore(%arg12 : memref<!tpu.dma_semaphore, #tpu.memory_space<semaphore_mem>>)
    %add3A_28 = arith.constant 80 : i32
    %add3A_29 = arith.addi %mul3A_16, %add3A_28 : i32
    %dma_start3A_30 = arith.constant 0 : i32
    %dma_start3A_31 = arith.constant 0 : i32
    %dma_start3A_32 = tpu.memref_slice %arg7[%dma_start3A_30, %dma_start3A_31] : memref<100x128xf32, #tpu.memory_space<vmem>> -> memref<80x128xf32, #tpu.memory_space<vmem>>
    %dma_start3A_33 = arith.constant 0 : i32
    %dma_start3A_34 = tpu.memref_slice %arg9[%add3A_29, %dma_start3A_33] : memref<10240x128xf32, #tpu.memory_space<vmem_shared>> -> memref<80x128xf32, #tpu.memory_space<vmem_shared>>
    %dma_start3A_35 = arith.constant 0 : i32
    %dma_start3A_36 = tpu.memref_slice %arg9[%add3A_29, %dma_start3A_35] : memref<10240x128xf32, #tpu.memory_space<vmem_shared>> -> memref<80x128xf32, #tpu.memory_space<vmem_shared>>
    %dma_start3A_37 = arith.constant 0 : i32
    %dma_start3A_38 = arith.constant 0 : i32
    %dma_start3A_39 = tpu.memref_slice %arg7[%dma_start3A_37, %dma_start3A_38] : memref<100x128xf32, #tpu.memory_space<vmem>> -> memref<80x128xf32, #tpu.memory_space<vmem>>
    tpu.enqueue_dma source(%dma_start3A_39 : memref<80x128xf32, #tpu.memory_space<vmem>>) target(%dma_start3A_36 : memref<80x128xf32, #tpu.memory_space<vmem_shared>>) target_semaphore(%arg12 : memref<!tpu.dma_semaphore, #tpu.memory_space<semaphore_mem>>)
    %add3A_40 = arith.constant 160 : i32
    %add3A_41 = arith.addi %mul3A_16, %add3A_40 : i32
    %dma_start3A_42 = arith.constant 0 : i32
    %dma_start3A_43 = arith.constant 0 : i32
    %dma_start3A_44 = tpu.memref_slice %arg7[%dma_start3A_42, %dma_start3A_43] : memref<100x128xf32, #tpu.memory_space<vmem>> -> memref<80x128xf32, #tpu.memory_space<vmem>>
    %dma_start3A_45 = arith.constant 0 : i32
    %dma_start3A_46 = tpu.memref_slice %arg9[%add3A_41, %dma_start3A_45] : memref<10240x128xf32, #tpu.memory_space<vmem_shared>> -> memref<80x128xf32, #tpu.memory_space<vmem_shared>>
    %dma_start3A_47 = arith.constant 0 : i32
    %dma_start3A_48 = tpu.memref_slice %arg9[%add3A_41, %dma_start3A_47] : memref<10240x128xf32, #tpu.memory_space<vmem_shared>> -> memref<80x128xf32, #tpu.memory_space<vmem_shared>>
    %dma_start3A_49 = arith.constant 0 : i32
    %dma_start3A_50 = arith.constant 0 : i32
    %dma_start3A_51 = tpu.memref_slice %arg7[%dma_start3A_49, %dma_start3A_50] : memref<100x128xf32, #tpu.memory_space<vmem>> -> memref<80x128xf32, #tpu.memory_space<vmem>>
    tpu.enqueue_dma source(%dma_start3A_51 : memref<80x128xf32, #tpu.memory_space<vmem>>) target(%dma_start3A_48 : memref<80x128xf32, #tpu.memory_space<vmem_shared>>) target_semaphore(%arg12 : memref<!tpu.dma_semaphore, #tpu.memory_space<semaphore_mem>>)
    %add3A_52 = arith.constant 240 : i32
    %add3A_53 = arith.addi %mul3A_16, %add3A_52 : i32
    %dma_start3A_54 = arith.constant 0 : i32
    %dma_start3A_55 = arith.constant 0 : i32
    %dma_start3A_56 = tpu.memref_slice %arg7[%dma_start3A_54, %dma_start3A_55] : memref<100x128xf32, #tpu.memory_space<vmem>> -> memref<80x128xf32, #tpu.memory_space<vmem>>
    %dma_start3A_57 = arith.constant 0 : i32
    %dma_start3A_58 = tpu.memref_slice %arg9[%add3A_53, %dma_start3A_57] : memref<10240x128xf32, #tpu.memory_space<vmem_shared>> -> memref<80x128xf32, #tpu.memory_space<vmem_shared>>
    %dma_start3A_59 = arith.constant 0 : i32
    %dma_start3A_60 = tpu.memref_slice %arg9[%add3A_53, %dma_start3A_59] : memref<10240x128xf32, #tpu.memory_space<vmem_shared>> -> memref<80x128xf32, #tpu.memory_space<vmem_shared>>
    %dma_start3A_61 = arith.constant 0 : i32
    %dma_start3A_62 = arith.constant 0 : i32
    %dma_start3A_63 = tpu.memref_slice %arg7[%dma_start3A_61, %dma_start3A_62] : memref<100x128xf32, #tpu.memory_space<vmem>> -> memref<80x128xf32, #tpu.memory_space<vmem>>
    tpu.enqueue_dma source(%dma_start3A_63 : memref<80x128xf32, #tpu.memory_space<vmem>>) target(%dma_start3A_60 : memref<80x128xf32, #tpu.memory_space<vmem_shared>>) target_semaphore(%arg12 : memref<!tpu.dma_semaphore, #tpu.memory_space<semaphore_mem>>)
    %add3A_64 = arith.constant 320 : i32
    %add3A_65 = arith.addi %mul3A_16, %add3A_64 : i32
    %dma_start3A_66 = arith.constant 0 : i32
    %dma_start3A_67 = arith.constant 0 : i32
    %dma_start3A_68 = tpu.memref_slice %arg7[%dma_start3A_66, %dma_start3A_67] : memref<100x128xf32, #tpu.memory_space<vmem>> -> memref<80x128xf32, #tpu.memory_space<vmem>>
    %dma_start3A_69 = arith.constant 0 : i32
    %dma_start3A_70 = tpu.memref_slice %arg9[%add3A_65, %dma_start3A_69] : memref<10240x128xf32, #tpu.memory_space<vmem_shared>> -> memref<80x128xf32, #tpu.memory_space<vmem_shared>>
    %dma_start3A_71 = arith.constant 0 : i32
    %dma_start3A_72 = tpu.memref_slice %arg9[%add3A_65, %dma_start3A_71] : memref<10240x128xf32, #tpu.memory_space<vmem_shared>> -> memref<80x128xf32, #tpu.memory_space<vmem_shared>>
    %dma_start3A_73 = arith.constant 0 : i32
    %dma_start3A_74 = arith.constant 0 : i32
    %dma_start3A_75 = tpu.memref_slice %arg7[%dma_start3A_73, %dma_start3A_74] : memref<100x128xf32, #tpu.memory_space<vmem>> -> memref<80x128xf32, #tpu.memory_space<vmem>>
    tpu.enqueue_dma source(%dma_start3A_75 : memref<80x128xf32, #tpu.memory_space<vmem>>) target(%dma_start3A_72 : memref<80x128xf32, #tpu.memory_space<vmem_shared>>) target_semaphore(%arg12 : memref<!tpu.dma_semaphore, #tpu.memory_space<semaphore_mem>>)
    %add3A_76 = arith.constant 400 : i32
    %add3A_77 = arith.addi %mul3A_16, %add3A_76 : i32
    %dma_start3A_78 = arith.constant 0 : i32
    %dma_start3A_79 = arith.constant 0 : i32
    %dma_start3A_80 = tpu.memref_slice %arg7[%dma_start3A_78, %dma_start3A_79] : memref<100x128xf32, #tpu.memory_space<vmem>> -> memref<80x128xf32, #tpu.memory_space<vmem>>
    %dma_start3A_81 = arith.constant 0 : i32
    %dma_start3A_82 = tpu.memref_slice %arg9[%add3A_77, %dma_start3A_81] : memref<10240x128xf32, #tpu.memory_space<vmem_shared>> -> memref<80x128xf32, #tpu.memory_space<vmem_shared>>
    %dma_start3A_83 = arith.constant 0 : i32
    %dma_start3A_84 = tpu.memref_slice %arg9[%add3A_77, %dma_start3A_83] : memref<10240x128xf32, #tpu.memory_space<vmem_shared>> -> memref<80x128xf32, #tpu.memory_space<vmem_shared>>
    %dma_start3A_85 = arith.constant 0 : i32
    %dma_start3A_86 = arith.constant 0 : i32
    %dma_start3A_87 = tpu.memref_slice %arg7[%dma_start3A_85, %dma_start3A_86] : memref<100x128xf32, #tpu.memory_space<vmem>> -> memref<80x128xf32, #tpu.memory_space<vmem>>
    tpu.enqueue_dma source(%dma_start3A_87 : memref<80x128xf32, #tpu.memory_space<vmem>>) target(%dma_start3A_84 : memref<80x128xf32, #tpu.memory_space<vmem_shared>>) target_semaphore(%arg12 : memref<!tpu.dma_semaphore, #tpu.memory_space<semaphore_mem>>)
    %add3A_88 = arith.constant 480 : i32
    %add3A_89 = arith.addi %mul3A_16, %add3A_88 : i32
    %dma_start3A_90 = arith.constant 0 : i32
    %dma_start3A_91 = arith.constant 0 : i32
    %dma_start3A_92 = tpu.memref_slice %arg7[%dma_start3A_90, %dma_start3A_91] : memref<100x128xf32, #tpu.memory_space<vmem>> -> memref<80x128xf32, #tpu.memory_space<vmem>>
    %dma_start3A_93 = arith.constant 0 : i32
    %dma_start3A_94 = tpu.memref_slice %arg9[%add3A_89, %dma_start3A_93] : memref<10240x128xf32, #tpu.memory_space<vmem_shared>> -> memref<80x128xf32, #tpu.memory_space<vmem_shared>>
    %dma_start3A_95 = arith.constant 0 : i32
    %dma_start3A_96 = tpu.memref_slice %arg9[%add3A_89, %dma_start3A_95] : memref<10240x128xf32, #tpu.memory_space<vmem_shared>> -> memref<80x128xf32, #tpu.memory_space<vmem_shared>>
    %dma_start3A_97 = arith.constant 0 : i32
    %dma_start3A_98 = arith.constant 0 : i32
    %dma_start3A_99 = tpu.memref_slice %arg7[%dma_start3A_97, %dma_start3A_98] : memref<100x128xf32, #tpu.memory_space<vmem>> -> memref<80x128xf32, #tpu.memory_space<vmem>>
    tpu.enqueue_dma source(%dma_start3A_99 : memref<80x128xf32, #tpu.memory_space<vmem>>) target(%dma_start3A_96 : memref<80x128xf32, #tpu.memory_space<vmem_shared>>) target_semaphore(%arg12 : memref<!tpu.dma_semaphore, #tpu.memory_space<semaphore_mem>>)
    %add3A_100 = arith.constant 560 : i32
    %add3A_101 = arith.addi %mul3A_16, %add3A_100 : i32
    %dma_start3A_102 = arith.constant 0 : i32
    %dma_start3A_103 = arith.constant 0 : i32
    %dma_start3A_104 = tpu.memref_slice %arg7[%dma_start3A_102, %dma_start3A_103] : memref<100x128xf32, #tpu.memory_space<vmem>> -> memref<80x128xf32, #tpu.memory_space<vmem>>
    %dma_start3A_105 = arith.constant 0 : i32
    %dma_start3A_106 = tpu.memref_slice %arg9[%add3A_101, %dma_start3A_105] : memref<10240x128xf32, #tpu.memory_space<vmem_shared>> -> memref<80x128xf32, #tpu.memory_space<vmem_shared>>
    %dma_start3A_107 = arith.constant 0 : i32
    %dma_start3A_108 = tpu.memref_slice %arg9[%add3A_101, %dma_start3A_107] : memref<10240x128xf32, #tpu.memory_space<vmem_shared>> -> memref<80x128xf32, #tpu.memory_space<vmem_shared>>
    %dma_start3A_109 = arith.constant 0 : i32
    %dma_start3A_110 = arith.constant 0 : i32
    %dma_start3A_111 = tpu.memref_slice %arg7[%dma_start3A_109, %dma_start3A_110] : memref<100x128xf32, #tpu.memory_space<vmem>> -> memref<80x128xf32, #tpu.memory_space<vmem>>
    tpu.enqueue_dma source(%dma_start3A_111 : memref<80x128xf32, #tpu.memory_space<vmem>>) target(%dma_start3A_108 : memref<80x128xf32, #tpu.memory_space<vmem_shared>>) target_semaphore(%arg12 : memref<!tpu.dma_semaphore, #tpu.memory_space<semaphore_mem>>)
    %add3A_112 = arith.constant 0 : i32
    %add3A_113 = arith.addi %mul3A_16, %add3A_112 : i32
    %dma_wait3A = arith.constant 0 : i32
    %dma_wait3A_114 = arith.constant 0 : i32
    %dma_wait3A_115 = tpu.memref_slice %arg7[%dma_wait3A, %dma_wait3A_114] : memref<100x128xf32, #tpu.memory_space<vmem>> -> memref<80x128xf32, #tpu.memory_space<vmem>>
    %dma_wait3A_116 = arith.constant 0 : i32
    %dma_wait3A_117 = tpu.memref_slice %arg9[%add3A_113, %dma_wait3A_116] : memref<10240x128xf32, #tpu.memory_space<vmem_shared>> -> memref<80x128xf32, #tpu.memory_space<vmem_shared>>
    %dma_wait3A_118 = arith.constant 0 : i32
    %dma_wait3A_119 = tpu.memref_slice %arg9[%add3A_113, %dma_wait3A_118] : memref<10240x128xf32, #tpu.memory_space<vmem_shared>> -> memref<80x128xf32, #tpu.memory_space<vmem_shared>>
    %dma_wait3A_120 = arith.constant 0 : i32
    %dma_wait3A_121 = arith.constant 0 : i32
    %dma_wait3A_122 = tpu.memref_slice %arg7[%dma_wait3A_120, %dma_wait3A_121] : memref<100x128xf32, #tpu.memory_space<vmem>> -> memref<80x128xf32, #tpu.memory_space<vmem>>
    tpu.wait_dma2 semaphore(%arg12 : memref<!tpu.dma_semaphore, #tpu.memory_space<semaphore_mem>>) src(%dma_wait3A_122 : memref<80x128xf32, #tpu.memory_space<vmem>>) dst(%dma_wait3A_119 : memref<80x128xf32, #tpu.memory_space<vmem_shared>>)
    %add3A_123 = arith.constant 80 : i32
    %add3A_124 = arith.addi %mul3A_16, %add3A_123 : i32
    %dma_wait3A_125 = arith.constant 0 : i32
    %dma_wait3A_126 = arith.constant 0 : i32
    %dma_wait3A_127 = tpu.memref_slice %arg7[%dma_wait3A_125, %dma_wait3A_126] : memref<100x128xf32, #tpu.memory_space<vmem>> -> memref<80x128xf32, #tpu.memory_space<vmem>>
    %dma_wait3A_128 = arith.constant 0 : i32
    %dma_wait3A_129 = tpu.memref_slice %arg9[%add3A_124, %dma_wait3A_128] : memref<10240x128xf32, #tpu.memory_space<vmem_shared>> -> memref<80x128xf32, #tpu.memory_space<vmem_shared>>
    %dma_wait3A_130 = arith.constant 0 : i32
    %dma_wait3A_131 = tpu.memref_slice %arg9[%add3A_124, %dma_wait3A_130] : memref<10240x128xf32, #tpu.memory_space<vmem_shared>> -> memref<80x128xf32, #tpu.memory_space<vmem_shared>>
    %dma_wait3A_132 = arith.constant 0 : i32
    %dma_wait3A_133 = arith.constant 0 : i32
    %dma_wait3A_134 = tpu.memref_slice %arg7[%dma_wait3A_132, %dma_wait3A_133] : memref<100x128xf32, #tpu.memory_space<vmem>> -> memref<80x128xf32, #tpu.memory_space<vmem>>
    tpu.wait_dma2 semaphore(%arg12 : memref<!tpu.dma_semaphore, #tpu.memory_space<semaphore_mem>>) src(%dma_wait3A_134 : memref<80x128xf32, #tpu.memory_space<vmem>>) dst(%dma_wait3A_131 : memref<80x128xf32, #tpu.memory_space<vmem_shared>>)
    %add3A_135 = arith.constant 160 : i32
    %add3A_136 = arith.addi %mul3A_16, %add3A_135 : i32
    %dma_wait3A_137 = arith.constant 0 : i32
    %dma_wait3A_138 = arith.constant 0 : i32
    %dma_wait3A_139 = tpu.memref_slice %arg7[%dma_wait3A_137, %dma_wait3A_138] : memref<100x128xf32, #tpu.memory_space<vmem>> -> memref<80x128xf32, #tpu.memory_space<vmem>>
    %dma_wait3A_140 = arith.constant 0 : i32
    %dma_wait3A_141 = tpu.memref_slice %arg9[%add3A_136, %dma_wait3A_140] : memref<10240x128xf32, #tpu.memory_space<vmem_shared>> -> memref<80x128xf32, #tpu.memory_space<vmem_shared>>
    %dma_wait3A_142 = arith.constant 0 : i32
    %dma_wait3A_143 = tpu.memref_slice %arg9[%add3A_136, %dma_wait3A_142] : memref<10240x128xf32, #tpu.memory_space<vmem_shared>> -> memref<80x128xf32, #tpu.memory_space<vmem_shared>>
    %dma_wait3A_144 = arith.constant 0 : i32
    %dma_wait3A_145 = arith.constant 0 : i32
    %dma_wait3A_146 = tpu.memref_slice %arg7[%dma_wait3A_144, %dma_wait3A_145] : memref<100x128xf32, #tpu.memory_space<vmem>> -> memref<80x128xf32, #tpu.memory_space<vmem>>
    tpu.wait_dma2 semaphore(%arg12 : memref<!tpu.dma_semaphore, #tpu.memory_space<semaphore_mem>>) src(%dma_wait3A_146 : memref<80x128xf32, #tpu.memory_space<vmem>>) dst(%dma_wait3A_143 : memref<80x128xf32, #tpu.memory_space<vmem_shared>>)
    %add3A_147 = arith.constant 240 : i32
    %add3A_148 = arith.addi %mul3A_16, %add3A_147 : i32
    %dma_wait3A_149 = arith.constant 0 : i32
    %dma_wait3A_150 = arith.constant 0 : i32
    %dma_wait3A_151 = tpu.memref_slice %arg7[%dma_wait3A_149, %dma_wait3A_150] : memref<100x128xf32, #tpu.memory_space<vmem>> -> memref<80x128xf32, #tpu.memory_space<vmem>>
    %dma_wait3A_152 = arith.constant 0 : i32
    %dma_wait3A_153 = tpu.memref_slice %arg9[%add3A_148, %dma_wait3A_152] : memref<10240x128xf32, #tpu.memory_space<vmem_shared>> -> memref<80x128xf32, #tpu.memory_space<vmem_shared>>
    %dma_wait3A_154 = arith.constant 0 : i32
    %dma_wait3A_155 = tpu.memref_slice %arg9[%add3A_148, %dma_wait3A_154] : memref<10240x128xf32, #tpu.memory_space<vmem_shared>> -> memref<80x128xf32, #tpu.memory_space<vmem_shared>>
    %dma_wait3A_156 = arith.constant 0 : i32
    %dma_wait3A_157 = arith.constant 0 : i32
    %dma_wait3A_158 = tpu.memref_slice %arg7[%dma_wait3A_156, %dma_wait3A_157] : memref<100x128xf32, #tpu.memory_space<vmem>> -> memref<80x128xf32, #tpu.memory_space<vmem>>
    tpu.wait_dma2 semaphore(%arg12 : memref<!tpu.dma_semaphore, #tpu.memory_space<semaphore_mem>>) src(%dma_wait3A_158 : memref<80x128xf32, #tpu.memory_space<vmem>>) dst(%dma_wait3A_155 : memref<80x128xf32, #tpu.memory_space<vmem_shared>>)
    %add3A_159 = arith.constant 320 : i32
    %add3A_160 = arith.addi %mul3A_16, %add3A_159 : i32
    %dma_wait3A_161 = arith.constant 0 : i32
    %dma_wait3A_162 = arith.constant 0 : i32
    %dma_wait3A_163 = tpu.memref_slice %arg7[%dma_wait3A_161, %dma_wait3A_162] : memref<100x128xf32, #tpu.memory_space<vmem>> -> memref<80x128xf32, #tpu.memory_space<vmem>>
    %dma_wait3A_164 = arith.constant 0 : i32
    %dma_wait3A_165 = tpu.memref_slice %arg9[%add3A_160, %dma_wait3A_164] : memref<10240x128xf32, #tpu.memory_space<vmem_shared>> -> memref<80x128xf32, #tpu.memory_space<vmem_shared>>
    %dma_wait3A_166 = arith.constant 0 : i32
    %dma_wait3A_167 = tpu.memref_slice %arg9[%add3A_160, %dma_wait3A_166] : memref<10240x128xf32, #tpu.memory_space<vmem_shared>> -> memref<80x128xf32, #tpu.memory_space<vmem_shared>>
    %dma_wait3A_168 = arith.constant 0 : i32
    %dma_wait3A_169 = arith.constant 0 : i32
    %dma_wait3A_170 = tpu.memref_slice %arg7[%dma_wait3A_168, %dma_wait3A_169] : memref<100x128xf32, #tpu.memory_space<vmem>> -> memref<80x128xf32, #tpu.memory_space<vmem>>
    tpu.wait_dma2 semaphore(%arg12 : memref<!tpu.dma_semaphore, #tpu.memory_space<semaphore_mem>>) src(%dma_wait3A_170 : memref<80x128xf32, #tpu.memory_space<vmem>>) dst(%dma_wait3A_167 : memref<80x128xf32, #tpu.memory_space<vmem_shared>>)
    %add3A_171 = arith.constant 400 : i32
    %add3A_172 = arith.addi %mul3A_16, %add3A_171 : i32
    %dma_wait3A_173 = arith.constant 0 : i32
    %dma_wait3A_174 = arith.constant 0 : i32
    %dma_wait3A_175 = tpu.memref_slice %arg7[%dma_wait3A_173, %dma_wait3A_174] : memref<100x128xf32, #tpu.memory_space<vmem>> -> memref<80x128xf32, #tpu.memory_space<vmem>>
    %dma_wait3A_176 = arith.constant 0 : i32
    %dma_wait3A_177 = tpu.memref_slice %arg9[%add3A_172, %dma_wait3A_176] : memref<10240x128xf32, #tpu.memory_space<vmem_shared>> -> memref<80x128xf32, #tpu.memory_space<vmem_shared>>
    %dma_wait3A_178 = arith.constant 0 : i32
    %dma_wait3A_179 = tpu.memref_slice %arg9[%add3A_172, %dma_wait3A_178] : memref<10240x128xf32, #tpu.memory_space<vmem_shared>> -> memref<80x128xf32, #tpu.memory_space<vmem_shared>>
    %dma_wait3A_180 = arith.constant 0 : i32
    %dma_wait3A_181 = arith.constant 0 : i32
    %dma_wait3A_182 = tpu.memref_slice %arg7[%dma_wait3A_180, %dma_wait3A_181] : memref<100x128xf32, #tpu.memory_space<vmem>> -> memref<80x128xf32, #tpu.memory_space<vmem>>
    tpu.wait_dma2 semaphore(%arg12 : memref<!tpu.dma_semaphore, #tpu.memory_space<semaphore_mem>>) src(%dma_wait3A_182 : memref<80x128xf32, #tpu.memory_space<vmem>>) dst(%dma_wait3A_179 : memref<80x128xf32, #tpu.memory_space<vmem_shared>>)
    %add3A_183 = arith.constant 480 : i32
    %add3A_184 = arith.addi %mul3A_16, %add3A_183 : i32
    %dma_wait3A_185 = arith.constant 0 : i32
    %dma_wait3A_186 = arith.constant 0 : i32
    %dma_wait3A_187 = tpu.memref_slice %arg7[%dma_wait3A_185, %dma_wait3A_186] : memref<100x128xf32, #tpu.memory_space<vmem>> -> memref<80x128xf32, #tpu.memory_space<vmem>>
    %dma_wait3A_188 = arith.constant 0 : i32
    %dma_wait3A_189 = tpu.memref_slice %arg9[%add3A_184, %dma_wait3A_188] : memref<10240x128xf32, #tpu.memory_space<vmem_shared>> -> memref<80x128xf32, #tpu.memory_space<vmem_shared>>
    %dma_wait3A_190 = arith.constant 0 : i32
    %dma_wait3A_191 = tpu.memref_slice %arg9[%add3A_184, %dma_wait3A_190] : memref<10240x128xf32, #tpu.memory_space<vmem_shared>> -> memref<80x128xf32, #tpu.memory_space<vmem_shared>>
    %dma_wait3A_192 = arith.constant 0 : i32
    %dma_wait3A_193 = arith.constant 0 : i32
    %dma_wait3A_194 = tpu.memref_slice %arg7[%dma_wait3A_192, %dma_wait3A_193] : memref<100x128xf32, #tpu.memory_space<vmem>> -> memref<80x128xf32, #tpu.memory_space<vmem>>
    tpu.wait_dma2 semaphore(%arg12 : memref<!tpu.dma_semaphore, #tpu.memory_space<semaphore_mem>>) src(%dma_wait3A_194 : memref<80x128xf32, #tpu.memory_space<vmem>>) dst(%dma_wait3A_191 : memref<80x128xf32, #tpu.memory_space<vmem_shared>>)
    %add3A_195 = arith.constant 560 : i32
    %add3A_196 = arith.addi %mul3A_16, %add3A_195 : i32
    %dma_wait3A_197 = arith.constant 0 : i32
    %dma_wait3A_198 = arith.constant 0 : i32
    %dma_wait3A_199 = tpu.memref_slice %arg7[%dma_wait3A_197, %dma_wait3A_198] : memref<100x128xf32, #tpu.memory_space<vmem>> -> memref<80x128xf32, #tpu.memory_space<vmem>>
    %dma_wait3A_200 = arith.constant 0 : i32
    %dma_wait3A_201 = tpu.memref_slice %arg9[%add3A_196, %dma_wait3A_200] : memref<10240x128xf32, #tpu.memory_space<vmem_shared>> -> memref<80x128xf32, #tpu.memory_space<vmem_shared>>
    %dma_wait3A_202 = arith.constant 0 : i32
    %dma_wait3A_203 = tpu.memref_slice %arg9[%add3A_196, %dma_wait3A_202] : memref<10240x128xf32, #tpu.memory_space<vmem_shared>> -> memref<80x128xf32, #tpu.memory_space<vmem_shared>>
    %dma_wait3A_204 = arith.constant 0 : i32
    %dma_wait3A_205 = arith.constant 0 : i32
    %dma_wait3A_206 = tpu.memref_slice %arg7[%dma_wait3A_204, %dma_wait3A_205] : memref<100x128xf32, #tpu.memory_space<vmem>> -> memref<80x128xf32, #tpu.memory_space<vmem>>
    tpu.wait_dma2 semaphore(%arg12 : memref<!tpu.dma_semaphore, #tpu.memory_space<semaphore_mem>>) src(%dma_wait3A_206 : memref<80x128xf32, #tpu.memory_space<vmem>>) dst(%dma_wait3A_203 : memref<80x128xf32, #tpu.memory_space<vmem_shared>>)
    %dma_wait3A_207 = arith.constant 0 : i32
    %dma_wait3A_208 = arith.constant 0 : i32
    %dma_wait3A_209 = arith.constant 0 : i32
    %dma_wait3A_210 = arith.constant 0 : i32
    %dma_wait3A_211 = tpu.memref_slice %arg2[%arg0, %arg1, %dma_wait3A_207, %dma_wait3A_208, %dma_wait3A_209, %dma_wait3A_210] : memref<2x16x5x2x20x100xi32, #tpu.memory_space<hbm>> -> memref<1x1x1x2x20x100xi32, #tpu.memory_space<hbm>>
    %dma_wait3A_212 = tpu.memref_squeeze %dma_wait3A_211 : memref<1x1x1x2x20x100xi32, #tpu.memory_space<hbm>> -> memref<2x20x100xi32, #tpu.memory_space<hbm>>
    %dma_wait3A_213 = arith.constant 0 : i32
    %dma_wait3A_214 = arith.constant 0 : i32
    %dma_wait3A_215 = arith.constant 0 : i32
    %dma_wait3A_216 = tpu.memref_slice %arg2[%arg0, %arg1, %dma_wait3A_207, %dma_wait3A_213, %dma_wait3A_214, %dma_wait3A_215] : memref<2x16x5x2x20x100xi32, #tpu.memory_space<hbm>> -> memref<1x1x1x2x20x100xi32, #tpu.memory_space<hbm>>
    %dma_wait3A_217 = tpu.memref_squeeze %dma_wait3A_216 : memref<1x1x1x2x20x100xi32, #tpu.memory_space<hbm>> -> memref<2x20x100xi32, #tpu.memory_space<hbm>>
    tpu.wait_dma2 semaphore(%arg14 : memref<!tpu.dma_semaphore, #tpu.memory_space<semaphore_mem>>) src(%dma_wait3A_217 : memref<2x20x100xi32, #tpu.memory_space<hbm>>) dst(%arg5 : memref<2x20x100xi32, #tpu.memory_space<vmem>>)
    %barrier3A = arith.constant 0 : index
    tpu.barrier barrier_id(%barrier3A)
    %dma_start3A_218 = arith.constant 1 : i32
    %dma_start3A_219 = arith.constant 0 : i32
    %dma_start3A_220 = arith.constant 0 : i32
    %dma_start3A_221 = arith.constant 0 : i32
    %dma_start3A_222 = tpu.memref_slice %arg2[%arg0, %arg1, %dma_start3A_218, %dma_start3A_219, %dma_start3A_220, %dma_start3A_221] : memref<2x16x5x2x20x100xi32, #tpu.memory_space<hbm>> -> memref<1x1x1x2x20x100xi32, #tpu.memory_space<hbm>>
    %dma_start3A_223 = tpu.memref_squeeze %dma_start3A_222 : memref<1x1x1x2x20x100xi32, #tpu.memory_space<hbm>> -> memref<2x20x100xi32, #tpu.memory_space<hbm>>
    %dma_start3A_224 = arith.constant 0 : i32
    %dma_start3A_225 = arith.constant 0 : i32
    %dma_start3A_226 = arith.constant 0 : i32
    %dma_start3A_227 = tpu.memref_slice %arg2[%arg0, %arg1, %dma_start3A_218, %dma_start3A_224, %dma_start3A_225, %dma_start3A_226] : memref<2x16x5x2x20x100xi32, #tpu.memory_space<hbm>> -> memref<1x1x1x2x20x100xi32, #tpu.memory_space<hbm>>
    %dma_start3A_228 = tpu.memref_squeeze %dma_start3A_227 : memref<1x1x1x2x20x100xi32, #tpu.memory_space<hbm>> -> memref<2x20x100xi32, #tpu.memory_space<hbm>>
    tpu.enqueue_dma source(%dma_start3A_228 : memref<2x20x100xi32, #tpu.memory_space<hbm>>) target(%arg6 : memref<2x20x100xi32, #tpu.memory_space<vmem>>) target_semaphore(%arg14 : memref<!tpu.dma_semaphore, #tpu.memory_space<semaphore_mem>>)
    %dma_start3A_229 = arith.constant 0 : i32
    %dma_start3A_230 = arith.constant 0 : i32
    %dma_start3A_231 = arith.constant 0 : i32
    %dma_start3A_232 = tpu.memref_slice %arg5[%dma_start3A_229, %dma_start3A_230, %dma_start3A_231] : memref<2x20x100xi32, #tpu.memory_space<vmem>> -> memref<1x1x100xi32, #tpu.memory_space<vmem>>
    %dma_start3A_233 = tpu.memref_squeeze %dma_start3A_232 : memref<1x1x100xi32, #tpu.memory_space<vmem>> -> memref<100xi32, #tpu.memory_space<vmem>>
    %dma_start3A_234 = arith.constant 0 : i32
    %dma_start3A_235 = arith.constant 0 : i32
    %dma_start3A_236 = tpu.memref_slice %arg3[%dma_start3A_234, %dma_start3A_235] : memref<10000x128xf32, #tpu.memory_space<hbm>> -> memref<10000x128xf32, #tpu.memory_space<hbm>>
    tpu.enqueue_indirect_dma source(%dma_start3A_236 : memref<10000x128xf32, #tpu.memory_space<hbm>>) target(%arg7 : memref<100x128xf32, #tpu.memory_space<vmem>>) offsets(%dma_start3A_233 : memref<100xi32, #tpu.memory_space<vmem>>) semaphore(%arg10 : memref<!tpu.dma_semaphore, #tpu.memory_space<semaphore_mem>>)
    %dma_start3A_237 = arith.constant 0 : i32
    %dma_start3A_238 = arith.constant 1 : i32
    %dma_start3A_239 = arith.constant 0 : i32
    %dma_start3A_240 = tpu.memref_slice %arg5[%dma_start3A_237, %dma_start3A_238, %dma_start3A_239] : memref<2x20x100xi32, #tpu.memory_space<vmem>> -> memref<1x1x100xi32, #tpu.memory_space<vmem>>
    %dma_start3A_241 = tpu.memref_squeeze %dma_start3A_240 : memref<1x1x100xi32, #tpu.memory_space<vmem>> -> memref<100xi32, #tpu.memory_space<vmem>>
    %dma_start3A_242 = arith.constant 0 : i32
    %dma_start3A_243 = arith.constant 0 : i32
    %dma_start3A_244 = tpu.memref_slice %arg3[%dma_start3A_242, %dma_start3A_243] : memref<10000x128xf32, #tpu.memory_space<hbm>> -> memref<10000x128xf32, #tpu.memory_space<hbm>>
    tpu.enqueue_indirect_dma source(%dma_start3A_244 : memref<10000x128xf32, #tpu.memory_space<hbm>>) target(%arg8 : memref<100x128xf32, #tpu.memory_space<vmem>>) offsets(%dma_start3A_241 : memref<100xi32, #tpu.memory_space<vmem>>) semaphore(%arg11 : memref<!tpu.dma_semaphore, #tpu.memory_space<semaphore_mem>>)
    %scan3A_245 = arith.constant 0 : i32
    %scan3A_246 = arith.constant 0 : i32
    %scan3A_247 = arith.constant 10 : i32
    %scan3A_248 = arith.addi %scan3A_246, %scan3A_247 : i32
    %scan3A_249 = arith.constant 1 : i32
    scf.for %scan3A_417 = %scan3A_246 to %scan3A_248 step %scan3A_249  : i32 {
      %mul3A_418 = arith.constant 2 : i32
      %mul3A_419 = arith.muli %mul3A_418, %scan3A_417 : i32
      %mul3A_420 = arith.constant 2 : i32
      %mul3A_421 = arith.muli %mul3A_420, %scan3A_417 : i32
      %add3A_422 = arith.constant 1 : i32
      %add3A_423 = arith.addi %mul3A_421, %add3A_422 : i32
      %dma_wait3A_424 = arith.constant 0 : i32
      %dma_wait3A_425 = arith.constant 0 : i32
      %dma_wait3A_426 = tpu.memref_slice %arg5[%dma_wait3A_424, %mul3A_419, %dma_wait3A_425] : memref<2x20x100xi32, #tpu.memory_space<vmem>> -> memref<1x1x100xi32, #tpu.memory_space<vmem>>
      %dma_wait3A_427 = tpu.memref_squeeze %dma_wait3A_426 : memref<1x1x100xi32, #tpu.memory_space<vmem>> -> memref<100xi32, #tpu.memory_space<vmem>>
      %dma_wait3A_428 = arith.constant 0 : i32
      %dma_wait3A_429 = arith.constant 0 : i32
      %dma_wait3A_430 = tpu.memref_slice %arg3[%dma_wait3A_428, %dma_wait3A_429] : memref<10000x128xf32, #tpu.memory_space<hbm>> -> memref<10000x128xf32, #tpu.memory_space<hbm>>
      tpu.wait_indirect_dma semaphore(%arg10 : memref<!tpu.dma_semaphore, #tpu.memory_space<semaphore_mem>>) src(%dma_wait3A_430 : memref<10000x128xf32, #tpu.memory_space<hbm>>) dst(%arg7 : memref<100x128xf32, #tpu.memory_space<vmem>>)
      %run_scoped3A = arith.constant 1 : i32
      "tpu.region"() ({
        %run_scoped3A_446 = tpu.sem_alloc : memref<!tpu.dma_semaphore, #tpu.memory_space<semaphore_mem>>
        %dma_start3A_447 = arith.constant 0 : i32
        %dma_start3A_448 = tpu.memref_slice %arg5[%run_scoped3A, %mul3A_419, %dma_start3A_447] : memref<2x20x100xi32, #tpu.memory_space<vmem>> -> memref<1x1x100xi32, #tpu.memory_space<vmem>>
        %dma_start3A_449 = tpu.memref_squeeze %dma_start3A_448 : memref<1x1x100xi32, #tpu.memory_space<vmem>> -> memref<100xi32, #tpu.memory_space<vmem>>
        %dma_start3A_450 = arith.constant 0 : i32
        %dma_start3A_451 = arith.constant 0 : i32
        %dma_start3A_452 = tpu.memref_slice %arg9[%dma_start3A_450, %dma_start3A_451] : memref<10240x128xf32, #tpu.memory_space<vmem_shared>> -> memref<10240x128xf32, #tpu.memory_space<vmem_shared>>
        tpu.enqueue_indirect_dma source(%arg7 : memref<100x128xf32, #tpu.memory_space<vmem>>) target(%dma_start3A_452 : memref<10240x128xf32, #tpu.memory_space<vmem_shared>>) offsets(%dma_start3A_449 : memref<100xi32, #tpu.memory_space<vmem>>) semaphore(%run_scoped3A_446 : memref<!tpu.dma_semaphore, #tpu.memory_space<semaphore_mem>>) {add = true}
        %dma_wait3A_453 = arith.constant 0 : i32
        %dma_wait3A_454 = tpu.memref_slice %arg5[%run_scoped3A, %mul3A_419, %dma_wait3A_453] : memref<2x20x100xi32, #tpu.memory_space<vmem>> -> memref<1x1x100xi32, #tpu.memory_space<vmem>>
        %dma_wait3A_455 = tpu.memref_squeeze %dma_wait3A_454 : memref<1x1x100xi32, #tpu.memory_space<vmem>> -> memref<100xi32, #tpu.memory_space<vmem>>
        %dma_wait3A_456 = arith.constant 0 : i32
        %dma_wait3A_457 = arith.constant 0 : i32
        %dma_wait3A_458 = tpu.memref_slice %arg9[%dma_wait3A_456, %dma_wait3A_457] : memref<10240x128xf32, #tpu.memory_space<vmem_shared>> -> memref<10240x128xf32, #tpu.memory_space<vmem_shared>>
        tpu.wait_indirect_dma semaphore(%run_scoped3A_446 : memref<!tpu.dma_semaphore, #tpu.memory_space<semaphore_mem>>) src(%arg7 : memref<100x128xf32, #tpu.memory_space<vmem>>) dst(%dma_wait3A_458 : memref<10240x128xf32, #tpu.memory_space<vmem_shared>>)
        tpu.yield
      }) : () -> ()
      %lt3A = arith.constant 9 : i32
      %lt3A_431 = arith.cmpi slt, %scan3A_417, %lt3A : i32
      %convert_element_type3A = arith.extui %lt3A_431 : i1 to i32
      %cond3A = arith.constant 0 : i32
      %cond3A_432 = arith.cmpi ne, %convert_element_type3A, %cond3A : i32
      scf.if %cond3A_432 {
        %add3A_446 = arith.constant 2 : i32
        %add3A_447 = arith.addi %mul3A_419, %add3A_446 : i32
        %dma_start3A_448 = arith.constant 0 : i32
        %dma_start3A_449 = arith.constant 0 : i32
        %dma_start3A_450 = tpu.memref_slice %arg5[%dma_start3A_448, %add3A_447, %dma_start3A_449] : memref<2x20x100xi32, #tpu.memory_space<vmem>> -> memref<1x1x100xi32, #tpu.memory_space<vmem>>
        %dma_start3A_451 = tpu.memref_squeeze %dma_start3A_450 : memref<1x1x100xi32, #tpu.memory_space<vmem>> -> memref<100xi32, #tpu.memory_space<vmem>>
        %dma_start3A_452 = arith.constant 0 : i32
        %dma_start3A_453 = arith.constant 0 : i32
        %dma_start3A_454 = tpu.memref_slice %arg3[%dma_start3A_452, %dma_start3A_453] : memref<10000x128xf32, #tpu.memory_space<hbm>> -> memref<10000x128xf32, #tpu.memory_space<hbm>>
        tpu.enqueue_indirect_dma source(%dma_start3A_454 : memref<10000x128xf32, #tpu.memory_space<hbm>>) target(%arg7 : memref<100x128xf32, #tpu.memory_space<vmem>>) offsets(%dma_start3A_451 : memref<100xi32, #tpu.memory_space<vmem>>) semaphore(%arg10 : memref<!tpu.dma_semaphore, #tpu.memory_space<semaphore_mem>>)
      } else {
      }
      %dma_wait3A_433 = arith.constant 0 : i32
      %dma_wait3A_434 = arith.constant 0 : i32
      %dma_wait3A_435 = tpu.memref_slice %arg5[%dma_wait3A_433, %add3A_423, %dma_wait3A_434] : memref<2x20x100xi32, #tpu.memory_space<vmem>> -> memref<1x1x100xi32, #tpu.memory_space<vmem>>
      %dma_wait3A_436 = tpu.memref_squeeze %dma_wait3A_435 : memref<1x1x100xi32, #tpu.memory_space<vmem>> -> memref<100xi32, #tpu.memory_space<vmem>>
      %dma_wait3A_437 = arith.constant 0 : i32
      %dma_wait3A_438 = arith.constant 0 : i32
      %dma_wait3A_439 = tpu.memref_slice %arg3[%dma_wait3A_437, %dma_wait3A_438] : memref<10000x128xf32, #tpu.memory_space<hbm>> -> memref<10000x128xf32, #tpu.memory_space<hbm>>
      tpu.wait_indirect_dma semaphore(%arg11 : memref<!tpu.dma_semaphore, #tpu.memory_space<semaphore_mem>>) src(%dma_wait3A_439 : memref<10000x128xf32, #tpu.memory_space<hbm>>) dst(%arg8 : memref<100x128xf32, #tpu.memory_space<vmem>>)
      %run_scoped3A_440 = arith.constant 1 : i32
      "tpu.region"() ({
        %run_scoped3A_446 = tpu.sem_alloc : memref<!tpu.dma_semaphore, #tpu.memory_space<semaphore_mem>>
        %dma_start3A_447 = arith.constant 0 : i32
        %dma_start3A_448 = tpu.memref_slice %arg5[%run_scoped3A_440, %add3A_423, %dma_start3A_447] : memref<2x20x100xi32, #tpu.memory_space<vmem>> -> memref<1x1x100xi32, #tpu.memory_space<vmem>>
        %dma_start3A_449 = tpu.memref_squeeze %dma_start3A_448 : memref<1x1x100xi32, #tpu.memory_space<vmem>> -> memref<100xi32, #tpu.memory_space<vmem>>
        %dma_start3A_450 = arith.constant 0 : i32
        %dma_start3A_451 = arith.constant 0 : i32
        %dma_start3A_452 = tpu.memref_slice %arg9[%dma_start3A_450, %dma_start3A_451] : memref<10240x128xf32, #tpu.memory_space<vmem_shared>> -> memref<10240x128xf32, #tpu.memory_space<vmem_shared>>
        tpu.enqueue_indirect_dma source(%arg8 : memref<100x128xf32, #tpu.memory_space<vmem>>) target(%dma_start3A_452 : memref<10240x128xf32, #tpu.memory_space<vmem_shared>>) offsets(%dma_start3A_449 : memref<100xi32, #tpu.memory_space<vmem>>) semaphore(%run_scoped3A_446 : memref<!tpu.dma_semaphore, #tpu.memory_space<semaphore_mem>>) {add = true}
        %dma_wait3A_453 = arith.constant 0 : i32
        %dma_wait3A_454 = tpu.memref_slice %arg5[%run_scoped3A_440, %add3A_423, %dma_wait3A_453] : memref<2x20x100xi32, #tpu.memory_space<vmem>> -> memref<1x1x100xi32, #tpu.memory_space<vmem>>
        %dma_wait3A_455 = tpu.memref_squeeze %dma_wait3A_454 : memref<1x1x100xi32, #tpu.memory_space<vmem>> -> memref<100xi32, #tpu.memory_space<vmem>>
        %dma_wait3A_456 = arith.constant 0 : i32
        %dma_wait3A_457 = arith.constant 0 : i32
        %dma_wait3A_458 = tpu.memref_slice %arg9[%dma_wait3A_456, %dma_wait3A_457] : memref<10240x128xf32, #tpu.memory_space<vmem_shared>> -> memref<10240x128xf32, #tpu.memory_space<vmem_shared>>
        tpu.wait_indirect_dma semaphore(%run_scoped3A_446 : memref<!tpu.dma_semaphore, #tpu.memory_space<semaphore_mem>>) src(%arg8 : memref<100x128xf32, #tpu.memory_space<vmem>>) dst(%dma_wait3A_458 : memref<10240x128xf32, #tpu.memory_space<vmem_shared>>)
        tpu.yield
      }) : () -> ()
      %lt3A_441 = arith.constant 9 : i32
      %lt3A_442 = arith.cmpi slt, %scan3A_417, %lt3A_441 : i32
      %convert_element_type3A_443 = arith.extui %lt3A_442 : i1 to i32
      %cond3A_444 = arith.constant 0 : i32
      %cond3A_445 = arith.cmpi ne, %convert_element_type3A_443, %cond3A_444 : i32
      scf.if %cond3A_445 {
        %add3A_446 = arith.constant 2 : i32
        %add3A_447 = arith.addi %add3A_423, %add3A_446 : i32
        %dma_start3A_448 = arith.constant 0 : i32
        %dma_start3A_449 = arith.constant 0 : i32
        %dma_start3A_450 = tpu.memref_slice %arg5[%dma_start3A_448, %add3A_447, %dma_start3A_449] : memref<2x20x100xi32, #tpu.memory_space<vmem>> -> memref<1x1x100xi32, #tpu.memory_space<vmem>>
        %dma_start3A_451 = tpu.memref_squeeze %dma_start3A_450 : memref<1x1x100xi32, #tpu.memory_space<vmem>> -> memref<100xi32, #tpu.memory_space<vmem>>
        %dma_start3A_452 = arith.constant 0 : i32
        %dma_start3A_453 = arith.constant 0 : i32
        %dma_start3A_454 = tpu.memref_slice %arg3[%dma_start3A_452, %dma_start3A_453] : memref<10000x128xf32, #tpu.memory_space<hbm>> -> memref<10000x128xf32, #tpu.memory_space<hbm>>
        tpu.enqueue_indirect_dma source(%dma_start3A_454 : memref<10000x128xf32, #tpu.memory_space<hbm>>) target(%arg8 : memref<100x128xf32, #tpu.memory_space<vmem>>) offsets(%dma_start3A_451 : memref<100xi32, #tpu.memory_space<vmem>>) semaphore(%arg11 : memref<!tpu.dma_semaphore, #tpu.memory_space<semaphore_mem>>)
      } else {
      }
    }
    %scan3A_250 = arith.constant 10 : i32
    %dma_wait3A_251 = arith.constant 1 : i32
    %dma_wait3A_252 = arith.constant 0 : i32
    %dma_wait3A_253 = arith.constant 0 : i32
    %dma_wait3A_254 = arith.constant 0 : i32
    %dma_wait3A_255 = tpu.memref_slice %arg2[%arg0, %arg1, %dma_wait3A_251, %dma_wait3A_252, %dma_wait3A_253, %dma_wait3A_254] : memref<2x16x5x2x20x100xi32, #tpu.memory_space<hbm>> -> memref<1x1x1x2x20x100xi32, #tpu.memory_space<hbm>>
    %dma_wait3A_256 = tpu.memref_squeeze %dma_wait3A_255 : memref<1x1x1x2x20x100xi32, #tpu.memory_space<hbm>> -> memref<2x20x100xi32, #tpu.memory_space<hbm>>
    %dma_wait3A_257 = arith.constant 0 : i32
    %dma_wait3A_258 = arith.constant 0 : i32
    %dma_wait3A_259 = arith.constant 0 : i32
    %dma_wait3A_260 = tpu.memref_slice %arg2[%arg0, %arg1, %dma_wait3A_251, %dma_wait3A_257, %dma_wait3A_258, %dma_wait3A_259] : memref<2x16x5x2x20x100xi32, #tpu.memory_space<hbm>> -> memref<1x1x1x2x20x100xi32, #tpu.memory_space<hbm>>
    %dma_wait3A_261 = tpu.memref_squeeze %dma_wait3A_260 : memref<1x1x1x2x20x100xi32, #tpu.memory_space<hbm>> -> memref<2x20x100xi32, #tpu.memory_space<hbm>>
    tpu.wait_dma2 semaphore(%arg14 : memref<!tpu.dma_semaphore, #tpu.memory_space<semaphore_mem>>) src(%dma_wait3A_261 : memref<2x20x100xi32, #tpu.memory_space<hbm>>) dst(%arg6 : memref<2x20x100xi32, #tpu.memory_space<vmem>>)
    %dma_start3A_262 = arith.constant 2 : i32
    %dma_start3A_263 = arith.constant 0 : i32
    %dma_start3A_264 = arith.constant 0 : i32
    %dma_start3A_265 = arith.constant 0 : i32
    %dma_start3A_266 = tpu.memref_slice %arg2[%arg0, %arg1, %dma_start3A_262, %dma_start3A_263, %dma_start3A_264, %dma_start3A_265] : memref<2x16x5x2x20x100xi32, #tpu.memory_space<hbm>> -> memref<1x1x1x2x20x100xi32, #tpu.memory_space<hbm>>
    %dma_start3A_267 = tpu.memref_squeeze %dma_start3A_266 : memref<1x1x1x2x20x100xi32, #tpu.memory_space<hbm>> -> memref<2x20x100xi32, #tpu.memory_space<hbm>>
    %dma_start3A_268 = arith.constant 0 : i32
    %dma_start3A_269 = arith.constant 0 : i32
    %dma_start3A_270 = arith.constant 0 : i32
    %dma_start3A_271 = tpu.memref_slice %arg2[%arg0, %arg1, %dma_start3A_262, %dma_start3A_268, %dma_start3A_269, %dma_start3A_270] : memref<2x16x5x2x20x100xi32, #tpu.memory_space<hbm>> -> memref<1x1x1x2x20x100xi32, #tpu.memory_space<hbm>>
    %dma_start3A_272 = tpu.memref_squeeze %dma_start3A_271 : memref<1x1x1x2x20x100xi32, #tpu.memory_space<hbm>> -> memref<2x20x100xi32, #tpu.memory_space<hbm>>
    tpu.enqueue_dma source(%dma_start3A_272 : memref<2x20x100xi32, #tpu.memory_space<hbm>>) target(%arg5 : memref<2x20x100xi32, #tpu.memory_space<vmem>>) target_semaphore(%arg14 : memref<!tpu.dma_semaphore, #tpu.memory_space<semaphore_mem>>)
    %dma_start3A_273 = arith.constant 0 : i32
    %dma_start3A_274 = arith.constant 0 : i32
    %dma_start3A_275 = arith.constant 0 : i32
    %dma_start3A_276 = tpu.memref_slice %arg6[%dma_start3A_273, %dma_start3A_274, %dma_start3A_275] : memref<2x20x100xi32, #tpu.memory_space<vmem>> -> memref<1x1x100xi32, #tpu.memory_space<vmem>>
    %dma_start3A_277 = tpu.memref_squeeze %dma_start3A_276 : memref<1x1x100xi32, #tpu.memory_space<vmem>> -> memref<100xi32, #tpu.memory_space<vmem>>
    %dma_start3A_278 = arith.constant 0 : i32
    %dma_start3A_279 = arith.constant 0 : i32
    %dma_start3A_280 = tpu.memref_slice %arg3[%dma_start3A_278, %dma_start3A_279] : memref<10000x128xf32, #tpu.memory_space<hbm>> -> memref<10000x128xf32, #tpu.memory_space<hbm>>
    tpu.enqueue_indirect_dma source(%dma_start3A_280 : memref<10000x128xf32, #tpu.memory_space<hbm>>) target(%arg7 : memref<100x128xf32, #tpu.memory_space<vmem>>) offsets(%dma_start3A_277 : memref<100xi32, #tpu.memory_space<vmem>>) semaphore(%arg10 : memref<!tpu.dma_semaphore, #tpu.memory_space<semaphore_mem>>)
    %dma_start3A_281 = arith.constant 0 : i32
    %dma_start3A_282 = arith.constant 1 : i32
    %dma_start3A_283 = arith.constant 0 : i32
    %dma_start3A_284 = tpu.memref_slice %arg6[%dma_start3A_281, %dma_start3A_282, %dma_start3A_283] : memref<2x20x100xi32, #tpu.memory_space<vmem>> -> memref<1x1x100xi32, #tpu.memory_space<vmem>>
    %dma_start3A_285 = tpu.memref_squeeze %dma_start3A_284 : memref<1x1x100xi32, #tpu.memory_space<vmem>> -> memref<100xi32, #tpu.memory_space<vmem>>
    %dma_start3A_286 = arith.constant 0 : i32
    %dma_start3A_287 = arith.constant 0 : i32
    %dma_start3A_288 = tpu.memref_slice %arg3[%dma_start3A_286, %dma_start3A_287] : memref<10000x128xf32, #tpu.memory_space<hbm>> -> memref<10000x128xf32, #tpu.memory_space<hbm>>
    tpu.enqueue_indirect_dma source(%dma_start3A_288 : memref<10000x128xf32, #tpu.memory_space<hbm>>) target(%arg8 : memref<100x128xf32, #tpu.memory_space<vmem>>) offsets(%dma_start3A_285 : memref<100xi32, #tpu.memory_space<vmem>>) semaphore(%arg11 : memref<!tpu.dma_semaphore, #tpu.memory_space<semaphore_mem>>)
    %scan3A_289 = arith.constant 0 : i32
    %scan3A_290 = arith.constant 0 : i32
    %scan3A_291 = arith.constant 10 : i32
    %scan3A_292 = arith.addi %scan3A_290, %scan3A_291 : i32
    %scan3A_293 = arith.constant 1 : i32
    scf.for %scan3A_417 = %scan3A_290 to %scan3A_292 step %scan3A_293  : i32 {
      %mul3A_418 = arith.constant 2 : i32
      %mul3A_419 = arith.muli %mul3A_418, %scan3A_417 : i32
      %mul3A_420 = arith.constant 2 : i32
      %mul3A_421 = arith.muli %mul3A_420, %scan3A_417 : i32
      %add3A_422 = arith.constant 1 : i32
      %add3A_423 = arith.addi %mul3A_421, %add3A_422 : i32
      %dma_wait3A_424 = arith.constant 0 : i32
      %dma_wait3A_425 = arith.constant 0 : i32
      %dma_wait3A_426 = tpu.memref_slice %arg6[%dma_wait3A_424, %mul3A_419, %dma_wait3A_425] : memref<2x20x100xi32, #tpu.memory_space<vmem>> -> memref<1x1x100xi32, #tpu.memory_space<vmem>>
      %dma_wait3A_427 = tpu.memref_squeeze %dma_wait3A_426 : memref<1x1x100xi32, #tpu.memory_space<vmem>> -> memref<100xi32, #tpu.memory_space<vmem>>
      %dma_wait3A_428 = arith.constant 0 : i32
      %dma_wait3A_429 = arith.constant 0 : i32
      %dma_wait3A_430 = tpu.memref_slice %arg3[%dma_wait3A_428, %dma_wait3A_429] : memref<10000x128xf32, #tpu.memory_space<hbm>> -> memref<10000x128xf32, #tpu.memory_space<hbm>>
      tpu.wait_indirect_dma semaphore(%arg10 : memref<!tpu.dma_semaphore, #tpu.memory_space<semaphore_mem>>) src(%dma_wait3A_430 : memref<10000x128xf32, #tpu.memory_space<hbm>>) dst(%arg7 : memref<100x128xf32, #tpu.memory_space<vmem>>)
      %run_scoped3A = arith.constant 1 : i32
      "tpu.region"() ({
        %run_scoped3A_446 = tpu.sem_alloc : memref<!tpu.dma_semaphore, #tpu.memory_space<semaphore_mem>>
        %dma_start3A_447 = arith.constant 0 : i32
        %dma_start3A_448 = tpu.memref_slice %arg6[%run_scoped3A, %mul3A_419, %dma_start3A_447] : memref<2x20x100xi32, #tpu.memory_space<vmem>> -> memref<1x1x100xi32, #tpu.memory_space<vmem>>
        %dma_start3A_449 = tpu.memref_squeeze %dma_start3A_448 : memref<1x1x100xi32, #tpu.memory_space<vmem>> -> memref<100xi32, #tpu.memory_space<vmem>>
        %dma_start3A_450 = arith.constant 0 : i32
        %dma_start3A_451 = arith.constant 0 : i32
        %dma_start3A_452 = tpu.memref_slice %arg9[%dma_start3A_450, %dma_start3A_451] : memref<10240x128xf32, #tpu.memory_space<vmem_shared>> -> memref<10240x128xf32, #tpu.memory_space<vmem_shared>>
        tpu.enqueue_indirect_dma source(%arg7 : memref<100x128xf32, #tpu.memory_space<vmem>>) target(%dma_start3A_452 : memref<10240x128xf32, #tpu.memory_space<vmem_shared>>) offsets(%dma_start3A_449 : memref<100xi32, #tpu.memory_space<vmem>>) semaphore(%run_scoped3A_446 : memref<!tpu.dma_semaphore, #tpu.memory_space<semaphore_mem>>) {add = true}
        %dma_wait3A_453 = arith.constant 0 : i32
        %dma_wait3A_454 = tpu.memref_slice %arg6[%run_scoped3A, %mul3A_419, %dma_wait3A_453] : memref<2x20x100xi32, #tpu.memory_space<vmem>> -> memref<1x1x100xi32, #tpu.memory_space<vmem>>
        %dma_wait3A_455 = tpu.memref_squeeze %dma_wait3A_454 : memref<1x1x100xi32, #tpu.memory_space<vmem>> -> memref<100xi32, #tpu.memory_space<vmem>>
        %dma_wait3A_456 = arith.constant 0 : i32
        %dma_wait3A_457 = arith.constant 0 : i32
        %dma_wait3A_458 = tpu.memref_slice %arg9[%dma_wait3A_456, %dma_wait3A_457] : memref<10240x128xf32, #tpu.memory_space<vmem_shared>> -> memref<10240x128xf32, #tpu.memory_space<vmem_shared>>
        tpu.wait_indirect_dma semaphore(%run_scoped3A_446 : memref<!tpu.dma_semaphore, #tpu.memory_space<semaphore_mem>>) src(%arg7 : memref<100x128xf32, #tpu.memory_space<vmem>>) dst(%dma_wait3A_458 : memref<10240x128xf32, #tpu.memory_space<vmem_shared>>)
        tpu.yield
      }) : () -> ()
      %lt3A = arith.constant 9 : i32
      %lt3A_431 = arith.cmpi slt, %scan3A_417, %lt3A : i32
      %convert_element_type3A = arith.extui %lt3A_431 : i1 to i32
      %cond3A = arith.constant 0 : i32
      %cond3A_432 = arith.cmpi ne, %convert_element_type3A, %cond3A : i32
      scf.if %cond3A_432 {
        %add3A_446 = arith.constant 2 : i32
        %add3A_447 = arith.addi %mul3A_419, %add3A_446 : i32
        %dma_start3A_448 = arith.constant 0 : i32
        %dma_start3A_449 = arith.constant 0 : i32
        %dma_start3A_450 = tpu.memref_slice %arg6[%dma_start3A_448, %add3A_447, %dma_start3A_449] : memref<2x20x100xi32, #tpu.memory_space<vmem>> -> memref<1x1x100xi32, #tpu.memory_space<vmem>>
        %dma_start3A_451 = tpu.memref_squeeze %dma_start3A_450 : memref<1x1x100xi32, #tpu.memory_space<vmem>> -> memref<100xi32, #tpu.memory_space<vmem>>
        %dma_start3A_452 = arith.constant 0 : i32
        %dma_start3A_453 = arith.constant 0 : i32
        %dma_start3A_454 = tpu.memref_slice %arg3[%dma_start3A_452, %dma_start3A_453] : memref<10000x128xf32, #tpu.memory_space<hbm>> -> memref<10000x128xf32, #tpu.memory_space<hbm>>
        tpu.enqueue_indirect_dma source(%dma_start3A_454 : memref<10000x128xf32, #tpu.memory_space<hbm>>) target(%arg7 : memref<100x128xf32, #tpu.memory_space<vmem>>) offsets(%dma_start3A_451 : memref<100xi32, #tpu.memory_space<vmem>>) semaphore(%arg10 : memref<!tpu.dma_semaphore, #tpu.memory_space<semaphore_mem>>)
      } else {
      }
      %dma_wait3A_433 = arith.constant 0 : i32
      %dma_wait3A_434 = arith.constant 0 : i32
      %dma_wait3A_435 = tpu.memref_slice %arg6[%dma_wait3A_433, %add3A_423, %dma_wait3A_434] : memref<2x20x100xi32, #tpu.memory_space<vmem>> -> memref<1x1x100xi32, #tpu.memory_space<vmem>>
      %dma_wait3A_436 = tpu.memref_squeeze %dma_wait3A_435 : memref<1x1x100xi32, #tpu.memory_space<vmem>> -> memref<100xi32, #tpu.memory_space<vmem>>
      %dma_wait3A_437 = arith.constant 0 : i32
      %dma_wait3A_438 = arith.constant 0 : i32
      %dma_wait3A_439 = tpu.memref_slice %arg3[%dma_wait3A_437, %dma_wait3A_438] : memref<10000x128xf32, #tpu.memory_space<hbm>> -> memref<10000x128xf32, #tpu.memory_space<hbm>>
      tpu.wait_indirect_dma semaphore(%arg11 : memref<!tpu.dma_semaphore, #tpu.memory_space<semaphore_mem>>) src(%dma_wait3A_439 : memref<10000x128xf32, #tpu.memory_space<hbm>>) dst(%arg8 : memref<100x128xf32, #tpu.memory_space<vmem>>)
      %run_scoped3A_440 = arith.constant 1 : i32
      "tpu.region"() ({
        %run_scoped3A_446 = tpu.sem_alloc : memref<!tpu.dma_semaphore, #tpu.memory_space<semaphore_mem>>
        %dma_start3A_447 = arith.constant 0 : i32
        %dma_start3A_448 = tpu.memref_slice %arg6[%run_scoped3A_440, %add3A_423, %dma_start3A_447] : memref<2x20x100xi32, #tpu.memory_space<vmem>> -> memref<1x1x100xi32, #tpu.memory_space<vmem>>
        %dma_start3A_449 = tpu.memref_squeeze %dma_start3A_448 : memref<1x1x100xi32, #tpu.memory_space<vmem>> -> memref<100xi32, #tpu.memory_space<vmem>>
        %dma_start3A_450 = arith.constant 0 : i32
        %dma_start3A_451 = arith.constant 0 : i32
        %dma_start3A_452 = tpu.memref_slice %arg9[%dma_start3A_450, %dma_start3A_451] : memref<10240x128xf32, #tpu.memory_space<vmem_shared>> -> memref<10240x128xf32, #tpu.memory_space<vmem_shared>>
        tpu.enqueue_indirect_dma source(%arg8 : memref<100x128xf32, #tpu.memory_space<vmem>>) target(%dma_start3A_452 : memref<10240x128xf32, #tpu.memory_space<vmem_shared>>) offsets(%dma_start3A_449 : memref<100xi32, #tpu.memory_space<vmem>>) semaphore(%run_scoped3A_446 : memref<!tpu.dma_semaphore, #tpu.memory_space<semaphore_mem>>) {add = true}
        %dma_wait3A_453 = arith.constant 0 : i32
        %dma_wait3A_454 = tpu.memref_slice %arg6[%run_scoped3A_440, %add3A_423, %dma_wait3A_453] : memref<2x20x100xi32, #tpu.memory_space<vmem>> -> memref<1x1x100xi32, #tpu.memory_space<vmem>>
        %dma_wait3A_455 = tpu.memref_squeeze %dma_wait3A_454 : memref<1x1x100xi32, #tpu.memory_space<vmem>> -> memref<100xi32, #tpu.memory_space<vmem>>
        %dma_wait3A_456 = arith.constant 0 : i32
        %dma_wait3A_457 = arith.constant 0 : i32
        %dma_wait3A_458 = tpu.memref_slice %arg9[%dma_wait3A_456, %dma_wait3A_457] : memref<10240x128xf32, #tpu.memory_space<vmem_shared>> -> memref<10240x128xf32, #tpu.memory_space<vmem_shared>>
        tpu.wait_indirect_dma semaphore(%run_scoped3A_446 : memref<!tpu.dma_semaphore, #tpu.memory_space<semaphore_mem>>) src(%arg8 : memref<100x128xf32, #tpu.memory_space<vmem>>) dst(%dma_wait3A_458 : memref<10240x128xf32, #tpu.memory_space<vmem_shared>>)
        tpu.yield
      }) : () -> ()
      %lt3A_441 = arith.constant 9 : i32
      %lt3A_442 = arith.cmpi slt, %scan3A_417, %lt3A_441 : i32
      %convert_element_type3A_443 = arith.extui %lt3A_442 : i1 to i32
      %cond3A_444 = arith.constant 0 : i32
      %cond3A_445 = arith.cmpi ne, %convert_element_type3A_443, %cond3A_444 : i32
      scf.if %cond3A_445 {
        %add3A_446 = arith.constant 2 : i32
        %add3A_447 = arith.addi %add3A_423, %add3A_446 : i32
        %dma_start3A_448 = arith.constant 0 : i32
        %dma_start3A_449 = arith.constant 0 : i32
        %dma_start3A_450 = tpu.memref_slice %arg6[%dma_start3A_448, %add3A_447, %dma_start3A_449] : memref<2x20x100xi32, #tpu.memory_space<vmem>> -> memref<1x1x100xi32, #tpu.memory_space<vmem>>
        %dma_start3A_451 = tpu.memref_squeeze %dma_start3A_450 : memref<1x1x100xi32, #tpu.memory_space<vmem>> -> memref<100xi32, #tpu.memory_space<vmem>>
        %dma_start3A_452 = arith.constant 0 : i32
        %dma_start3A_453 = arith.constant 0 : i32
        %dma_start3A_454 = tpu.memref_slice %arg3[%dma_start3A_452, %dma_start3A_453] : memref<10000x128xf32, #tpu.memory_space<hbm>> -> memref<10000x128xf32, #tpu.memory_space<hbm>>
        tpu.enqueue_indirect_dma source(%dma_start3A_454 : memref<10000x128xf32, #tpu.memory_space<hbm>>) target(%arg8 : memref<100x128xf32, #tpu.memory_space<vmem>>) offsets(%dma_start3A_451 : memref<100xi32, #tpu.memory_space<vmem>>) semaphore(%arg11 : memref<!tpu.dma_semaphore, #tpu.memory_space<semaphore_mem>>)
      } else {
      }
    }
    %scan3A_294 = arith.constant 10 : i32
    %dma_wait3A_295 = arith.constant 2 : i32
    %dma_wait3A_296 = arith.constant 0 : i32
    %dma_wait3A_297 = arith.constant 0 : i32
    %dma_wait3A_298 = arith.constant 0 : i32
    %dma_wait3A_299 = tpu.memref_slice %arg2[%arg0, %arg1, %dma_wait3A_295, %dma_wait3A_296, %dma_wait3A_297, %dma_wait3A_298] : memref<2x16x5x2x20x100xi32, #tpu.memory_space<hbm>> -> memref<1x1x1x2x20x100xi32, #tpu.memory_space<hbm>>
    %dma_wait3A_300 = tpu.memref_squeeze %dma_wait3A_299 : memref<1x1x1x2x20x100xi32, #tpu.memory_space<hbm>> -> memref<2x20x100xi32, #tpu.memory_space<hbm>>
    %dma_wait3A_301 = arith.constant 0 : i32
    %dma_wait3A_302 = arith.constant 0 : i32
    %dma_wait3A_303 = arith.constant 0 : i32
    %dma_wait3A_304 = tpu.memref_slice %arg2[%arg0, %arg1, %dma_wait3A_295, %dma_wait3A_301, %dma_wait3A_302, %dma_wait3A_303] : memref<2x16x5x2x20x100xi32, #tpu.memory_space<hbm>> -> memref<1x1x1x2x20x100xi32, #tpu.memory_space<hbm>>
    %dma_wait3A_305 = tpu.memref_squeeze %dma_wait3A_304 : memref<1x1x1x2x20x100xi32, #tpu.memory_space<hbm>> -> memref<2x20x100xi32, #tpu.memory_space<hbm>>
    tpu.wait_dma2 semaphore(%arg14 : memref<!tpu.dma_semaphore, #tpu.memory_space<semaphore_mem>>) src(%dma_wait3A_305 : memref<2x20x100xi32, #tpu.memory_space<hbm>>) dst(%arg5 : memref<2x20x100xi32, #tpu.memory_space<vmem>>)
    %dma_start3A_306 = arith.constant 3 : i32
    %dma_start3A_307 = arith.constant 0 : i32
    %dma_start3A_308 = arith.constant 0 : i32
    %dma_start3A_309 = arith.constant 0 : i32
    %dma_start3A_310 = tpu.memref_slice %arg2[%arg0, %arg1, %dma_start3A_306, %dma_start3A_307, %dma_start3A_308, %dma_start3A_309] : memref<2x16x5x2x20x100xi32, #tpu.memory_space<hbm>> -> memref<1x1x1x2x20x100xi32, #tpu.memory_space<hbm>>
    %dma_start3A_311 = tpu.memref_squeeze %dma_start3A_310 : memref<1x1x1x2x20x100xi32, #tpu.memory_space<hbm>> -> memref<2x20x100xi32, #tpu.memory_space<hbm>>
    %dma_start3A_312 = arith.constant 0 : i32
    %dma_start3A_313 = arith.constant 0 : i32
    %dma_start3A_314 = arith.constant 0 : i32
    %dma_start3A_315 = tpu.memref_slice %arg2[%arg0, %arg1, %dma_start3A_306, %dma_start3A_312, %dma_start3A_313, %dma_start3A_314] : memref<2x16x5x2x20x100xi32, #tpu.memory_space<hbm>> -> memref<1x1x1x2x20x100xi32, #tpu.memory_space<hbm>>
    %dma_start3A_316 = tpu.memref_squeeze %dma_start3A_315 : memref<1x1x1x2x20x100xi32, #tpu.memory_space<hbm>> -> memref<2x20x100xi32, #tpu.memory_space<hbm>>
    tpu.enqueue_dma source(%dma_start3A_316 : memref<2x20x100xi32, #tpu.memory_space<hbm>>) target(%arg6 : memref<2x20x100xi32, #tpu.memory_space<vmem>>) target_semaphore(%arg14 : memref<!tpu.dma_semaphore, #tpu.memory_space<semaphore_mem>>)
    %dma_start3A_317 = arith.constant 0 : i32
    %dma_start3A_318 = arith.constant 0 : i32
    %dma_start3A_319 = arith.constant 0 : i32
    %dma_start3A_320 = tpu.memref_slice %arg5[%dma_start3A_317, %dma_start3A_318, %dma_start3A_319] : memref<2x20x100xi32, #tpu.memory_space<vmem>> -> memref<1x1x100xi32, #tpu.memory_space<vmem>>
    %dma_start3A_321 = tpu.memref_squeeze %dma_start3A_320 : memref<1x1x100xi32, #tpu.memory_space<vmem>> -> memref<100xi32, #tpu.memory_space<vmem>>
    %dma_start3A_322 = arith.constant 0 : i32
    %dma_start3A_323 = arith.constant 0 : i32
    %dma_start3A_324 = tpu.memref_slice %arg3[%dma_start3A_322, %dma_start3A_323] : memref<10000x128xf32, #tpu.memory_space<hbm>> -> memref<10000x128xf32, #tpu.memory_space<hbm>>
    tpu.enqueue_indirect_dma source(%dma_start3A_324 : memref<10000x128xf32, #tpu.memory_space<hbm>>) target(%arg7 : memref<100x128xf32, #tpu.memory_space<vmem>>) offsets(%dma_start3A_321 : memref<100xi32, #tpu.memory_space<vmem>>) semaphore(%arg10 : memref<!tpu.dma_semaphore, #tpu.memory_space<semaphore_mem>>)
    %dma_start3A_325 = arith.constant 0 : i32
    %dma_start3A_326 = arith.constant 1 : i32
    %dma_start3A_327 = arith.constant 0 : i32
    %dma_start3A_328 = tpu.memref_slice %arg5[%dma_start3A_325, %dma_start3A_326, %dma_start3A_327] : memref<2x20x100xi32, #tpu.memory_space<vmem>> -> memref<1x1x100xi32, #tpu.memory_space<vmem>>
    %dma_start3A_329 = tpu.memref_squeeze %dma_start3A_328 : memref<1x1x100xi32, #tpu.memory_space<vmem>> -> memref<100xi32, #tpu.memory_space<vmem>>
    %dma_start3A_330 = arith.constant 0 : i32
    %dma_start3A_331 = arith.constant 0 : i32
    %dma_start3A_332 = tpu.memref_slice %arg3[%dma_start3A_330, %dma_start3A_331] : memref<10000x128xf32, #tpu.memory_space<hbm>> -> memref<10000x128xf32, #tpu.memory_space<hbm>>
    tpu.enqueue_indirect_dma source(%dma_start3A_332 : memref<10000x128xf32, #tpu.memory_space<hbm>>) target(%arg8 : memref<100x128xf32, #tpu.memory_space<vmem>>) offsets(%dma_start3A_329 : memref<100xi32, #tpu.memory_space<vmem>>) semaphore(%arg11 : memref<!tpu.dma_semaphore, #tpu.memory_space<semaphore_mem>>)
    %scan3A_333 = arith.constant 0 : i32
    %scan3A_334 = arith.constant 0 : i32
    %scan3A_335 = arith.constant 10 : i32
    %scan3A_336 = arith.addi %scan3A_334, %scan3A_335 : i32
    %scan3A_337 = arith.constant 1 : i32
    scf.for %scan3A_417 = %scan3A_334 to %scan3A_336 step %scan3A_337  : i32 {
      %mul3A_418 = arith.constant 2 : i32
      %mul3A_419 = arith.muli %mul3A_418, %scan3A_417 : i32
      %mul3A_420 = arith.constant 2 : i32
      %mul3A_421 = arith.muli %mul3A_420, %scan3A_417 : i32
      %add3A_422 = arith.constant 1 : i32
      %add3A_423 = arith.addi %mul3A_421, %add3A_422 : i32
      %dma_wait3A_424 = arith.constant 0 : i32
      %dma_wait3A_425 = arith.constant 0 : i32
      %dma_wait3A_426 = tpu.memref_slice %arg5[%dma_wait3A_424, %mul3A_419, %dma_wait3A_425] : memref<2x20x100xi32, #tpu.memory_space<vmem>> -> memref<1x1x100xi32, #tpu.memory_space<vmem>>
      %dma_wait3A_427 = tpu.memref_squeeze %dma_wait3A_426 : memref<1x1x100xi32, #tpu.memory_space<vmem>> -> memref<100xi32, #tpu.memory_space<vmem>>
      %dma_wait3A_428 = arith.constant 0 : i32
      %dma_wait3A_429 = arith.constant 0 : i32
      %dma_wait3A_430 = tpu.memref_slice %arg3[%dma_wait3A_428, %dma_wait3A_429] : memref<10000x128xf32, #tpu.memory_space<hbm>> -> memref<10000x128xf32, #tpu.memory_space<hbm>>
      tpu.wait_indirect_dma semaphore(%arg10 : memref<!tpu.dma_semaphore, #tpu.memory_space<semaphore_mem>>) src(%dma_wait3A_430 : memref<10000x128xf32, #tpu.memory_space<hbm>>) dst(%arg7 : memref<100x128xf32, #tpu.memory_space<vmem>>)
      %run_scoped3A = arith.constant 1 : i32
      "tpu.region"() ({
        %run_scoped3A_446 = tpu.sem_alloc : memref<!tpu.dma_semaphore, #tpu.memory_space<semaphore_mem>>
        %dma_start3A_447 = arith.constant 0 : i32
        %dma_start3A_448 = tpu.memref_slice %arg5[%run_scoped3A, %mul3A_419, %dma_start3A_447] : memref<2x20x100xi32, #tpu.memory_space<vmem>> -> memref<1x1x100xi32, #tpu.memory_space<vmem>>
        %dma_start3A_449 = tpu.memref_squeeze %dma_start3A_448 : memref<1x1x100xi32, #tpu.memory_space<vmem>> -> memref<100xi32, #tpu.memory_space<vmem>>
        %dma_start3A_450 = arith.constant 0 : i32
        %dma_start3A_451 = arith.constant 0 : i32
        %dma_start3A_452 = tpu.memref_slice %arg9[%dma_start3A_450, %dma_start3A_451] : memref<10240x128xf32, #tpu.memory_space<vmem_shared>> -> memref<10240x128xf32, #tpu.memory_space<vmem_shared>>
        tpu.enqueue_indirect_dma source(%arg7 : memref<100x128xf32, #tpu.memory_space<vmem>>) target(%dma_start3A_452 : memref<10240x128xf32, #tpu.memory_space<vmem_shared>>) offsets(%dma_start3A_449 : memref<100xi32, #tpu.memory_space<vmem>>) semaphore(%run_scoped3A_446 : memref<!tpu.dma_semaphore, #tpu.memory_space<semaphore_mem>>) {add = true}
        %dma_wait3A_453 = arith.constant 0 : i32
        %dma_wait3A_454 = tpu.memref_slice %arg5[%run_scoped3A, %mul3A_419, %dma_wait3A_453] : memref<2x20x100xi32, #tpu.memory_space<vmem>> -> memref<1x1x100xi32, #tpu.memory_space<vmem>>
        %dma_wait3A_455 = tpu.memref_squeeze %dma_wait3A_454 : memref<1x1x100xi32, #tpu.memory_space<vmem>> -> memref<100xi32, #tpu.memory_space<vmem>>
        %dma_wait3A_456 = arith.constant 0 : i32
        %dma_wait3A_457 = arith.constant 0 : i32
        %dma_wait3A_458 = tpu.memref_slice %arg9[%dma_wait3A_456, %dma_wait3A_457] : memref<10240x128xf32, #tpu.memory_space<vmem_shared>> -> memref<10240x128xf32, #tpu.memory_space<vmem_shared>>
        tpu.wait_indirect_dma semaphore(%run_scoped3A_446 : memref<!tpu.dma_semaphore, #tpu.memory_space<semaphore_mem>>) src(%arg7 : memref<100x128xf32, #tpu.memory_space<vmem>>) dst(%dma_wait3A_458 : memref<10240x128xf32, #tpu.memory_space<vmem_shared>>)
        tpu.yield
      }) : () -> ()
      %lt3A = arith.constant 9 : i32
      %lt3A_431 = arith.cmpi slt, %scan3A_417, %lt3A : i32
      %convert_element_type3A = arith.extui %lt3A_431 : i1 to i32
      %cond3A = arith.constant 0 : i32
      %cond3A_432 = arith.cmpi ne, %convert_element_type3A, %cond3A : i32
      scf.if %cond3A_432 {
        %add3A_446 = arith.constant 2 : i32
        %add3A_447 = arith.addi %mul3A_419, %add3A_446 : i32
        %dma_start3A_448 = arith.constant 0 : i32
        %dma_start3A_449 = arith.constant 0 : i32
        %dma_start3A_450 = tpu.memref_slice %arg5[%dma_start3A_448, %add3A_447, %dma_start3A_449] : memref<2x20x100xi32, #tpu.memory_space<vmem>> -> memref<1x1x100xi32, #tpu.memory_space<vmem>>
        %dma_start3A_451 = tpu.memref_squeeze %dma_start3A_450 : memref<1x1x100xi32, #tpu.memory_space<vmem>> -> memref<100xi32, #tpu.memory_space<vmem>>
        %dma_start3A_452 = arith.constant 0 : i32
        %dma_start3A_453 = arith.constant 0 : i32
        %dma_start3A_454 = tpu.memref_slice %arg3[%dma_start3A_452, %dma_start3A_453] : memref<10000x128xf32, #tpu.memory_space<hbm>> -> memref<10000x128xf32, #tpu.memory_space<hbm>>
        tpu.enqueue_indirect_dma source(%dma_start3A_454 : memref<10000x128xf32, #tpu.memory_space<hbm>>) target(%arg7 : memref<100x128xf32, #tpu.memory_space<vmem>>) offsets(%dma_start3A_451 : memref<100xi32, #tpu.memory_space<vmem>>) semaphore(%arg10 : memref<!tpu.dma_semaphore, #tpu.memory_space<semaphore_mem>>)
      } else {
      }
      %dma_wait3A_433 = arith.constant 0 : i32
      %dma_wait3A_434 = arith.constant 0 : i32
      %dma_wait3A_435 = tpu.memref_slice %arg5[%dma_wait3A_433, %add3A_423, %dma_wait3A_434] : memref<2x20x100xi32, #tpu.memory_space<vmem>> -> memref<1x1x100xi32, #tpu.memory_space<vmem>>
      %dma_wait3A_436 = tpu.memref_squeeze %dma_wait3A_435 : memref<1x1x100xi32, #tpu.memory_space<vmem>> -> memref<100xi32, #tpu.memory_space<vmem>>
      %dma_wait3A_437 = arith.constant 0 : i32
      %dma_wait3A_438 = arith.constant 0 : i32
      %dma_wait3A_439 = tpu.memref_slice %arg3[%dma_wait3A_437, %dma_wait3A_438] : memref<10000x128xf32, #tpu.memory_space<hbm>> -> memref<10000x128xf32, #tpu.memory_space<hbm>>
      tpu.wait_indirect_dma semaphore(%arg11 : memref<!tpu.dma_semaphore, #tpu.memory_space<semaphore_mem>>) src(%dma_wait3A_439 : memref<10000x128xf32, #tpu.memory_space<hbm>>) dst(%arg8 : memref<100x128xf32, #tpu.memory_space<vmem>>)
      %run_scoped3A_440 = arith.constant 1 : i32
      "tpu.region"() ({
        %run_scoped3A_446 = tpu.sem_alloc : memref<!tpu.dma_semaphore, #tpu.memory_space<semaphore_mem>>
        %dma_start3A_447 = arith.constant 0 : i32
        %dma_start3A_448 = tpu.memref_slice %arg5[%run_scoped3A_440, %add3A_423, %dma_start3A_447] : memref<2x20x100xi32, #tpu.memory_space<vmem>> -> memref<1x1x100xi32, #tpu.memory_space<vmem>>
        %dma_start3A_449 = tpu.memref_squeeze %dma_start3A_448 : memref<1x1x100xi32, #tpu.memory_space<vmem>> -> memref<100xi32, #tpu.memory_space<vmem>>
        %dma_start3A_450 = arith.constant 0 : i32
        %dma_start3A_451 = arith.constant 0 : i32
        %dma_start3A_452 = tpu.memref_slice %arg9[%dma_start3A_450, %dma_start3A_451] : memref<10240x128xf32, #tpu.memory_space<vmem_shared>> -> memref<10240x128xf32, #tpu.memory_space<vmem_shared>>
        tpu.enqueue_indirect_dma source(%arg8 : memref<100x128xf32, #tpu.memory_space<vmem>>) target(%dma_start3A_452 : memref<10240x128xf32, #tpu.memory_space<vmem_shared>>) offsets(%dma_start3A_449 : memref<100xi32, #tpu.memory_space<vmem>>) semaphore(%run_scoped3A_446 : memref<!tpu.dma_semaphore, #tpu.memory_space<semaphore_mem>>) {add = true}
        %dma_wait3A_453 = arith.constant 0 : i32
        %dma_wait3A_454 = tpu.memref_slice %arg5[%run_scoped3A_440, %add3A_423, %dma_wait3A_453] : memref<2x20x100xi32, #tpu.memory_space<vmem>> -> memref<1x1x100xi32, #tpu.memory_space<vmem>>
        %dma_wait3A_455 = tpu.memref_squeeze %dma_wait3A_454 : memref<1x1x100xi32, #tpu.memory_space<vmem>> -> memref<100xi32, #tpu.memory_space<vmem>>
        %dma_wait3A_456 = arith.constant 0 : i32
        %dma_wait3A_457 = arith.constant 0 : i32
        %dma_wait3A_458 = tpu.memref_slice %arg9[%dma_wait3A_456, %dma_wait3A_457] : memref<10240x128xf32, #tpu.memory_space<vmem_shared>> -> memref<10240x128xf32, #tpu.memory_space<vmem_shared>>
        tpu.wait_indirect_dma semaphore(%run_scoped3A_446 : memref<!tpu.dma_semaphore, #tpu.memory_space<semaphore_mem>>) src(%arg8 : memref<100x128xf32, #tpu.memory_space<vmem>>) dst(%dma_wait3A_458 : memref<10240x128xf32, #tpu.memory_space<vmem_shared>>)
        tpu.yield
      }) : () -> ()
      %lt3A_441 = arith.constant 9 : i32
      %lt3A_442 = arith.cmpi slt, %scan3A_417, %lt3A_441 : i32
      %convert_element_type3A_443 = arith.extui %lt3A_442 : i1 to i32
      %cond3A_444 = arith.constant 0 : i32
      %cond3A_445 = arith.cmpi ne, %convert_element_type3A_443, %cond3A_444 : i32
      scf.if %cond3A_445 {
        %add3A_446 = arith.constant 2 : i32
        %add3A_447 = arith.addi %add3A_423, %add3A_446 : i32
        %dma_start3A_448 = arith.constant 0 : i32
        %dma_start3A_449 = arith.constant 0 : i32
        %dma_start3A_450 = tpu.memref_slice %arg5[%dma_start3A_448, %add3A_447, %dma_start3A_449] : memref<2x20x100xi32, #tpu.memory_space<vmem>> -> memref<1x1x100xi32, #tpu.memory_space<vmem>>
        %dma_start3A_451 = tpu.memref_squeeze %dma_start3A_450 : memref<1x1x100xi32, #tpu.memory_space<vmem>> -> memref<100xi32, #tpu.memory_space<vmem>>
        %dma_start3A_452 = arith.constant 0 : i32
        %dma_start3A_453 = arith.constant 0 : i32
        %dma_start3A_454 = tpu.memref_slice %arg3[%dma_start3A_452, %dma_start3A_453] : memref<10000x128xf32, #tpu.memory_space<hbm>> -> memref<10000x128xf32, #tpu.memory_space<hbm>>
        tpu.enqueue_indirect_dma source(%dma_start3A_454 : memref<10000x128xf32, #tpu.memory_space<hbm>>) target(%arg8 : memref<100x128xf32, #tpu.memory_space<vmem>>) offsets(%dma_start3A_451 : memref<100xi32, #tpu.memory_space<vmem>>) semaphore(%arg11 : memref<!tpu.dma_semaphore, #tpu.memory_space<semaphore_mem>>)
      } else {
      }
    }
    %scan3A_338 = arith.constant 10 : i32
    %dma_wait3A_339 = arith.constant 3 : i32
    %dma_wait3A_340 = arith.constant 0 : i32
    %dma_wait3A_341 = arith.constant 0 : i32
    %dma_wait3A_342 = arith.constant 0 : i32
    %dma_wait3A_343 = tpu.memref_slice %arg2[%arg0, %arg1, %dma_wait3A_339, %dma_wait3A_340, %dma_wait3A_341, %dma_wait3A_342] : memref<2x16x5x2x20x100xi32, #tpu.memory_space<hbm>> -> memref<1x1x1x2x20x100xi32, #tpu.memory_space<hbm>>
    %dma_wait3A_344 = tpu.memref_squeeze %dma_wait3A_343 : memref<1x1x1x2x20x100xi32, #tpu.memory_space<hbm>> -> memref<2x20x100xi32, #tpu.memory_space<hbm>>
    %dma_wait3A_345 = arith.constant 0 : i32
    %dma_wait3A_346 = arith.constant 0 : i32
    %dma_wait3A_347 = arith.constant 0 : i32
    %dma_wait3A_348 = tpu.memref_slice %arg2[%arg0, %arg1, %dma_wait3A_339, %dma_wait3A_345, %dma_wait3A_346, %dma_wait3A_347] : memref<2x16x5x2x20x100xi32, #tpu.memory_space<hbm>> -> memref<1x1x1x2x20x100xi32, #tpu.memory_space<hbm>>
    %dma_wait3A_349 = tpu.memref_squeeze %dma_wait3A_348 : memref<1x1x1x2x20x100xi32, #tpu.memory_space<hbm>> -> memref<2x20x100xi32, #tpu.memory_space<hbm>>
    tpu.wait_dma2 semaphore(%arg14 : memref<!tpu.dma_semaphore, #tpu.memory_space<semaphore_mem>>) src(%dma_wait3A_349 : memref<2x20x100xi32, #tpu.memory_space<hbm>>) dst(%arg6 : memref<2x20x100xi32, #tpu.memory_space<vmem>>)
    %dma_start3A_350 = arith.constant 4 : i32
    %dma_start3A_351 = arith.constant 0 : i32
    %dma_start3A_352 = arith.constant 0 : i32
    %dma_start3A_353 = arith.constant 0 : i32
    %dma_start3A_354 = tpu.memref_slice %arg2[%arg0, %arg1, %dma_start3A_350, %dma_start3A_351, %dma_start3A_352, %dma_start3A_353] : memref<2x16x5x2x20x100xi32, #tpu.memory_space<hbm>> -> memref<1x1x1x2x20x100xi32, #tpu.memory_space<hbm>>
    %dma_start3A_355 = tpu.memref_squeeze %dma_start3A_354 : memref<1x1x1x2x20x100xi32, #tpu.memory_space<hbm>> -> memref<2x20x100xi32, #tpu.memory_space<hbm>>
    %dma_start3A_356 = arith.constant 0 : i32
    %dma_start3A_357 = arith.constant 0 : i32
    %dma_start3A_358 = arith.constant 0 : i32
    %dma_start3A_359 = tpu.memref_slice %arg2[%arg0, %arg1, %dma_start3A_350, %dma_start3A_356, %dma_start3A_357, %dma_start3A_358] : memref<2x16x5x2x20x100xi32, #tpu.memory_space<hbm>> -> memref<1x1x1x2x20x100xi32, #tpu.memory_space<hbm>>
    %dma_start3A_360 = tpu.memref_squeeze %dma_start3A_359 : memref<1x1x1x2x20x100xi32, #tpu.memory_space<hbm>> -> memref<2x20x100xi32, #tpu.memory_space<hbm>>
    tpu.enqueue_dma source(%dma_start3A_360 : memref<2x20x100xi32, #tpu.memory_space<hbm>>) target(%arg5 : memref<2x20x100xi32, #tpu.memory_space<vmem>>) target_semaphore(%arg14 : memref<!tpu.dma_semaphore, #tpu.memory_space<semaphore_mem>>)
    %dma_start3A_361 = arith.constant 0 : i32
    %dma_start3A_362 = arith.constant 0 : i32
    %dma_start3A_363 = arith.constant 0 : i32
    %dma_start3A_364 = tpu.memref_slice %arg6[%dma_start3A_361, %dma_start3A_362, %dma_start3A_363] : memref<2x20x100xi32, #tpu.memory_space<vmem>> -> memref<1x1x100xi32, #tpu.memory_space<vmem>>
    %dma_start3A_365 = tpu.memref_squeeze %dma_start3A_364 : memref<1x1x100xi32, #tpu.memory_space<vmem>> -> memref<100xi32, #tpu.memory_space<vmem>>
    %dma_start3A_366 = arith.constant 0 : i32
    %dma_start3A_367 = arith.constant 0 : i32
    %dma_start3A_368 = tpu.memref_slice %arg3[%dma_start3A_366, %dma_start3A_367] : memref<10000x128xf32, #tpu.memory_space<hbm>> -> memref<10000x128xf32, #tpu.memory_space<hbm>>
    tpu.enqueue_indirect_dma source(%dma_start3A_368 : memref<10000x128xf32, #tpu.memory_space<hbm>>) target(%arg7 : memref<100x128xf32, #tpu.memory_space<vmem>>) offsets(%dma_start3A_365 : memref<100xi32, #tpu.memory_space<vmem>>) semaphore(%arg10 : memref<!tpu.dma_semaphore, #tpu.memory_space<semaphore_mem>>)
    %dma_start3A_369 = arith.constant 0 : i32
    %dma_start3A_370 = arith.constant 1 : i32
    %dma_start3A_371 = arith.constant 0 : i32
    %dma_start3A_372 = tpu.memref_slice %arg6[%dma_start3A_369, %dma_start3A_370, %dma_start3A_371] : memref<2x20x100xi32, #tpu.memory_space<vmem>> -> memref<1x1x100xi32, #tpu.memory_space<vmem>>
    %dma_start3A_373 = tpu.memref_squeeze %dma_start3A_372 : memref<1x1x100xi32, #tpu.memory_space<vmem>> -> memref<100xi32, #tpu.memory_space<vmem>>
    %dma_start3A_374 = arith.constant 0 : i32
    %dma_start3A_375 = arith.constant 0 : i32
    %dma_start3A_376 = tpu.memref_slice %arg3[%dma_start3A_374, %dma_start3A_375] : memref<10000x128xf32, #tpu.memory_space<hbm>> -> memref<10000x128xf32, #tpu.memory_space<hbm>>
    tpu.enqueue_indirect_dma source(%dma_start3A_376 : memref<10000x128xf32, #tpu.memory_space<hbm>>) target(%arg8 : memref<100x128xf32, #tpu.memory_space<vmem>>) offsets(%dma_start3A_373 : memref<100xi32, #tpu.memory_space<vmem>>) semaphore(%arg11 : memref<!tpu.dma_semaphore, #tpu.memory_space<semaphore_mem>>)
    %scan3A_377 = arith.constant 0 : i32
    %scan3A_378 = arith.constant 0 : i32
    %scan3A_379 = arith.constant 10 : i32
    %scan3A_380 = arith.addi %scan3A_378, %scan3A_379 : i32
    %scan3A_381 = arith.constant 1 : i32
    scf.for %scan3A_417 = %scan3A_378 to %scan3A_380 step %scan3A_381  : i32 {
      %mul3A_418 = arith.constant 2 : i32
      %mul3A_419 = arith.muli %mul3A_418, %scan3A_417 : i32
      %mul3A_420 = arith.constant 2 : i32
      %mul3A_421 = arith.muli %mul3A_420, %scan3A_417 : i32
      %add3A_422 = arith.constant 1 : i32
      %add3A_423 = arith.addi %mul3A_421, %add3A_422 : i32
      %dma_wait3A_424 = arith.constant 0 : i32
      %dma_wait3A_425 = arith.constant 0 : i32
      %dma_wait3A_426 = tpu.memref_slice %arg6[%dma_wait3A_424, %mul3A_419, %dma_wait3A_425] : memref<2x20x100xi32, #tpu.memory_space<vmem>> -> memref<1x1x100xi32, #tpu.memory_space<vmem>>
      %dma_wait3A_427 = tpu.memref_squeeze %dma_wait3A_426 : memref<1x1x100xi32, #tpu.memory_space<vmem>> -> memref<100xi32, #tpu.memory_space<vmem>>
      %dma_wait3A_428 = arith.constant 0 : i32
      %dma_wait3A_429 = arith.constant 0 : i32
      %dma_wait3A_430 = tpu.memref_slice %arg3[%dma_wait3A_428, %dma_wait3A_429] : memref<10000x128xf32, #tpu.memory_space<hbm>> -> memref<10000x128xf32, #tpu.memory_space<hbm>>
      tpu.wait_indirect_dma semaphore(%arg10 : memref<!tpu.dma_semaphore, #tpu.memory_space<semaphore_mem>>) src(%dma_wait3A_430 : memref<10000x128xf32, #tpu.memory_space<hbm>>) dst(%arg7 : memref<100x128xf32, #tpu.memory_space<vmem>>)
      %run_scoped3A = arith.constant 1 : i32
      "tpu.region"() ({
        %run_scoped3A_446 = tpu.sem_alloc : memref<!tpu.dma_semaphore, #tpu.memory_space<semaphore_mem>>
        %dma_start3A_447 = arith.constant 0 : i32
        %dma_start3A_448 = tpu.memref_slice %arg6[%run_scoped3A, %mul3A_419, %dma_start3A_447] : memref<2x20x100xi32, #tpu.memory_space<vmem>> -> memref<1x1x100xi32, #tpu.memory_space<vmem>>
        %dma_start3A_449 = tpu.memref_squeeze %dma_start3A_448 : memref<1x1x100xi32, #tpu.memory_space<vmem>> -> memref<100xi32, #tpu.memory_space<vmem>>
        %dma_start3A_450 = arith.constant 0 : i32
        %dma_start3A_451 = arith.constant 0 : i32
        %dma_start3A_452 = tpu.memref_slice %arg9[%dma_start3A_450, %dma_start3A_451] : memref<10240x128xf32, #tpu.memory_space<vmem_shared>> -> memref<10240x128xf32, #tpu.memory_space<vmem_shared>>
        tpu.enqueue_indirect_dma source(%arg7 : memref<100x128xf32, #tpu.memory_space<vmem>>) target(%dma_start3A_452 : memref<10240x128xf32, #tpu.memory_space<vmem_shared>>) offsets(%dma_start3A_449 : memref<100xi32, #tpu.memory_space<vmem>>) semaphore(%run_scoped3A_446 : memref<!tpu.dma_semaphore, #tpu.memory_space<semaphore_mem>>) {add = true}
        %dma_wait3A_453 = arith.constant 0 : i32
        %dma_wait3A_454 = tpu.memref_slice %arg6[%run_scoped3A, %mul3A_419, %dma_wait3A_453] : memref<2x20x100xi32, #tpu.memory_space<vmem>> -> memref<1x1x100xi32, #tpu.memory_space<vmem>>
        %dma_wait3A_455 = tpu.memref_squeeze %dma_wait3A_454 : memref<1x1x100xi32, #tpu.memory_space<vmem>> -> memref<100xi32, #tpu.memory_space<vmem>>
        %dma_wait3A_456 = arith.constant 0 : i32
        %dma_wait3A_457 = arith.constant 0 : i32
        %dma_wait3A_458 = tpu.memref_slice %arg9[%dma_wait3A_456, %dma_wait3A_457] : memref<10240x128xf32, #tpu.memory_space<vmem_shared>> -> memref<10240x128xf32, #tpu.memory_space<vmem_shared>>
        tpu.wait_indirect_dma semaphore(%run_scoped3A_446 : memref<!tpu.dma_semaphore, #tpu.memory_space<semaphore_mem>>) src(%arg7 : memref<100x128xf32, #tpu.memory_space<vmem>>) dst(%dma_wait3A_458 : memref<10240x128xf32, #tpu.memory_space<vmem_shared>>)
        tpu.yield
      }) : () -> ()
      %lt3A = arith.constant 9 : i32
      %lt3A_431 = arith.cmpi slt, %scan3A_417, %lt3A : i32
      %convert_element_type3A = arith.extui %lt3A_431 : i1 to i32
      %cond3A = arith.constant 0 : i32
      %cond3A_432 = arith.cmpi ne, %convert_element_type3A, %cond3A : i32
      scf.if %cond3A_432 {
        %add3A_446 = arith.constant 2 : i32
        %add3A_447 = arith.addi %mul3A_419, %add3A_446 : i32
        %dma_start3A_448 = arith.constant 0 : i32
        %dma_start3A_449 = arith.constant 0 : i32
        %dma_start3A_450 = tpu.memref_slice %arg6[%dma_start3A_448, %add3A_447, %dma_start3A_449] : memref<2x20x100xi32, #tpu.memory_space<vmem>> -> memref<1x1x100xi32, #tpu.memory_space<vmem>>
        %dma_start3A_451 = tpu.memref_squeeze %dma_start3A_450 : memref<1x1x100xi32, #tpu.memory_space<vmem>> -> memref<100xi32, #tpu.memory_space<vmem>>
        %dma_start3A_452 = arith.constant 0 : i32
        %dma_start3A_453 = arith.constant 0 : i32
        %dma_start3A_454 = tpu.memref_slice %arg3[%dma_start3A_452, %dma_start3A_453] : memref<10000x128xf32, #tpu.memory_space<hbm>> -> memref<10000x128xf32, #tpu.memory_space<hbm>>
        tpu.enqueue_indirect_dma source(%dma_start3A_454 : memref<10000x128xf32, #tpu.memory_space<hbm>>) target(%arg7 : memref<100x128xf32, #tpu.memory_space<vmem>>) offsets(%dma_start3A_451 : memref<100xi32, #tpu.memory_space<vmem>>) semaphore(%arg10 : memref<!tpu.dma_semaphore, #tpu.memory_space<semaphore_mem>>)
      } else {
      }
      %dma_wait3A_433 = arith.constant 0 : i32
      %dma_wait3A_434 = arith.constant 0 : i32
      %dma_wait3A_435 = tpu.memref_slice %arg6[%dma_wait3A_433, %add3A_423, %dma_wait3A_434] : memref<2x20x100xi32, #tpu.memory_space<vmem>> -> memref<1x1x100xi32, #tpu.memory_space<vmem>>
      %dma_wait3A_436 = tpu.memref_squeeze %dma_wait3A_435 : memref<1x1x100xi32, #tpu.memory_space<vmem>> -> memref<100xi32, #tpu.memory_space<vmem>>
      %dma_wait3A_437 = arith.constant 0 : i32
      %dma_wait3A_438 = arith.constant 0 : i32
      %dma_wait3A_439 = tpu.memref_slice %arg3[%dma_wait3A_437, %dma_wait3A_438] : memref<10000x128xf32, #tpu.memory_space<hbm>> -> memref<10000x128xf32, #tpu.memory_space<hbm>>
      tpu.wait_indirect_dma semaphore(%arg11 : memref<!tpu.dma_semaphore, #tpu.memory_space<semaphore_mem>>) src(%dma_wait3A_439 : memref<10000x128xf32, #tpu.memory_space<hbm>>) dst(%arg8 : memref<100x128xf32, #tpu.memory_space<vmem>>)
      %run_scoped3A_440 = arith.constant 1 : i32
      "tpu.region"() ({
        %run_scoped3A_446 = tpu.sem_alloc : memref<!tpu.dma_semaphore, #tpu.memory_space<semaphore_mem>>
        %dma_start3A_447 = arith.constant 0 : i32
        %dma_start3A_448 = tpu.memref_slice %arg6[%run_scoped3A_440, %add3A_423, %dma_start3A_447] : memref<2x20x100xi32, #tpu.memory_space<vmem>> -> memref<1x1x100xi32, #tpu.memory_space<vmem>>
        %dma_start3A_449 = tpu.memref_squeeze %dma_start3A_448 : memref<1x1x100xi32, #tpu.memory_space<vmem>> -> memref<100xi32, #tpu.memory_space<vmem>>
        %dma_start3A_450 = arith.constant 0 : i32
        %dma_start3A_451 = arith.constant 0 : i32
        %dma_start3A_452 = tpu.memref_slice %arg9[%dma_start3A_450, %dma_start3A_451] : memref<10240x128xf32, #tpu.memory_space<vmem_shared>> -> memref<10240x128xf32, #tpu.memory_space<vmem_shared>>
        tpu.enqueue_indirect_dma source(%arg8 : memref<100x128xf32, #tpu.memory_space<vmem>>) target(%dma_start3A_452 : memref<10240x128xf32, #tpu.memory_space<vmem_shared>>) offsets(%dma_start3A_449 : memref<100xi32, #tpu.memory_space<vmem>>) semaphore(%run_scoped3A_446 : memref<!tpu.dma_semaphore, #tpu.memory_space<semaphore_mem>>) {add = true}
        %dma_wait3A_453 = arith.constant 0 : i32
        %dma_wait3A_454 = tpu.memref_slice %arg6[%run_scoped3A_440, %add3A_423, %dma_wait3A_453] : memref<2x20x100xi32, #tpu.memory_space<vmem>> -> memref<1x1x100xi32, #tpu.memory_space<vmem>>
        %dma_wait3A_455 = tpu.memref_squeeze %dma_wait3A_454 : memref<1x1x100xi32, #tpu.memory_space<vmem>> -> memref<100xi32, #tpu.memory_space<vmem>>
        %dma_wait3A_456 = arith.constant 0 : i32
        %dma_wait3A_457 = arith.constant 0 : i32
        %dma_wait3A_458 = tpu.memref_slice %arg9[%dma_wait3A_456, %dma_wait3A_457] : memref<10240x128xf32, #tpu.memory_space<vmem_shared>> -> memref<10240x128xf32, #tpu.memory_space<vmem_shared>>
        tpu.wait_indirect_dma semaphore(%run_scoped3A_446 : memref<!tpu.dma_semaphore, #tpu.memory_space<semaphore_mem>>) src(%arg8 : memref<100x128xf32, #tpu.memory_space<vmem>>) dst(%dma_wait3A_458 : memref<10240x128xf32, #tpu.memory_space<vmem_shared>>)
        tpu.yield
      }) : () -> ()
      %lt3A_441 = arith.constant 9 : i32
      %lt3A_442 = arith.cmpi slt, %scan3A_417, %lt3A_441 : i32
      %convert_element_type3A_443 = arith.extui %lt3A_442 : i1 to i32
      %cond3A_444 = arith.constant 0 : i32
      %cond3A_445 = arith.cmpi ne, %convert_element_type3A_443, %cond3A_444 : i32
      scf.if %cond3A_445 {
        %add3A_446 = arith.constant 2 : i32
        %add3A_447 = arith.addi %add3A_423, %add3A_446 : i32
        %dma_start3A_448 = arith.constant 0 : i32
        %dma_start3A_449 = arith.constant 0 : i32
        %dma_start3A_450 = tpu.memref_slice %arg6[%dma_start3A_448, %add3A_447, %dma_start3A_449] : memref<2x20x100xi32, #tpu.memory_space<vmem>> -> memref<1x1x100xi32, #tpu.memory_space<vmem>>
        %dma_start3A_451 = tpu.memref_squeeze %dma_start3A_450 : memref<1x1x100xi32, #tpu.memory_space<vmem>> -> memref<100xi32, #tpu.memory_space<vmem>>
        %dma_start3A_452 = arith.constant 0 : i32
        %dma_start3A_453 = arith.constant 0 : i32
        %dma_start3A_454 = tpu.memref_slice %arg3[%dma_start3A_452, %dma_start3A_453] : memref<10000x128xf32, #tpu.memory_space<hbm>> -> memref<10000x128xf32, #tpu.memory_space<hbm>>
        tpu.enqueue_indirect_dma source(%dma_start3A_454 : memref<10000x128xf32, #tpu.memory_space<hbm>>) target(%arg8 : memref<100x128xf32, #tpu.memory_space<vmem>>) offsets(%dma_start3A_451 : memref<100xi32, #tpu.memory_space<vmem>>) semaphore(%arg11 : memref<!tpu.dma_semaphore, #tpu.memory_space<semaphore_mem>>)
      } else {
      }
    }
    %scan3A_382 = arith.constant 10 : i32
    %dma_wait3A_383 = arith.constant 4 : i32
    %dma_wait3A_384 = arith.constant 0 : i32
    %dma_wait3A_385 = arith.constant 0 : i32
    %dma_wait3A_386 = arith.constant 0 : i32
    %dma_wait3A_387 = tpu.memref_slice %arg2[%arg0, %arg1, %dma_wait3A_383, %dma_wait3A_384, %dma_wait3A_385, %dma_wait3A_386] : memref<2x16x5x2x20x100xi32, #tpu.memory_space<hbm>> -> memref<1x1x1x2x20x100xi32, #tpu.memory_space<hbm>>
    %dma_wait3A_388 = tpu.memref_squeeze %dma_wait3A_387 : memref<1x1x1x2x20x100xi32, #tpu.memory_space<hbm>> -> memref<2x20x100xi32, #tpu.memory_space<hbm>>
    %dma_wait3A_389 = arith.constant 0 : i32
    %dma_wait3A_390 = arith.constant 0 : i32
    %dma_wait3A_391 = arith.constant 0 : i32
    %dma_wait3A_392 = tpu.memref_slice %arg2[%arg0, %arg1, %dma_wait3A_383, %dma_wait3A_389, %dma_wait3A_390, %dma_wait3A_391] : memref<2x16x5x2x20x100xi32, #tpu.memory_space<hbm>> -> memref<1x1x1x2x20x100xi32, #tpu.memory_space<hbm>>
    %dma_wait3A_393 = tpu.memref_squeeze %dma_wait3A_392 : memref<1x1x1x2x20x100xi32, #tpu.memory_space<hbm>> -> memref<2x20x100xi32, #tpu.memory_space<hbm>>
    tpu.wait_dma2 semaphore(%arg14 : memref<!tpu.dma_semaphore, #tpu.memory_space<semaphore_mem>>) src(%dma_wait3A_393 : memref<2x20x100xi32, #tpu.memory_space<hbm>>) dst(%arg5 : memref<2x20x100xi32, #tpu.memory_space<vmem>>)
    %dma_start3A_394 = arith.constant 0 : i32
    %dma_start3A_395 = arith.constant 0 : i32
    %dma_start3A_396 = arith.constant 0 : i32
    %dma_start3A_397 = tpu.memref_slice %arg5[%dma_start3A_394, %dma_start3A_395, %dma_start3A_396] : memref<2x20x100xi32, #tpu.memory_space<vmem>> -> memref<1x1x100xi32, #tpu.memory_space<vmem>>
    %dma_start3A_398 = tpu.memref_squeeze %dma_start3A_397 : memref<1x1x100xi32, #tpu.memory_space<vmem>> -> memref<100xi32, #tpu.memory_space<vmem>>
    %dma_start3A_399 = arith.constant 0 : i32
    %dma_start3A_400 = arith.constant 0 : i32
    %dma_start3A_401 = tpu.memref_slice %arg3[%dma_start3A_399, %dma_start3A_400] : memref<10000x128xf32, #tpu.memory_space<hbm>> -> memref<10000x128xf32, #tpu.memory_space<hbm>>
    tpu.enqueue_indirect_dma source(%dma_start3A_401 : memref<10000x128xf32, #tpu.memory_space<hbm>>) target(%arg7 : memref<100x128xf32, #tpu.memory_space<vmem>>) offsets(%dma_start3A_398 : memref<100xi32, #tpu.memory_space<vmem>>) semaphore(%arg10 : memref<!tpu.dma_semaphore, #tpu.memory_space<semaphore_mem>>)
    %dma_start3A_402 = arith.constant 0 : i32
    %dma_start3A_403 = arith.constant 1 : i32
    %dma_start3A_404 = arith.constant 0 : i32
    %dma_start3A_405 = tpu.memref_slice %arg5[%dma_start3A_402, %dma_start3A_403, %dma_start3A_404] : memref<2x20x100xi32, #tpu.memory_space<vmem>> -> memref<1x1x100xi32, #tpu.memory_space<vmem>>
    %dma_start3A_406 = tpu.memref_squeeze %dma_start3A_405 : memref<1x1x100xi32, #tpu.memory_space<vmem>> -> memref<100xi32, #tpu.memory_space<vmem>>
    %dma_start3A_407 = arith.constant 0 : i32
    %dma_start3A_408 = arith.constant 0 : i32
    %dma_start3A_409 = tpu.memref_slice %arg3[%dma_start3A_407, %dma_start3A_408] : memref<10000x128xf32, #tpu.memory_space<hbm>> -> memref<10000x128xf32, #tpu.memory_space<hbm>>
    tpu.enqueue_indirect_dma source(%dma_start3A_409 : memref<10000x128xf32, #tpu.memory_space<hbm>>) target(%arg8 : memref<100x128xf32, #tpu.memory_space<vmem>>) offsets(%dma_start3A_406 : memref<100xi32, #tpu.memory_space<vmem>>) semaphore(%arg11 : memref<!tpu.dma_semaphore, #tpu.memory_space<semaphore_mem>>)
    %scan3A_410 = arith.constant 0 : i32
    %scan3A_411 = arith.constant 0 : i32
    %scan3A_412 = arith.constant 10 : i32
    %scan3A_413 = arith.addi %scan3A_411, %scan3A_412 : i32
    %scan3A_414 = arith.constant 1 : i32
    scf.for %scan3A_417 = %scan3A_411 to %scan3A_413 step %scan3A_414  : i32 {
      %mul3A_418 = arith.constant 2 : i32
      %mul3A_419 = arith.muli %mul3A_418, %scan3A_417 : i32
      %mul3A_420 = arith.constant 2 : i32
      %mul3A_421 = arith.muli %mul3A_420, %scan3A_417 : i32
      %add3A_422 = arith.constant 1 : i32
      %add3A_423 = arith.addi %mul3A_421, %add3A_422 : i32
      %dma_wait3A_424 = arith.constant 0 : i32
      %dma_wait3A_425 = arith.constant 0 : i32
      %dma_wait3A_426 = tpu.memref_slice %arg5[%dma_wait3A_424, %mul3A_419, %dma_wait3A_425] : memref<2x20x100xi32, #tpu.memory_space<vmem>> -> memref<1x1x100xi32, #tpu.memory_space<vmem>>
      %dma_wait3A_427 = tpu.memref_squeeze %dma_wait3A_426 : memref<1x1x100xi32, #tpu.memory_space<vmem>> -> memref<100xi32, #tpu.memory_space<vmem>>
      %dma_wait3A_428 = arith.constant 0 : i32
      %dma_wait3A_429 = arith.constant 0 : i32
      %dma_wait3A_430 = tpu.memref_slice %arg3[%dma_wait3A_428, %dma_wait3A_429] : memref<10000x128xf32, #tpu.memory_space<hbm>> -> memref<10000x128xf32, #tpu.memory_space<hbm>>
      tpu.wait_indirect_dma semaphore(%arg10 : memref<!tpu.dma_semaphore, #tpu.memory_space<semaphore_mem>>) src(%dma_wait3A_430 : memref<10000x128xf32, #tpu.memory_space<hbm>>) dst(%arg7 : memref<100x128xf32, #tpu.memory_space<vmem>>)
      %run_scoped3A = arith.constant 1 : i32
      "tpu.region"() ({
        %run_scoped3A_446 = tpu.sem_alloc : memref<!tpu.dma_semaphore, #tpu.memory_space<semaphore_mem>>
        %dma_start3A_447 = arith.constant 0 : i32
        %dma_start3A_448 = tpu.memref_slice %arg5[%run_scoped3A, %mul3A_419, %dma_start3A_447] : memref<2x20x100xi32, #tpu.memory_space<vmem>> -> memref<1x1x100xi32, #tpu.memory_space<vmem>>
        %dma_start3A_449 = tpu.memref_squeeze %dma_start3A_448 : memref<1x1x100xi32, #tpu.memory_space<vmem>> -> memref<100xi32, #tpu.memory_space<vmem>>
        %dma_start3A_450 = arith.constant 0 : i32
        %dma_start3A_451 = arith.constant 0 : i32
        %dma_start3A_452 = tpu.memref_slice %arg9[%dma_start3A_450, %dma_start3A_451] : memref<10240x128xf32, #tpu.memory_space<vmem_shared>> -> memref<10240x128xf32, #tpu.memory_space<vmem_shared>>
        tpu.enqueue_indirect_dma source(%arg7 : memref<100x128xf32, #tpu.memory_space<vmem>>) target(%dma_start3A_452 : memref<10240x128xf32, #tpu.memory_space<vmem_shared>>) offsets(%dma_start3A_449 : memref<100xi32, #tpu.memory_space<vmem>>) semaphore(%run_scoped3A_446 : memref<!tpu.dma_semaphore, #tpu.memory_space<semaphore_mem>>) {add = true}
        %dma_wait3A_453 = arith.constant 0 : i32
        %dma_wait3A_454 = tpu.memref_slice %arg5[%run_scoped3A, %mul3A_419, %dma_wait3A_453] : memref<2x20x100xi32, #tpu.memory_space<vmem>> -> memref<1x1x100xi32, #tpu.memory_space<vmem>>
        %dma_wait3A_455 = tpu.memref_squeeze %dma_wait3A_454 : memref<1x1x100xi32, #tpu.memory_space<vmem>> -> memref<100xi32, #tpu.memory_space<vmem>>
        %dma_wait3A_456 = arith.constant 0 : i32
        %dma_wait3A_457 = arith.constant 0 : i32
        %dma_wait3A_458 = tpu.memref_slice %arg9[%dma_wait3A_456, %dma_wait3A_457] : memref<10240x128xf32, #tpu.memory_space<vmem_shared>> -> memref<10240x128xf32, #tpu.memory_space<vmem_shared>>
        tpu.wait_indirect_dma semaphore(%run_scoped3A_446 : memref<!tpu.dma_semaphore, #tpu.memory_space<semaphore_mem>>) src(%arg7 : memref<100x128xf32, #tpu.memory_space<vmem>>) dst(%dma_wait3A_458 : memref<10240x128xf32, #tpu.memory_space<vmem_shared>>)
        tpu.yield
      }) : () -> ()
      %lt3A = arith.constant 9 : i32
      %lt3A_431 = arith.cmpi slt, %scan3A_417, %lt3A : i32
      %convert_element_type3A = arith.extui %lt3A_431 : i1 to i32
      %cond3A = arith.constant 0 : i32
      %cond3A_432 = arith.cmpi ne, %convert_element_type3A, %cond3A : i32
      scf.if %cond3A_432 {
        %add3A_446 = arith.constant 2 : i32
        %add3A_447 = arith.addi %mul3A_419, %add3A_446 : i32
        %dma_start3A_448 = arith.constant 0 : i32
        %dma_start3A_449 = arith.constant 0 : i32
        %dma_start3A_450 = tpu.memref_slice %arg5[%dma_start3A_448, %add3A_447, %dma_start3A_449] : memref<2x20x100xi32, #tpu.memory_space<vmem>> -> memref<1x1x100xi32, #tpu.memory_space<vmem>>
        %dma_start3A_451 = tpu.memref_squeeze %dma_start3A_450 : memref<1x1x100xi32, #tpu.memory_space<vmem>> -> memref<100xi32, #tpu.memory_space<vmem>>
        %dma_start3A_452 = arith.constant 0 : i32
        %dma_start3A_453 = arith.constant 0 : i32
        %dma_start3A_454 = tpu.memref_slice %arg3[%dma_start3A_452, %dma_start3A_453] : memref<10000x128xf32, #tpu.memory_space<hbm>> -> memref<10000x128xf32, #tpu.memory_space<hbm>>
        tpu.enqueue_indirect_dma source(%dma_start3A_454 : memref<10000x128xf32, #tpu.memory_space<hbm>>) target(%arg7 : memref<100x128xf32, #tpu.memory_space<vmem>>) offsets(%dma_start3A_451 : memref<100xi32, #tpu.memory_space<vmem>>) semaphore(%arg10 : memref<!tpu.dma_semaphore, #tpu.memory_space<semaphore_mem>>)
      } else {
      }
      %dma_wait3A_433 = arith.constant 0 : i32
      %dma_wait3A_434 = arith.constant 0 : i32
      %dma_wait3A_435 = tpu.memref_slice %arg5[%dma_wait3A_433, %add3A_423, %dma_wait3A_434] : memref<2x20x100xi32, #tpu.memory_space<vmem>> -> memref<1x1x100xi32, #tpu.memory_space<vmem>>
      %dma_wait3A_436 = tpu.memref_squeeze %dma_wait3A_435 : memref<1x1x100xi32, #tpu.memory_space<vmem>> -> memref<100xi32, #tpu.memory_space<vmem>>
      %dma_wait3A_437 = arith.constant 0 : i32
      %dma_wait3A_438 = arith.constant 0 : i32
      %dma_wait3A_439 = tpu.memref_slice %arg3[%dma_wait3A_437, %dma_wait3A_438] : memref<10000x128xf32, #tpu.memory_space<hbm>> -> memref<10000x128xf32, #tpu.memory_space<hbm>>
      tpu.wait_indirect_dma semaphore(%arg11 : memref<!tpu.dma_semaphore, #tpu.memory_space<semaphore_mem>>) src(%dma_wait3A_439 : memref<10000x128xf32, #tpu.memory_space<hbm>>) dst(%arg8 : memref<100x128xf32, #tpu.memory_space<vmem>>)
      %run_scoped3A_440 = arith.constant 1 : i32
      "tpu.region"() ({
        %run_scoped3A_446 = tpu.sem_alloc : memref<!tpu.dma_semaphore, #tpu.memory_space<semaphore_mem>>
        %dma_start3A_447 = arith.constant 0 : i32
        %dma_start3A_448 = tpu.memref_slice %arg5[%run_scoped3A_440, %add3A_423, %dma_start3A_447] : memref<2x20x100xi32, #tpu.memory_space<vmem>> -> memref<1x1x100xi32, #tpu.memory_space<vmem>>
        %dma_start3A_449 = tpu.memref_squeeze %dma_start3A_448 : memref<1x1x100xi32, #tpu.memory_space<vmem>> -> memref<100xi32, #tpu.memory_space<vmem>>
        %dma_start3A_450 = arith.constant 0 : i32
        %dma_start3A_451 = arith.constant 0 : i32
        %dma_start3A_452 = tpu.memref_slice %arg9[%dma_start3A_450, %dma_start3A_451] : memref<10240x128xf32, #tpu.memory_space<vmem_shared>> -> memref<10240x128xf32, #tpu.memory_space<vmem_shared>>
        tpu.enqueue_indirect_dma source(%arg8 : memref<100x128xf32, #tpu.memory_space<vmem>>) target(%dma_start3A_452 : memref<10240x128xf32, #tpu.memory_space<vmem_shared>>) offsets(%dma_start3A_449 : memref<100xi32, #tpu.memory_space<vmem>>) semaphore(%run_scoped3A_446 : memref<!tpu.dma_semaphore, #tpu.memory_space<semaphore_mem>>) {add = true}
        %dma_wait3A_453 = arith.constant 0 : i32
        %dma_wait3A_454 = tpu.memref_slice %arg5[%run_scoped3A_440, %add3A_423, %dma_wait3A_453] : memref<2x20x100xi32, #tpu.memory_space<vmem>> -> memref<1x1x100xi32, #tpu.memory_space<vmem>>
        %dma_wait3A_455 = tpu.memref_squeeze %dma_wait3A_454 : memref<1x1x100xi32, #tpu.memory_space<vmem>> -> memref<100xi32, #tpu.memory_space<vmem>>
        %dma_wait3A_456 = arith.constant 0 : i32
        %dma_wait3A_457 = arith.constant 0 : i32
        %dma_wait3A_458 = tpu.memref_slice %arg9[%dma_wait3A_456, %dma_wait3A_457] : memref<10240x128xf32, #tpu.memory_space<vmem_shared>> -> memref<10240x128xf32, #tpu.memory_space<vmem_shared>>
        tpu.wait_indirect_dma semaphore(%run_scoped3A_446 : memref<!tpu.dma_semaphore, #tpu.memory_space<semaphore_mem>>) src(%arg8 : memref<100x128xf32, #tpu.memory_space<vmem>>) dst(%dma_wait3A_458 : memref<10240x128xf32, #tpu.memory_space<vmem_shared>>)
        tpu.yield
      }) : () -> ()
      %lt3A_441 = arith.constant 9 : i32
      %lt3A_442 = arith.cmpi slt, %scan3A_417, %lt3A_441 : i32
      %convert_element_type3A_443 = arith.extui %lt3A_442 : i1 to i32
      %cond3A_444 = arith.constant 0 : i32
      %cond3A_445 = arith.cmpi ne, %convert_element_type3A_443, %cond3A_444 : i32
      scf.if %cond3A_445 {
        %add3A_446 = arith.constant 2 : i32
        %add3A_447 = arith.addi %add3A_423, %add3A_446 : i32
        %dma_start3A_448 = arith.constant 0 : i32
        %dma_start3A_449 = arith.constant 0 : i32
        %dma_start3A_450 = tpu.memref_slice %arg5[%dma_start3A_448, %add3A_447, %dma_start3A_449] : memref<2x20x100xi32, #tpu.memory_space<vmem>> -> memref<1x1x100xi32, #tpu.memory_space<vmem>>
        %dma_start3A_451 = tpu.memref_squeeze %dma_start3A_450 : memref<1x1x100xi32, #tpu.memory_space<vmem>> -> memref<100xi32, #tpu.memory_space<vmem>>
        %dma_start3A_452 = arith.constant 0 : i32
        %dma_start3A_453 = arith.constant 0 : i32
        %dma_start3A_454 = tpu.memref_slice %arg3[%dma_start3A_452, %dma_start3A_453] : memref<10000x128xf32, #tpu.memory_space<hbm>> -> memref<10000x128xf32, #tpu.memory_space<hbm>>
        tpu.enqueue_indirect_dma source(%dma_start3A_454 : memref<10000x128xf32, #tpu.memory_space<hbm>>) target(%arg8 : memref<100x128xf32, #tpu.memory_space<vmem>>) offsets(%dma_start3A_451 : memref<100xi32, #tpu.memory_space<vmem>>) semaphore(%arg11 : memref<!tpu.dma_semaphore, #tpu.memory_space<semaphore_mem>>)
      } else {
      }
    }
    %scan3A_415 = arith.constant 10 : i32
    %barrier3A_416 = arith.constant 0 : index
    tpu.barrier barrier_id(%barrier3A_416)
    "tpu.region"() ({
      %run_scoped3A = tpu.sem_alloc : memref<!tpu.dma_semaphore, #tpu.memory_space<semaphore_mem>>
      %dma_start3A_417 = arith.constant 0 : i32
      %dma_start3A_418 = tpu.memref_slice %arg4[%arg0, %mul3A_16, %dma_start3A_417] : memref<2x10240x128xf32, #tpu.memory_space<hbm>> -> memref<1x640x128xf32, #tpu.memory_space<hbm>>
      %dma_start3A_419 = tpu.memref_squeeze %dma_start3A_418 : memref<1x640x128xf32, #tpu.memory_space<hbm>> -> memref<640x128xf32, #tpu.memory_space<hbm>>
      %dma_start3A_420 = arith.constant 0 : i32
      %dma_start3A_421 = tpu.memref_slice %arg9[%mul3A_16, %dma_start3A_420] : memref<10240x128xf32, #tpu.memory_space<vmem_shared>> -> memref<640x128xf32, #tpu.memory_space<vmem_shared>>
      tpu.enqueue_dma source(%dma_start3A_421 : memref<640x128xf32, #tpu.memory_space<vmem_shared>>) target(%dma_start3A_419 : memref<640x128xf32, #tpu.memory_space<hbm>>) target_semaphore(%run_scoped3A : memref<!tpu.dma_semaphore, #tpu.memory_space<semaphore_mem>>)
      %dma_wait3A_422 = arith.constant 0 : i32
      %dma_wait3A_423 = tpu.memref_slice %arg4[%arg0, %mul3A_16, %dma_wait3A_422] : memref<2x10240x128xf32, #tpu.memory_space<hbm>> -> memref<1x640x128xf32, #tpu.memory_space<hbm>>
      %dma_wait3A_424 = tpu.memref_squeeze %dma_wait3A_423 : memref<1x640x128xf32, #tpu.memory_space<hbm>> -> memref<640x128xf32, #tpu.memory_space<hbm>>
      %dma_wait3A_425 = arith.constant 0 : i32
      %dma_wait3A_426 = tpu.memref_slice %arg9[%mul3A_16, %dma_wait3A_425] : memref<10240x128xf32, #tpu.memory_space<vmem_shared>> -> memref<640x128xf32, #tpu.memory_space<vmem_shared>>
      tpu.wait_dma2 semaphore(%run_scoped3A : memref<!tpu.dma_semaphore, #tpu.memory_space<semaphore_mem>>) src(%dma_wait3A_426 : memref<640x128xf32, #tpu.memory_space<vmem_shared>>) dst(%dma_wait3A_424 : memref<640x128xf32, #tpu.memory_space<hbm>>)
      tpu.yield
    }) : () -> ()
    return
  }
}

module attributes {stable_mosaic.version = 14 : i64} {
  func.func @_dense2_body(%arg0: i32, %arg1: memref<2x2000x128xf32, #tpu.memory_space<vmem>>, %arg2: memref<2000x128xf32, #tpu.memory_space<vmem>>, %arg3: memref<128x128xf32, #tpu.memory_space<vmem>>, %arg4: memref<1x128xf32, #tpu.memory_space<vmem>>, %arg5: memref<128x128xf32, #tpu.memory_space<vmem>>, %arg6: memref<2000x128xf32, #tpu.memory_space<vmem>>, %arg7: memref<2000x128xf32, #tpu.memory_space<vmem>>) attributes {dimension_semantics = [#tpu.dimension_semantics<arbitrary>], iteration_bounds = array<i64: 5>, scalar_prefetch = 0 : i64, scratch_operands = 0 : i64, tpu.core_type = #tpu.core_type<tc>, window_params = [{transform_indices = @transform_0, window_bounds = array<i64: 2, 2000, 128>}, {transform_indices = @transform_1, window_bounds = array<i64: 2000, 128>}, {pipeline_mode = #tpu.pipeline_mode<synchronous>, transform_indices = @transform_2, window_bounds = array<i64: 128, 128>}, {pipeline_mode = #tpu.pipeline_mode<synchronous>, transform_indices = @transform_3, window_bounds = array<i64: 1, 128>}, {pipeline_mode = #tpu.pipeline_mode<synchronous>, transform_indices = @transform_4, window_bounds = array<i64: 128, 128>}, {transform_indices = @transform_5, window_bounds = array<i64: 2000, 128>}, {transform_indices = @transform_6, window_bounds = array<i64: 2000, 128>}]} {
    %get3A = arith.constant 0 : index
    %get3A_0 = arith.constant 0 : index
    %get3A_1 = arith.constant 0 : index
    %get3A_2 = vector.load %arg1[%get3A, %get3A_0, %get3A_1] : memref<2x2000x128xf32, #tpu.memory_space<vmem>>, vector<1x2000x128xf32>
    %get3A_3 = vector.shape_cast %get3A_2 : vector<1x2000x128xf32> to vector<2000x128xf32>
    %get3A_4 = arith.constant 1 : index
    %get3A_5 = arith.constant 0 : index
    %get3A_6 = arith.constant 0 : index
    %get3A_7 = vector.load %arg1[%get3A_4, %get3A_5, %get3A_6] : memref<2x2000x128xf32, #tpu.memory_space<vmem>>, vector<1x2000x128xf32>
    %get3A_8 = vector.shape_cast %get3A_7 : vector<1x2000x128xf32> to vector<2000x128xf32>
    %add3A = arith.addf %get3A_3, %get3A_8 : vector<2000x128xf32>
    %get3A_9 = arith.constant 0 : index
    %get3A_10 = arith.constant 0 : index
    %get3A_11 = vector.load %arg2[%get3A_9, %get3A_10] : memref<2000x128xf32, #tpu.memory_space<vmem>>, vector<2000x128xf32>
    %add3A_12 = arith.addf %add3A, %get3A_11 : vector<2000x128xf32>
    %max3A = arith.constant 0.000000e+00 : f32
    %max3A_13 = vector.broadcast %max3A : f32 to vector<2000x128xf32>
    %max3A_14 = arith.maximumf %add3A_12, %max3A_13 : vector<2000x128xf32>
    %get3A_15 = arith.constant 0 : index
    %get3A_16 = arith.constant 0 : index
    %get3A_17 = vector.load %arg3[%get3A_15, %get3A_16] : memref<128x128xf32, #tpu.memory_space<vmem>>, vector<128x128xf32>
    %dot_general3A = arith.constant dense<0.000000e+00> : vector<2000x128xf32>
    %dot_general3A_18 = tpu.matmul %max3A_14, %get3A_17, %dot_general3A {dimension_numbers = #tpu.dot_dimension_numbers<[1], [1], [0], [0], [0, 0, 1, 0], [], []>, precision = #tpu.contract_precision<fp32>, transpose_lhs_hint = false} : vector<2000x128xf32>, vector<128x128xf32>, vector<2000x128xf32> -> vector<2000x128xf32>
    %swap3A = arith.constant 0 : index
    %swap3A_19 = arith.constant 0 : index
    %swap3A_20 = vector.load %arg6[%swap3A, %swap3A_19] : memref<2000x128xf32, #tpu.memory_space<vmem>>, vector<2000x128xf32>
    tpu.vector_store %arg6[%swap3A, %swap3A_19], %dot_general3A_18 {strides = array<i32>} : memref<2000x128xf32, #tpu.memory_space<vmem>>, vector<2000x128xf32>,
    %get3A_21 = arith.constant 0 : index
    %get3A_22 = arith.constant 0 : index
    %get3A_23 = vector.load %arg5[%get3A_21, %get3A_22] : memref<128x128xf32, #tpu.memory_space<vmem>>, vector<128x128xf32>
    %dot_general3A_24 = arith.constant dense<0.000000e+00> : vector<2000x128xf32>
    %dot_general3A_25 = tpu.matmul %max3A_14, %get3A_23, %dot_general3A_24 {dimension_numbers = #tpu.dot_dimension_numbers<[1], [1], [0], [0], [0, 0, 1, 0], [], []>, precision = #tpu.contract_precision<fp32>, transpose_lhs_hint = false} : vector<2000x128xf32>, vector<128x128xf32>, vector<2000x128xf32> -> vector<2000x128xf32>
    %get3A_26 = arith.constant 0 : index
    %get3A_27 = arith.constant 0 : index
    %get3A_28 = vector.load %arg4[%get3A_26, %get3A_27] : memref<1x128xf32, #tpu.memory_space<vmem>>, vector<1x128xf32>
    %add3A_29 = vector.broadcast %get3A_28 : vector<1x128xf32> to vector<2000x128xf32>
    %add3A_30 = arith.addf %dot_general3A_25, %add3A_29 : vector<2000x128xf32>
    %swap3A_31 = arith.constant 0 : index
    %swap3A_32 = arith.constant 0 : index
    %swap3A_33 = vector.load %arg7[%swap3A_31, %swap3A_32] : memref<2000x128xf32, #tpu.memory_space<vmem>>, vector<2000x128xf32>
    tpu.vector_store %arg7[%swap3A_31, %swap3A_32], %add3A_30 {strides = array<i32>} : memref<2000x128xf32, #tpu.memory_space<vmem>>, vector<2000x128xf32>,
    return
  }
  func.func @transform_0(%arg0: i32) -> (i32, i32, i32) {
    %c0_i32 = arith.constant 0 : i32
    %c0_i32_0 = arith.constant 0 : i32
    %c0_i32_1 = arith.constant 0 : i32
    return %c0_i32, %arg0, %c0_i32_0 : i32, i32, i32
  }
  func.func @transform_1(%arg0: i32) -> (i32, i32) {
    %c0_i32 = arith.constant 0 : i32
    %c0_i32_0 = arith.constant 0 : i32
    return %arg0, %c0_i32 : i32, i32
  }
  func.func @transform_2(%arg0: i32) -> (i32, i32) {
    %c0_i32 = arith.constant 0 : i32
    %c0_i32_0 = arith.constant 0 : i32
    %c0_i32_1 = arith.constant 0 : i32
    return %c0_i32, %c0_i32_0 : i32, i32
  }
  func.func @transform_3(%arg0: i32) -> (i32, i32) {
    %c0_i32 = arith.constant 0 : i32
    %c0_i32_0 = arith.constant 0 : i32
    %c0_i32_1 = arith.constant 0 : i32
    return %c0_i32, %c0_i32_0 : i32, i32
  }
  func.func @transform_4(%arg0: i32) -> (i32, i32) {
    %c0_i32 = arith.constant 0 : i32
    %c0_i32_0 = arith.constant 0 : i32
    %c0_i32_1 = arith.constant 0 : i32
    return %c0_i32, %c0_i32_0 : i32, i32
  }
  func.func @transform_5(%arg0: i32) -> (i32, i32) {
    %c0_i32 = arith.constant 0 : i32
    %c0_i32_0 = arith.constant 0 : i32
    return %arg0, %c0_i32 : i32, i32
  }
  func.func @transform_6(%arg0: i32) -> (i32, i32) {
    %c0_i32 = arith.constant 0 : i32
    %c0_i32_0 = arith.constant 0 : i32
    return %arg0, %c0_i32 : i32, i32
  }
}

module attributes {stable_mosaic.version = 14 : i64} {
  func.func @_dense1_body(%arg0: i32, %arg1: memref<2000x128xf32, #tpu.memory_space<vmem>>, %arg2: memref<128x128xf32, #tpu.memory_space<vmem>>, %arg3: memref<1x128xf32, #tpu.memory_space<vmem>>, %arg4: memref<128x128xf32, #tpu.memory_space<vmem>>, %arg5: memref<2000x128xf32, #tpu.memory_space<vmem>>, %arg6: memref<2000x128xf32, #tpu.memory_space<vmem>>) attributes {dimension_semantics = [#tpu.dimension_semantics<arbitrary>], iteration_bounds = array<i64: 5>, scalar_prefetch = 0 : i64, scratch_operands = 0 : i64, tpu.core_type = #tpu.core_type<tc>, window_params = [{transform_indices = @transform_0, window_bounds = array<i64: 2000, 128>}, {pipeline_mode = #tpu.pipeline_mode<synchronous>, transform_indices = @transform_1, window_bounds = array<i64: 128, 128>}, {pipeline_mode = #tpu.pipeline_mode<synchronous>, transform_indices = @transform_2, window_bounds = array<i64: 1, 128>}, {pipeline_mode = #tpu.pipeline_mode<synchronous>, transform_indices = @transform_3, window_bounds = array<i64: 128, 128>}, {transform_indices = @transform_4, window_bounds = array<i64: 2000, 128>}, {transform_indices = @transform_5, window_bounds = array<i64: 2000, 128>}]} {
    %get3A = arith.constant 0 : index
    %get3A_0 = arith.constant 0 : index
    %get3A_1 = vector.load %arg1[%get3A, %get3A_0] : memref<2000x128xf32, #tpu.memory_space<vmem>>, vector<2000x128xf32>
    %get3A_2 = arith.constant 0 : index
    %get3A_3 = arith.constant 0 : index
    %get3A_4 = vector.load %arg2[%get3A_2, %get3A_3] : memref<128x128xf32, #tpu.memory_space<vmem>>, vector<128x128xf32>
    %dot_general3A = arith.constant dense<0.000000e+00> : vector<2000x128xf32>
    %dot_general3A_5 = tpu.matmul %get3A_1, %get3A_4, %dot_general3A {dimension_numbers = #tpu.dot_dimension_numbers<[1], [1], [0], [0], [0, 0, 1, 0], [], []>, precision = #tpu.contract_precision<fp32>, transpose_lhs_hint = false} : vector<2000x128xf32>, vector<128x128xf32>, vector<2000x128xf32> -> vector<2000x128xf32>
    %swap3A = arith.constant 0 : index
    %swap3A_6 = arith.constant 0 : index
    %swap3A_7 = vector.load %arg5[%swap3A, %swap3A_6] : memref<2000x128xf32, #tpu.memory_space<vmem>>, vector<2000x128xf32>
    tpu.vector_store %arg5[%swap3A, %swap3A_6], %dot_general3A_5 {strides = array<i32>} : memref<2000x128xf32, #tpu.memory_space<vmem>>, vector<2000x128xf32>,
    %get3A_8 = arith.constant 0 : index
    %get3A_9 = arith.constant 0 : index
    %get3A_10 = vector.load %arg4[%get3A_8, %get3A_9] : memref<128x128xf32, #tpu.memory_space<vmem>>, vector<128x128xf32>
    %dot_general3A_11 = arith.constant dense<0.000000e+00> : vector<2000x128xf32>
    %dot_general3A_12 = tpu.matmul %get3A_1, %get3A_10, %dot_general3A_11 {dimension_numbers = #tpu.dot_dimension_numbers<[1], [1], [0], [0], [0, 0, 1, 0], [], []>, precision = #tpu.contract_precision<fp32>, transpose_lhs_hint = false} : vector<2000x128xf32>, vector<128x128xf32>, vector<2000x128xf32> -> vector<2000x128xf32>
    %get3A_13 = arith.constant 0 : index
    %get3A_14 = arith.constant 0 : index
    %get3A_15 = vector.load %arg3[%get3A_13, %get3A_14] : memref<1x128xf32, #tpu.memory_space<vmem>>, vector<1x128xf32>
    %add3A = vector.broadcast %get3A_15 : vector<1x128xf32> to vector<2000x128xf32>
    %add3A_16 = arith.addf %dot_general3A_12, %add3A : vector<2000x128xf32>
    %swap3A_17 = arith.constant 0 : index
    %swap3A_18 = arith.constant 0 : index
    %swap3A_19 = vector.load %arg6[%swap3A_17, %swap3A_18] : memref<2000x128xf32, #tpu.memory_space<vmem>>, vector<2000x128xf32>
    tpu.vector_store %arg6[%swap3A_17, %swap3A_18], %add3A_16 {strides = array<i32>} : memref<2000x128xf32, #tpu.memory_space<vmem>>, vector<2000x128xf32>,
    return
  }
  func.func @transform_0(%arg0: i32) -> (i32, i32) {
    %c0_i32 = arith.constant 0 : i32
    %c0_i32_0 = arith.constant 0 : i32
    return %arg0, %c0_i32 : i32, i32
  }
  func.func @transform_1(%arg0: i32) -> (i32, i32) {
    %c0_i32 = arith.constant 0 : i32
    %c0_i32_0 = arith.constant 0 : i32
    %c0_i32_1 = arith.constant 0 : i32
    return %c0_i32, %c0_i32_0 : i32, i32
  }
  func.func @transform_2(%arg0: i32) -> (i32, i32) {
    %c0_i32 = arith.constant 0 : i32
    %c0_i32_0 = arith.constant 0 : i32
    %c0_i32_1 = arith.constant 0 : i32
    return %c0_i32, %c0_i32_0 : i32, i32
  }
  func.func @transform_3(%arg0: i32) -> (i32, i32) {
    %c0_i32 = arith.constant 0 : i32
    %c0_i32_0 = arith.constant 0 : i32
    %c0_i32_1 = arith.constant 0 : i32
    return %c0_i32, %c0_i32_0 : i32, i32
  }
  func.func @transform_4(%arg0: i32) -> (i32, i32) {
    %c0_i32 = arith.constant 0 : i32
    %c0_i32_0 = arith.constant 0 : i32
    return %arg0, %c0_i32 : i32, i32
  }
  func.func @transform_5(%arg0: i32) -> (i32, i32) {
    %c0_i32 = arith.constant 0 : i32
    %c0_i32_0 = arith.constant 0 : i32
    return %arg0, %c0_i32 : i32, i32
  }
}

module attributes {stable_mosaic.version = 14 : i64} {
  func.func @_dense3_body(%arg0: i32, %arg1: memref<2x2000x128xf32, #tpu.memory_space<vmem>>, %arg2: memref<2000x128xf32, #tpu.memory_space<vmem>>, %arg3: memref<2000x128xf32, #tpu.memory_space<vmem>>) attributes {dimension_semantics = [#tpu.dimension_semantics<arbitrary>], iteration_bounds = array<i64: 5>, scalar_prefetch = 0 : i64, scratch_operands = 0 : i64, tpu.core_type = #tpu.core_type<tc>, window_params = [{transform_indices = @transform_0, window_bounds = array<i64: 2, 2000, 128>}, {transform_indices = @transform_1, window_bounds = array<i64: 2000, 128>}, {transform_indices = @transform_2, window_bounds = array<i64: 2000, 128>}]} {
    %get3A = arith.constant 0 : index
    %get3A_0 = arith.constant 0 : index
    %get3A_1 = arith.constant 0 : index
    %get3A_2 = vector.load %arg1[%get3A, %get3A_0, %get3A_1] : memref<2x2000x128xf32, #tpu.memory_space<vmem>>, vector<1x2000x128xf32>
    %get3A_3 = vector.shape_cast %get3A_2 : vector<1x2000x128xf32> to vector<2000x128xf32>
    %get3A_4 = arith.constant 1 : index
    %get3A_5 = arith.constant 0 : index
    %get3A_6 = arith.constant 0 : index
    %get3A_7 = vector.load %arg1[%get3A_4, %get3A_5, %get3A_6] : memref<2x2000x128xf32, #tpu.memory_space<vmem>>, vector<1x2000x128xf32>
    %get3A_8 = vector.shape_cast %get3A_7 : vector<1x2000x128xf32> to vector<2000x128xf32>
    %add3A = arith.addf %get3A_3, %get3A_8 : vector<2000x128xf32>
    %get3A_9 = arith.constant 0 : index
    %get3A_10 = arith.constant 0 : index
    %get3A_11 = vector.load %arg2[%get3A_9, %get3A_10] : memref<2000x128xf32, #tpu.memory_space<vmem>>, vector<2000x128xf32>
    %add3A_12 = arith.addf %add3A, %get3A_11 : vector<2000x128xf32>
    %max3A = arith.constant 0.000000e+00 : f32
    %max3A_13 = vector.broadcast %max3A : f32 to vector<2000x128xf32>
    %max3A_14 = arith.maximumf %add3A_12, %max3A_13 : vector<2000x128xf32>
    %reduce_max3A = arith.constant dense<0xFF800000> : vector<2000xf32>
    %reduce_max3A_15 = vector.multi_reduction <maximumf>, %max3A_14, %reduce_max3A [1] : vector<2000x128xf32> to vector<2000xf32>
    %broadcast_in_dim3A = vector.shape_cast %reduce_max3A_15 : vector<2000xf32> to vector<2000x1xf32>
    %sub3A = vector.broadcast %broadcast_in_dim3A : vector<2000x1xf32> to vector<2000x128xf32>
    %sub3A_16 = arith.subf %max3A_14, %sub3A : vector<2000x128xf32>
    %exp3A = math.exp %sub3A_16 : vector<2000x128xf32>
    %reduce_sum3A = arith.constant dense<0.000000e+00> : vector<2000xf32>
    %reduce_sum3A_17 = vector.multi_reduction <add>, %exp3A, %reduce_sum3A [1] : vector<2000x128xf32> to vector<2000xf32>
    %broadcast_in_dim3A_18 = vector.shape_cast %reduce_sum3A_17 : vector<2000xf32> to vector<2000x1xf32>
    %log3A = math.log %broadcast_in_dim3A_18 : vector<2000x1xf32>
    %add3A_19 = arith.addf %broadcast_in_dim3A, %log3A : vector<2000x1xf32>
    %sub3A_20 = vector.broadcast %add3A_19 : vector<2000x1xf32> to vector<2000x128xf32>
    %sub3A_21 = arith.subf %max3A_14, %sub3A_20 : vector<2000x128xf32>
    %swap3A = arith.constant 0 : index
    %swap3A_22 = arith.constant 0 : index
    %swap3A_23 = vector.load %arg3[%swap3A, %swap3A_22] : memref<2000x128xf32, #tpu.memory_space<vmem>>, vector<2000x128xf32>
    tpu.vector_store %arg3[%swap3A, %swap3A_22], %sub3A_21 {strides = array<i32>} : memref<2000x128xf32, #tpu.memory_space<vmem>>, vector<2000x128xf32>,
    return
  }
  func.func @transform_0(%arg0: i32) -> (i32, i32, i32) {
    %c0_i32 = arith.constant 0 : i32
    %c0_i32_0 = arith.constant 0 : i32
    %c0_i32_1 = arith.constant 0 : i32
    return %c0_i32, %arg0, %c0_i32_0 : i32, i32, i32
  }
  func.func @transform_1(%arg0: i32) -> (i32, i32) {
    %c0_i32 = arith.constant 0 : i32
    %c0_i32_0 = arith.constant 0 : i32
    return %arg0, %c0_i32 : i32, i32
  }
  func.func @transform_2(%arg0: i32) -> (i32, i32) {
    %c0_i32 = arith.constant 0 : i32
    %c0_i32_0 = arith.constant 0 : i32
    return %arg0, %c0_i32 : i32, i32
  }
}

</mosaic_0001>

<sc_bundles>
// kernel: kernel.10.cloned.1.call-start
scs
__scs_entry_jumppad:
0x0: {  	(pc) =	sbr.rel $0x88, $3  }
0x1: {  	(tag) =	ssettag $0x0;
	lr =	simm.s32 $0x1  }
0x2: {  	[smem:$0x3F99] =	sst lr;
	_ =	strace $0xD0000000  }
0x3: {  	_ = 	snop  }
0x4: {  	_ = 	snop  }
0x5: {  	_ = 	snop  }
0x6: {  	_ = 	snop  }
0x7: {  	_ = 	snop  }
__scs_overlays_trampoline_lowered:
0x8: {  	[smem:$0x3FA8] =	sst s0  }
0x9: {  	[smem:$0x3FA9] =	sst s1  }
0xa: {  	[smem:$0x3FAA] =	sst s2  }
0xb: {  	[smem:$0x3FAB] =	sst s3  }
0xc: {  	[smem:$0x3FAC] =	sst s4  }
0xd: {  	[smem:$0x3FAD] =	sst s5  }
0xe: {  	[smem:$0x3FAE] =	sst s6  }
0xf: {  	[smem:$0x3FAF] =	sst s7  }
0x10: {  	[smem:$0x3FB0] =	sst s8  }
0x11: {  	[smem:$0x3FB1] =	sst s9;
	s0 =	simm.s32 @!p0 $0x0  }
0x12: {  	s1 =	sld [smem:$0x3F97];
	s0 =	simm.s32 @p0 $0x1  }
0x13: {  	[smem:$0x3FB2] =	sst s0;
	s0 =	simm.s32 @!p1 $0x0  }
0x14: {  	s2 =	sld [smem:$0x3F96];
	s0 =	simm.s32 @p1 $0x1  }
0x15: {  	[smem:$0x3FB3] =	sst s0;
	s0 =	simm.s32 @!p2 $0x0  }
0x16: {  	s3 =	sld [smem:$0x3FDB];
	s0 =	simm.s32 @p2 $0x1  }
0x17: {  	s4 =	simm.s32 $0x1BF5;
	[smem:$0x3FB5] =	sst s0  }
0x18: {  	s0 =	sld [smem:$0x3F98];
	_ =	swait.ge [sflag:s4], $0x0  }
0x19: {  	s7 =	sld [smem:$0x3F99]  }
0x1a: {  	s8 =	sadd.s32 $0xFFFFE003, lr  }
0x1b: {  	s9 =	sadd.s32 $0xFFFFFEF7, lr;
	s5 =	simm.s32 $0xFFFFFFFF;
	p2 =	slt.u32 s8, $0xFFFFF086  }
0x1c: {  	p1 =	slt.u32 s9, $0xF7A;
	s5 =	simm.s32 @!p2 $0x0  }
0x1d: {  	s5 =	simm.s32 @p1 $0x1;
	p0 =	seq.s32 s7, s2  }
0x1e: {  	s7 =	smul.u32 @!p0 $0xF7A, s2;
	p2 =	seq.s32 @!p0 s5, $0x0  }
0x1f: {  	s9 =	smul.u32 $0xF7A, s1;
	s8 =	simm.s32 @!p0 $0x1BF5;
	p2 =	por !p2, p0  }
0x20: {  	[sflag:s8] =	ssyncset.s32 @!p0 $0xFFFFF086;
	s6 =	sadd.s32 @!p0 s3, s7;
	s7 =	simm.s32 @!p0 $0x108  }
0x21: {  	s3 =	sadd.s32 s3, s9;
	s6 =	sadd.s32 @!p0 $0x88, s6;
	s7 =	simm.s32 @p2 $0x1082  }
0x22: {  	[simem:s7], [sflag:s8] =	dma.local @!p0 [hbm:s6], $0xF7A  }
0x23: {  	s9 =	sor.u32 $0xD0000000, s2;
	s6 =	simm.s32 $0x108;
	_ =	swait.ge @!p0 [sflag:s8], $0x0  }
0x24: {  	s3 =	sadd.s32 $0x88, s3;
	s6 =	simm.s32 @!p1 $0x1082;
	[sflag:s4] =	ssyncset.s32 $0xFFFFF086  }
0x25: {  	[simem:s6], [sflag:s4] =	dma.local [hbm:s3], $0xF7A  }
0x26: {  	[smem:$0x3F99] =	sst s1;
	(tag) =	ssettag s2;
	_ =	strace s9  }
0x27: {  	s1 =	sld [smem:$0x3FA9]  }
0x28: {  	s2 =	sld [smem:$0x3FAA]  }
0x29: {  	s4 =	sld [smem:$0x3FAC]  }
0x2a: {  	p0 =	seq.s32 s5, $0x0;
	s5 =	sld [smem:$0x3FAD]  }
0x2b: {  	s6 =	sld [smem:$0x3FAE]  }
0x2c: {  	s7 =	sld [smem:$0x3FAF]  }
0x2d: {  	s3 =	simm.s32 $0x108;
	s8 =	sld [smem:$0x3FB0]  }
0x2e: {  	s3 =	simm.s32 @!p0 $0x1082;
	s9 =	sld [smem:$0x3FB1]  }
0x2f: {  	lr =	sadd.s32 s0, s3;
	s0 =	sld [smem:$0x3FA8]  }
0x30: {  	s3 =	sld [smem:$0x3FAB]  }
0x31: {  	[smem:$0x3FB4] =	sst s10  }
0x32: {  	s10 =	sld [smem:$0x3FB2];
	_ =	sdelay $0x3  }
0x33: {  	p0 =	seq.s32 s10, $0x1;
	s10 =	sld [smem:$0x3FB4];
	_ =	sdelay $0x3  }
0x34: {  	[smem:$0x3FB4] =	sst s10  }
0x35: {  	s10 =	sld [smem:$0x3FB3];
	_ =	sdelay $0x3  }
0x36: {  	p1 =	seq.s32 s10, $0x1;
	s10 =	sld [smem:$0x3FB4];
	_ =	sdelay $0x3  }
0x37: {  	[smem:$0x3FB4] =	sst s10  }
0x38: {  	s10 =	sld [smem:$0x3FB5]  }
0x39: {  	_ = 	snop;
	(pc) =	sbr.ind lr, $3  }
0x3a: {  	_ = 	snop  }
0x3b: {  	_ = 	snop  }
0x3c: {  	p2 =	seq.s32 s10, $0x1;
	s10 =	sld [smem:$0x3FB4]  }
0x3d: {  	_ =	shalt  }
0x3e: {  	_ =	shalt  }
0x3f: {  	_ =	shalt  }
0x40: {  	_ =	shalt  }
0x41: {  	_ =	shalt  }
0x42: {  	_ =	shalt  }
0x43: {  	_ =	shalt  }
0x44: {  	_ =	shalt  }
0x45: {  	_ =	shalt  }
0x46: {  	_ =	shalt  }
0x47: {  	_ =	shalt  }
0x48: {  	_ =	shalt  }
0x49: {  	_ =	shalt  }
0x4a: {  	_ =	shalt  }
0x4b: {  	_ =	shalt  }
0x4c: {  	_ =	shalt  }
0x4d: {  	_ =	shalt  }
0x4e: {  	_ =	shalt  }
0x4f: {  	_ =	shalt  }
0x50: {  	_ =	shalt  }
0x51: {  	_ =	shalt  }
0x52: {  	_ =	shalt  }
0x53: {  	_ =	shalt  }
0x54: {  	_ =	shalt  }
0x55: {  	_ =	shalt  }
0x56: {  	_ =	shalt  }
0x57: {  	_ =	shalt  }
0x58: {  	_ =	shalt  }
0x59: {  	_ =	shalt  }
0x5a: {  	_ =	shalt  }
0x5b: {  	_ =	shalt  }
0x5c: {  	_ =	shalt  }
0x5d: {  	_ =	shalt  }
0x5e: {  	_ =	shalt  }
0x5f: {  	_ =	shalt  }
0x60: {  	_ =	shalt  }
0x61: {  	_ =	shalt  }
0x62: {  	_ =	shalt  }
0x63: {  	_ =	shalt  }
0x64: {  	_ =	shalt  }
0x65: {  	_ =	shalt  }
0x66: {  	_ =	shalt  }
0x67: {  	_ =	shalt  }
0x68: {  	_ =	shalt  }
0x69: {  	_ =	shalt  }
0x6a: {  	_ =	shalt  }
0x6b: {  	_ =	shalt  }
0x6c: {  	_ =	shalt  }
0x6d: {  	_ =	shalt  }
0x6e: {  	_ =	shalt  }
0x6f: {  	_ =	shalt  }
0x70: {  	_ =	shalt  }
0x71: {  	_ =	shalt  }
0x72: {  	_ =	shalt  }
0x73: {  	_ =	shalt  }
0x74: {  	_ =	shalt  }
0x75: {  	_ =	shalt  }
0x76: {  	_ =	shalt  }
0x77: {  	_ =	shalt  }
0x78: {  	_ =	shalt  }
0x79: {  	_ =	shalt  }
0x7a: {  	_ =	shalt  }
0x7b: {  	_ =	shalt  }
0x7c: {  	_ =	shalt  }
0x7d: {  	_ =	shalt  }
0x7e: {  	_ =	shalt  }
0x7f: {  	_ =	shalt  }
0x80: {  	_ =	shalt  }
0x81: {  	_ =	shalt  }
0x82: {  	_ =	shalt  }
0x83: {  	_ =	shalt  }
0x84: {  	_ =	shalt  }
0x85: {  	_ =	shalt  }
0x86: {  	_ =	shalt  }
0x87: {  	_ =	shalt  }
.Lfunc_end0:
.L_simem_size_0:
called_computation.1_lowered:
.L_overlay_start_0:
0x88: {  	s2 =	sld [smem:$0x3FD9]  }
0x89: {  	s3 =	sld [smem:$0x3FFE];
	_ =	sdelay $0x1  }
0x8a: {  	s1 =	srdreg.scid  }
0x8b: {  	s0 =	sand.u32 $0x1, s1  }
0x8c: {  	s17 =	sshll.u32 s0, $0xA;
	s2 =	sadd.s32 s3, s2  }
0x8d: {  	s2 =	sadd.s32 s2, s17  }
0x8e: {  	[smem:$0x3FC0] =	sst s2  }
0x8f: {  	_ = 	snop  }
0x90: {  	s2 =	sld [smem:$0x3FD0];
	(tm) =	ssettm $0x1  }
0x91: {  	s18 =	sld [smem:$0x3FFB];
	_ =	sdelay $0x3  }
0x92: {  	_ =	strace s18  }
0x93: {  	s3 =	sld [smem:$0x3FFC];
	_ =	sdelay $0x3  }
0x94: {  	_ =	strace s3  }
0x95: {  	s3 =	sld [smem:$0x3FFD];
	_ =	sdelay $0x3  }
0x96: {  	_ =	strace s3  }
0x97: {  	_ =	strace $0x8FFFFFFF  }
0x98: {  	s19 =	sld [smem:$0x3FDB];
	_ =	sdelay $0x1  }
0x99: {  	s4 =	simm.s32 $_scs_section_size  }
0x9a: {  	s5 =	simm.s32 $_size__tile_overlayer_lowered;
	s6 =	simm.s32 $_tile_overlayer_lowered  }
0x9b: {  	s22 =	simm.s32 $0x1BFF;
	s21 =	sshll.u32 s6, $0x1;
	s3 =	sadd.s32 s4, s19  }
0x9c: {  	s7 =	simm.s32 $0x0;
	s20 =	sshll.u32 s5, $0x1;
	s5 =	sadd.s32 s21, s3  }
0x9d: {  	[timem:s7], [sflag:s22] =	dma.local [hbm:s5], s20  }
0x9e: {  	_ =	swait.ge [sflag:s22], s20  }
0x9f: {  	s4 =	ssub.s32 $0x0, s20;
	[sflag:s22] =	ssyncset.done $0x0  }
0xa0: {  	[sflag:s22] =	ssyncadd.s32 s4;
	_ =	sdelay $0x1  }
0xa1: {  	s23 =	simm.s32 $0x1B8B  }
0xa2: {  	_ =	swait.ge [sflag:s23], $0x1  }
0xa3: {  	[sflag:s23] =	ssyncset.done $0x0  }
0xa4: {  	s25 =	simm.s32 $0x1B8E;
	s24 =	sld [smem:$0x3FFE];
	[sflag:s23] =	ssyncadd.s32 $0xFFFFFFFF  }
0xa5: {  	s26 =	simm.s32 $execute0_lowered;
	[smem:$0x3FD2] =	sst s25  }
0xa6: {  	s5 =	sshll.u32 s26, $0x1;
	_ =	strace $0x80000049;
	[dreg:$0x1] =	wrdreg $0xFFFFFFFF  }
0xa7: {  	s28 =	simm.s32 $_size_execute0_lowered;
	s3 =	sadd.s32 s3, s5;
	[dreg:$0x0] =	wrdreg $0x0  }
0xa8: {  	s5 =	sshll.u32 s28, $0x1;
	[dreg:$0x2] =	wrdreg s3  }
0xa9: {  	[dreg:$0x3] =	wrdreg s5  }
0xaa: {  	[dreg:$0x4] =	wrdreg $0xC0  }
0xab: {  	_ =	task [dreg:s7], $0x5FFFF  }
0xac: {  	[dreg:$0x1] =	wrdreg $0xFFFFFFFF  }
0xad: {  	[dreg:$0x0] =	wrdreg $0x60  }
0xae: {  	[dreg:$0x2] =	wrdreg s24  }
0xaf: {  	[dreg:$0x3] =	wrdreg s2  }
0xb0: {  	[dreg:$0x4] =	wrdreg $0x98000  }
0xb1: {  	[dreg:$0x5] =	wrdreg $0x9  }
0xb2: {  	_ =	task.clear_ibuf [dreg:s7], $0x6FFFF;
	_ =	strace $0x90000049  }
0xb3: {  	s29 =	simm.s32 $0x9;
	_ =	strace $0x8000004B  }
0xb4: {  	_ =	swait.ge [sflag:s29], $0x1  }
0xb5: {  	[sflag:s29] =	ssyncadd.s32 $0xFFFFFFFF  }
0xb6: {  	_ =	strace $0x9000004B  }
0xb7: {  	_ =	sfence  }
0xb8: {  	s30 =	sld [smem:$0x0];
	_ =	sdelay $0x2  }
0xb9: {  	s31 =	sshll.u32 s1, $0xD;
	s1 =	sshrl.u32 s1, $0x2  }
0xba: {  	s3 =	sand.u32 $0x4000, s31;
	s1 =	sadd.s32 s1, s30  }
0xbb: {  	s0 =	sor.u32 s3, s0;
	s1 =	sshll.u32 s1, $0x11  }
0xbc: {  	s0 =	sor.u32 s1, s0  }
0xbd: {  	s0 =	sadd.s32 $0x8F2B, s0  }
0xbe: {  	[sflag:s0] =	ssyncadd.remote.s32 $0x1  }
0xbf: {  	_ =	sfence.sel $0xFFFF  }
0xc0: {  	[dreg:$0x0] =	wrdreg $0xFFFFFFFF;
	(pc) =	sbr.abs _section_cstart, $3  }
0xc1: {  	[dreg:$0x1] =	wrdreg $0xFFFFFFFF  }
0xc2: {  	_ =	task.clear_ibuf [dreg:s7], $0x2FFFF;
	_ =	strace $0x9FFFFFFF  }
0xc3: {  	(tm) =	ssettm $0x7FFFFFFF  }
tec
execute0_lowered:
.L_overlay_start_1:
0x0: {  	(tag) =	ssettag $0x1  }
0x1: {  	s0 =	rddreg [dreg:$0x0];
	s1 =	srdreg.scid  }
0x2: {  	s2 =	rddreg [dreg:$0x1];
	s9 =	stileid.u32  }
0x3: {  	s3 =	rddreg [dreg:$0x2];
	s4 =	simm.s32 $0x0;
	s6 =	smul.u32 $0x7800, s9  }
0x4: {  	s28 =	simm.s32 $0x64;
	s30 =	simm.s32 $0x6400;
	s8 =	smul.u32 $0x14000, s9  }
0x5: {  	s31 =	simm.s32 $0x1;
	s1 =	sand.u32 $0x1, s1;
	s11 =	smul.u32 $0x50000, s9  }
0x6: {  	s29 =	simm.s32 $0x2700;
	[smem:$0x7FF] =	sst s4;
	s7 =	smul.u32 $0x140000, s1  }
0x7: {  	s5 =	smul.u32 $0x78000, s1;
	_ =	strace $0x8000004A;
	s1 =	ssub.s32 $0x2, s1  }
0x8: {  	s12 =	sshrl.u32 s1, $0x1;
	s10 =	sadd.s32 s8, s7;
	s7 =	sshrl.u32 s11, $0x2  }
0x9: {  	s5 =	sadd.s32 s6, s5;
	s1 =	ssub.s32 s1, s12;
	s14 =	sadd.s32 s7, s3  }
0xa: {  	s12 =	simm.s32 $0xC00;
	s25 =	smax.u32 s1, $0x1;
	[dreg:$0x13] =	wrdreg s14  }
0xb: {  	s5 =	sshrl.u32 s5, $0x3;
	s7 =	sadd.s32 $0x2800, s14;
	[dreg:$0xd] =	wrdreg s25  }
0xc: {  	s6 =	sshrl.u32 s10, $0x3;
	s15 =	sadd.s32 $0x5000, s14;
	[dreg:$0x5] =	wrdreg s7  }
0xd: {  	s1 =	simm.s32 $0x5;
	s16 =	sadd.s32 $0x7800, s14;
	[dreg:$0x6] =	wrdreg s15  }
0xe: {  	s5 =	sadd.s32 s5, s0;
	s17 =	sadd.s32 $0xA000, s14;
	[dreg:$0x7] =	wrdreg s16  }
0xf: {  	s0 =	sadd.s32 s6, s0;
	s18 =	sadd.s32 $0xC800, s14;
	[dreg:$0x8] =	wrdreg s17  }
0x10: {  	s19 =	sadd.s32 $0xF000, s14;
	s20 =	sadd.s32 $0x11800, s14;
	[dreg:$0x9] =	wrdreg s18  }
0x11: {  	s6 =	simm.s32 $0x2400;
	s14 =	simm.s32 $0x2500;
	[dreg:$0xa] =	wrdreg s19  }
0x12: {  	s25 =	simm.s32 $0x1B80;
	s13 =	sadd.s32 $0x2600, s5;
	[dreg:$0xb] =	wrdreg s20  }
0x13: {  	s21 =	sadd.s32 $0x2900, s5;
	s22 =	sadd.s32 $0x2C00, s5;
	[dreg:$0x4] =	wrdreg s13  }
0x14: {  	s23 =	sadd.s32 $0x2F00, s5;
	s24 =	sadd.s32 $0x3200, s5;
	[dreg:$0xf] =	wrdreg s21  }
0x15: {  	s0 =	sadd.s32 $0x20600, s0;
	s26 =	sadd.s32 $0x2780, s5;
	[dreg:$0x10] =	wrdreg s22  }
0x16: {  	s5 =	simm.s32 $0x2;
	s7 =	simm.s32 $0x0;
	[dreg:$0x11] =	wrdreg s23  }
0x17: {  	s15 =	simm.s32 $0x1A00;
	s16 =	simm.s32 $0x2580;
	[dreg:$0x12] =	wrdreg s24  }
0x18: {  	s17 =	simm.s32 $0x1A80;
	s18 =	simm.s32 $0x2600;
	[dreg:$0xc] =	wrdreg s0  }
0x19: {  	s19 =	simm.s32 $0x1B00;
	s20 =	simm.s32 $0x2680;
	[dreg:$0xe] =	wrdreg s26  }
0x1a: {  	s22 =	simm.s32 $0x3000;
	s23 =	simm.s32 $0x3;
	s24 =	simm.s32 $0x4  }
0x1b: {  	v0 =	vimm.f32 $0.0e+00;
	s26 =	simm.s32 $0x1800;
	s21 =	simm.s32 $0x1900;
	s13 =	simm.s32 $0x1980  }
.LBB2_1:
0x1c: {  	s8 =	rddreg [dreg:$0x4]  }
0x1d: {  	[tilespmem:s4], [sflag:$0x4] =	stream.linear.gather [hbm4b:s8+s4], $0xA00, $0x38;
	[tilespmem:$0x1D800] =	vst v63  }
0x1e: {  	s10 =	rddreg [dreg:$0xe];
	s11 =	sand.u32 $0xFE00, s4  }
0x1f: {  	[tilespmem:s12], [sflag:$0x4] =	stream.linear.gather [hbm4b:s10+s4], $0xA00, $0x38;
	[tilespmem:$0x1D800] =	vst v63  }
0x20: {  	s9 =	sand.u32 $0x70, s4;
	s10 =	sshrl.u32 s11, $0x2  }
0x21: {  	s8 =	simm.s32 $0x40;
	s10 =	sor.u32 s9, s10;
	s9 =	simm.s32 $0x0  }
.LBB2_2:
0x22: {  	p0 =	sne.s32 s8, $0xC7C0  }
0x23: {  	[tilespmem:s10+$0x3000] =	vst v0;
	s9 =	sadd.s32 $0x10, s9;
	s10 =	smov.u32 s8;
	s8 =	sadd.s32 $0x40, s8  }
.Ltmp0:
0x24: {  	(pc) =	sbr.rel @p0 .LBB2_2-.Ltmp0, $4  }
0x25: {  	_ = 	snop  }
0x26: {  	s10 =	sand.u32 $0xFE00, s10  }
0x27: {  	s11 =	sand.u32 $0x70, s9;
	s10 =	sshrl.u32 s10, $0x2  }
0x28: {  	s10 =	sor.u32 s11, s10  }
0x29: {  	[tilespmem:s10+$0x3000] =	vst v0;
	s0 =	rddreg [dreg:$0x13]  }
0x2a: {  	[spmem:s0] =	stream.linear.scatter [tilespmem:s22], [sflag:$0x3], $0x2800, $0x38;
	[tilespmem:$0x1D800] =	vst v63  }
0x2b: {  	s8 =	rddreg [dreg:$0x5]  }
0x2c: {  	[spmem:s8] =	stream.linear.scatter [tilespmem:s22], [sflag:$0x3], $0x2800, $0x38;
	[tilespmem:$0x1D800] =	vst v63  }
0x2d: {  	s11 =	rddreg [dreg:$0x6]  }
0x2e: {  	[spmem:s11] =	stream.linear.scatter [tilespmem:s22], [sflag:$0x3], $0x2800, $0x38;
	[tilespmem:$0x1D800] =	vst v63  }
0x2f: {  	s0 =	rddreg [dreg:$0x7]  }
0x30: {  	[spmem:s0] =	stream.linear.scatter [tilespmem:s22], [sflag:$0x3], $0x2800, $0x38;
	[tilespmem:$0x1D800] =	vst v63  }
0x31: {  	s9 =	rddreg [dreg:$0x8]  }
0x32: {  	[spmem:s9] =	stream.linear.scatter [tilespmem:s22], [sflag:$0x3], $0x2800, $0x38;
	[tilespmem:$0x1D800] =	vst v63  }
0x33: {  	s10 =	rddreg [dreg:$0x9]  }
0x34: {  	[spmem:s10] =	stream.linear.scatter [tilespmem:s22], [sflag:$0x3], $0x2800, $0x38;
	[tilespmem:$0x1D800] =	vst v63  }
0x35: {  	s11 =	rddreg [dreg:$0xa]  }
0x36: {  	[spmem:s11] =	stream.linear.scatter [tilespmem:s22], [sflag:$0x3], $0x2800, $0x38;
	[tilespmem:$0x1D800] =	vst v63  }
0x37: {  	s0 =	rddreg [dreg:$0xb]  }
0x38: {  	[spmem:s0] =	stream.linear.scatter [tilespmem:s22], [sflag:$0x3], $0x2800, $0x38;
	[tilespmem:$0x1D800] =	vst v63  }
0x39: {  	_ =	swait.ge [sflag:s23], $0x2800  }
0x3a: {  	[sflag:s23] =	ssyncset.done $0x0  }
0x3b: {  	[sflag:s23] =	ssyncadd.s32 $0xFFFFD800  }
0x3c: {  	_ =	swait.ge [sflag:s23], $0x2800  }
0x3d: {  	[sflag:s23] =	ssyncset.done $0x0  }
0x3e: {  	[sflag:s23] =	ssyncadd.s32 $0xFFFFD800  }
0x3f: {  	_ =	swait.ge [sflag:s23], $0x2800  }
0x40: {  	[sflag:s23] =	ssyncset.done $0x0  }
0x41: {  	[sflag:s23] =	ssyncadd.s32 $0xFFFFD800  }
0x42: {  	_ =	swait.ge [sflag:s23], $0x2800  }
0x43: {  	[sflag:s23] =	ssyncset.done $0x0  }
0x44: {  	[sflag:s23] =	ssyncadd.s32 $0xFFFFD800  }
0x45: {  	_ =	swait.ge [sflag:s23], $0x2800  }
0x46: {  	[sflag:s23] =	ssyncset.done $0x0  }
0x47: {  	[sflag:s23] =	ssyncadd.s32 $0xFFFFD800  }
0x48: {  	_ =	swait.ge [sflag:s23], $0x2800  }
0x49: {  	[sflag:s23] =	ssyncset.done $0x0  }
0x4a: {  	[sflag:s23] =	ssyncadd.s32 $0xFFFFD800  }
0x4b: {  	_ =	swait.ge [sflag:s23], $0x2800  }
0x4c: {  	[sflag:s23] =	ssyncset.done $0x0  }
0x4d: {  	[sflag:s23] =	ssyncadd.s32 $0xFFFFD800  }
0x4e: {  	_ =	swait.ge [sflag:s23], $0x2800  }
0x4f: {  	[sflag:s23] =	ssyncset.done $0x0  }
0x50: {  	[sflag:s23] =	ssyncadd.s32 $0xFFFFD800  }
0x51: {  	_ =	swait.ge [sflag:s24], $0x1400  }
0x52: {  	[sflag:s24] =	ssyncset.done $0x0  }
0x53: {  	[sflag:s24] =	ssyncadd.s32 $0xFFFFEC00  }
0x54: {  	[bflag:$0x0] =	sbarrier.arrive $0xFFFF  }
0x55: {  	s8 =	rddreg [dreg:$0xf]  }
0x56: {  	[tilespmem:s26], [sflag:$0x4] =	stream.linear.gather [hbm4b:s8+s4], $0xA00, $0x38;
	[tilespmem:$0x1D800] =	vst v63  }
0x57: {  	s9 =	sadd.s32 $0x180, s8  }
0x58: {  	[tilespmem:s6], [sflag:$0x4] =	stream.linear.gather [hbm4b:s9+s4], $0xA00, $0x38;
	[tilespmem:$0x1D800] =	vst v63  }
0x59: {  	_ = 	snop  }
0x5a: {  	[tilespmem:s22], [sflag:$0x1] =	stream.indirect.gather [hbm4b:s2+s28], $0x80, s4, s28, $0xb8;
	[tilespmem:$0x1D800] =	vst v63  }
0x5b: {  	s10 =	simm.s32 $0x80  }
0x5c: {  	[tilespmem:s30], [sflag:$0x2] =	stream.indirect.gather [hbm4b:s2+s28], $0x80, s10, s28, $0xb8;
	[tilespmem:$0x1D800] =	vst v63  }
0x5d: {  	_ =	swait.ge [sflag:s31], $0x3200  }
0x5e: {  	[sflag:s31] =	ssyncset.done $0x0  }
0x5f: {  	[sflag:s31] =	ssyncadd.s32 $0xFFFFCE00  }
0x60: {  	[spmem:s3] =	stream.indirect.scatter.add.f32 [tilespmem:s22], [sflag:$0x5], $0x80, s12, s28, $0xb8;
	[tilespmem:$0x1D800] =	vst v63  }
0x61: {  	_ =	swait.ge [sflag:s1], $0x3200  }
0x62: {  	[sflag:s1] =	ssyncset.done $0x0  }
0x63: {  	s11 =	simm.s32 $0x100;
	[sflag:s1] =	ssyncadd.s32 $0xFFFFCE00  }
0x64: {  	[tilespmem:s22], [sflag:$0x1] =	stream.indirect.gather [hbm4b:s2+s28], $0x80, s11, s28, $0xb8;
	[tilespmem:$0x1D800] =	vst v63  }
0x65: {  	_ =	swait.ge [sflag:s5], $0x3200  }
0x66: {  	[sflag:s5] =	ssyncset.done $0x0  }
0x67: {  	s8 =	simm.s32 $0xC80;
	[sflag:s5] =	ssyncadd.s32 $0xFFFFCE00  }
0x68: {  	[spmem:s3] =	stream.indirect.scatter.add.f32 [tilespmem:s30], [sflag:$0x5], $0x80, s8, s28, $0xb8;
	[tilespmem:$0x1D800] =	vst v63  }
0x69: {  	_ =	swait.ge [sflag:s1], $0x3200  }
0x6a: {  	[sflag:s1] =	ssyncset.done $0x0  }
0x6b: {  	s9 =	simm.s32 $0x180;
	[sflag:s1] =	ssyncadd.s32 $0xFFFFCE00  }
0x6c: {  	[tilespmem:s30], [sflag:$0x2] =	stream.indirect.gather [hbm4b:s2+s28], $0x80, s9, s28, $0xb8;
	[tilespmem:$0x1D800] =	vst v63  }
0x6d: {  	_ =	swait.ge [sflag:s31], $0x3200  }
0x6e: {  	[sflag:s31] =	ssyncset.done $0x0  }
0x6f: {  	s10 =	simm.s32 $0xD00;
	[sflag:s31] =	ssyncadd.s32 $0xFFFFCE00  }
0x70: {  	[spmem:s3] =	stream.indirect.scatter.add.f32 [tilespmem:s22], [sflag:$0x5], $0x80, s10, s28, $0xb8;
	[tilespmem:$0x1D800] =	vst v63  }
0x71: {  	_ =	swait.ge [sflag:s1], $0x3200  }
0x72: {  	[sflag:s1] =	ssyncset.done $0x0  }
0x73: {  	s11 =	simm.s32 $0x200;
	[sflag:s1] =	ssyncadd.s32 $0xFFFFCE00  }
0x74: {  	[tilespmem:s22], [sflag:$0x1] =	stream.indirect.gather [hbm4b:s2+s28], $0x80, s11, s28, $0xb8;
	[tilespmem:$0x1D800] =	vst v63  }
0x75: {  	_ =	swait.ge [sflag:s5], $0x3200  }
0x76: {  	[sflag:s5] =	ssyncset.done $0x0  }
0x77: {  	s8 =	simm.s32 $0xD80;
	[sflag:s5] =	ssyncadd.s32 $0xFFFFCE00  }
0x78: {  	[spmem:s3] =	stream.indirect.scatter.add.f32 [tilespmem:s30], [sflag:$0x5], $0x80, s8, s28, $0xb8;
	[tilespmem:$0x1D800] =	vst v63  }
0x79: {  	_ =	swait.ge [sflag:s1], $0x3200  }
0x7a: {  	[sflag:s1] =	ssyncset.done $0x0  }
0x7b: {  	s9 =	simm.s32 $0x280;
	[sflag:s1] =	ssyncadd.s32 $0xFFFFCE00  }
0x7c: {  	[tilespmem:s30], [sflag:$0x2] =	stream.indirect.gather [hbm4b:s2+s28], $0x80, s9, s28, $0xb8;
	[tilespmem:$0x1D800] =	vst v63  }
0x7d: {  	_ =	swait.ge [sflag:s31], $0x3200  }
0x7e: {  	[sflag:s31] =	ssyncset.done $0x0  }
0x7f: {  	s10 =	simm.s32 $0xE00;
	[sflag:s31] =	ssyncadd.s32 $0xFFFFCE00  }
0x80: {  	[spmem:s3] =	stream.indirect.scatter.add.f32 [tilespmem:s22], [sflag:$0x5], $0x80, s10, s28, $0xb8;
	[tilespmem:$0x1D800] =	vst v63  }
0x81: {  	_ =	swait.ge [sflag:s1], $0x3200  }
0x82: {  	[sflag:s1] =	ssyncset.done $0x0  }
0x83: {  	s11 =	simm.s32 $0x300;
	[sflag:s1] =	ssyncadd.s32 $0xFFFFCE00  }
0x84: {  	[tilespmem:s22], [sflag:$0x1] =	stream.indirect.gather [hbm4b:s2+s28], $0x80, s11, s28, $0xb8;
	[tilespmem:$0x1D800] =	vst v63  }
0x85: {  	_ =	swait.ge [sflag:s5], $0x3200  }
0x86: {  	[sflag:s5] =	ssyncset.done $0x0  }
0x87: {  	s8 =	simm.s32 $0xE80;
	[sflag:s5] =	ssyncadd.s32 $0xFFFFCE00  }
0x88: {  	[spmem:s3] =	stream.indirect.scatter.add.f32 [tilespmem:s30], [sflag:$0x5], $0x80, s8, s28, $0xb8;
	[tilespmem:$0x1D800] =	vst v63  }
0x89: {  	_ =	swait.ge [sflag:s1], $0x3200  }
0x8a: {  	[sflag:s1] =	ssyncset.done $0x0  }
0x8b: {  	s9 =	simm.s32 $0x380;
	[sflag:s1] =	ssyncadd.s32 $0xFFFFCE00  }
0x8c: {  	[tilespmem:s30], [sflag:$0x2] =	stream.indirect.gather [hbm4b:s2+s28], $0x80, s9, s28, $0xb8;
	[tilespmem:$0x1D800] =	vst v63  }
0x8d: {  	_ =	swait.ge [sflag:s31], $0x3200  }
0x8e: {  	[sflag:s31] =	ssyncset.done $0x0  }
0x8f: {  	s10 =	simm.s32 $0xF00;
	[sflag:s31] =	ssyncadd.s32 $0xFFFFCE00  }
0x90: {  	[spmem:s3] =	stream.indirect.scatter.add.f32 [tilespmem:s22], [sflag:$0x5], $0x80, s10, s28, $0xb8;
	[tilespmem:$0x1D800] =	vst v63  }
0x91: {  	_ =	swait.ge [sflag:s1], $0x3200  }
0x92: {  	[sflag:s1] =	ssyncset.done $0x0  }
0x93: {  	s11 =	simm.s32 $0x400;
	[sflag:s1] =	ssyncadd.s32 $0xFFFFCE00  }
0x94: {  	[tilespmem:s22], [sflag:$0x1] =	stream.indirect.gather [hbm4b:s2+s28], $0x80, s11, s28, $0xb8;
	[tilespmem:$0x1D800] =	vst v63  }
0x95: {  	_ =	swait.ge [sflag:s5], $0x3200  }
0x96: {  	[sflag:s5] =	ssyncset.done $0x0  }
0x97: {  	s8 =	simm.s32 $0xF80;
	[sflag:s5] =	ssyncadd.s32 $0xFFFFCE00  }
0x98: {  	[spmem:s3] =	stream.indirect.scatter.add.f32 [tilespmem:s30], [sflag:$0x5], $0x80, s8, s28, $0xb8;
	[tilespmem:$0x1D800] =	vst v63  }
0x99: {  	_ =	swait.ge [sflag:s1], $0x3200  }
0x9a: {  	[sflag:s1] =	ssyncset.done $0x0  }
0x9b: {  	s9 =	simm.s32 $0x480;
	[sflag:s1] =	ssyncadd.s32 $0xFFFFCE00  }
0x9c: {  	[tilespmem:s30], [sflag:$0x2] =	stream.indirect.gather [hbm4b:s2+s28], $0x80, s9, s28, $0xb8;
	[tilespmem:$0x1D800] =	vst v63  }
0x9d: {  	_ =	swait.ge [sflag:s31], $0x3200  }
0x9e: {  	[sflag:s31] =	ssyncset.done $0x0  }
0x9f: {  	s10 =	simm.s32 $0x1000;
	[sflag:s31] =	ssyncadd.s32 $0xFFFFCE00  }
0xa0: {  	[spmem:s3] =	stream.indirect.scatter.add.f32 [tilespmem:s22], [sflag:$0x5], $0x80, s10, s28, $0xb8;
	[tilespmem:$0x1D800] =	vst v63  }
0xa1: {  	_ =	swait.ge [sflag:s1], $0x3200  }
0xa2: {  	[sflag:s1] =	ssyncset.done $0x0  }
0xa3: {  	s11 =	simm.s32 $0x500;
	[sflag:s1] =	ssyncadd.s32 $0xFFFFCE00  }
0xa4: {  	[tilespmem:s22], [sflag:$0x1] =	stream.indirect.gather [hbm4b:s2+s28], $0x80, s11, s28, $0xb8;
	[tilespmem:$0x1D800] =	vst v63  }
0xa5: {  	_ =	swait.ge [sflag:s5], $0x3200  }
0xa6: {  	[sflag:s5] =	ssyncset.done $0x0  }
0xa7: {  	s8 =	simm.s32 $0x1080;
	[sflag:s5] =	ssyncadd.s32 $0xFFFFCE00  }
0xa8: {  	[spmem:s3] =	stream.indirect.scatter.add.f32 [tilespmem:s30], [sflag:$0x5], $0x80, s8, s28, $0xb8;
	[tilespmem:$0x1D800] =	vst v63  }
0xa9: {  	_ =	swait.ge [sflag:s1], $0x3200  }
0xaa: {  	[sflag:s1] =	ssyncset.done $0x0  }
0xab: {  	s9 =	simm.s32 $0x580;
	[sflag:s1] =	ssyncadd.s32 $0xFFFFCE00  }
0xac: {  	[tilespmem:s30], [sflag:$0x2] =	stream.indirect.gather [hbm4b:s2+s28], $0x80, s9, s28, $0xb8;
	[tilespmem:$0x1D800] =	vst v63  }
0xad: {  	_ =	swait.ge [sflag:s31], $0x3200  }
0xae: {  	[sflag:s31] =	ssyncset.done $0x0  }
0xaf: {  	s10 =	simm.s32 $0x1100;
	[sflag:s31] =	ssyncadd.s32 $0xFFFFCE00  }
0xb0: {  	[spmem:s3] =	stream.indirect.scatter.add.f32 [tilespmem:s22], [sflag:$0x5], $0x80, s10, s28, $0xb8;
	[tilespmem:$0x1D800] =	vst v63  }
0xb1: {  	_ =	swait.ge [sflag:s1], $0x3200  }
0xb2: {  	[sflag:s1] =	ssyncset.done $0x0  }
0xb3: {  	s11 =	simm.s32 $0x600;
	[sflag:s1] =	ssyncadd.s32 $0xFFFFCE00  }
0xb4: {  	[tilespmem:s22], [sflag:$0x1] =	stream.indirect.gather [hbm4b:s2+s28], $0x80, s11, s28, $0xb8;
	[tilespmem:$0x1D800] =	vst v63  }
0xb5: {  	_ =	swait.ge [sflag:s5], $0x3200  }
0xb6: {  	[sflag:s5] =	ssyncset.done $0x0  }
0xb7: {  	s8 =	simm.s32 $0x1180;
	[sflag:s5] =	ssyncadd.s32 $0xFFFFCE00  }
0xb8: {  	[spmem:s3] =	stream.indirect.scatter.add.f32 [tilespmem:s30], [sflag:$0x5], $0x80, s8, s28, $0xb8;
	[tilespmem:$0x1D800] =	vst v63  }
0xb9: {  	_ =	swait.ge [sflag:s1], $0x3200  }
0xba: {  	[sflag:s1] =	ssyncset.done $0x0  }
0xbb: {  	s9 =	simm.s32 $0x680;
	[sflag:s1] =	ssyncadd.s32 $0xFFFFCE00  }
0xbc: {  	[tilespmem:s30], [sflag:$0x2] =	stream.indirect.gather [hbm4b:s2+s28], $0x80, s9, s28, $0xb8;
	[tilespmem:$0x1D800] =	vst v63  }
0xbd: {  	_ =	swait.ge [sflag:s31], $0x3200  }
0xbe: {  	[sflag:s31] =	ssyncset.done $0x0  }
0xbf: {  	s10 =	simm.s32 $0x1200;
	[sflag:s31] =	ssyncadd.s32 $0xFFFFCE00  }
0xc0: {  	[spmem:s3] =	stream.indirect.scatter.add.f32 [tilespmem:s22], [sflag:$0x5], $0x80, s10, s28, $0xb8;
	[tilespmem:$0x1D800] =	vst v63  }
0xc1: {  	_ =	swait.ge [sflag:s1], $0x3200  }
0xc2: {  	[sflag:s1] =	ssyncset.done $0x0  }
0xc3: {  	s11 =	simm.s32 $0x700;
	[sflag:s1] =	ssyncadd.s32 $0xFFFFCE00  }
0xc4: {  	[tilespmem:s22], [sflag:$0x1] =	stream.indirect.gather [hbm4b:s2+s28], $0x80, s11, s28, $0xb8;
	[tilespmem:$0x1D800] =	vst v63  }
0xc5: {  	_ =	swait.ge [sflag:s5], $0x3200  }
0xc6: {  	[sflag:s5] =	ssyncset.done $0x0  }
0xc7: {  	s8 =	simm.s32 $0x1280;
	[sflag:s5] =	ssyncadd.s32 $0xFFFFCE00  }
0xc8: {  	[spmem:s3] =	stream.indirect.scatter.add.f32 [tilespmem:s30], [sflag:$0x5], $0x80, s8, s28, $0xb8;
	[tilespmem:$0x1D800] =	vst v63  }
0xc9: {  	_ =	swait.ge [sflag:s1], $0x3200  }
0xca: {  	[sflag:s1] =	ssyncset.done $0x0  }
0xcb: {  	s9 =	simm.s32 $0x780;
	[sflag:s1] =	ssyncadd.s32 $0xFFFFCE00  }
0xcc: {  	[tilespmem:s30], [sflag:$0x2] =	stream.indirect.gather [hbm4b:s2+s28], $0x80, s9, s28, $0xb8;
	[tilespmem:$0x1D800] =	vst v63  }
0xcd: {  	_ =	swait.ge [sflag:s31], $0x3200  }
0xce: {  	[sflag:s31] =	ssyncset.done $0x0  }
0xcf: {  	s10 =	simm.s32 $0x1300;
	[sflag:s31] =	ssyncadd.s32 $0xFFFFCE00  }
0xd0: {  	[spmem:s3] =	stream.indirect.scatter.add.f32 [tilespmem:s22], [sflag:$0x5], $0x80, s10, s28, $0xb8;
	[tilespmem:$0x1D800] =	vst v63  }
0xd1: {  	_ =	swait.ge [sflag:s1], $0x3200  }
0xd2: {  	[sflag:s1] =	ssyncset.done $0x0  }
0xd3: {  	s11 =	simm.s32 $0x800;
	[sflag:s1] =	ssyncadd.s32 $0xFFFFCE00  }
0xd4: {  	[tilespmem:s22], [sflag:$0x1] =	stream.indirect.gather [hbm4b:s2+s28], $0x80, s11, s28, $0xb8;
	[tilespmem:$0x1D800] =	vst v63  }
0xd5: {  	_ =	swait.ge [sflag:s5], $0x3200  }
0xd6: {  	[sflag:s5] =	ssyncset.done $0x0  }
0xd7: {  	s8 =	simm.s32 $0x1380;
	[sflag:s5] =	ssyncadd.s32 $0xFFFFCE00  }
0xd8: {  	[spmem:s3] =	stream.indirect.scatter.add.f32 [tilespmem:s30], [sflag:$0x5], $0x80, s8, s28, $0xb8;
	[tilespmem:$0x1D800] =	vst v63  }
0xd9: {  	_ =	swait.ge [sflag:s1], $0x3200  }
0xda: {  	[sflag:s1] =	ssyncset.done $0x0  }
0xdb: {  	s9 =	simm.s32 $0x880;
	[sflag:s1] =	ssyncadd.s32 $0xFFFFCE00  }
0xdc: {  	[tilespmem:s30], [sflag:$0x2] =	stream.indirect.gather [hbm4b:s2+s28], $0x80, s9, s28, $0xb8;
	[tilespmem:$0x1D800] =	vst v63  }
0xdd: {  	_ =	swait.ge [sflag:s31], $0x3200  }
0xde: {  	[sflag:s31] =	ssyncset.done $0x0  }
0xdf: {  	s10 =	simm.s32 $0x1400;
	[sflag:s31] =	ssyncadd.s32 $0xFFFFCE00  }
0xe0: {  	[spmem:s3] =	stream.indirect.scatter.add.f32 [tilespmem:s22], [sflag:$0x5], $0x80, s10, s28, $0xb8;
	[tilespmem:$0x1D800] =	vst v63  }
0xe1: {  	_ =	swait.ge [sflag:s1], $0x3200  }
0xe2: {  	[sflag:s1] =	ssyncset.done $0x0  }
0xe3: {  	s11 =	simm.s32 $0x900;
	[sflag:s1] =	ssyncadd.s32 $0xFFFFCE00  }
0xe4: {  	[tilespmem:s22], [sflag:$0x1] =	stream.indirect.gather [hbm4b:s2+s28], $0x80, s11, s28, $0xb8;
	[tilespmem:$0x1D800] =	vst v63  }
0xe5: {  	_ =	swait.ge [sflag:s5], $0x3200  }
0xe6: {  	[sflag:s5] =	ssyncset.done $0x0  }
0xe7: {  	s8 =	simm.s32 $0x1480;
	[sflag:s5] =	ssyncadd.s32 $0xFFFFCE00  }
0xe8: {  	[spmem:s3] =	stream.indirect.scatter.add.f32 [tilespmem:s30], [sflag:$0x5], $0x80, s8, s28, $0xb8;
	[tilespmem:$0x1D800] =	vst v63  }
0xe9: {  	_ =	swait.ge [sflag:s1], $0x3200  }
0xea: {  	[sflag:s1] =	ssyncset.done $0x0  }
0xeb: {  	s9 =	simm.s32 $0x980;
	[sflag:s1] =	ssyncadd.s32 $0xFFFFCE00  }
0xec: {  	[tilespmem:s30], [sflag:$0x2] =	stream.indirect.gather [hbm4b:s2+s28], $0x80, s9, s28, $0xb8;
	[tilespmem:$0x1D800] =	vst v63  }
0xed: {  	_ =	swait.ge [sflag:s31], $0x3200  }
0xee: {  	[sflag:s31] =	ssyncset.done $0x0  }
0xef: {  	s10 =	simm.s32 $0x1500;
	[sflag:s31] =	ssyncadd.s32 $0xFFFFCE00  }
0xf0: {  	[spmem:s3] =	stream.indirect.scatter.add.f32 [tilespmem:s22], [sflag:$0x5], $0x80, s10, s28, $0xb8;
	[tilespmem:$0x1D800] =	vst v63  }
0xf1: {  	_ =	swait.ge [sflag:s1], $0x3200  }
0xf2: {  	[sflag:s1] =	ssyncset.done $0x0  }
0xf3: {  	[sflag:s1] =	ssyncadd.s32 $0xFFFFCE00  }
0xf4: {  	_ =	swait.ge [sflag:s5], $0x3200  }
0xf5: {  	[sflag:s5] =	ssyncset.done $0x0  }
0xf6: {  	s11 =	simm.s32 $0x1580;
	[sflag:s5] =	ssyncadd.s32 $0xFFFFCE00  }
0xf7: {  	[spmem:s3] =	stream.indirect.scatter.add.f32 [tilespmem:s30], [sflag:$0x5], $0x80, s11, s28, $0xb8;
	[tilespmem:$0x1D800] =	vst v63  }
0xf8: {  	_ =	swait.ge [sflag:s1], $0x3200  }
0xf9: {  	[sflag:s1] =	ssyncset.done $0x0  }
0xfa: {  	[sflag:s1] =	ssyncadd.s32 $0xFFFFCE00  }
0xfb: {  	_ =	swait.ge [sflag:s24], $0x1400  }
0xfc: {  	[sflag:s24] =	ssyncset.done $0x0  }
0xfd: {  	[sflag:s24] =	ssyncadd.s32 $0xFFFFEC00  }
0xfe: {  	s0 =	rddreg [dreg:$0x10]  }
0xff: {  	[tilespmem:s4], [sflag:$0x4] =	stream.linear.gather [hbm4b:s0+s4], $0xA00, $0x38;
	[tilespmem:$0x1D800] =	vst v63  }
0x100: {  	s8 =	sadd.s32 $0x180, s0  }
0x101: {  	[tilespmem:s12], [sflag:$0x4] =	stream.linear.gather [hbm4b:s8+s4], $0xA00, $0x38;
	[tilespmem:$0x1D800] =	vst v63  }
0x102: {  	_ = 	snop  }
0x103: {  	[tilespmem:s22], [sflag:$0x1] =	stream.indirect.gather [hbm4b:s2+s28], $0x80, s26, s28, $0xb8;
	[tilespmem:$0x1D800] =	vst v63  }
0x104: {  	s9 =	simm.s32 $0x1880  }
0x105: {  	[tilespmem:s30], [sflag:$0x2] =	stream.indirect.gather [hbm4b:s2+s28], $0x80, s9, s28, $0xb8;
	[tilespmem:$0x1D800] =	vst v63  }
0x106: {  	_ =	swait.ge [sflag:s31], $0x3200  }
0x107: {  	[sflag:s31] =	ssyncset.done $0x0  }
0x108: {  	[sflag:s31] =	ssyncadd.s32 $0xFFFFCE00  }
0x109: {  	[spmem:s3] =	stream.indirect.scatter.add.f32 [tilespmem:s22], [sflag:$0x5], $0x80, s6, s28, $0xb8;
	[tilespmem:$0x1D800] =	vst v63  }
0x10a: {  	_ =	swait.ge [sflag:s1], $0x3200  }
0x10b: {  	[sflag:s1] =	ssyncset.done $0x0  }
0x10c: {  	[sflag:s1] =	ssyncadd.s32 $0xFFFFCE00  }
0x10d: {  	[tilespmem:s22], [sflag:$0x1] =	stream.indirect.gather [hbm4b:s2+s28], $0x80, s21, s28, $0xb8;
	[tilespmem:$0x1D800] =	vst v63  }
0x10e: {  	_ =	swait.ge [sflag:s5], $0x3200  }
0x10f: {  	[sflag:s5] =	ssyncset.done $0x0  }
0x110: {  	s12 =	simm.s32 $0x2480;
	[sflag:s5] =	ssyncadd.s32 $0xFFFFCE00  }
0x111: {  	[spmem:s3] =	stream.indirect.scatter.add.f32 [tilespmem:s30], [sflag:$0x5], $0x80, s12, s28, $0xb8;
	[tilespmem:$0x1D800] =	vst v63  }
0x112: {  	_ =	swait.ge [sflag:s1], $0x3200  }
0x113: {  	[sflag:s1] =	ssyncset.done $0x0  }
0x114: {  	[sflag:s1] =	ssyncadd.s32 $0xFFFFCE00  }
0x115: {  	[tilespmem:s30], [sflag:$0x2] =	stream.indirect.gather [hbm4b:s2+s28], $0x80, s13, s28, $0xb8;
	[tilespmem:$0x1D800] =	vst v63  }
0x116: {  	_ =	swait.ge [sflag:s31], $0x3200  }
0x117: {  	[sflag:s31] =	ssyncset.done $0x0  }
0x118: {  	[sflag:s31] =	ssyncadd.s32 $0xFFFFCE00  }
0x119: {  	[spmem:s3] =	stream.indirect.scatter.add.f32 [tilespmem:s22], [sflag:$0x5], $0x80, s14, s28, $0xb8;
	[tilespmem:$0x1D800] =	vst v63  }
0x11a: {  	_ =	swait.ge [sflag:s1], $0x3200  }
0x11b: {  	[sflag:s1] =	ssyncset.done $0x0  }
0x11c: {  	[sflag:s1] =	ssyncadd.s32 $0xFFFFCE00  }
0x11d: {  	[tilespmem:s22], [sflag:$0x1] =	stream.indirect.gather [hbm4b:s2+s28], $0x80, s15, s28, $0xb8;
	[tilespmem:$0x1D800] =	vst v63  }
0x11e: {  	_ =	swait.ge [sflag:s5], $0x3200  }
0x11f: {  	[sflag:s5] =	ssyncset.done $0x0  }
0x120: {  	[sflag:s5] =	ssyncadd.s32 $0xFFFFCE00  }
0x121: {  	[spmem:s3] =	stream.indirect.scatter.add.f32 [tilespmem:s30], [sflag:$0x5], $0x80, s16, s28, $0xb8;
	[tilespmem:$0x1D800] =	vst v63  }
0x122: {  	_ =	swait.ge [sflag:s1], $0x3200  }
0x123: {  	[sflag:s1] =	ssyncset.done $0x0  }
0x124: {  	[sflag:s1] =	ssyncadd.s32 $0xFFFFCE00  }
0x125: {  	[tilespmem:s30], [sflag:$0x2] =	stream.indirect.gather [hbm4b:s2+s28], $0x80, s17, s28, $0xb8;
	[tilespmem:$0x1D800] =	vst v63  }
0x126: {  	_ =	swait.ge [sflag:s31], $0x3200  }
0x127: {  	[sflag:s31] =	ssyncset.done $0x0  }
0x128: {  	[sflag:s31] =	ssyncadd.s32 $0xFFFFCE00  }
0x129: {  	[spmem:s3] =	stream.indirect.scatter.add.f32 [tilespmem:s22], [sflag:$0x5], $0x80, s18, s28, $0xb8;
	[tilespmem:$0x1D800] =	vst v63  }
0x12a: {  	_ =	swait.ge [sflag:s1], $0x3200  }
0x12b: {  	[sflag:s1] =	ssyncset.done $0x0  }
0x12c: {  	[sflag:s1] =	ssyncadd.s32 $0xFFFFCE00  }
0x12d: {  	[tilespmem:s22], [sflag:$0x1] =	stream.indirect.gather [hbm4b:s2+s28], $0x80, s19, s28, $0xb8;
	[tilespmem:$0x1D800] =	vst v63  }
0x12e: {  	_ =	swait.ge [sflag:s5], $0x3200  }
0x12f: {  	[sflag:s5] =	ssyncset.done $0x0  }
0x130: {  	[sflag:s5] =	ssyncadd.s32 $0xFFFFCE00  }
0x131: {  	[spmem:s3] =	stream.indirect.scatter.add.f32 [tilespmem:s30], [sflag:$0x5], $0x80, s20, s28, $0xb8;
	[tilespmem:$0x1D800] =	vst v63  }
0x132: {  	_ =	swait.ge [sflag:s1], $0x3200  }
0x133: {  	[sflag:s1] =	ssyncset.done $0x0  }
0x134: {  	[sflag:s1] =	ssyncadd.s32 $0xFFFFCE00  }
0x135: {  	[tilespmem:s30], [sflag:$0x2] =	stream.indirect.gather [hbm4b:s2+s28], $0x80, s25, s28, $0xb8;
	[tilespmem:$0x1D800] =	vst v63  }
0x136: {  	_ =	swait.ge [sflag:s31], $0x3200  }
0x137: {  	[sflag:s31] =	ssyncset.done $0x0  }
0x138: {  	[sflag:s31] =	ssyncadd.s32 $0xFFFFCE00  }
0x139: {  	[spmem:s3] =	stream.indirect.scatter.add.f32 [tilespmem:s22], [sflag:$0x5], $0x80, s29, s28, $0xb8;
	[tilespmem:$0x1D800] =	vst v63  }
0x13a: {  	_ =	swait.ge [sflag:s1], $0x3200  }
0x13b: {  	[sflag:s1] =	ssyncset.done $0x0  }
0x13c: {  	s10 =	simm.s32 $0x1C00;
	[sflag:s1] =	ssyncadd.s32 $0xFFFFCE00  }
0x13d: {  	[tilespmem:s22], [sflag:$0x1] =	stream.indirect.gather [hbm4b:s2+s28], $0x80, s10, s28, $0xb8;
	[tilespmem:$0x1D800] =	vst v63  }
0x13e: {  	_ =	swait.ge [sflag:s5], $0x3200  }
0x13f: {  	[sflag:s5] =	ssyncset.done $0x0  }
0x140: {  	s11 =	simm.s32 $0x2780;
	[sflag:s5] =	ssyncadd.s32 $0xFFFFCE00  }
0x141: {  	[spmem:s3] =	stream.indirect.scatter.add.f32 [tilespmem:s30], [sflag:$0x5], $0x80, s11, s28, $0xb8;
	[tilespmem:$0x1D800] =	vst v63  }
0x142: {  	_ =	swait.ge [sflag:s1], $0x3200  }
0x143: {  	[sflag:s1] =	ssyncset.done $0x0  }
0x144: {  	s8 =	simm.s32 $0x1C80;
	[sflag:s1] =	ssyncadd.s32 $0xFFFFCE00  }
0x145: {  	[tilespmem:s30], [sflag:$0x2] =	stream.indirect.gather [hbm4b:s2+s28], $0x80, s8, s28, $0xb8;
	[tilespmem:$0x1D800] =	vst v63  }
0x146: {  	_ =	swait.ge [sflag:s31], $0x3200  }
0x147: {  	[sflag:s31] =	ssyncset.done $0x0  }
0x148: {  	s8 =	simm.s32 $0x2800;
	[sflag:s31] =	ssyncadd.s32 $0xFFFFCE00  }
0x149: {  	[spmem:s3] =	stream.indirect.scatter.add.f32 [tilespmem:s22], [sflag:$0x5], $0x80, s8, s28, $0xb8;
	[tilespmem:$0x1D800] =	vst v63  }
0x14a: {  	_ =	swait.ge [sflag:s1], $0x3200  }
0x14b: {  	[sflag:s1] =	ssyncset.done $0x0  }
0x14c: {  	s8 =	simm.s32 $0x1D00;
	[sflag:s1] =	ssyncadd.s32 $0xFFFFCE00  }
0x14d: {  	[tilespmem:s22], [sflag:$0x1] =	stream.indirect.gather [hbm4b:s2+s28], $0x80, s8, s28, $0xb8;
	[tilespmem:$0x1D800] =	vst v63  }
0x14e: {  	_ =	swait.ge [sflag:s5], $0x3200  }
0x14f: {  	[sflag:s5] =	ssyncset.done $0x0  }
0x150: {  	s8 =	simm.s32 $0x2880;
	[sflag:s5] =	ssyncadd.s32 $0xFFFFCE00  }
0x151: {  	[spmem:s3] =	stream.indirect.scatter.add.f32 [tilespmem:s30], [sflag:$0x5], $0x80, s8, s28, $0xb8;
	[tilespmem:$0x1D800] =	vst v63  }
0x152: {  	_ =	swait.ge [sflag:s1], $0x3200  }
0x153: {  	[sflag:s1] =	ssyncset.done $0x0  }
0x154: {  	s8 =	simm.s32 $0x1D80;
	[sflag:s1] =	ssyncadd.s32 $0xFFFFCE00  }
0x155: {  	[tilespmem:s30], [sflag:$0x2] =	stream.indirect.gather [hbm4b:s2+s28], $0x80, s8, s28, $0xb8;
	[tilespmem:$0x1D800] =	vst v63  }
0x156: {  	_ =	swait.ge [sflag:s31], $0x3200  }
0x157: {  	[sflag:s31] =	ssyncset.done $0x0  }
0x158: {  	s8 =	simm.s32 $0x2900;
	[sflag:s31] =	ssyncadd.s32 $0xFFFFCE00  }
0x159: {  	[spmem:s3] =	stream.indirect.scatter.add.f32 [tilespmem:s22], [sflag:$0x5], $0x80, s8, s28, $0xb8;
	[tilespmem:$0x1D800] =	vst v63  }
0x15a: {  	_ =	swait.ge [sflag:s1], $0x3200  }
0x15b: {  	[sflag:s1] =	ssyncset.done $0x0  }
0x15c: {  	s8 =	simm.s32 $0x1E00;
	[sflag:s1] =	ssyncadd.s32 $0xFFFFCE00  }
0x15d: {  	[tilespmem:s22], [sflag:$0x1] =	stream.indirect.gather [hbm4b:s2+s28], $0x80, s8, s28, $0xb8;
	[tilespmem:$0x1D800] =	vst v63  }
0x15e: {  	_ =	swait.ge [sflag:s5], $0x3200  }
0x15f: {  	[sflag:s5] =	ssyncset.done $0x0  }
0x160: {  	s8 =	simm.s32 $0x2980;
	[sflag:s5] =	ssyncadd.s32 $0xFFFFCE00  }
0x161: {  	[spmem:s3] =	stream.indirect.scatter.add.f32 [tilespmem:s30], [sflag:$0x5], $0x80, s8, s28, $0xb8;
	[tilespmem:$0x1D800] =	vst v63  }
0x162: {  	_ =	swait.ge [sflag:s1], $0x3200  }
0x163: {  	[sflag:s1] =	ssyncset.done $0x0  }
0x164: {  	s8 =	simm.s32 $0x1E80;
	[sflag:s1] =	ssyncadd.s32 $0xFFFFCE00  }
0x165: {  	[tilespmem:s30], [sflag:$0x2] =	stream.indirect.gather [hbm4b:s2+s28], $0x80, s8, s28, $0xb8;
	[tilespmem:$0x1D800] =	vst v63  }
0x166: {  	_ =	swait.ge [sflag:s31], $0x3200  }
0x167: {  	[sflag:s31] =	ssyncset.done $0x0  }
0x168: {  	s8 =	simm.s32 $0x2A00;
	[sflag:s31] =	ssyncadd.s32 $0xFFFFCE00  }
0x169: {  	[spmem:s3] =	stream.indirect.scatter.add.f32 [tilespmem:s22], [sflag:$0x5], $0x80, s8, s28, $0xb8;
	[tilespmem:$0x1D800] =	vst v63  }
0x16a: {  	_ =	swait.ge [sflag:s1], $0x3200  }
0x16b: {  	[sflag:s1] =	ssyncset.done $0x0  }
0x16c: {  	s8 =	simm.s32 $0x1F00;
	[sflag:s1] =	ssyncadd.s32 $0xFFFFCE00  }
0x16d: {  	[tilespmem:s22], [sflag:$0x1] =	stream.indirect.gather [hbm4b:s2+s28], $0x80, s8, s28, $0xb8;
	[tilespmem:$0x1D800] =	vst v63  }
0x16e: {  	_ =	swait.ge [sflag:s5], $0x3200  }
0x16f: {  	[sflag:s5] =	ssyncset.done $0x0  }
0x170: {  	s8 =	simm.s32 $0x2A80;
	[sflag:s5] =	ssyncadd.s32 $0xFFFFCE00  }
0x171: {  	[spmem:s3] =	stream.indirect.scatter.add.f32 [tilespmem:s30], [sflag:$0x5], $0x80, s8, s28, $0xb8;
	[tilespmem:$0x1D800] =	vst v63  }
0x172: {  	_ =	swait.ge [sflag:s1], $0x3200  }
0x173: {  	[sflag:s1] =	ssyncset.done $0x0  }
0x174: {  	s8 =	simm.s32 $0x1F80;
	[sflag:s1] =	ssyncadd.s32 $0xFFFFCE00  }
0x175: {  	[tilespmem:s30], [sflag:$0x2] =	stream.indirect.gather [hbm4b:s2+s28], $0x80, s8, s28, $0xb8;
	[tilespmem:$0x1D800] =	vst v63  }
0x176: {  	_ =	swait.ge [sflag:s31], $0x3200  }
0x177: {  	[sflag:s31] =	ssyncset.done $0x0  }
0x178: {  	s8 =	simm.s32 $0x2B00;
	[sflag:s31] =	ssyncadd.s32 $0xFFFFCE00  }
0x179: {  	[spmem:s3] =	stream.indirect.scatter.add.f32 [tilespmem:s22], [sflag:$0x5], $0x80, s8, s28, $0xb8;
	[tilespmem:$0x1D800] =	vst v63  }
0x17a: {  	_ =	swait.ge [sflag:s1], $0x3200  }
0x17b: {  	[sflag:s1] =	ssyncset.done $0x0  }
0x17c: {  	s8 =	simm.s32 $0x2000;
	[sflag:s1] =	ssyncadd.s32 $0xFFFFCE00  }
0x17d: {  	[tilespmem:s22], [sflag:$0x1] =	stream.indirect.gather [hbm4b:s2+s28], $0x80, s8, s28, $0xb8;
	[tilespmem:$0x1D800] =	vst v63  }
0x17e: {  	_ =	swait.ge [sflag:s5], $0x3200  }
0x17f: {  	[sflag:s5] =	ssyncset.done $0x0  }
0x180: {  	s8 =	simm.s32 $0x2B80;
	[sflag:s5] =	ssyncadd.s32 $0xFFFFCE00  }
0x181: {  	[spmem:s3] =	stream.indirect.scatter.add.f32 [tilespmem:s30], [sflag:$0x5], $0x80, s8, s28, $0xb8;
	[tilespmem:$0x1D800] =	vst v63  }
0x182: {  	_ =	swait.ge [sflag:s1], $0x3200  }
0x183: {  	[sflag:s1] =	ssyncset.done $0x0  }
0x184: {  	s8 =	simm.s32 $0x2080;
	[sflag:s1] =	ssyncadd.s32 $0xFFFFCE00  }
0x185: {  	[tilespmem:s30], [sflag:$0x2] =	stream.indirect.gather [hbm4b:s2+s28], $0x80, s8, s28, $0xb8;
	[tilespmem:$0x1D800] =	vst v63  }
0x186: {  	_ =	swait.ge [sflag:s31], $0x3200  }
0x187: {  	[sflag:s31] =	ssyncset.done $0x0  }
0x188: {  	s8 =	simm.s32 $0x2C00;
	[sflag:s31] =	ssyncadd.s32 $0xFFFFCE00  }
0x189: {  	[spmem:s3] =	stream.indirect.scatter.add.f32 [tilespmem:s22], [sflag:$0x5], $0x80, s8, s28, $0xb8;
	[tilespmem:$0x1D800] =	vst v63  }
0x18a: {  	_ =	swait.ge [sflag:s1], $0x3200  }
0x18b: {  	[sflag:s1] =	ssyncset.done $0x0  }
0x18c: {  	s8 =	simm.s32 $0x2100;
	[sflag:s1] =	ssyncadd.s32 $0xFFFFCE00  }
0x18d: {  	[tilespmem:s22], [sflag:$0x1] =	stream.indirect.gather [hbm4b:s2+s28], $0x80, s8, s28, $0xb8;
	[tilespmem:$0x1D800] =	vst v63  }
0x18e: {  	_ =	swait.ge [sflag:s5], $0x3200  }
0x18f: {  	[sflag:s5] =	ssyncset.done $0x0  }
0x190: {  	s8 =	simm.s32 $0x2C80;
	[sflag:s5] =	ssyncadd.s32 $0xFFFFCE00  }
0x191: {  	[spmem:s3] =	stream.indirect.scatter.add.f32 [tilespmem:s30], [sflag:$0x5], $0x80, s8, s28, $0xb8;
	[tilespmem:$0x1D800] =	vst v63  }
0x192: {  	_ =	swait.ge [sflag:s1], $0x3200  }
0x193: {  	[sflag:s1] =	ssyncset.done $0x0  }
0x194: {  	s8 =	simm.s32 $0x2180;
	[sflag:s1] =	ssyncadd.s32 $0xFFFFCE00  }
0x195: {  	[tilespmem:s30], [sflag:$0x2] =	stream.indirect.gather [hbm4b:s2+s28], $0x80, s8, s28, $0xb8;
	[tilespmem:$0x1D800] =	vst v63  }
0x196: {  	_ =	swait.ge [sflag:s31], $0x3200  }
0x197: {  	[sflag:s31] =	ssyncset.done $0x0  }
0x198: {  	s8 =	simm.s32 $0x2D00;
	[sflag:s31] =	ssyncadd.s32 $0xFFFFCE00  }
0x199: {  	[spmem:s3] =	stream.indirect.scatter.add.f32 [tilespmem:s22], [sflag:$0x5], $0x80, s8, s28, $0xb8;
	[tilespmem:$0x1D800] =	vst v63  }
0x19a: {  	_ =	swait.ge [sflag:s1], $0x3200  }
0x19b: {  	[sflag:s1] =	ssyncset.done $0x0  }
0x19c: {  	[sflag:s1] =	ssyncadd.s32 $0xFFFFCE00  }
0x19d: {  	_ =	swait.ge [sflag:s5], $0x3200  }
0x19e: {  	[sflag:s5] =	ssyncset.done $0x0  }
0x19f: {  	s8 =	simm.s32 $0x2D80;
	[sflag:s5] =	ssyncadd.s32 $0xFFFFCE00  }
0x1a0: {  	[spmem:s3] =	stream.indirect.scatter.add.f32 [tilespmem:s30], [sflag:$0x5], $0x80, s8, s28, $0xb8;
	[tilespmem:$0x1D800] =	vst v63  }
0x1a1: {  	_ =	swait.ge [sflag:s1], $0x3200  }
0x1a2: {  	[sflag:s1] =	ssyncset.done $0x0  }
0x1a3: {  	[sflag:s1] =	ssyncadd.s32 $0xFFFFCE00  }
0x1a4: {  	_ =	swait.ge [sflag:s24], $0x1400  }
0x1a5: {  	[sflag:s24] =	ssyncset.done $0x0  }
0x1a6: {  	s8 =	rddreg [dreg:$0x11];
	[sflag:s24] =	ssyncadd.s32 $0xFFFFEC00  }
0x1a7: {  	[tilespmem:s26], [sflag:$0x4] =	stream.linear.gather [hbm4b:s8+s4], $0xA00, $0x38;
	[tilespmem:$0x1D800] =	vst v63  }
0x1a8: {  	s8 =	sadd.s32 $0x180, s8  }
0x1a9: {  	[tilespmem:s6], [sflag:$0x4] =	stream.linear.gather [hbm4b:s8+s4], $0xA00, $0x38;
	[tilespmem:$0x1D800] =	vst v63  }
0x1aa: {  	_ = 	snop  }
0x1ab: {  	[tilespmem:s22], [sflag:$0x1] =	stream.indirect.gather [hbm4b:s2+s28], $0x80, s4, s28, $0xb8;
	[tilespmem:$0x1D800] =	vst v63  }
0x1ac: {  	s8 =	simm.s32 $0x80  }
0x1ad: {  	[tilespmem:s30], [sflag:$0x2] =	stream.indirect.gather [hbm4b:s2+s28], $0x80, s8, s28, $0xb8;
	[tilespmem:$0x1D800] =	vst v63  }
0x1ae: {  	_ =	swait.ge [sflag:s31], $0x3200  }
0x1af: {  	[sflag:s31] =	ssyncset.done $0x0  }
0x1b0: {  	s0 =	simm.s32 $0xC00;
	[sflag:s31] =	ssyncadd.s32 $0xFFFFCE00  }
0x1b1: {  	[spmem:s3] =	stream.indirect.scatter.add.f32 [tilespmem:s22], [sflag:$0x5], $0x80, s0, s28, $0xb8;
	[tilespmem:$0x1D800] =	vst v63  }
0x1b2: {  	_ =	swait.ge [sflag:s1], $0x3200  }
0x1b3: {  	[sflag:s1] =	ssyncset.done $0x0  }
0x1b4: {  	s8 =	simm.s32 $0x100;
	[sflag:s1] =	ssyncadd.s32 $0xFFFFCE00  }
0x1b5: {  	[tilespmem:s22], [sflag:$0x1] =	stream.indirect.gather [hbm4b:s2+s28], $0x80, s8, s28, $0xb8;
	[tilespmem:$0x1D800] =	vst v63  }
0x1b6: {  	_ =	swait.ge [sflag:s5], $0x3200  }
0x1b7: {  	[sflag:s5] =	ssyncset.done $0x0  }
0x1b8: {  	s8 =	simm.s32 $0xC80;
	[sflag:s5] =	ssyncadd.s32 $0xFFFFCE00  }
0x1b9: {  	[spmem:s3] =	stream.indirect.scatter.add.f32 [tilespmem:s30], [sflag:$0x5], $0x80, s8, s28, $0xb8;
	[tilespmem:$0x1D800] =	vst v63  }
0x1ba: {  	_ =	swait.ge [sflag:s1], $0x3200  }
0x1bb: {  	[sflag:s1] =	ssyncset.done $0x0  }
0x1bc: {  	s8 =	simm.s32 $0x180;
	[sflag:s1] =	ssyncadd.s32 $0xFFFFCE00  }
0x1bd: {  	[tilespmem:s30], [sflag:$0x2] =	stream.indirect.gather [hbm4b:s2+s28], $0x80, s8, s28, $0xb8;
	[tilespmem:$0x1D800] =	vst v63  }
0x1be: {  	_ =	swait.ge [sflag:s31], $0x3200  }
0x1bf: {  	[sflag:s31] =	ssyncset.done $0x0  }
0x1c0: {  	s8 =	simm.s32 $0xD00;
	[sflag:s31] =	ssyncadd.s32 $0xFFFFCE00  }
0x1c1: {  	[spmem:s3] =	stream.indirect.scatter.add.f32 [tilespmem:s22], [sflag:$0x5], $0x80, s8, s28, $0xb8;
	[tilespmem:$0x1D800] =	vst v63  }
0x1c2: {  	_ =	swait.ge [sflag:s1], $0x3200  }
0x1c3: {  	[sflag:s1] =	ssyncset.done $0x0  }
0x1c4: {  	s8 =	simm.s32 $0x200;
	[sflag:s1] =	ssyncadd.s32 $0xFFFFCE00  }
0x1c5: {  	[tilespmem:s22], [sflag:$0x1] =	stream.indirect.gather [hbm4b:s2+s28], $0x80, s8, s28, $0xb8;
	[tilespmem:$0x1D800] =	vst v63  }
0x1c6: {  	_ =	swait.ge [sflag:s5], $0x3200  }
0x1c7: {  	[sflag:s5] =	ssyncset.done $0x0  }
0x1c8: {  	s8 =	simm.s32 $0xD80;
	[sflag:s5] =	ssyncadd.s32 $0xFFFFCE00  }
0x1c9: {  	[spmem:s3] =	stream.indirect.scatter.add.f32 [tilespmem:s30], [sflag:$0x5], $0x80, s8, s28, $0xb8;
	[tilespmem:$0x1D800] =	vst v63  }
0x1ca: {  	_ =	swait.ge [sflag:s1], $0x3200  }
0x1cb: {  	[sflag:s1] =	ssyncset.done $0x0  }
0x1cc: {  	s8 =	simm.s32 $0x280;
	[sflag:s1] =	ssyncadd.s32 $0xFFFFCE00  }
0x1cd: {  	[tilespmem:s30], [sflag:$0x2] =	stream.indirect.gather [hbm4b:s2+s28], $0x80, s8, s28, $0xb8;
	[tilespmem:$0x1D800] =	vst v63  }
0x1ce: {  	_ =	swait.ge [sflag:s31], $0x3200  }
0x1cf: {  	[sflag:s31] =	ssyncset.done $0x0  }
0x1d0: {  	s8 =	simm.s32 $0xE00;
	[sflag:s31] =	ssyncadd.s32 $0xFFFFCE00  }
0x1d1: {  	[spmem:s3] =	stream.indirect.scatter.add.f32 [tilespmem:s22], [sflag:$0x5], $0x80, s8, s28, $0xb8;
	[tilespmem:$0x1D800] =	vst v63  }
0x1d2: {  	_ =	swait.ge [sflag:s1], $0x3200  }
0x1d3: {  	[sflag:s1] =	ssyncset.done $0x0  }
0x1d4: {  	s8 =	simm.s32 $0x300;
	[sflag:s1] =	ssyncadd.s32 $0xFFFFCE00  }
0x1d5: {  	[tilespmem:s22], [sflag:$0x1] =	stream.indirect.gather [hbm4b:s2+s28], $0x80, s8, s28, $0xb8;
	[tilespmem:$0x1D800] =	vst v63  }
0x1d6: {  	_ =	swait.ge [sflag:s5], $0x3200  }
0x1d7: {  	[sflag:s5] =	ssyncset.done $0x0  }
0x1d8: {  	s8 =	simm.s32 $0xE80;
	[sflag:s5] =	ssyncadd.s32 $0xFFFFCE00  }
0x1d9: {  	[spmem:s3] =	stream.indirect.scatter.add.f32 [tilespmem:s30], [sflag:$0x5], $0x80, s8, s28, $0xb8;
	[tilespmem:$0x1D800] =	vst v63  }
0x1da: {  	_ =	swait.ge [sflag:s1], $0x3200  }
0x1db: {  	[sflag:s1] =	ssyncset.done $0x0  }
0x1dc: {  	s8 =	simm.s32 $0x380;
	[sflag:s1] =	ssyncadd.s32 $0xFFFFCE00  }
0x1dd: {  	[tilespmem:s30], [sflag:$0x2] =	stream.indirect.gather [hbm4b:s2+s28], $0x80, s8, s28, $0xb8;
	[tilespmem:$0x1D800] =	vst v63  }
0x1de: {  	_ =	swait.ge [sflag:s31], $0x3200  }
0x1df: {  	[sflag:s31] =	ssyncset.done $0x0  }
0x1e0: {  	s8 =	simm.s32 $0xF00;
	[sflag:s31] =	ssyncadd.s32 $0xFFFFCE00  }
0x1e1: {  	[spmem:s3] =	stream.indirect.scatter.add.f32 [tilespmem:s22], [sflag:$0x5], $0x80, s8, s28, $0xb8;
	[tilespmem:$0x1D800] =	vst v63  }
0x1e2: {  	_ =	swait.ge [sflag:s1], $0x3200  }
0x1e3: {  	[sflag:s1] =	ssyncset.done $0x0  }
0x1e4: {  	s8 =	simm.s32 $0x400;
	[sflag:s1] =	ssyncadd.s32 $0xFFFFCE00  }
0x1e5: {  	[tilespmem:s22], [sflag:$0x1] =	stream.indirect.gather [hbm4b:s2+s28], $0x80, s8, s28, $0xb8;
	[tilespmem:$0x1D800] =	vst v63  }
0x1e6: {  	_ =	swait.ge [sflag:s5], $0x3200  }
0x1e7: {  	[sflag:s5] =	ssyncset.done $0x0  }
0x1e8: {  	s8 =	simm.s32 $0xF80;
	[sflag:s5] =	ssyncadd.s32 $0xFFFFCE00  }
0x1e9: {  	[spmem:s3] =	stream.indirect.scatter.add.f32 [tilespmem:s30], [sflag:$0x5], $0x80, s8, s28, $0xb8;
	[tilespmem:$0x1D800] =	vst v63  }
0x1ea: {  	_ =	swait.ge [sflag:s1], $0x3200  }
0x1eb: {  	[sflag:s1] =	ssyncset.done $0x0  }
0x1ec: {  	s8 =	simm.s32 $0x480;
	[sflag:s1] =	ssyncadd.s32 $0xFFFFCE00  }
0x1ed: {  	[tilespmem:s30], [sflag:$0x2] =	stream.indirect.gather [hbm4b:s2+s28], $0x80, s8, s28, $0xb8;
	[tilespmem:$0x1D800] =	vst v63  }
0x1ee: {  	_ =	swait.ge [sflag:s31], $0x3200  }
0x1ef: {  	[sflag:s31] =	ssyncset.done $0x0  }
0x1f0: {  	s8 =	simm.s32 $0x1000;
	[sflag:s31] =	ssyncadd.s32 $0xFFFFCE00  }
0x1f1: {  	[spmem:s3] =	stream.indirect.scatter.add.f32 [tilespmem:s22], [sflag:$0x5], $0x80, s8, s28, $0xb8;
	[tilespmem:$0x1D800] =	vst v63  }
0x1f2: {  	_ =	swait.ge [sflag:s1], $0x3200  }
0x1f3: {  	[sflag:s1] =	ssyncset.done $0x0  }
0x1f4: {  	s8 =	simm.s32 $0x500;
	[sflag:s1] =	ssyncadd.s32 $0xFFFFCE00  }
0x1f5: {  	[tilespmem:s22], [sflag:$0x1] =	stream.indirect.gather [hbm4b:s2+s28], $0x80, s8, s28, $0xb8;
	[tilespmem:$0x1D800] =	vst v63  }
0x1f6: {  	_ =	swait.ge [sflag:s5], $0x3200  }
0x1f7: {  	[sflag:s5] =	ssyncset.done $0x0  }
0x1f8: {  	s8 =	simm.s32 $0x1080;
	[sflag:s5] =	ssyncadd.s32 $0xFFFFCE00  }
0x1f9: {  	[spmem:s3] =	stream.indirect.scatter.add.f32 [tilespmem:s30], [sflag:$0x5], $0x80, s8, s28, $0xb8;
	[tilespmem:$0x1D800] =	vst v63  }
0x1fa: {  	_ =	swait.ge [sflag:s1], $0x3200  }
0x1fb: {  	[sflag:s1] =	ssyncset.done $0x0  }
0x1fc: {  	s8 =	simm.s32 $0x580;
	[sflag:s1] =	ssyncadd.s32 $0xFFFFCE00  }
0x1fd: {  	[tilespmem:s30], [sflag:$0x2] =	stream.indirect.gather [hbm4b:s2+s28], $0x80, s8, s28, $0xb8;
	[tilespmem:$0x1D800] =	vst v63  }
0x1fe: {  	_ =	swait.ge [sflag:s31], $0x3200  }
0x1ff: {  	[sflag:s31] =	ssyncset.done $0x0  }
0x200: {  	s8 =	simm.s32 $0x1100;
	[sflag:s31] =	ssyncadd.s32 $0xFFFFCE00  }
0x201: {  	[spmem:s3] =	stream.indirect.scatter.add.f32 [tilespmem:s22], [sflag:$0x5], $0x80, s8, s28, $0xb8;
	[tilespmem:$0x1D800] =	vst v63  }
0x202: {  	_ =	swait.ge [sflag:s1], $0x3200  }
0x203: {  	[sflag:s1] =	ssyncset.done $0x0  }
0x204: {  	s8 =	simm.s32 $0x600;
	[sflag:s1] =	ssyncadd.s32 $0xFFFFCE00  }
0x205: {  	[tilespmem:s22], [sflag:$0x1] =	stream.indirect.gather [hbm4b:s2+s28], $0x80, s8, s28, $0xb8;
	[tilespmem:$0x1D800] =	vst v63  }
0x206: {  	_ =	swait.ge [sflag:s5], $0x3200  }
0x207: {  	[sflag:s5] =	ssyncset.done $0x0  }
0x208: {  	s8 =	simm.s32 $0x1180;
	[sflag:s5] =	ssyncadd.s32 $0xFFFFCE00  }
0x209: {  	[spmem:s3] =	stream.indirect.scatter.add.f32 [tilespmem:s30], [sflag:$0x5], $0x80, s8, s28, $0xb8;
	[tilespmem:$0x1D800] =	vst v63  }
0x20a: {  	_ =	swait.ge [sflag:s1], $0x3200  }
0x20b: {  	[sflag:s1] =	ssyncset.done $0x0  }
0x20c: {  	s8 =	simm.s32 $0x680;
	[sflag:s1] =	ssyncadd.s32 $0xFFFFCE00  }
0x20d: {  	[tilespmem:s30], [sflag:$0x2] =	stream.indirect.gather [hbm4b:s2+s28], $0x80, s8, s28, $0xb8;
	[tilespmem:$0x1D800] =	vst v63  }
0x20e: {  	_ =	swait.ge [sflag:s31], $0x3200  }
0x20f: {  	[sflag:s31] =	ssyncset.done $0x0  }
0x210: {  	s8 =	simm.s32 $0x1200;
	[sflag:s31] =	ssyncadd.s32 $0xFFFFCE00  }
0x211: {  	[spmem:s3] =	stream.indirect.scatter.add.f32 [tilespmem:s22], [sflag:$0x5], $0x80, s8, s28, $0xb8;
	[tilespmem:$0x1D800] =	vst v63  }
0x212: {  	_ =	swait.ge [sflag:s1], $0x3200  }
0x213: {  	[sflag:s1] =	ssyncset.done $0x0  }
0x214: {  	s8 =	simm.s32 $0x700;
	[sflag:s1] =	ssyncadd.s32 $0xFFFFCE00  }
0x215: {  	[tilespmem:s22], [sflag:$0x1] =	stream.indirect.gather [hbm4b:s2+s28], $0x80, s8, s28, $0xb8;
	[tilespmem:$0x1D800] =	vst v63  }
0x216: {  	_ =	swait.ge [sflag:s5], $0x3200  }
0x217: {  	[sflag:s5] =	ssyncset.done $0x0  }
0x218: {  	s8 =	simm.s32 $0x1280;
	[sflag:s5] =	ssyncadd.s32 $0xFFFFCE00  }
0x219: {  	[spmem:s3] =	stream.indirect.scatter.add.f32 [tilespmem:s30], [sflag:$0x5], $0x80, s8, s28, $0xb8;
	[tilespmem:$0x1D800] =	vst v63  }
0x21a: {  	_ =	swait.ge [sflag:s1], $0x3200  }
0x21b: {  	[sflag:s1] =	ssyncset.done $0x0  }
0x21c: {  	s8 =	simm.s32 $0x780;
	[sflag:s1] =	ssyncadd.s32 $0xFFFFCE00  }
0x21d: {  	[tilespmem:s30], [sflag:$0x2] =	stream.indirect.gather [hbm4b:s2+s28], $0x80, s8, s28, $0xb8;
	[tilespmem:$0x1D800] =	vst v63  }
0x21e: {  	_ =	swait.ge [sflag:s31], $0x3200  }
0x21f: {  	[sflag:s31] =	ssyncset.done $0x0  }
0x220: {  	s8 =	simm.s32 $0x1300;
	[sflag:s31] =	ssyncadd.s32 $0xFFFFCE00  }
0x221: {  	[spmem:s3] =	stream.indirect.scatter.add.f32 [tilespmem:s22], [sflag:$0x5], $0x80, s8, s28, $0xb8;
	[tilespmem:$0x1D800] =	vst v63  }
0x222: {  	_ =	swait.ge [sflag:s1], $0x3200  }
0x223: {  	[sflag:s1] =	ssyncset.done $0x0  }
0x224: {  	s8 =	simm.s32 $0x800;
	[sflag:s1] =	ssyncadd.s32 $0xFFFFCE00  }
0x225: {  	[tilespmem:s22], [sflag:$0x1] =	stream.indirect.gather [hbm4b:s2+s28], $0x80, s8, s28, $0xb8;
	[tilespmem:$0x1D800] =	vst v63  }
0x226: {  	_ =	swait.ge [sflag:s5], $0x3200  }
0x227: {  	[sflag:s5] =	ssyncset.done $0x0  }
0x228: {  	s8 =	simm.s32 $0x1380;
	[sflag:s5] =	ssyncadd.s32 $0xFFFFCE00  }
0x229: {  	[spmem:s3] =	stream.indirect.scatter.add.f32 [tilespmem:s30], [sflag:$0x5], $0x80, s8, s28, $0xb8;
	[tilespmem:$0x1D800] =	vst v63  }
0x22a: {  	_ =	swait.ge [sflag:s1], $0x3200  }
0x22b: {  	[sflag:s1] =	ssyncset.done $0x0  }
0x22c: {  	s8 =	simm.s32 $0x880;
	[sflag:s1] =	ssyncadd.s32 $0xFFFFCE00  }
0x22d: {  	[tilespmem:s30], [sflag:$0x2] =	stream.indirect.gather [hbm4b:s2+s28], $0x80, s8, s28, $0xb8;
	[tilespmem:$0x1D800] =	vst v63  }
0x22e: {  	_ =	swait.ge [sflag:s31], $0x3200  }
0x22f: {  	[sflag:s31] =	ssyncset.done $0x0  }
0x230: {  	s8 =	simm.s32 $0x1400;
	[sflag:s31] =	ssyncadd.s32 $0xFFFFCE00  }
0x231: {  	[spmem:s3] =	stream.indirect.scatter.add.f32 [tilespmem:s22], [sflag:$0x5], $0x80, s8, s28, $0xb8;
	[tilespmem:$0x1D800] =	vst v63  }
0x232: {  	_ =	swait.ge [sflag:s1], $0x3200  }
0x233: {  	[sflag:s1] =	ssyncset.done $0x0  }
0x234: {  	s8 =	simm.s32 $0x900;
	[sflag:s1] =	ssyncadd.s32 $0xFFFFCE00  }
0x235: {  	[tilespmem:s22], [sflag:$0x1] =	stream.indirect.gather [hbm4b:s2+s28], $0x80, s8, s28, $0xb8;
	[tilespmem:$0x1D800] =	vst v63  }
0x236: {  	_ =	swait.ge [sflag:s5], $0x3200  }
0x237: {  	[sflag:s5] =	ssyncset.done $0x0  }
0x238: {  	s8 =	simm.s32 $0x1480;
	[sflag:s5] =	ssyncadd.s32 $0xFFFFCE00  }
0x239: {  	[spmem:s3] =	stream.indirect.scatter.add.f32 [tilespmem:s30], [sflag:$0x5], $0x80, s8, s28, $0xb8;
	[tilespmem:$0x1D800] =	vst v63  }
0x23a: {  	_ =	swait.ge [sflag:s1], $0x3200  }
0x23b: {  	[sflag:s1] =	ssyncset.done $0x0  }
0x23c: {  	s8 =	simm.s32 $0x980;
	[sflag:s1] =	ssyncadd.s32 $0xFFFFCE00  }
0x23d: {  	[tilespmem:s30], [sflag:$0x2] =	stream.indirect.gather [hbm4b:s2+s28], $0x80, s8, s28, $0xb8;
	[tilespmem:$0x1D800] =	vst v63  }
0x23e: {  	_ =	swait.ge [sflag:s31], $0x3200  }
0x23f: {  	[sflag:s31] =	ssyncset.done $0x0  }
0x240: {  	s8 =	simm.s32 $0x1500;
	[sflag:s31] =	ssyncadd.s32 $0xFFFFCE00  }
0x241: {  	[spmem:s3] =	stream.indirect.scatter.add.f32 [tilespmem:s22], [sflag:$0x5], $0x80, s8, s28, $0xb8;
	[tilespmem:$0x1D800] =	vst v63  }
0x242: {  	_ =	swait.ge [sflag:s1], $0x3200  }
0x243: {  	[sflag:s1] =	ssyncset.done $0x0  }
0x244: {  	[sflag:s1] =	ssyncadd.s32 $0xFFFFCE00  }
0x245: {  	_ =	swait.ge [sflag:s5], $0x3200  }
0x246: {  	[sflag:s5] =	ssyncset.done $0x0  }
0x247: {  	s8 =	simm.s32 $0x1580;
	[sflag:s5] =	ssyncadd.s32 $0xFFFFCE00  }
0x248: {  	[spmem:s3] =	stream.indirect.scatter.add.f32 [tilespmem:s30], [sflag:$0x5], $0x80, s8, s28, $0xb8;
	[tilespmem:$0x1D800] =	vst v63  }
0x249: {  	_ =	swait.ge [sflag:s1], $0x3200  }
0x24a: {  	[sflag:s1] =	ssyncset.done $0x0  }
0x24b: {  	[sflag:s1] =	ssyncadd.s32 $0xFFFFCE00  }
0x24c: {  	_ =	swait.ge [sflag:s24], $0x1400  }
0x24d: {  	[sflag:s24] =	ssyncset.done $0x0  }
0x24e: {  	s8 =	rddreg [dreg:$0x12];
	[sflag:s24] =	ssyncadd.s32 $0xFFFFEC00  }
0x24f: {  	[tilespmem:s4], [sflag:$0x4] =	stream.linear.gather [hbm4b:s8+s4], $0xA00, $0x38;
	[tilespmem:$0x1D800] =	vst v63  }
0x250: {  	s8 =	sadd.s32 $0x180, s8  }
0x251: {  	[tilespmem:s0], [sflag:$0x4] =	stream.linear.gather [hbm4b:s8+s4], $0xA00, $0x38;
	[tilespmem:$0x1D800] =	vst v63  }
0x252: {  	_ = 	snop  }
0x253: {  	[tilespmem:s22], [sflag:$0x1] =	stream.indirect.gather [hbm4b:s2+s28], $0x80, s26, s28, $0xb8;
	[tilespmem:$0x1D800] =	vst v63  }
0x254: {  	_ = 	snop  }
0x255: {  	[tilespmem:s30], [sflag:$0x2] =	stream.indirect.gather [hbm4b:s2+s28], $0x80, s9, s28, $0xb8;
	[tilespmem:$0x1D800] =	vst v63  }
0x256: {  	_ =	swait.ge [sflag:s31], $0x3200  }
0x257: {  	[sflag:s31] =	ssyncset.done $0x0  }
0x258: {  	[sflag:s31] =	ssyncadd.s32 $0xFFFFCE00  }
0x259: {  	[spmem:s3] =	stream.indirect.scatter.add.f32 [tilespmem:s22], [sflag:$0x5], $0x80, s6, s28, $0xb8;
	[tilespmem:$0x1D800] =	vst v63  }
0x25a: {  	_ =	swait.ge [sflag:s1], $0x3200  }
0x25b: {  	[sflag:s1] =	ssyncset.done $0x0  }
0x25c: {  	[sflag:s1] =	ssyncadd.s32 $0xFFFFCE00  }
0x25d: {  	[tilespmem:s22], [sflag:$0x1] =	stream.indirect.gather [hbm4b:s2+s28], $0x80, s21, s28, $0xb8;
	[tilespmem:$0x1D800] =	vst v63  }
0x25e: {  	_ =	swait.ge [sflag:s5], $0x3200  }
0x25f: {  	[sflag:s5] =	ssyncset.done $0x0  }
0x260: {  	[sflag:s5] =	ssyncadd.s32 $0xFFFFCE00  }
0x261: {  	[spmem:s3] =	stream.indirect.scatter.add.f32 [tilespmem:s30], [sflag:$0x5], $0x80, s12, s28, $0xb8;
	[tilespmem:$0x1D800] =	vst v63  }
0x262: {  	_ =	swait.ge [sflag:s1], $0x3200  }
0x263: {  	[sflag:s1] =	ssyncset.done $0x0  }
0x264: {  	[sflag:s1] =	ssyncadd.s32 $0xFFFFCE00  }
0x265: {  	[tilespmem:s30], [sflag:$0x2] =	stream.indirect.gather [hbm4b:s2+s28], $0x80, s13, s28, $0xb8;
	[tilespmem:$0x1D800] =	vst v63  }
0x266: {  	_ =	swait.ge [sflag:s31], $0x3200  }
0x267: {  	[sflag:s31] =	ssyncset.done $0x0  }
0x268: {  	[sflag:s31] =	ssyncadd.s32 $0xFFFFCE00  }
0x269: {  	[spmem:s3] =	stream.indirect.scatter.add.f32 [tilespmem:s22], [sflag:$0x5], $0x80, s14, s28, $0xb8;
	[tilespmem:$0x1D800] =	vst v63  }
0x26a: {  	_ =	swait.ge [sflag:s1], $0x3200  }
0x26b: {  	[sflag:s1] =	ssyncset.done $0x0  }
0x26c: {  	[sflag:s1] =	ssyncadd.s32 $0xFFFFCE00  }
0x26d: {  	[tilespmem:s22], [sflag:$0x1] =	stream.indirect.gather [hbm4b:s2+s28], $0x80, s15, s28, $0xb8;
	[tilespmem:$0x1D800] =	vst v63  }
0x26e: {  	_ =	swait.ge [sflag:s5], $0x3200  }
0x26f: {  	[sflag:s5] =	ssyncset.done $0x0  }
0x270: {  	[sflag:s5] =	ssyncadd.s32 $0xFFFFCE00  }
0x271: {  	[spmem:s3] =	stream.indirect.scatter.add.f32 [tilespmem:s30], [sflag:$0x5], $0x80, s16, s28, $0xb8;
	[tilespmem:$0x1D800] =	vst v63  }
0x272: {  	_ =	swait.ge [sflag:s1], $0x3200  }
0x273: {  	[sflag:s1] =	ssyncset.done $0x0  }
0x274: {  	[sflag:s1] =	ssyncadd.s32 $0xFFFFCE00  }
0x275: {  	[tilespmem:s30], [sflag:$0x2] =	stream.indirect.gather [hbm4b:s2+s28], $0x80, s17, s28, $0xb8;
	[tilespmem:$0x1D800] =	vst v63  }
0x276: {  	_ =	swait.ge [sflag:s31], $0x3200  }
0x277: {  	[sflag:s31] =	ssyncset.done $0x0  }
0x278: {  	[sflag:s31] =	ssyncadd.s32 $0xFFFFCE00  }
0x279: {  	[spmem:s3] =	stream.indirect.scatter.add.f32 [tilespmem:s22], [sflag:$0x5], $0x80, s18, s28, $0xb8;
	[tilespmem:$0x1D800] =	vst v63  }
0x27a: {  	_ =	swait.ge [sflag:s1], $0x3200  }
0x27b: {  	[sflag:s1] =	ssyncset.done $0x0  }
0x27c: {  	[sflag:s1] =	ssyncadd.s32 $0xFFFFCE00  }
0x27d: {  	[tilespmem:s22], [sflag:$0x1] =	stream.indirect.gather [hbm4b:s2+s28], $0x80, s19, s28, $0xb8;
	[tilespmem:$0x1D800] =	vst v63  }
0x27e: {  	_ =	swait.ge [sflag:s5], $0x3200  }
0x27f: {  	[sflag:s5] =	ssyncset.done $0x0  }
0x280: {  	[sflag:s5] =	ssyncadd.s32 $0xFFFFCE00  }
0x281: {  	[spmem:s3] =	stream.indirect.scatter.add.f32 [tilespmem:s30], [sflag:$0x5], $0x80, s20, s28, $0xb8;
	[tilespmem:$0x1D800] =	vst v63  }
0x282: {  	_ =	swait.ge [sflag:s1], $0x3200  }
0x283: {  	[sflag:s1] =	ssyncset.done $0x0  }
0x284: {  	[sflag:s1] =	ssyncadd.s32 $0xFFFFCE00  }
0x285: {  	[tilespmem:s30], [sflag:$0x2] =	stream.indirect.gather [hbm4b:s2+s28], $0x80, s25, s28, $0xb8;
	[tilespmem:$0x1D800] =	vst v63  }
0x286: {  	_ =	swait.ge [sflag:s31], $0x3200  }
0x287: {  	[sflag:s31] =	ssyncset.done $0x0  }
0x288: {  	[sflag:s31] =	ssyncadd.s32 $0xFFFFCE00  }
0x289: {  	[spmem:s3] =	stream.indirect.scatter.add.f32 [tilespmem:s22], [sflag:$0x5], $0x80, s29, s28, $0xb8;
	[tilespmem:$0x1D800] =	vst v63  }
0x28a: {  	_ =	swait.ge [sflag:s1], $0x3200  }
0x28b: {  	[sflag:s1] =	ssyncset.done $0x0  }
0x28c: {  	[sflag:s1] =	ssyncadd.s32 $0xFFFFCE00  }
0x28d: {  	[tilespmem:s22], [sflag:$0x1] =	stream.indirect.gather [hbm4b:s2+s28], $0x80, s10, s28, $0xb8;
	[tilespmem:$0x1D800] =	vst v63  }
0x28e: {  	_ =	swait.ge [sflag:s5], $0x3200  }
0x28f: {  	[sflag:s5] =	ssyncset.done $0x0  }
0x290: {  	[sflag:s5] =	ssyncadd.s32 $0xFFFFCE00  }
0x291: {  	[spmem:s3] =	stream.indirect.scatter.add.f32 [tilespmem:s30], [sflag:$0x5], $0x80, s11, s28, $0xb8;
	[tilespmem:$0x1D800] =	vst v63  }
0x292: {  	_ =	swait.ge [sflag:s1], $0x3200  }
0x293: {  	[sflag:s1] =	ssyncset.done $0x0  }
0x294: {  	s8 =	simm.s32 $0x1C80;
	[sflag:s1] =	ssyncadd.s32 $0xFFFFCE00  }
0x295: {  	[tilespmem:s30], [sflag:$0x2] =	stream.indirect.gather [hbm4b:s2+s28], $0x80, s8, s28, $0xb8;
	[tilespmem:$0x1D800] =	vst v63  }
0x296: {  	_ =	swait.ge [sflag:s31], $0x3200  }
0x297: {  	[sflag:s31] =	ssyncset.done $0x0  }
0x298: {  	s9 =	simm.s32 $0x2800;
	[sflag:s31] =	ssyncadd.s32 $0xFFFFCE00  }
0x299: {  	[spmem:s3] =	stream.indirect.scatter.add.f32 [tilespmem:s22], [sflag:$0x5], $0x80, s9, s28, $0xb8;
	[tilespmem:$0x1D800] =	vst v63  }
0x29a: {  	_ =	swait.ge [sflag:s1], $0x3200  }
0x29b: {  	[sflag:s1] =	ssyncset.done $0x0  }
0x29c: {  	s10 =	simm.s32 $0x1D00;
	[sflag:s1] =	ssyncadd.s32 $0xFFFFCE00  }
0x29d: {  	[tilespmem:s22], [sflag:$0x1] =	stream.indirect.gather [hbm4b:s2+s28], $0x80, s10, s28, $0xb8;
	[tilespmem:$0x1D800] =	vst v63  }
0x29e: {  	_ =	swait.ge [sflag:s5], $0x3200  }
0x29f: {  	[sflag:s5] =	ssyncset.done $0x0  }
0x2a0: {  	s11 =	simm.s32 $0x2880;
	[sflag:s5] =	ssyncadd.s32 $0xFFFFCE00  }
0x2a1: {  	[spmem:s3] =	stream.indirect.scatter.add.f32 [tilespmem:s30], [sflag:$0x5], $0x80, s11, s28, $0xb8;
	[tilespmem:$0x1D800] =	vst v63  }
0x2a2: {  	_ =	swait.ge [sflag:s1], $0x3200  }
0x2a3: {  	[sflag:s1] =	ssyncset.done $0x0  }
0x2a4: {  	s8 =	simm.s32 $0x1D80;
	[sflag:s1] =	ssyncadd.s32 $0xFFFFCE00  }
0x2a5: {  	[tilespmem:s30], [sflag:$0x2] =	stream.indirect.gather [hbm4b:s2+s28], $0x80, s8, s28, $0xb8;
	[tilespmem:$0x1D800] =	vst v63  }
0x2a6: {  	_ =	swait.ge [sflag:s31], $0x3200  }
0x2a7: {  	[sflag:s31] =	ssyncset.done $0x0  }
0x2a8: {  	s9 =	simm.s32 $0x2900;
	[sflag:s31] =	ssyncadd.s32 $0xFFFFCE00  }
0x2a9: {  	[spmem:s3] =	stream.indirect.scatter.add.f32 [tilespmem:s22], [sflag:$0x5], $0x80, s9, s28, $0xb8;
	[tilespmem:$0x1D800] =	vst v63  }
0x2aa: {  	_ =	swait.ge [sflag:s1], $0x3200  }
0x2ab: {  	[sflag:s1] =	ssyncset.done $0x0  }
0x2ac: {  	s10 =	simm.s32 $0x1E00;
	[sflag:s1] =	ssyncadd.s32 $0xFFFFCE00  }
0x2ad: {  	[tilespmem:s22], [sflag:$0x1] =	stream.indirect.gather [hbm4b:s2+s28], $0x80, s10, s28, $0xb8;
	[tilespmem:$0x1D800] =	vst v63  }
0x2ae: {  	_ =	swait.ge [sflag:s5], $0x3200  }
0x2af: {  	[sflag:s5] =	ssyncset.done $0x0  }
0x2b0: {  	s11 =	simm.s32 $0x2980;
	[sflag:s5] =	ssyncadd.s32 $0xFFFFCE00  }
0x2b1: {  	[spmem:s3] =	stream.indirect.scatter.add.f32 [tilespmem:s30], [sflag:$0x5], $0x80, s11, s28, $0xb8;
	[tilespmem:$0x1D800] =	vst v63  }
0x2b2: {  	_ =	swait.ge [sflag:s1], $0x3200  }
0x2b3: {  	[sflag:s1] =	ssyncset.done $0x0  }
0x2b4: {  	s8 =	simm.s32 $0x1E80;
	[sflag:s1] =	ssyncadd.s32 $0xFFFFCE00  }
0x2b5: {  	[tilespmem:s30], [sflag:$0x2] =	stream.indirect.gather [hbm4b:s2+s28], $0x80, s8, s28, $0xb8;
	[tilespmem:$0x1D800] =	vst v63  }
0x2b6: {  	_ =	swait.ge [sflag:s31], $0x3200  }
0x2b7: {  	[sflag:s31] =	ssyncset.done $0x0  }
0x2b8: {  	s9 =	simm.s32 $0x2A00;
	[sflag:s31] =	ssyncadd.s32 $0xFFFFCE00  }
0x2b9: {  	[spmem:s3] =	stream.indirect.scatter.add.f32 [tilespmem:s22], [sflag:$0x5], $0x80, s9, s28, $0xb8;
	[tilespmem:$0x1D800] =	vst v63  }
0x2ba: {  	_ =	swait.ge [sflag:s1], $0x3200  }
0x2bb: {  	[sflag:s1] =	ssyncset.done $0x0  }
0x2bc: {  	s10 =	simm.s32 $0x1F00;
	[sflag:s1] =	ssyncadd.s32 $0xFFFFCE00  }
0x2bd: {  	[tilespmem:s22], [sflag:$0x1] =	stream.indirect.gather [hbm4b:s2+s28], $0x80, s10, s28, $0xb8;
	[tilespmem:$0x1D800] =	vst v63  }
0x2be: {  	_ =	swait.ge [sflag:s5], $0x3200  }
0x2bf: {  	[sflag:s5] =	ssyncset.done $0x0  }
0x2c0: {  	s11 =	simm.s32 $0x2A80;
	[sflag:s5] =	ssyncadd.s32 $0xFFFFCE00  }
0x2c1: {  	[spmem:s3] =	stream.indirect.scatter.add.f32 [tilespmem:s30], [sflag:$0x5], $0x80, s11, s28, $0xb8;
	[tilespmem:$0x1D800] =	vst v63  }
0x2c2: {  	_ =	swait.ge [sflag:s1], $0x3200  }
0x2c3: {  	[sflag:s1] =	ssyncset.done $0x0  }
0x2c4: {  	s8 =	simm.s32 $0x1F80;
	[sflag:s1] =	ssyncadd.s32 $0xFFFFCE00  }
0x2c5: {  	[tilespmem:s30], [sflag:$0x2] =	stream.indirect.gather [hbm4b:s2+s28], $0x80, s8, s28, $0xb8;
	[tilespmem:$0x1D800] =	vst v63  }
0x2c6: {  	_ =	swait.ge [sflag:s31], $0x3200  }
0x2c7: {  	[sflag:s31] =	ssyncset.done $0x0  }
0x2c8: {  	s9 =	simm.s32 $0x2B00;
	[sflag:s31] =	ssyncadd.s32 $0xFFFFCE00  }
0x2c9: {  	[spmem:s3] =	stream.indirect.scatter.add.f32 [tilespmem:s22], [sflag:$0x5], $0x80, s9, s28, $0xb8;
	[tilespmem:$0x1D800] =	vst v63  }
0x2ca: {  	_ =	swait.ge [sflag:s1], $0x3200  }
0x2cb: {  	[sflag:s1] =	ssyncset.done $0x0  }
0x2cc: {  	s10 =	simm.s32 $0x2000;
	[sflag:s1] =	ssyncadd.s32 $0xFFFFCE00  }
0x2cd: {  	[tilespmem:s22], [sflag:$0x1] =	stream.indirect.gather [hbm4b:s2+s28], $0x80, s10, s28, $0xb8;
	[tilespmem:$0x1D800] =	vst v63  }
0x2ce: {  	_ =	swait.ge [sflag:s5], $0x3200  }
0x2cf: {  	[sflag:s5] =	ssyncset.done $0x0  }
0x2d0: {  	s11 =	simm.s32 $0x2B80;
	[sflag:s5] =	ssyncadd.s32 $0xFFFFCE00  }
0x2d1: {  	[spmem:s3] =	stream.indirect.scatter.add.f32 [tilespmem:s30], [sflag:$0x5], $0x80, s11, s28, $0xb8;
	[tilespmem:$0x1D800] =	vst v63  }
0x2d2: {  	_ =	swait.ge [sflag:s1], $0x3200  }
0x2d3: {  	[sflag:s1] =	ssyncset.done $0x0  }
0x2d4: {  	s8 =	simm.s32 $0x2080;
	[sflag:s1] =	ssyncadd.s32 $0xFFFFCE00  }
0x2d5: {  	[tilespmem:s30], [sflag:$0x2] =	stream.indirect.gather [hbm4b:s2+s28], $0x80, s8, s28, $0xb8;
	[tilespmem:$0x1D800] =	vst v63  }
0x2d6: {  	_ =	swait.ge [sflag:s31], $0x3200  }
0x2d7: {  	[sflag:s31] =	ssyncset.done $0x0  }
0x2d8: {  	s9 =	simm.s32 $0x2C00;
	[sflag:s31] =	ssyncadd.s32 $0xFFFFCE00  }
0x2d9: {  	[spmem:s3] =	stream.indirect.scatter.add.f32 [tilespmem:s22], [sflag:$0x5], $0x80, s9, s28, $0xb8;
	[tilespmem:$0x1D800] =	vst v63  }
0x2da: {  	_ =	swait.ge [sflag:s1], $0x3200  }
0x2db: {  	[sflag:s1] =	ssyncset.done $0x0  }
0x2dc: {  	s10 =	simm.s32 $0x2100;
	[sflag:s1] =	ssyncadd.s32 $0xFFFFCE00  }
0x2dd: {  	[tilespmem:s22], [sflag:$0x1] =	stream.indirect.gather [hbm4b:s2+s28], $0x80, s10, s28, $0xb8;
	[tilespmem:$0x1D800] =	vst v63  }
0x2de: {  	_ =	swait.ge [sflag:s5], $0x3200  }
0x2df: {  	[sflag:s5] =	ssyncset.done $0x0  }
0x2e0: {  	s11 =	simm.s32 $0x2C80;
	[sflag:s5] =	ssyncadd.s32 $0xFFFFCE00  }
0x2e1: {  	[spmem:s3] =	stream.indirect.scatter.add.f32 [tilespmem:s30], [sflag:$0x5], $0x80, s11, s28, $0xb8;
	[tilespmem:$0x1D800] =	vst v63  }
0x2e2: {  	_ =	swait.ge [sflag:s1], $0x3200  }
0x2e3: {  	[sflag:s1] =	ssyncset.done $0x0  }
0x2e4: {  	s8 =	simm.s32 $0x2180;
	[sflag:s1] =	ssyncadd.s32 $0xFFFFCE00  }
0x2e5: {  	[tilespmem:s30], [sflag:$0x2] =	stream.indirect.gather [hbm4b:s2+s28], $0x80, s8, s28, $0xb8;
	[tilespmem:$0x1D800] =	vst v63  }
0x2e6: {  	_ =	swait.ge [sflag:s31], $0x3200  }
0x2e7: {  	[sflag:s31] =	ssyncset.done $0x0  }
0x2e8: {  	s9 =	simm.s32 $0x2D00;
	[sflag:s31] =	ssyncadd.s32 $0xFFFFCE00  }
0x2e9: {  	[spmem:s3] =	stream.indirect.scatter.add.f32 [tilespmem:s22], [sflag:$0x5], $0x80, s9, s28, $0xb8;
	[tilespmem:$0x1D800] =	vst v63  }
0x2ea: {  	_ =	swait.ge [sflag:s1], $0x3200  }
0x2eb: {  	[sflag:s1] =	ssyncset.done $0x0  }
0x2ec: {  	[sflag:s1] =	ssyncadd.s32 $0xFFFFCE00  }
0x2ed: {  	_ =	swait.ge [sflag:s5], $0x3200  }
0x2ee: {  	[sflag:s5] =	ssyncset.done $0x0  }
0x2ef: {  	s10 =	simm.s32 $0x2D80;
	[sflag:s5] =	ssyncadd.s32 $0xFFFFCE00  }
0x2f0: {  	[spmem:s3] =	stream.indirect.scatter.add.f32 [tilespmem:s30], [sflag:$0x5], $0x80, s10, s28, $0xb8;
	[tilespmem:$0x1D800] =	vst v63  }
0x2f1: {  	_ =	swait.ge [sflag:s1], $0x3200  }
0x2f2: {  	[sflag:s1] =	ssyncset.done $0x0  }
0x2f3: {  	[sflag:s1] =	ssyncadd.s32 $0xFFFFCE00  }
0x2f4: {  	_ =	swait.ge [sflag:s24], $0x1400  }
0x2f5: {  	[sflag:s24] =	ssyncset.done $0x0  }
0x2f6: {  	[sflag:s24] =	ssyncadd.s32 $0xFFFFEC00  }
0x2f7: {  	[tilespmem:s22], [sflag:$0x1] =	stream.indirect.gather [hbm4b:s2+s28], $0x80, s4, s28, $0xb8;
	[tilespmem:$0x1D800] =	vst v63  }
0x2f8: {  	s11 =	simm.s32 $0x80  }
0x2f9: {  	[tilespmem:s30], [sflag:$0x2] =	stream.indirect.gather [hbm4b:s2+s28], $0x80, s11, s28, $0xb8;
	[tilespmem:$0x1D800] =	vst v63  }
0x2fa: {  	_ =	swait.ge [sflag:s31], $0x3200  }
0x2fb: {  	[sflag:s31] =	ssyncset.done $0x0  }
0x2fc: {  	s12 =	simm.s32 $0xC00;
	[sflag:s31] =	ssyncadd.s32 $0xFFFFCE00  }
0x2fd: {  	[spmem:s3] =	stream.indirect.scatter.add.f32 [tilespmem:s22], [sflag:$0x5], $0x80, s12, s28, $0xb8;
	[tilespmem:$0x1D800] =	vst v63  }
0x2fe: {  	_ =	swait.ge [sflag:s1], $0x3200  }
0x2ff: {  	[sflag:s1] =	ssyncset.done $0x0  }
0x300: {  	s8 =	simm.s32 $0x100;
	[sflag:s1] =	ssyncadd.s32 $0xFFFFCE00  }
0x301: {  	[tilespmem:s22], [sflag:$0x1] =	stream.indirect.gather [hbm4b:s2+s28], $0x80, s8, s28, $0xb8;
	[tilespmem:$0x1D800] =	vst v63  }
0x302: {  	_ =	swait.ge [sflag:s5], $0x3200  }
0x303: {  	[sflag:s5] =	ssyncset.done $0x0  }
0x304: {  	s9 =	simm.s32 $0xC80;
	[sflag:s5] =	ssyncadd.s32 $0xFFFFCE00  }
0x305: {  	[spmem:s3] =	stream.indirect.scatter.add.f32 [tilespmem:s30], [sflag:$0x5], $0x80, s9, s28, $0xb8;
	[tilespmem:$0x1D800] =	vst v63  }
0x306: {  	_ =	swait.ge [sflag:s1], $0x3200  }
0x307: {  	[sflag:s1] =	ssyncset.done $0x0  }
0x308: {  	s10 =	simm.s32 $0x180;
	[sflag:s1] =	ssyncadd.s32 $0xFFFFCE00  }
0x309: {  	[tilespmem:s30], [sflag:$0x2] =	stream.indirect.gather [hbm4b:s2+s28], $0x80, s10, s28, $0xb8;
	[tilespmem:$0x1D800] =	vst v63  }
0x30a: {  	_ =	swait.ge [sflag:s31], $0x3200  }
0x30b: {  	[sflag:s31] =	ssyncset.done $0x0  }
0x30c: {  	s11 =	simm.s32 $0xD00;
	[sflag:s31] =	ssyncadd.s32 $0xFFFFCE00  }
0x30d: {  	[spmem:s3] =	stream.indirect.scatter.add.f32 [tilespmem:s22], [sflag:$0x5], $0x80, s11, s28, $0xb8;
	[tilespmem:$0x1D800] =	vst v63  }
0x30e: {  	_ =	swait.ge [sflag:s1], $0x3200  }
0x30f: {  	[sflag:s1] =	ssyncset.done $0x0  }
0x310: {  	s8 =	simm.s32 $0x200;
	[sflag:s1] =	ssyncadd.s32 $0xFFFFCE00  }
0x311: {  	[tilespmem:s22], [sflag:$0x1] =	stream.indirect.gather [hbm4b:s2+s28], $0x80, s8, s28, $0xb8;
	[tilespmem:$0x1D800] =	vst v63  }
0x312: {  	_ =	swait.ge [sflag:s5], $0x3200  }
0x313: {  	[sflag:s5] =	ssyncset.done $0x0  }
0x314: {  	s9 =	simm.s32 $0xD80;
	[sflag:s5] =	ssyncadd.s32 $0xFFFFCE00  }
0x315: {  	[spmem:s3] =	stream.indirect.scatter.add.f32 [tilespmem:s30], [sflag:$0x5], $0x80, s9, s28, $0xb8;
	[tilespmem:$0x1D800] =	vst v63  }
0x316: {  	_ =	swait.ge [sflag:s1], $0x3200  }
0x317: {  	[sflag:s1] =	ssyncset.done $0x0  }
0x318: {  	s10 =	simm.s32 $0x280;
	[sflag:s1] =	ssyncadd.s32 $0xFFFFCE00  }
0x319: {  	[tilespmem:s30], [sflag:$0x2] =	stream.indirect.gather [hbm4b:s2+s28], $0x80, s10, s28, $0xb8;
	[tilespmem:$0x1D800] =	vst v63  }
0x31a: {  	_ =	swait.ge [sflag:s31], $0x3200  }
0x31b: {  	[sflag:s31] =	ssyncset.done $0x0  }
0x31c: {  	s11 =	simm.s32 $0xE00;
	[sflag:s31] =	ssyncadd.s32 $0xFFFFCE00  }
0x31d: {  	[spmem:s3] =	stream.indirect.scatter.add.f32 [tilespmem:s22], [sflag:$0x5], $0x80, s11, s28, $0xb8;
	[tilespmem:$0x1D800] =	vst v63  }
0x31e: {  	_ =	swait.ge [sflag:s1], $0x3200  }
0x31f: {  	[sflag:s1] =	ssyncset.done $0x0  }
0x320: {  	s8 =	simm.s32 $0x300;
	[sflag:s1] =	ssyncadd.s32 $0xFFFFCE00  }
0x321: {  	[tilespmem:s22], [sflag:$0x1] =	stream.indirect.gather [hbm4b:s2+s28], $0x80, s8, s28, $0xb8;
	[tilespmem:$0x1D800] =	vst v63  }
0x322: {  	_ =	swait.ge [sflag:s5], $0x3200  }
0x323: {  	[sflag:s5] =	ssyncset.done $0x0  }
0x324: {  	s9 =	simm.s32 $0xE80;
	[sflag:s5] =	ssyncadd.s32 $0xFFFFCE00  }
0x325: {  	[spmem:s3] =	stream.indirect.scatter.add.f32 [tilespmem:s30], [sflag:$0x5], $0x80, s9, s28, $0xb8;
	[tilespmem:$0x1D800] =	vst v63  }
0x326: {  	_ =	swait.ge [sflag:s1], $0x3200  }
0x327: {  	[sflag:s1] =	ssyncset.done $0x0  }
0x328: {  	s10 =	simm.s32 $0x380;
	[sflag:s1] =	ssyncadd.s32 $0xFFFFCE00  }
0x329: {  	[tilespmem:s30], [sflag:$0x2] =	stream.indirect.gather [hbm4b:s2+s28], $0x80, s10, s28, $0xb8;
	[tilespmem:$0x1D800] =	vst v63  }
0x32a: {  	_ =	swait.ge [sflag:s31], $0x3200  }
0x32b: {  	[sflag:s31] =	ssyncset.done $0x0  }
0x32c: {  	s11 =	simm.s32 $0xF00;
	[sflag:s31] =	ssyncadd.s32 $0xFFFFCE00  }
0x32d: {  	[spmem:s3] =	stream.indirect.scatter.add.f32 [tilespmem:s22], [sflag:$0x5], $0x80, s11, s28, $0xb8;
	[tilespmem:$0x1D800] =	vst v63  }
0x32e: {  	_ =	swait.ge [sflag:s1], $0x3200  }
0x32f: {  	[sflag:s1] =	ssyncset.done $0x0  }
0x330: {  	s8 =	simm.s32 $0x400;
	[sflag:s1] =	ssyncadd.s32 $0xFFFFCE00  }
0x331: {  	[tilespmem:s22], [sflag:$0x1] =	stream.indirect.gather [hbm4b:s2+s28], $0x80, s8, s28, $0xb8;
	[tilespmem:$0x1D800] =	vst v63  }
0x332: {  	_ =	swait.ge [sflag:s5], $0x3200  }
0x333: {  	[sflag:s5] =	ssyncset.done $0x0  }
0x334: {  	s9 =	simm.s32 $0xF80;
	[sflag:s5] =	ssyncadd.s32 $0xFFFFCE00  }
0x335: {  	[spmem:s3] =	stream.indirect.scatter.add.f32 [tilespmem:s30], [sflag:$0x5], $0x80, s9, s28, $0xb8;
	[tilespmem:$0x1D800] =	vst v63  }
0x336: {  	_ =	swait.ge [sflag:s1], $0x3200  }
0x337: {  	[sflag:s1] =	ssyncset.done $0x0  }
0x338: {  	s10 =	simm.s32 $0x480;
	[sflag:s1] =	ssyncadd.s32 $0xFFFFCE00  }
0x339: {  	[tilespmem:s30], [sflag:$0x2] =	stream.indirect.gather [hbm4b:s2+s28], $0x80, s10, s28, $0xb8;
	[tilespmem:$0x1D800] =	vst v63  }
0x33a: {  	_ =	swait.ge [sflag:s31], $0x3200  }
0x33b: {  	[sflag:s31] =	ssyncset.done $0x0  }
0x33c: {  	s11 =	simm.s32 $0x1000;
	[sflag:s31] =	ssyncadd.s32 $0xFFFFCE00  }
0x33d: {  	[spmem:s3] =	stream.indirect.scatter.add.f32 [tilespmem:s22], [sflag:$0x5], $0x80, s11, s28, $0xb8;
	[tilespmem:$0x1D800] =	vst v63  }
0x33e: {  	_ =	swait.ge [sflag:s1], $0x3200  }
0x33f: {  	[sflag:s1] =	ssyncset.done $0x0  }
0x340: {  	s8 =	simm.s32 $0x500;
	[sflag:s1] =	ssyncadd.s32 $0xFFFFCE00  }
0x341: {  	[tilespmem:s22], [sflag:$0x1] =	stream.indirect.gather [hbm4b:s2+s28], $0x80, s8, s28, $0xb8;
	[tilespmem:$0x1D800] =	vst v63  }
0x342: {  	_ =	swait.ge [sflag:s5], $0x3200  }
0x343: {  	[sflag:s5] =	ssyncset.done $0x0  }
0x344: {  	s9 =	simm.s32 $0x1080;
	[sflag:s5] =	ssyncadd.s32 $0xFFFFCE00  }
0x345: {  	[spmem:s3] =	stream.indirect.scatter.add.f32 [tilespmem:s30], [sflag:$0x5], $0x80, s9, s28, $0xb8;
	[tilespmem:$0x1D800] =	vst v63  }
0x346: {  	_ =	swait.ge [sflag:s1], $0x3200  }
0x347: {  	[sflag:s1] =	ssyncset.done $0x0  }
0x348: {  	s10 =	simm.s32 $0x580;
	[sflag:s1] =	ssyncadd.s32 $0xFFFFCE00  }
0x349: {  	[tilespmem:s30], [sflag:$0x2] =	stream.indirect.gather [hbm4b:s2+s28], $0x80, s10, s28, $0xb8;
	[tilespmem:$0x1D800] =	vst v63  }
0x34a: {  	_ =	swait.ge [sflag:s31], $0x3200  }
0x34b: {  	[sflag:s31] =	ssyncset.done $0x0  }
0x34c: {  	s11 =	simm.s32 $0x1100;
	[sflag:s31] =	ssyncadd.s32 $0xFFFFCE00  }
0x34d: {  	[spmem:s3] =	stream.indirect.scatter.add.f32 [tilespmem:s22], [sflag:$0x5], $0x80, s11, s28, $0xb8;
	[tilespmem:$0x1D800] =	vst v63  }
0x34e: {  	_ =	swait.ge [sflag:s1], $0x3200  }
0x34f: {  	[sflag:s1] =	ssyncset.done $0x0  }
0x350: {  	s8 =	simm.s32 $0x600;
	[sflag:s1] =	ssyncadd.s32 $0xFFFFCE00  }
0x351: {  	[tilespmem:s22], [sflag:$0x1] =	stream.indirect.gather [hbm4b:s2+s28], $0x80, s8, s28, $0xb8;
	[tilespmem:$0x1D800] =	vst v63  }
0x352: {  	_ =	swait.ge [sflag:s5], $0x3200  }
0x353: {  	[sflag:s5] =	ssyncset.done $0x0  }
0x354: {  	s9 =	simm.s32 $0x1180;
	[sflag:s5] =	ssyncadd.s32 $0xFFFFCE00  }
0x355: {  	[spmem:s3] =	stream.indirect.scatter.add.f32 [tilespmem:s30], [sflag:$0x5], $0x80, s9, s28, $0xb8;
	[tilespmem:$0x1D800] =	vst v63  }
0x356: {  	_ =	swait.ge [sflag:s1], $0x3200  }
0x357: {  	[sflag:s1] =	ssyncset.done $0x0  }
0x358: {  	s10 =	simm.s32 $0x680;
	[sflag:s1] =	ssyncadd.s32 $0xFFFFCE00  }
0x359: {  	[tilespmem:s30], [sflag:$0x2] =	stream.indirect.gather [hbm4b:s2+s28], $0x80, s10, s28, $0xb8;
	[tilespmem:$0x1D800] =	vst v63  }
0x35a: {  	_ =	swait.ge [sflag:s31], $0x3200  }
0x35b: {  	[sflag:s31] =	ssyncset.done $0x0  }
0x35c: {  	s11 =	simm.s32 $0x1200;
	[sflag:s31] =	ssyncadd.s32 $0xFFFFCE00  }
0x35d: {  	[spmem:s3] =	stream.indirect.scatter.add.f32 [tilespmem:s22], [sflag:$0x5], $0x80, s11, s28, $0xb8;
	[tilespmem:$0x1D800] =	vst v63  }
0x35e: {  	_ =	swait.ge [sflag:s1], $0x3200  }
0x35f: {  	[sflag:s1] =	ssyncset.done $0x0  }
0x360: {  	s8 =	simm.s32 $0x700;
	[sflag:s1] =	ssyncadd.s32 $0xFFFFCE00  }
0x361: {  	[tilespmem:s22], [sflag:$0x1] =	stream.indirect.gather [hbm4b:s2+s28], $0x80, s8, s28, $0xb8;
	[tilespmem:$0x1D800] =	vst v63  }
0x362: {  	_ =	swait.ge [sflag:s5], $0x3200  }
0x363: {  	[sflag:s5] =	ssyncset.done $0x0  }
0x364: {  	s9 =	simm.s32 $0x1280;
	[sflag:s5] =	ssyncadd.s32 $0xFFFFCE00  }
0x365: {  	[spmem:s3] =	stream.indirect.scatter.add.f32 [tilespmem:s30], [sflag:$0x5], $0x80, s9, s28, $0xb8;
	[tilespmem:$0x1D800] =	vst v63  }
0x366: {  	_ =	swait.ge [sflag:s1], $0x3200  }
0x367: {  	[sflag:s1] =	ssyncset.done $0x0  }
0x368: {  	s10 =	simm.s32 $0x780;
	[sflag:s1] =	ssyncadd.s32 $0xFFFFCE00  }
0x369: {  	[tilespmem:s30], [sflag:$0x2] =	stream.indirect.gather [hbm4b:s2+s28], $0x80, s10, s28, $0xb8;
	[tilespmem:$0x1D800] =	vst v63  }
0x36a: {  	_ =	swait.ge [sflag:s31], $0x3200  }
0x36b: {  	[sflag:s31] =	ssyncset.done $0x0  }
0x36c: {  	s11 =	simm.s32 $0x1300;
	[sflag:s31] =	ssyncadd.s32 $0xFFFFCE00  }
0x36d: {  	[spmem:s3] =	stream.indirect.scatter.add.f32 [tilespmem:s22], [sflag:$0x5], $0x80, s11, s28, $0xb8;
	[tilespmem:$0x1D800] =	vst v63  }
0x36e: {  	_ =	swait.ge [sflag:s1], $0x3200  }
0x36f: {  	[sflag:s1] =	ssyncset.done $0x0  }
0x370: {  	s8 =	simm.s32 $0x800;
	[sflag:s1] =	ssyncadd.s32 $0xFFFFCE00  }
0x371: {  	[tilespmem:s22], [sflag:$0x1] =	stream.indirect.gather [hbm4b:s2+s28], $0x80, s8, s28, $0xb8;
	[tilespmem:$0x1D800] =	vst v63  }
0x372: {  	_ =	swait.ge [sflag:s5], $0x3200  }
0x373: {  	[sflag:s5] =	ssyncset.done $0x0  }
0x374: {  	s9 =	simm.s32 $0x1380;
	[sflag:s5] =	ssyncadd.s32 $0xFFFFCE00  }
0x375: {  	[spmem:s3] =	stream.indirect.scatter.add.f32 [tilespmem:s30], [sflag:$0x5], $0x80, s9, s28, $0xb8;
	[tilespmem:$0x1D800] =	vst v63  }
0x376: {  	_ =	swait.ge [sflag:s1], $0x3200  }
0x377: {  	[sflag:s1] =	ssyncset.done $0x0  }
0x378: {  	s10 =	simm.s32 $0x880;
	[sflag:s1] =	ssyncadd.s32 $0xFFFFCE00  }
0x379: {  	[tilespmem:s30], [sflag:$0x2] =	stream.indirect.gather [hbm4b:s2+s28], $0x80, s10, s28, $0xb8;
	[tilespmem:$0x1D800] =	vst v63  }
0x37a: {  	_ =	swait.ge [sflag:s31], $0x3200  }
0x37b: {  	[sflag:s31] =	ssyncset.done $0x0  }
0x37c: {  	s11 =	simm.s32 $0x1400;
	[sflag:s31] =	ssyncadd.s32 $0xFFFFCE00  }
0x37d: {  	[spmem:s3] =	stream.indirect.scatter.add.f32 [tilespmem:s22], [sflag:$0x5], $0x80, s11, s28, $0xb8;
	[tilespmem:$0x1D800] =	vst v63  }
0x37e: {  	_ =	swait.ge [sflag:s1], $0x3200  }
0x37f: {  	[sflag:s1] =	ssyncset.done $0x0  }
0x380: {  	s8 =	simm.s32 $0x900;
	[sflag:s1] =	ssyncadd.s32 $0xFFFFCE00  }
0x381: {  	[tilespmem:s22], [sflag:$0x1] =	stream.indirect.gather [hbm4b:s2+s28], $0x80, s8, s28, $0xb8;
	[tilespmem:$0x1D800] =	vst v63  }
0x382: {  	_ =	swait.ge [sflag:s5], $0x3200  }
0x383: {  	[sflag:s5] =	ssyncset.done $0x0  }
0x384: {  	s9 =	simm.s32 $0x1480;
	[sflag:s5] =	ssyncadd.s32 $0xFFFFCE00  }
0x385: {  	[spmem:s3] =	stream.indirect.scatter.add.f32 [tilespmem:s30], [sflag:$0x5], $0x80, s9, s28, $0xb8;
	[tilespmem:$0x1D800] =	vst v63  }
0x386: {  	_ =	swait.ge [sflag:s1], $0x3200  }
0x387: {  	[sflag:s1] =	ssyncset.done $0x0  }
0x388: {  	s10 =	simm.s32 $0x980;
	[sflag:s1] =	ssyncadd.s32 $0xFFFFCE00  }
0x389: {  	[tilespmem:s30], [sflag:$0x2] =	stream.indirect.gather [hbm4b:s2+s28], $0x80, s10, s28, $0xb8;
	[tilespmem:$0x1D800] =	vst v63  }
0x38a: {  	_ =	swait.ge [sflag:s31], $0x3200  }
0x38b: {  	[sflag:s31] =	ssyncset.done $0x0  }
0x38c: {  	s11 =	simm.s32 $0x1500;
	[sflag:s31] =	ssyncadd.s32 $0xFFFFCE00  }
0x38d: {  	[spmem:s3] =	stream.indirect.scatter.add.f32 [tilespmem:s22], [sflag:$0x5], $0x80, s11, s28, $0xb8;
	[tilespmem:$0x1D800] =	vst v63  }
0x38e: {  	_ =	swait.ge [sflag:s1], $0x3200  }
0x38f: {  	[sflag:s1] =	ssyncset.done $0x0  }
0x390: {  	[sflag:s1] =	ssyncadd.s32 $0xFFFFCE00  }
0x391: {  	_ =	swait.ge [sflag:s5], $0x3200  }
0x392: {  	[sflag:s5] =	ssyncset.done $0x0  }
0x393: {  	s8 =	simm.s32 $0x1580;
	[sflag:s5] =	ssyncadd.s32 $0xFFFFCE00  }
0x394: {  	[spmem:s3] =	stream.indirect.scatter.add.f32 [tilespmem:s30], [sflag:$0x5], $0x80, s8, s28, $0xb8;
	[tilespmem:$0x1D800] =	vst v63  }
0x395: {  	_ =	swait.ge [sflag:s1], $0x3200  }
0x396: {  	[sflag:s1] =	ssyncset.done $0x0  }
0x397: {  	[sflag:s1] =	ssyncadd.s32 $0xFFFFCE00  }
0x398: {  	s9 =	stileid.u32;
	[bflag:$0x0] =	sbarrier.arrive $0xFFFF  }
0x399: {  	s8 =	sshll.u32 s9, $0x6;
	s10 =	rddreg [dreg:$0x13]  }
0x39a: {  	s8 =	sor.u32 $0x1C05, s8;
	s0 =	rddreg [dreg:$0xc];
	s11 =	sshrl.u32 s10, $0x3  }
0x39b: {  	[hbm:s0], [sflag:s8] =	dma.local [spmem:s11], $0x2800  }
0x39c: {  	_ =	swait.ge [sflag:s1], $0x2800  }
0x39d: {  	s7 =	sadd.s32 $0x1, s7;
	s11 =	rddreg [dreg:$0xd]  }
0x39e: {  	p0 =	sne.s32 s7, s11  }
.Ltmp1:
0x39f: {  	_ = 	snop;
	(pc) =	sbr.rel @p0 .LBB2_1-.Ltmp1, $3  }
0x3a0: {  	_ =	sdelay $0x1  }
0x3a1: {  	[sflag:s1] =	ssyncset.done $0x0  }
0x3a2: {  	[sflag:s1] =	ssyncadd.s32 $0xFFFFD800  }
0x3a3: {  	_ =	sfence.sel $0x180000  }
0x3a4: {  	[bflag:$0x0] =	sbarrier.arrive $0xFFFF  }
0x3a5: {  	_ =	strace $0x9000004A  }
0x3a6: {  	s0 =	stileid.u32;
	[bflag:$0x2] =	sbarrier.arrive $0xFFFF  }
0x3a7: {  	p0 =	sne.s32 s0, $0x0;
	s0 =	rddreg [dreg:$0x3]  }
0x3a8: {  	s0 =	sadd.s32 @!p0 $0x100000, s0  }
0x3a9: {  	[sflag:s0] =	ssyncadd.tile.s32 @!p0 $0x1;
	_ =	shalt  }
.Lfunc_end2:
_tile_overlayer_lowered:
.L_overlay_start_2:
0x3aa: {  	(tag) =	ssettag $0x2  }
0x3ab: {  	s0 =	rddreg [dreg:$0x0];
	s2 =	stileid.u32  }
0x3ac: {  	s1 =	rddreg [dreg:$0x1];
	p0 =	sne.s32 s2, $0x0  }
0x3ad: {  	s3 =	rddreg [dreg:$0x2];
	[bflag:$0x3] =	sbarrier.arrive $0xFFFF;
	s2 =	simm.s32 @!p0 $0x1C05  }
0x3ae: {  	[timem:s3], [sflag:s2] =	dma.local @!p0 [hbm:s0], s1  }
0x3af: {  	s0 =	simm.s32 @!p0 $0x5  }
0x3b0: {  	_ =	swait.ge @!p0 [sflag:s0], s1  }
0x3b1: {  	s1 =	ssub.s32 @!p0 $0x0, s1;
	[sflag:s0] =	ssyncset.done @!p0 $0x0  }
0x3b2: {  	[sflag:s0] =	ssyncadd.s32 @!p0 s1  }
0x3b3: {  	[bflag:$0x3] =	sbarrier.arrive $0xFFFF  }
0x3b4: {  	_ =	shalt  }

// kernel: kernel.7.cloned.1.call-start
scs
__scs_entry_jumppad:
0x0: {  	(pc) =	sbr.rel $0x88, $3  }
0x1: {  	(tag) =	ssettag $0x0;
	lr =	simm.s32 $0x1  }
0x2: {  	[smem:$0x3F99] =	sst lr;
	_ =	strace $0xD0000000  }
0x3: {  	_ = 	snop  }
0x4: {  	_ = 	snop  }
0x5: {  	_ = 	snop  }
0x6: {  	_ = 	snop  }
0x7: {  	_ = 	snop  }
__scs_overlays_trampoline_lowered:
0x8: {  	[smem:$0x3FA8] =	sst s0  }
0x9: {  	[smem:$0x3FA9] =	sst s1  }
0xa: {  	[smem:$0x3FAA] =	sst s2  }
0xb: {  	[smem:$0x3FAB] =	sst s3  }
0xc: {  	[smem:$0x3FAC] =	sst s4  }
0xd: {  	[smem:$0x3FAD] =	sst s5  }
0xe: {  	[smem:$0x3FAE] =	sst s6  }
0xf: {  	[smem:$0x3FAF] =	sst s7  }
0x10: {  	[smem:$0x3FB0] =	sst s8  }
0x11: {  	[smem:$0x3FB1] =	sst s9;
	s0 =	simm.s32 @!p0 $0x0  }
0x12: {  	s1 =	sld [smem:$0x3F97];
	s0 =	simm.s32 @p0 $0x1  }
0x13: {  	[smem:$0x3FB2] =	sst s0;
	s0 =	simm.s32 @!p1 $0x0  }
0x14: {  	s2 =	sld [smem:$0x3F96];
	s0 =	simm.s32 @p1 $0x1  }
0x15: {  	[smem:$0x3FB3] =	sst s0;
	s0 =	simm.s32 @!p2 $0x0  }
0x16: {  	s3 =	sld [smem:$0x3FDB];
	s0 =	simm.s32 @p2 $0x1  }
0x17: {  	s4 =	simm.s32 $0x1BF5;
	[smem:$0x3FB5] =	sst s0  }
0x18: {  	s0 =	sld [smem:$0x3F98];
	_ =	swait.ge [sflag:s4], $0x0  }
0x19: {  	s7 =	sld [smem:$0x3F99]  }
0x1a: {  	s8 =	sadd.s32 $0xFFFFE003, lr  }
0x1b: {  	s9 =	sadd.s32 $0xFFFFFEF7, lr;
	s5 =	simm.s32 $0xFFFFFFFF;
	p2 =	slt.u32 s8, $0xFFFFF086  }
0x1c: {  	p1 =	slt.u32 s9, $0xF7A;
	s5 =	simm.s32 @!p2 $0x0  }
0x1d: {  	s5 =	simm.s32 @p1 $0x1;
	p0 =	seq.s32 s7, s2  }
0x1e: {  	s7 =	smul.u32 @!p0 $0xF7A, s2;
	p2 =	seq.s32 @!p0 s5, $0x0  }
0x1f: {  	s9 =	smul.u32 $0xF7A, s1;
	s8 =	simm.s32 @!p0 $0x1BF5;
	p2 =	por !p2, p0  }
0x20: {  	[sflag:s8] =	ssyncset.s32 @!p0 $0xFFFFF086;
	s6 =	sadd.s32 @!p0 s3, s7;
	s7 =	simm.s32 @!p0 $0x108  }
0x21: {  	s3 =	sadd.s32 s3, s9;
	s6 =	sadd.s32 @!p0 $0x88, s6;
	s7 =	simm.s32 @p2 $0x1082  }
0x22: {  	[simem:s7], [sflag:s8] =	dma.local @!p0 [hbm:s6], $0xF7A  }
0x23: {  	s9 =	sor.u32 $0xD0000000, s2;
	s6 =	simm.s32 $0x108;
	_ =	swait.ge @!p0 [sflag:s8], $0x0  }
0x24: {  	s3 =	sadd.s32 $0x88, s3;
	s6 =	simm.s32 @!p1 $0x1082;
	[sflag:s4] =	ssyncset.s32 $0xFFFFF086  }
0x25: {  	[simem:s6], [sflag:s4] =	dma.local [hbm:s3], $0xF7A  }
0x26: {  	[smem:$0x3F99] =	sst s1;
	(tag) =	ssettag s2;
	_ =	strace s9  }
0x27: {  	s1 =	sld [smem:$0x3FA9]  }
0x28: {  	s2 =	sld [smem:$0x3FAA]  }
0x29: {  	s4 =	sld [smem:$0x3FAC]  }
0x2a: {  	p0 =	seq.s32 s5, $0x0;
	s5 =	sld [smem:$0x3FAD]  }
0x2b: {  	s6 =	sld [smem:$0x3FAE]  }
0x2c: {  	s7 =	sld [smem:$0x3FAF]  }
0x2d: {  	s3 =	simm.s32 $0x108;
	s8 =	sld [smem:$0x3FB0]  }
0x2e: {  	s3 =	simm.s32 @!p0 $0x1082;
	s9 =	sld [smem:$0x3FB1]  }
0x2f: {  	lr =	sadd.s32 s0, s3;
	s0 =	sld [smem:$0x3FA8]  }
0x30: {  	s3 =	sld [smem:$0x3FAB]  }
0x31: {  	[smem:$0x3FB4] =	sst s10  }
0x32: {  	s10 =	sld [smem:$0x3FB2];
	_ =	sdelay $0x3  }
0x33: {  	p0 =	seq.s32 s10, $0x1;
	s10 =	sld [smem:$0x3FB4];
	_ =	sdelay $0x3  }
0x34: {  	[smem:$0x3FB4] =	sst s10  }
0x35: {  	s10 =	sld [smem:$0x3FB3];
	_ =	sdelay $0x3  }
0x36: {  	p1 =	seq.s32 s10, $0x1;
	s10 =	sld [smem:$0x3FB4];
	_ =	sdelay $0x3  }
0x37: {  	[smem:$0x3FB4] =	sst s10  }
0x38: {  	s10 =	sld [smem:$0x3FB5]  }
0x39: {  	_ = 	snop;
	(pc) =	sbr.ind lr, $3  }
0x3a: {  	_ = 	snop  }
0x3b: {  	_ = 	snop  }
0x3c: {  	p2 =	seq.s32 s10, $0x1;
	s10 =	sld [smem:$0x3FB4]  }
0x3d: {  	_ =	shalt  }
0x3e: {  	_ =	shalt  }
0x3f: {  	_ =	shalt  }
0x40: {  	_ =	shalt  }
0x41: {  	_ =	shalt  }
0x42: {  	_ =	shalt  }
0x43: {  	_ =	shalt  }
0x44: {  	_ =	shalt  }
0x45: {  	_ =	shalt  }
0x46: {  	_ =	shalt  }
0x47: {  	_ =	shalt  }
0x48: {  	_ =	shalt  }
0x49: {  	_ =	shalt  }
0x4a: {  	_ =	shalt  }
0x4b: {  	_ =	shalt  }
0x4c: {  	_ =	shalt  }
0x4d: {  	_ =	shalt  }
0x4e: {  	_ =	shalt  }
0x4f: {  	_ =	shalt  }
0x50: {  	_ =	shalt  }
0x51: {  	_ =	shalt  }
0x52: {  	_ =	shalt  }
0x53: {  	_ =	shalt  }
0x54: {  	_ =	shalt  }
0x55: {  	_ =	shalt  }
0x56: {  	_ =	shalt  }
0x57: {  	_ =	shalt  }
0x58: {  	_ =	shalt  }
0x59: {  	_ =	shalt  }
0x5a: {  	_ =	shalt  }
0x5b: {  	_ =	shalt  }
0x5c: {  	_ =	shalt  }
0x5d: {  	_ =	shalt  }
0x5e: {  	_ =	shalt  }
0x5f: {  	_ =	shalt  }
0x60: {  	_ =	shalt  }
0x61: {  	_ =	shalt  }
0x62: {  	_ =	shalt  }
0x63: {  	_ =	shalt  }
0x64: {  	_ =	shalt  }
0x65: {  	_ =	shalt  }
0x66: {  	_ =	shalt  }
0x67: {  	_ =	shalt  }
0x68: {  	_ =	shalt  }
0x69: {  	_ =	shalt  }
0x6a: {  	_ =	shalt  }
0x6b: {  	_ =	shalt  }
0x6c: {  	_ =	shalt  }
0x6d: {  	_ =	shalt  }
0x6e: {  	_ =	shalt  }
0x6f: {  	_ =	shalt  }
0x70: {  	_ =	shalt  }
0x71: {  	_ =	shalt  }
0x72: {  	_ =	shalt  }
0x73: {  	_ =	shalt  }
0x74: {  	_ =	shalt  }
0x75: {  	_ =	shalt  }
0x76: {  	_ =	shalt  }
0x77: {  	_ =	shalt  }
0x78: {  	_ =	shalt  }
0x79: {  	_ =	shalt  }
0x7a: {  	_ =	shalt  }
0x7b: {  	_ =	shalt  }
0x7c: {  	_ =	shalt  }
0x7d: {  	_ =	shalt  }
0x7e: {  	_ =	shalt  }
0x7f: {  	_ =	shalt  }
0x80: {  	_ =	shalt  }
0x81: {  	_ =	shalt  }
0x82: {  	_ =	shalt  }
0x83: {  	_ =	shalt  }
0x84: {  	_ =	shalt  }
0x85: {  	_ =	shalt  }
0x86: {  	_ =	shalt  }
0x87: {  	_ =	shalt  }
.Lfunc_end0:
.L_simem_size_0:
called_computation_lowered:
.L_overlay_start_0:
0x88: {  	s2 =	sld [smem:$0x3FD9]  }
0x89: {  	s3 =	sld [smem:$0x3FFE];
	_ =	sdelay $0x1  }
0x8a: {  	s1 =	srdreg.scid  }
0x8b: {  	s0 =	sand.u32 $0x1, s1  }
0x8c: {  	s17 =	sshll.u32 s0, $0xA;
	s2 =	sadd.s32 s3, s2  }
0x8d: {  	s2 =	sadd.s32 s2, s17  }
0x8e: {  	[smem:$0x3FC0] =	sst s2  }
0x8f: {  	_ = 	snop  }
0x90: {  	s2 =	sld [smem:$0x3FD0];
	(tm) =	ssettm $0x1  }
0x91: {  	s18 =	sld [smem:$0x3FFB];
	_ =	sdelay $0x3  }
0x92: {  	_ =	strace s18  }
0x93: {  	s3 =	sld [smem:$0x3FFC];
	_ =	sdelay $0x3  }
0x94: {  	_ =	strace s3  }
0x95: {  	s3 =	sld [smem:$0x3FFD];
	_ =	sdelay $0x3  }
0x96: {  	_ =	strace s3  }
0x97: {  	_ =	strace $0x8FFFFFFF  }
0x98: {  	s19 =	sld [smem:$0x3FDB];
	_ =	sdelay $0x1  }
0x99: {  	s4 =	simm.s32 $_scs_section_size  }
0x9a: {  	s5 =	simm.s32 $_size__tile_overlayer_lowered;
	s6 =	simm.s32 $_tile_overlayer_lowered  }
0x9b: {  	s22 =	simm.s32 $0x1BFF;
	s21 =	sshll.u32 s6, $0x1;
	s3 =	sadd.s32 s4, s19  }
0x9c: {  	s7 =	simm.s32 $0x0;
	s20 =	sshll.u32 s5, $0x1;
	s5 =	sadd.s32 s21, s3  }
0x9d: {  	[timem:s7], [sflag:s22] =	dma.local [hbm:s5], s20  }
0x9e: {  	_ =	swait.ge [sflag:s22], s20  }
0x9f: {  	s4 =	ssub.s32 $0x0, s20;
	[sflag:s22] =	ssyncset.done $0x0  }
0xa0: {  	[sflag:s22] =	ssyncadd.s32 s4;
	_ =	sdelay $0x1  }
0xa1: {  	s23 =	simm.s32 $0x1B8B  }
0xa2: {  	_ =	swait.ge [sflag:s23], $0x1  }
0xa3: {  	[sflag:s23] =	ssyncset.done $0x0  }
0xa4: {  	s25 =	simm.s32 $0x1B8E;
	s24 =	sld [smem:$0x3FFE];
	[sflag:s23] =	ssyncadd.s32 $0xFFFFFFFF  }
0xa5: {  	s26 =	simm.s32 $execute0_lowered;
	[smem:$0x3FD2] =	sst s25  }
0xa6: {  	s5 =	sshll.u32 s26, $0x1;
	_ =	strace $0x80000046;
	[dreg:$0x1] =	wrdreg $0xFFFFFFFF  }
0xa7: {  	s28 =	simm.s32 $_size_execute0_lowered;
	s3 =	sadd.s32 s3, s5;
	[dreg:$0x0] =	wrdreg $0x0  }
0xa8: {  	s5 =	sshll.u32 s28, $0x1;
	[dreg:$0x2] =	wrdreg s3  }
0xa9: {  	[dreg:$0x3] =	wrdreg s5  }
0xaa: {  	[dreg:$0x4] =	wrdreg $0xC0  }
0xab: {  	_ =	task [dreg:s7], $0x5FFFF  }
0xac: {  	[dreg:$0x1] =	wrdreg $0xFFFFFFFF  }
0xad: {  	[dreg:$0x0] =	wrdreg $0x60  }
0xae: {  	[dreg:$0x2] =	wrdreg s24  }
0xaf: {  	[dreg:$0x3] =	wrdreg s2  }
0xb0: {  	[dreg:$0x4] =	wrdreg $0x98000  }
0xb1: {  	[dreg:$0x5] =	wrdreg $0x9  }
0xb2: {  	_ =	task.clear_ibuf [dreg:s7], $0x6FFFF;
	_ =	strace $0x90000046  }
0xb3: {  	s29 =	simm.s32 $0x9;
	_ =	strace $0x80000048  }
0xb4: {  	_ =	swait.ge [sflag:s29], $0x1  }
0xb5: {  	[sflag:s29] =	ssyncadd.s32 $0xFFFFFFFF  }
0xb6: {  	_ =	strace $0x90000048  }
0xb7: {  	_ =	sfence  }
0xb8: {  	s30 =	sld [smem:$0x0];
	_ =	sdelay $0x2  }
0xb9: {  	s31 =	sshll.u32 s1, $0xD;
	s1 =	sshrl.u32 s1, $0x2  }
0xba: {  	s3 =	sand.u32 $0x4000, s31;
	s1 =	sadd.s32 s1, s30  }
0xbb: {  	s0 =	sor.u32 s3, s0;
	s1 =	sshll.u32 s1, $0x11  }
0xbc: {  	s0 =	sor.u32 s1, s0  }
0xbd: {  	s0 =	sadd.s32 $0x8F2B, s0  }
0xbe: {  	[sflag:s0] =	ssyncadd.remote.s32 $0x1  }
0xbf: {  	_ =	sfence.sel $0xFFFF  }
0xc0: {  	[dreg:$0x0] =	wrdreg $0xFFFFFFFF;
	(pc) =	sbr.abs _section_cstart, $3  }
0xc1: {  	[dreg:$0x1] =	wrdreg $0xFFFFFFFF  }
0xc2: {  	_ =	task.clear_ibuf [dreg:s7], $0x2FFFF;
	_ =	strace $0x9FFFFFFF  }
0xc3: {  	(tm) =	ssettm $0x7FFFFFFF  }
tec
execute0_lowered:
.L_overlay_start_1:
0x0: {  	(tag) =	ssettag $0x1  }
0x1: {  	s0 =	rddreg [dreg:$0x0];
	s1 =	srdreg.scid  }
0x2: {  	s2 =	rddreg [dreg:$0x1];
	s9 =	stileid.u32  }
0x3: {  	s3 =	rddreg [dreg:$0x2];
	s4 =	simm.s32 $0x0;
	s6 =	smul.u32 $0x7800, s9  }
0x4: {  	s28 =	simm.s32 $0x64;
	s30 =	simm.s32 $0x6400;
	s8 =	smul.u32 $0x14000, s9  }
0x5: {  	s31 =	simm.s32 $0x1;
	s1 =	sand.u32 $0x1, s1;
	s11 =	smul.u32 $0x50000, s9  }
0x6: {  	s29 =	simm.s32 $0x2700;
	[smem:$0x7FF] =	sst s4;
	s7 =	smul.u32 $0x140000, s1  }
0x7: {  	s5 =	smul.u32 $0x78000, s1;
	_ =	strace $0x80000047;
	s1 =	ssub.s32 $0x2, s1  }
0x8: {  	s12 =	sshrl.u32 s1, $0x1;
	s10 =	sadd.s32 s8, s7;
	s7 =	sshrl.u32 s11, $0x2  }
0x9: {  	s5 =	sadd.s32 s6, s5;
	s1 =	ssub.s32 s1, s12;
	s14 =	sadd.s32 s7, s3  }
0xa: {  	s12 =	simm.s32 $0xC00;
	s25 =	smax.u32 s1, $0x1;
	[dreg:$0x13] =	wrdreg s14  }
0xb: {  	s5 =	sshrl.u32 s5, $0x3;
	s7 =	sadd.s32 $0x2800, s14;
	[dreg:$0xd] =	wrdreg s25  }
0xc: {  	s6 =	sshrl.u32 s10, $0x3;
	s15 =	sadd.s32 $0x5000, s14;
	[dreg:$0x5] =	wrdreg s7  }
0xd: {  	s1 =	simm.s32 $0x5;
	s16 =	sadd.s32 $0x7800, s14;
	[dreg:$0x6] =	wrdreg s15  }
0xe: {  	s5 =	sadd.s32 s5, s0;
	s17 =	sadd.s32 $0xA000, s14;
	[dreg:$0x7] =	wrdreg s16  }
0xf: {  	s0 =	sadd.s32 s6, s0;
	s18 =	sadd.s32 $0xC800, s14;
	[dreg:$0x8] =	wrdreg s17  }
0x10: {  	s19 =	sadd.s32 $0xF000, s14;
	s20 =	sadd.s32 $0x11800, s14;
	[dreg:$0x9] =	wrdreg s18  }
0x11: {  	s6 =	simm.s32 $0x2400;
	s14 =	simm.s32 $0x2500;
	[dreg:$0xa] =	wrdreg s19  }
0x12: {  	s25 =	simm.s32 $0x1B80;
	s13 =	sadd.s32 $0x2600, s5;
	[dreg:$0xb] =	wrdreg s20  }
0x13: {  	s21 =	sadd.s32 $0x2900, s5;
	s22 =	sadd.s32 $0x2C00, s5;
	[dreg:$0x4] =	wrdreg s13  }
0x14: {  	s23 =	sadd.s32 $0x2F00, s5;
	s24 =	sadd.s32 $0x3200, s5;
	[dreg:$0xf] =	wrdreg s21  }
0x15: {  	s0 =	sadd.s32 $0x20600, s0;
	s26 =	sadd.s32 $0x2780, s5;
	[dreg:$0x10] =	wrdreg s22  }
0x16: {  	s5 =	simm.s32 $0x2;
	s7 =	simm.s32 $0x0;
	[dreg:$0x11] =	wrdreg s23  }
0x17: {  	s15 =	simm.s32 $0x1A00;
	s16 =	simm.s32 $0x2580;
	[dreg:$0x12] =	wrdreg s24  }
0x18: {  	s17 =	simm.s32 $0x1A80;
	s18 =	simm.s32 $0x2600;
	[dreg:$0xc] =	wrdreg s0  }
0x19: {  	s19 =	simm.s32 $0x1B00;
	s20 =	simm.s32 $0x2680;
	[dreg:$0xe] =	wrdreg s26  }
0x1a: {  	s22 =	simm.s32 $0x3000;
	s23 =	simm.s32 $0x3;
	s24 =	simm.s32 $0x4  }
0x1b: {  	v0 =	vimm.f32 $0.0e+00;
	s26 =	simm.s32 $0x1800;
	s21 =	simm.s32 $0x1900;
	s13 =	simm.s32 $0x1980  }
.LBB2_1:
0x1c: {  	s8 =	rddreg [dreg:$0x4]  }
0x1d: {  	[tilespmem:s4], [sflag:$0x4] =	stream.linear.gather [hbm4b:s8+s4], $0xA00, $0x38;
	[tilespmem:$0x1D800] =	vst v63  }
0x1e: {  	s10 =	rddreg [dreg:$0xe];
	s11 =	sand.u32 $0xFE00, s4  }
0x1f: {  	[tilespmem:s12], [sflag:$0x4] =	stream.linear.gather [hbm4b:s10+s4], $0xA00, $0x38;
	[tilespmem:$0x1D800] =	vst v63  }
0x20: {  	s9 =	sand.u32 $0x70, s4;
	s10 =	sshrl.u32 s11, $0x2  }
0x21: {  	s8 =	simm.s32 $0x40;
	s10 =	sor.u32 s9, s10;
	s9 =	simm.s32 $0x0  }
.LBB2_2:
0x22: {  	p0 =	sne.s32 s8, $0xC7C0  }
0x23: {  	[tilespmem:s10+$0x3000] =	vst v0;
	s9 =	sadd.s32 $0x10, s9;
	s10 =	smov.u32 s8;
	s8 =	sadd.s32 $0x40, s8  }
.Ltmp0:
0x24: {  	(pc) =	sbr.rel @p0 .LBB2_2-.Ltmp0, $4  }
0x25: {  	_ = 	snop  }
0x26: {  	s10 =	sand.u32 $0xFE00, s10  }
0x27: {  	s11 =	sand.u32 $0x70, s9;
	s10 =	sshrl.u32 s10, $0x2  }
0x28: {  	s10 =	sor.u32 s11, s10  }
0x29: {  	[tilespmem:s10+$0x3000] =	vst v0;
	s0 =	rddreg [dreg:$0x13]  }
0x2a: {  	[spmem:s0] =	stream.linear.scatter [tilespmem:s22], [sflag:$0x3], $0x2800, $0x38;
	[tilespmem:$0x1D800] =	vst v63  }
0x2b: {  	s8 =	rddreg [dreg:$0x5]  }
0x2c: {  	[spmem:s8] =	stream.linear.scatter [tilespmem:s22], [sflag:$0x3], $0x2800, $0x38;
	[tilespmem:$0x1D800] =	vst v63  }
0x2d: {  	s11 =	rddreg [dreg:$0x6]  }
0x2e: {  	[spmem:s11] =	stream.linear.scatter [tilespmem:s22], [sflag:$0x3], $0x2800, $0x38;
	[tilespmem:$0x1D800] =	vst v63  }
0x2f: {  	s0 =	rddreg [dreg:$0x7]  }
0x30: {  	[spmem:s0] =	stream.linear.scatter [tilespmem:s22], [sflag:$0x3], $0x2800, $0x38;
	[tilespmem:$0x1D800] =	vst v63  }
0x31: {  	s9 =	rddreg [dreg:$0x8]  }
0x32: {  	[spmem:s9] =	stream.linear.scatter [tilespmem:s22], [sflag:$0x3], $0x2800, $0x38;
	[tilespmem:$0x1D800] =	vst v63  }
0x33: {  	s10 =	rddreg [dreg:$0x9]  }
0x34: {  	[spmem:s10] =	stream.linear.scatter [tilespmem:s22], [sflag:$0x3], $0x2800, $0x38;
	[tilespmem:$0x1D800] =	vst v63  }
0x35: {  	s11 =	rddreg [dreg:$0xa]  }
0x36: {  	[spmem:s11] =	stream.linear.scatter [tilespmem:s22], [sflag:$0x3], $0x2800, $0x38;
	[tilespmem:$0x1D800] =	vst v63  }
0x37: {  	s0 =	rddreg [dreg:$0xb]  }
0x38: {  	[spmem:s0] =	stream.linear.scatter [tilespmem:s22], [sflag:$0x3], $0x2800, $0x38;
	[tilespmem:$0x1D800] =	vst v63  }
0x39: {  	_ =	swait.ge [sflag:s23], $0x2800  }
0x3a: {  	[sflag:s23] =	ssyncset.done $0x0  }
0x3b: {  	[sflag:s23] =	ssyncadd.s32 $0xFFFFD800  }
0x3c: {  	_ =	swait.ge [sflag:s23], $0x2800  }
0x3d: {  	[sflag:s23] =	ssyncset.done $0x0  }
0x3e: {  	[sflag:s23] =	ssyncadd.s32 $0xFFFFD800  }
0x3f: {  	_ =	swait.ge [sflag:s23], $0x2800  }
0x40: {  	[sflag:s23] =	ssyncset.done $0x0  }
0x41: {  	[sflag:s23] =	ssyncadd.s32 $0xFFFFD800  }
0x42: {  	_ =	swait.ge [sflag:s23], $0x2800  }
0x43: {  	[sflag:s23] =	ssyncset.done $0x0  }
0x44: {  	[sflag:s23] =	ssyncadd.s32 $0xFFFFD800  }
0x45: {  	_ =	swait.ge [sflag:s23], $0x2800  }
0x46: {  	[sflag:s23] =	ssyncset.done $0x0  }
0x47: {  	[sflag:s23] =	ssyncadd.s32 $0xFFFFD800  }
0x48: {  	_ =	swait.ge [sflag:s23], $0x2800  }
0x49: {  	[sflag:s23] =	ssyncset.done $0x0  }
0x4a: {  	[sflag:s23] =	ssyncadd.s32 $0xFFFFD800  }
0x4b: {  	_ =	swait.ge [sflag:s23], $0x2800  }
0x4c: {  	[sflag:s23] =	ssyncset.done $0x0  }
0x4d: {  	[sflag:s23] =	ssyncadd.s32 $0xFFFFD800  }
0x4e: {  	_ =	swait.ge [sflag:s23], $0x2800  }
0x4f: {  	[sflag:s23] =	ssyncset.done $0x0  }
0x50: {  	[sflag:s23] =	ssyncadd.s32 $0xFFFFD800  }
0x51: {  	_ =	swait.ge [sflag:s24], $0x1400  }
0x52: {  	[sflag:s24] =	ssyncset.done $0x0  }
0x53: {  	[sflag:s24] =	ssyncadd.s32 $0xFFFFEC00  }
0x54: {  	[bflag:$0x0] =	sbarrier.arrive $0xFFFF  }
0x55: {  	s8 =	rddreg [dreg:$0xf]  }
0x56: {  	[tilespmem:s26], [sflag:$0x4] =	stream.linear.gather [hbm4b:s8+s4], $0xA00, $0x38;
	[tilespmem:$0x1D800] =	vst v63  }
0x57: {  	s9 =	sadd.s32 $0x180, s8  }
0x58: {  	[tilespmem:s6], [sflag:$0x4] =	stream.linear.gather [hbm4b:s9+s4], $0xA00, $0x38;
	[tilespmem:$0x1D800] =	vst v63  }
0x59: {  	_ = 	snop  }
0x5a: {  	[tilespmem:s22], [sflag:$0x1] =	stream.indirect.gather [hbm4b:s2+s28], $0x80, s4, s28, $0xb8;
	[tilespmem:$0x1D800] =	vst v63  }
0x5b: {  	s10 =	simm.s32 $0x80  }
0x5c: {  	[tilespmem:s30], [sflag:$0x2] =	stream.indirect.gather [hbm4b:s2+s28], $0x80, s10, s28, $0xb8;
	[tilespmem:$0x1D800] =	vst v63  }
0x5d: {  	_ =	swait.ge [sflag:s31], $0x3200  }
0x5e: {  	[sflag:s31] =	ssyncset.done $0x0  }
0x5f: {  	[sflag:s31] =	ssyncadd.s32 $0xFFFFCE00  }
0x60: {  	[spmem:s3] =	stream.indirect.scatter.add.f32 [tilespmem:s22], [sflag:$0x5], $0x80, s12, s28, $0xb8;
	[tilespmem:$0x1D800] =	vst v63  }
0x61: {  	_ =	swait.ge [sflag:s1], $0x3200  }
0x62: {  	[sflag:s1] =	ssyncset.done $0x0  }
0x63: {  	s11 =	simm.s32 $0x100;
	[sflag:s1] =	ssyncadd.s32 $0xFFFFCE00  }
0x64: {  	[tilespmem:s22], [sflag:$0x1] =	stream.indirect.gather [hbm4b:s2+s28], $0x80, s11, s28, $0xb8;
	[tilespmem:$0x1D800] =	vst v63  }
0x65: {  	_ =	swait.ge [sflag:s5], $0x3200  }
0x66: {  	[sflag:s5] =	ssyncset.done $0x0  }
0x67: {  	s8 =	simm.s32 $0xC80;
	[sflag:s5] =	ssyncadd.s32 $0xFFFFCE00  }
0x68: {  	[spmem:s3] =	stream.indirect.scatter.add.f32 [tilespmem:s30], [sflag:$0x5], $0x80, s8, s28, $0xb8;
	[tilespmem:$0x1D800] =	vst v63  }
0x69: {  	_ =	swait.ge [sflag:s1], $0x3200  }
0x6a: {  	[sflag:s1] =	ssyncset.done $0x0  }
0x6b: {  	s9 =	simm.s32 $0x180;
	[sflag:s1] =	ssyncadd.s32 $0xFFFFCE00  }
0x6c: {  	[tilespmem:s30], [sflag:$0x2] =	stream.indirect.gather [hbm4b:s2+s28], $0x80, s9, s28, $0xb8;
	[tilespmem:$0x1D800] =	vst v63  }
0x6d: {  	_ =	swait.ge [sflag:s31], $0x3200  }
0x6e: {  	[sflag:s31] =	ssyncset.done $0x0  }
0x6f: {  	s10 =	simm.s32 $0xD00;
	[sflag:s31] =	ssyncadd.s32 $0xFFFFCE00  }
0x70: {  	[spmem:s3] =	stream.indirect.scatter.add.f32 [tilespmem:s22], [sflag:$0x5], $0x80, s10, s28, $0xb8;
	[tilespmem:$0x1D800] =	vst v63  }
0x71: {  	_ =	swait.ge [sflag:s1], $0x3200  }
0x72: {  	[sflag:s1] =	ssyncset.done $0x0  }
0x73: {  	s11 =	simm.s32 $0x200;
	[sflag:s1] =	ssyncadd.s32 $0xFFFFCE00  }
0x74: {  	[tilespmem:s22], [sflag:$0x1] =	stream.indirect.gather [hbm4b:s2+s28], $0x80, s11, s28, $0xb8;
	[tilespmem:$0x1D800] =	vst v63  }
0x75: {  	_ =	swait.ge [sflag:s5], $0x3200  }
0x76: {  	[sflag:s5] =	ssyncset.done $0x0  }
0x77: {  	s8 =	simm.s32 $0xD80;
	[sflag:s5] =	ssyncadd.s32 $0xFFFFCE00  }
0x78: {  	[spmem:s3] =	stream.indirect.scatter.add.f32 [tilespmem:s30], [sflag:$0x5], $0x80, s8, s28, $0xb8;
	[tilespmem:$0x1D800] =	vst v63  }
0x79: {  	_ =	swait.ge [sflag:s1], $0x3200  }
0x7a: {  	[sflag:s1] =	ssyncset.done $0x0  }
0x7b: {  	s9 =	simm.s32 $0x280;
	[sflag:s1] =	ssyncadd.s32 $0xFFFFCE00  }
0x7c: {  	[tilespmem:s30], [sflag:$0x2] =	stream.indirect.gather [hbm4b:s2+s28], $0x80, s9, s28, $0xb8;
	[tilespmem:$0x1D800] =	vst v63  }
0x7d: {  	_ =	swait.ge [sflag:s31], $0x3200  }
0x7e: {  	[sflag:s31] =	ssyncset.done $0x0  }
0x7f: {  	s10 =	simm.s32 $0xE00;
	[sflag:s31] =	ssyncadd.s32 $0xFFFFCE00  }
0x80: {  	[spmem:s3] =	stream.indirect.scatter.add.f32 [tilespmem:s22], [sflag:$0x5], $0x80, s10, s28, $0xb8;
	[tilespmem:$0x1D800] =	vst v63  }
0x81: {  	_ =	swait.ge [sflag:s1], $0x3200  }
0x82: {  	[sflag:s1] =	ssyncset.done $0x0  }
0x83: {  	s11 =	simm.s32 $0x300;
	[sflag:s1] =	ssyncadd.s32 $0xFFFFCE00  }
0x84: {  	[tilespmem:s22], [sflag:$0x1] =	stream.indirect.gather [hbm4b:s2+s28], $0x80, s11, s28, $0xb8;
	[tilespmem:$0x1D800] =	vst v63  }
0x85: {  	_ =	swait.ge [sflag:s5], $0x3200  }
0x86: {  	[sflag:s5] =	ssyncset.done $0x0  }
0x87: {  	s8 =	simm.s32 $0xE80;
	[sflag:s5] =	ssyncadd.s32 $0xFFFFCE00  }
0x88: {  	[spmem:s3] =	stream.indirect.scatter.add.f32 [tilespmem:s30], [sflag:$0x5], $0x80, s8, s28, $0xb8;
	[tilespmem:$0x1D800] =	vst v63  }
0x89: {  	_ =	swait.ge [sflag:s1], $0x3200  }
0x8a: {  	[sflag:s1] =	ssyncset.done $0x0  }
0x8b: {  	s9 =	simm.s32 $0x380;
	[sflag:s1] =	ssyncadd.s32 $0xFFFFCE00  }
0x8c: {  	[tilespmem:s30], [sflag:$0x2] =	stream.indirect.gather [hbm4b:s2+s28], $0x80, s9, s28, $0xb8;
	[tilespmem:$0x1D800] =	vst v63  }
0x8d: {  	_ =	swait.ge [sflag:s31], $0x3200  }
0x8e: {  	[sflag:s31] =	ssyncset.done $0x0  }
0x8f: {  	s10 =	simm.s32 $0xF00;
	[sflag:s31] =	ssyncadd.s32 $0xFFFFCE00  }
0x90: {  	[spmem:s3] =	stream.indirect.scatter.add.f32 [tilespmem:s22], [sflag:$0x5], $0x80, s10, s28, $0xb8;
	[tilespmem:$0x1D800] =	vst v63  }
0x91: {  	_ =	swait.ge [sflag:s1], $0x3200  }
0x92: {  	[sflag:s1] =	ssyncset.done $0x0  }
0x93: {  	s11 =	simm.s32 $0x400;
	[sflag:s1] =	ssyncadd.s32 $0xFFFFCE00  }
0x94: {  	[tilespmem:s22], [sflag:$0x1] =	stream.indirect.gather [hbm4b:s2+s28], $0x80, s11, s28, $0xb8;
	[tilespmem:$0x1D800] =	vst v63  }
0x95: {  	_ =	swait.ge [sflag:s5], $0x3200  }
0x96: {  	[sflag:s5] =	ssyncset.done $0x0  }
0x97: {  	s8 =	simm.s32 $0xF80;
	[sflag:s5] =	ssyncadd.s32 $0xFFFFCE00  }
0x98: {  	[spmem:s3] =	stream.indirect.scatter.add.f32 [tilespmem:s30], [sflag:$0x5], $0x80, s8, s28, $0xb8;
	[tilespmem:$0x1D800] =	vst v63  }
0x99: {  	_ =	swait.ge [sflag:s1], $0x3200  }
0x9a: {  	[sflag:s1] =	ssyncset.done $0x0  }
0x9b: {  	s9 =	simm.s32 $0x480;
	[sflag:s1] =	ssyncadd.s32 $0xFFFFCE00  }
0x9c: {  	[tilespmem:s30], [sflag:$0x2] =	stream.indirect.gather [hbm4b:s2+s28], $0x80, s9, s28, $0xb8;
	[tilespmem:$0x1D800] =	vst v63  }
0x9d: {  	_ =	swait.ge [sflag:s31], $0x3200  }
0x9e: {  	[sflag:s31] =	ssyncset.done $0x0  }
0x9f: {  	s10 =	simm.s32 $0x1000;
	[sflag:s31] =	ssyncadd.s32 $0xFFFFCE00  }
0xa0: {  	[spmem:s3] =	stream.indirect.scatter.add.f32 [tilespmem:s22], [sflag:$0x5], $0x80, s10, s28, $0xb8;
	[tilespmem:$0x1D800] =	vst v63  }
0xa1: {  	_ =	swait.ge [sflag:s1], $0x3200  }
0xa2: {  	[sflag:s1] =	ssyncset.done $0x0  }
0xa3: {  	s11 =	simm.s32 $0x500;
	[sflag:s1] =	ssyncadd.s32 $0xFFFFCE00  }
0xa4: {  	[tilespmem:s22], [sflag:$0x1] =	stream.indirect.gather [hbm4b:s2+s28], $0x80, s11, s28, $0xb8;
	[tilespmem:$0x1D800] =	vst v63  }
0xa5: {  	_ =	swait.ge [sflag:s5], $0x3200  }
0xa6: {  	[sflag:s5] =	ssyncset.done $0x0  }
0xa7: {  	s8 =	simm.s32 $0x1080;
	[sflag:s5] =	ssyncadd.s32 $0xFFFFCE00  }
0xa8: {  	[spmem:s3] =	stream.indirect.scatter.add.f32 [tilespmem:s30], [sflag:$0x5], $0x80, s8, s28, $0xb8;
	[tilespmem:$0x1D800] =	vst v63  }
0xa9: {  	_ =	swait.ge [sflag:s1], $0x3200  }
0xaa: {  	[sflag:s1] =	ssyncset.done $0x0  }
0xab: {  	s9 =	simm.s32 $0x580;
	[sflag:s1] =	ssyncadd.s32 $0xFFFFCE00  }
0xac: {  	[tilespmem:s30], [sflag:$0x2] =	stream.indirect.gather [hbm4b:s2+s28], $0x80, s9, s28, $0xb8;
	[tilespmem:$0x1D800] =	vst v63  }
0xad: {  	_ =	swait.ge [sflag:s31], $0x3200  }
0xae: {  	[sflag:s31] =	ssyncset.done $0x0  }
0xaf: {  	s10 =	simm.s32 $0x1100;
	[sflag:s31] =	ssyncadd.s32 $0xFFFFCE00  }
0xb0: {  	[spmem:s3] =	stream.indirect.scatter.add.f32 [tilespmem:s22], [sflag:$0x5], $0x80, s10, s28, $0xb8;
	[tilespmem:$0x1D800] =	vst v63  }
0xb1: {  	_ =	swait.ge [sflag:s1], $0x3200  }
0xb2: {  	[sflag:s1] =	ssyncset.done $0x0  }
0xb3: {  	s11 =	simm.s32 $0x600;
	[sflag:s1] =	ssyncadd.s32 $0xFFFFCE00  }
0xb4: {  	[tilespmem:s22], [sflag:$0x1] =	stream.indirect.gather [hbm4b:s2+s28], $0x80, s11, s28, $0xb8;
	[tilespmem:$0x1D800] =	vst v63  }
0xb5: {  	_ =	swait.ge [sflag:s5], $0x3200  }
0xb6: {  	[sflag:s5] =	ssyncset.done $0x0  }
0xb7: {  	s8 =	simm.s32 $0x1180;
	[sflag:s5] =	ssyncadd.s32 $0xFFFFCE00  }
0xb8: {  	[spmem:s3] =	stream.indirect.scatter.add.f32 [tilespmem:s30], [sflag:$0x5], $0x80, s8, s28, $0xb8;
	[tilespmem:$0x1D800] =	vst v63  }
0xb9: {  	_ =	swait.ge [sflag:s1], $0x3200  }
0xba: {  	[sflag:s1] =	ssyncset.done $0x0  }
0xbb: {  	s9 =	simm.s32 $0x680;
	[sflag:s1] =	ssyncadd.s32 $0xFFFFCE00  }
0xbc: {  	[tilespmem:s30], [sflag:$0x2] =	stream.indirect.gather [hbm4b:s2+s28], $0x80, s9, s28, $0xb8;
	[tilespmem:$0x1D800] =	vst v63  }
0xbd: {  	_ =	swait.ge [sflag:s31], $0x3200  }
0xbe: {  	[sflag:s31] =	ssyncset.done $0x0  }
0xbf: {  	s10 =	simm.s32 $0x1200;
	[sflag:s31] =	ssyncadd.s32 $0xFFFFCE00  }
0xc0: {  	[spmem:s3] =	stream.indirect.scatter.add.f32 [tilespmem:s22], [sflag:$0x5], $0x80, s10, s28, $0xb8;
	[tilespmem:$0x1D800] =	vst v63  }
0xc1: {  	_ =	swait.ge [sflag:s1], $0x3200  }
0xc2: {  	[sflag:s1] =	ssyncset.done $0x0  }
0xc3: {  	s11 =	simm.s32 $0x700;
	[sflag:s1] =	ssyncadd.s32 $0xFFFFCE00  }
0xc4: {  	[tilespmem:s22], [sflag:$0x1] =	stream.indirect.gather [hbm4b:s2+s28], $0x80, s11, s28, $0xb8;
	[tilespmem:$0x1D800] =	vst v63  }
0xc5: {  	_ =	swait.ge [sflag:s5], $0x3200  }
0xc6: {  	[sflag:s5] =	ssyncset.done $0x0  }
0xc7: {  	s8 =	simm.s32 $0x1280;
	[sflag:s5] =	ssyncadd.s32 $0xFFFFCE00  }
0xc8: {  	[spmem:s3] =	stream.indirect.scatter.add.f32 [tilespmem:s30], [sflag:$0x5], $0x80, s8, s28, $0xb8;
	[tilespmem:$0x1D800] =	vst v63  }
0xc9: {  	_ =	swait.ge [sflag:s1], $0x3200  }
0xca: {  	[sflag:s1] =	ssyncset.done $0x0  }
0xcb: {  	s9 =	simm.s32 $0x780;
	[sflag:s1] =	ssyncadd.s32 $0xFFFFCE00  }
0xcc: {  	[tilespmem:s30], [sflag:$0x2] =	stream.indirect.gather [hbm4b:s2+s28], $0x80, s9, s28, $0xb8;
	[tilespmem:$0x1D800] =	vst v63  }
0xcd: {  	_ =	swait.ge [sflag:s31], $0x3200  }
0xce: {  	[sflag:s31] =	ssyncset.done $0x0  }
0xcf: {  	s10 =	simm.s32 $0x1300;
	[sflag:s31] =	ssyncadd.s32 $0xFFFFCE00  }
0xd0: {  	[spmem:s3] =	stream.indirect.scatter.add.f32 [tilespmem:s22], [sflag:$0x5], $0x80, s10, s28, $0xb8;
	[tilespmem:$0x1D800] =	vst v63  }
0xd1: {  	_ =	swait.ge [sflag:s1], $0x3200  }
0xd2: {  	[sflag:s1] =	ssyncset.done $0x0  }
0xd3: {  	s11 =	simm.s32 $0x800;
	[sflag:s1] =	ssyncadd.s32 $0xFFFFCE00  }
0xd4: {  	[tilespmem:s22], [sflag:$0x1] =	stream.indirect.gather [hbm4b:s2+s28], $0x80, s11, s28, $0xb8;
	[tilespmem:$0x1D800] =	vst v63  }
0xd5: {  	_ =	swait.ge [sflag:s5], $0x3200  }
0xd6: {  	[sflag:s5] =	ssyncset.done $0x0  }
0xd7: {  	s8 =	simm.s32 $0x1380;
	[sflag:s5] =	ssyncadd.s32 $0xFFFFCE00  }
0xd8: {  	[spmem:s3] =	stream.indirect.scatter.add.f32 [tilespmem:s30], [sflag:$0x5], $0x80, s8, s28, $0xb8;
	[tilespmem:$0x1D800] =	vst v63  }
0xd9: {  	_ =	swait.ge [sflag:s1], $0x3200  }
0xda: {  	[sflag:s1] =	ssyncset.done $0x0  }
0xdb: {  	s9 =	simm.s32 $0x880;
	[sflag:s1] =	ssyncadd.s32 $0xFFFFCE00  }
0xdc: {  	[tilespmem:s30], [sflag:$0x2] =	stream.indirect.gather [hbm4b:s2+s28], $0x80, s9, s28, $0xb8;
	[tilespmem:$0x1D800] =	vst v63  }
0xdd: {  	_ =	swait.ge [sflag:s31], $0x3200  }
0xde: {  	[sflag:s31] =	ssyncset.done $0x0  }
0xdf: {  	s10 =	simm.s32 $0x1400;
	[sflag:s31] =	ssyncadd.s32 $0xFFFFCE00  }
0xe0: {  	[spmem:s3] =	stream.indirect.scatter.add.f32 [tilespmem:s22], [sflag:$0x5], $0x80, s10, s28, $0xb8;
	[tilespmem:$0x1D800] =	vst v63  }
0xe1: {  	_ =	swait.ge [sflag:s1], $0x3200  }
0xe2: {  	[sflag:s1] =	ssyncset.done $0x0  }
0xe3: {  	s11 =	simm.s32 $0x900;
	[sflag:s1] =	ssyncadd.s32 $0xFFFFCE00  }
0xe4: {  	[tilespmem:s22], [sflag:$0x1] =	stream.indirect.gather [hbm4b:s2+s28], $0x80, s11, s28, $0xb8;
	[tilespmem:$0x1D800] =	vst v63  }
0xe5: {  	_ =	swait.ge [sflag:s5], $0x3200  }
0xe6: {  	[sflag:s5] =	ssyncset.done $0x0  }
0xe7: {  	s8 =	simm.s32 $0x1480;
	[sflag:s5] =	ssyncadd.s32 $0xFFFFCE00  }
0xe8: {  	[spmem:s3] =	stream.indirect.scatter.add.f32 [tilespmem:s30], [sflag:$0x5], $0x80, s8, s28, $0xb8;
	[tilespmem:$0x1D800] =	vst v63  }
0xe9: {  	_ =	swait.ge [sflag:s1], $0x3200  }
0xea: {  	[sflag:s1] =	ssyncset.done $0x0  }
0xeb: {  	s9 =	simm.s32 $0x980;
	[sflag:s1] =	ssyncadd.s32 $0xFFFFCE00  }
0xec: {  	[tilespmem:s30], [sflag:$0x2] =	stream.indirect.gather [hbm4b:s2+s28], $0x80, s9, s28, $0xb8;
	[tilespmem:$0x1D800] =	vst v63  }
0xed: {  	_ =	swait.ge [sflag:s31], $0x3200  }
0xee: {  	[sflag:s31] =	ssyncset.done $0x0  }
0xef: {  	s10 =	simm.s32 $0x1500;
	[sflag:s31] =	ssyncadd.s32 $0xFFFFCE00  }
0xf0: {  	[spmem:s3] =	stream.indirect.scatter.add.f32 [tilespmem:s22], [sflag:$0x5], $0x80, s10, s28, $0xb8;
	[tilespmem:$0x1D800] =	vst v63  }
0xf1: {  	_ =	swait.ge [sflag:s1], $0x3200  }
0xf2: {  	[sflag:s1] =	ssyncset.done $0x0  }
0xf3: {  	[sflag:s1] =	ssyncadd.s32 $0xFFFFCE00  }
0xf4: {  	_ =	swait.ge [sflag:s5], $0x3200  }
0xf5: {  	[sflag:s5] =	ssyncset.done $0x0  }
0xf6: {  	s11 =	simm.s32 $0x1580;
	[sflag:s5] =	ssyncadd.s32 $0xFFFFCE00  }
0xf7: {  	[spmem:s3] =	stream.indirect.scatter.add.f32 [tilespmem:s30], [sflag:$0x5], $0x80, s11, s28, $0xb8;
	[tilespmem:$0x1D800] =	vst v63  }
0xf8: {  	_ =	swait.ge [sflag:s1], $0x3200  }
0xf9: {  	[sflag:s1] =	ssyncset.done $0x0  }
0xfa: {  	[sflag:s1] =	ssyncadd.s32 $0xFFFFCE00  }
0xfb: {  	_ =	swait.ge [sflag:s24], $0x1400  }
0xfc: {  	[sflag:s24] =	ssyncset.done $0x0  }
0xfd: {  	[sflag:s24] =	ssyncadd.s32 $0xFFFFEC00  }
0xfe: {  	s0 =	rddreg [dreg:$0x10]  }
0xff: {  	[tilespmem:s4], [sflag:$0x4] =	stream.linear.gather [hbm4b:s0+s4], $0xA00, $0x38;
	[tilespmem:$0x1D800] =	vst v63  }
0x100: {  	s8 =	sadd.s32 $0x180, s0  }
0x101: {  	[tilespmem:s12], [sflag:$0x4] =	stream.linear.gather [hbm4b:s8+s4], $0xA00, $0x38;
	[tilespmem:$0x1D800] =	vst v63  }
0x102: {  	_ = 	snop  }
0x103: {  	[tilespmem:s22], [sflag:$0x1] =	stream.indirect.gather [hbm4b:s2+s28], $0x80, s26, s28, $0xb8;
	[tilespmem:$0x1D800] =	vst v63  }
0x104: {  	s9 =	simm.s32 $0x1880  }
0x105: {  	[tilespmem:s30], [sflag:$0x2] =	stream.indirect.gather [hbm4b:s2+s28], $0x80, s9, s28, $0xb8;
	[tilespmem:$0x1D800] =	vst v63  }
0x106: {  	_ =	swait.ge [sflag:s31], $0x3200  }
0x107: {  	[sflag:s31] =	ssyncset.done $0x0  }
0x108: {  	[sflag:s31] =	ssyncadd.s32 $0xFFFFCE00  }
0x109: {  	[spmem:s3] =	stream.indirect.scatter.add.f32 [tilespmem:s22], [sflag:$0x5], $0x80, s6, s28, $0xb8;
	[tilespmem:$0x1D800] =	vst v63  }
0x10a: {  	_ =	swait.ge [sflag:s1], $0x3200  }
0x10b: {  	[sflag:s1] =	ssyncset.done $0x0  }
0x10c: {  	[sflag:s1] =	ssyncadd.s32 $0xFFFFCE00  }
0x10d: {  	[tilespmem:s22], [sflag:$0x1] =	stream.indirect.gather [hbm4b:s2+s28], $0x80, s21, s28, $0xb8;
	[tilespmem:$0x1D800] =	vst v63  }
0x10e: {  	_ =	swait.ge [sflag:s5], $0x3200  }
0x10f: {  	[sflag:s5] =	ssyncset.done $0x0  }
0x110: {  	s12 =	simm.s32 $0x2480;
	[sflag:s5] =	ssyncadd.s32 $0xFFFFCE00  }
0x111: {  	[spmem:s3] =	stream.indirect.scatter.add.f32 [tilespmem:s30], [sflag:$0x5], $0x80, s12, s28, $0xb8;
	[tilespmem:$0x1D800] =	vst v63  }
0x112: {  	_ =	swait.ge [sflag:s1], $0x3200  }
0x113: {  	[sflag:s1] =	ssyncset.done $0x0  }
0x114: {  	[sflag:s1] =	ssyncadd.s32 $0xFFFFCE00  }
0x115: {  	[tilespmem:s30], [sflag:$0x2] =	stream.indirect.gather [hbm4b:s2+s28], $0x80, s13, s28, $0xb8;
	[tilespmem:$0x1D800] =	vst v63  }
0x116: {  	_ =	swait.ge [sflag:s31], $0x3200  }
0x117: {  	[sflag:s31] =	ssyncset.done $0x0  }
0x118: {  	[sflag:s31] =	ssyncadd.s32 $0xFFFFCE00  }
0x119: {  	[spmem:s3] =	stream.indirect.scatter.add.f32 [tilespmem:s22], [sflag:$0x5], $0x80, s14, s28, $0xb8;
	[tilespmem:$0x1D800] =	vst v63  }
0x11a: {  	_ =	swait.ge [sflag:s1], $0x3200  }
0x11b: {  	[sflag:s1] =	ssyncset.done $0x0  }
0x11c: {  	[sflag:s1] =	ssyncadd.s32 $0xFFFFCE00  }
0x11d: {  	[tilespmem:s22], [sflag:$0x1] =	stream.indirect.gather [hbm4b:s2+s28], $0x80, s15, s28, $0xb8;
	[tilespmem:$0x1D800] =	vst v63  }
0x11e: {  	_ =	swait.ge [sflag:s5], $0x3200  }
0x11f: {  	[sflag:s5] =	ssyncset.done $0x0  }
0x120: {  	[sflag:s5] =	ssyncadd.s32 $0xFFFFCE00  }
0x121: {  	[spmem:s3] =	stream.indirect.scatter.add.f32 [tilespmem:s30], [sflag:$0x5], $0x80, s16, s28, $0xb8;
	[tilespmem:$0x1D800] =	vst v63  }
0x122: {  	_ =	swait.ge [sflag:s1], $0x3200  }
0x123: {  	[sflag:s1] =	ssyncset.done $0x0  }
0x124: {  	[sflag:s1] =	ssyncadd.s32 $0xFFFFCE00  }
0x125: {  	[tilespmem:s30], [sflag:$0x2] =	stream.indirect.gather [hbm4b:s2+s28], $0x80, s17, s28, $0xb8;
	[tilespmem:$0x1D800] =	vst v63  }
0x126: {  	_ =	swait.ge [sflag:s31], $0x3200  }
0x127: {  	[sflag:s31] =	ssyncset.done $0x0  }
0x128: {  	[sflag:s31] =	ssyncadd.s32 $0xFFFFCE00  }
0x129: {  	[spmem:s3] =	stream.indirect.scatter.add.f32 [tilespmem:s22], [sflag:$0x5], $0x80, s18, s28, $0xb8;
	[tilespmem:$0x1D800] =	vst v63  }
0x12a: {  	_ =	swait.ge [sflag:s1], $0x3200  }
0x12b: {  	[sflag:s1] =	ssyncset.done $0x0  }
0x12c: {  	[sflag:s1] =	ssyncadd.s32 $0xFFFFCE00  }
0x12d: {  	[tilespmem:s22], [sflag:$0x1] =	stream.indirect.gather [hbm4b:s2+s28], $0x80, s19, s28, $0xb8;
	[tilespmem:$0x1D800] =	vst v63  }
0x12e: {  	_ =	swait.ge [sflag:s5], $0x3200  }
0x12f: {  	[sflag:s5] =	ssyncset.done $0x0  }
0x130: {  	[sflag:s5] =	ssyncadd.s32 $0xFFFFCE00  }
0x131: {  	[spmem:s3] =	stream.indirect.scatter.add.f32 [tilespmem:s30], [sflag:$0x5], $0x80, s20, s28, $0xb8;
	[tilespmem:$0x1D800] =	vst v63  }
0x132: {  	_ =	swait.ge [sflag:s1], $0x3200  }
0x133: {  	[sflag:s1] =	ssyncset.done $0x0  }
0x134: {  	[sflag:s1] =	ssyncadd.s32 $0xFFFFCE00  }
0x135: {  	[tilespmem:s30], [sflag:$0x2] =	stream.indirect.gather [hbm4b:s2+s28], $0x80, s25, s28, $0xb8;
	[tilespmem:$0x1D800] =	vst v63  }
0x136: {  	_ =	swait.ge [sflag:s31], $0x3200  }
0x137: {  	[sflag:s31] =	ssyncset.done $0x0  }
0x138: {  	[sflag:s31] =	ssyncadd.s32 $0xFFFFCE00  }
0x139: {  	[spmem:s3] =	stream.indirect.scatter.add.f32 [tilespmem:s22], [sflag:$0x5], $0x80, s29, s28, $0xb8;
	[tilespmem:$0x1D800] =	vst v63  }
0x13a: {  	_ =	swait.ge [sflag:s1], $0x3200  }
0x13b: {  	[sflag:s1] =	ssyncset.done $0x0  }
0x13c: {  	s10 =	simm.s32 $0x1C00;
	[sflag:s1] =	ssyncadd.s32 $0xFFFFCE00  }
0x13d: {  	[tilespmem:s22], [sflag:$0x1] =	stream.indirect.gather [hbm4b:s2+s28], $0x80, s10, s28, $0xb8;
	[tilespmem:$0x1D800] =	vst v63  }
0x13e: {  	_ =	swait.ge [sflag:s5], $0x3200  }
0x13f: {  	[sflag:s5] =	ssyncset.done $0x0  }
0x140: {  	s11 =	simm.s32 $0x2780;
	[sflag:s5] =	ssyncadd.s32 $0xFFFFCE00  }
0x141: {  	[spmem:s3] =	stream.indirect.scatter.add.f32 [tilespmem:s30], [sflag:$0x5], $0x80, s11, s28, $0xb8;
	[tilespmem:$0x1D800] =	vst v63  }
0x142: {  	_ =	swait.ge [sflag:s1], $0x3200  }
0x143: {  	[sflag:s1] =	ssyncset.done $0x0  }
0x144: {  	s8 =	simm.s32 $0x1C80;
	[sflag:s1] =	ssyncadd.s32 $0xFFFFCE00  }
0x145: {  	[tilespmem:s30], [sflag:$0x2] =	stream.indirect.gather [hbm4b:s2+s28], $0x80, s8, s28, $0xb8;
	[tilespmem:$0x1D800] =	vst v63  }
0x146: {  	_ =	swait.ge [sflag:s31], $0x3200  }
0x147: {  	[sflag:s31] =	ssyncset.done $0x0  }
0x148: {  	s8 =	simm.s32 $0x2800;
	[sflag:s31] =	ssyncadd.s32 $0xFFFFCE00  }
0x149: {  	[spmem:s3] =	stream.indirect.scatter.add.f32 [tilespmem:s22], [sflag:$0x5], $0x80, s8, s28, $0xb8;
	[tilespmem:$0x1D800] =	vst v63  }
0x14a: {  	_ =	swait.ge [sflag:s1], $0x3200  }
0x14b: {  	[sflag:s1] =	ssyncset.done $0x0  }
0x14c: {  	s8 =	simm.s32 $0x1D00;
	[sflag:s1] =	ssyncadd.s32 $0xFFFFCE00  }
0x14d: {  	[tilespmem:s22], [sflag:$0x1] =	stream.indirect.gather [hbm4b:s2+s28], $0x80, s8, s28, $0xb8;
	[tilespmem:$0x1D800] =	vst v63  }
0x14e: {  	_ =	swait.ge [sflag:s5], $0x3200  }
0x14f: {  	[sflag:s5] =	ssyncset.done $0x0  }
0x150: {  	s8 =	simm.s32 $0x2880;
	[sflag:s5] =	ssyncadd.s32 $0xFFFFCE00  }
0x151: {  	[spmem:s3] =	stream.indirect.scatter.add.f32 [tilespmem:s30], [sflag:$0x5], $0x80, s8, s28, $0xb8;
	[tilespmem:$0x1D800] =	vst v63  }
0x152: {  	_ =	swait.ge [sflag:s1], $0x3200  }
0x153: {  	[sflag:s1] =	ssyncset.done $0x0  }
0x154: {  	s8 =	simm.s32 $0x1D80;
	[sflag:s1] =	ssyncadd.s32 $0xFFFFCE00  }
0x155: {  	[tilespmem:s30], [sflag:$0x2] =	stream.indirect.gather [hbm4b:s2+s28], $0x80, s8, s28, $0xb8;
	[tilespmem:$0x1D800] =	vst v63  }
0x156: {  	_ =	swait.ge [sflag:s31], $0x3200  }
0x157: {  	[sflag:s31] =	ssyncset.done $0x0  }
0x158: {  	s8 =	simm.s32 $0x2900;
	[sflag:s31] =	ssyncadd.s32 $0xFFFFCE00  }
0x159: {  	[spmem:s3] =	stream.indirect.scatter.add.f32 [tilespmem:s22], [sflag:$0x5], $0x80, s8, s28, $0xb8;
	[tilespmem:$0x1D800] =	vst v63  }
0x15a: {  	_ =	swait.ge [sflag:s1], $0x3200  }
0x15b: {  	[sflag:s1] =	ssyncset.done $0x0  }
0x15c: {  	s8 =	simm.s32 $0x1E00;
	[sflag:s1] =	ssyncadd.s32 $0xFFFFCE00  }
0x15d: {  	[tilespmem:s22], [sflag:$0x1] =	stream.indirect.gather [hbm4b:s2+s28], $0x80, s8, s28, $0xb8;
	[tilespmem:$0x1D800] =	vst v63  }
0x15e: {  	_ =	swait.ge [sflag:s5], $0x3200  }
0x15f: {  	[sflag:s5] =	ssyncset.done $0x0  }
0x160: {  	s8 =	simm.s32 $0x2980;
	[sflag:s5] =	ssyncadd.s32 $0xFFFFCE00  }
0x161: {  	[spmem:s3] =	stream.indirect.scatter.add.f32 [tilespmem:s30], [sflag:$0x5], $0x80, s8, s28, $0xb8;
	[tilespmem:$0x1D800] =	vst v63  }
0x162: {  	_ =	swait.ge [sflag:s1], $0x3200  }
0x163: {  	[sflag:s1] =	ssyncset.done $0x0  }
0x164: {  	s8 =	simm.s32 $0x1E80;
	[sflag:s1] =	ssyncadd.s32 $0xFFFFCE00  }
0x165: {  	[tilespmem:s30], [sflag:$0x2] =	stream.indirect.gather [hbm4b:s2+s28], $0x80, s8, s28, $0xb8;
	[tilespmem:$0x1D800] =	vst v63  }
0x166: {  	_ =	swait.ge [sflag:s31], $0x3200  }
0x167: {  	[sflag:s31] =	ssyncset.done $0x0  }
0x168: {  	s8 =	simm.s32 $0x2A00;
	[sflag:s31] =	ssyncadd.s32 $0xFFFFCE00  }
0x169: {  	[spmem:s3] =	stream.indirect.scatter.add.f32 [tilespmem:s22], [sflag:$0x5], $0x80, s8, s28, $0xb8;
	[tilespmem:$0x1D800] =	vst v63  }
0x16a: {  	_ =	swait.ge [sflag:s1], $0x3200  }
0x16b: {  	[sflag:s1] =	ssyncset.done $0x0  }
0x16c: {  	s8 =	simm.s32 $0x1F00;
	[sflag:s1] =	ssyncadd.s32 $0xFFFFCE00  }
0x16d: {  	[tilespmem:s22], [sflag:$0x1] =	stream.indirect.gather [hbm4b:s2+s28], $0x80, s8, s28, $0xb8;
	[tilespmem:$0x1D800] =	vst v63  }
0x16e: {  	_ =	swait.ge [sflag:s5], $0x3200  }
0x16f: {  	[sflag:s5] =	ssyncset.done $0x0  }
0x170: {  	s8 =	simm.s32 $0x2A80;
	[sflag:s5] =	ssyncadd.s32 $0xFFFFCE00  }
0x171: {  	[spmem:s3] =	stream.indirect.scatter.add.f32 [tilespmem:s30], [sflag:$0x5], $0x80, s8, s28, $0xb8;
	[tilespmem:$0x1D800] =	vst v63  }
0x172: {  	_ =	swait.ge [sflag:s1], $0x3200  }
0x173: {  	[sflag:s1] =	ssyncset.done $0x0  }
0x174: {  	s8 =	simm.s32 $0x1F80;
	[sflag:s1] =	ssyncadd.s32 $0xFFFFCE00  }
0x175: {  	[tilespmem:s30], [sflag:$0x2] =	stream.indirect.gather [hbm4b:s2+s28], $0x80, s8, s28, $0xb8;
	[tilespmem:$0x1D800] =	vst v63  }
0x176: {  	_ =	swait.ge [sflag:s31], $0x3200  }
0x177: {  	[sflag:s31] =	ssyncset.done $0x0  }
0x178: {  	s8 =	simm.s32 $0x2B00;
	[sflag:s31] =	ssyncadd.s32 $0xFFFFCE00  }
0x179: {  	[spmem:s3] =	stream.indirect.scatter.add.f32 [tilespmem:s22], [sflag:$0x5], $0x80, s8, s28, $0xb8;
	[tilespmem:$0x1D800] =	vst v63  }
0x17a: {  	_ =	swait.ge [sflag:s1], $0x3200  }
0x17b: {  	[sflag:s1] =	ssyncset.done $0x0  }
0x17c: {  	s8 =	simm.s32 $0x2000;
	[sflag:s1] =	ssyncadd.s32 $0xFFFFCE00  }
0x17d: {  	[tilespmem:s22], [sflag:$0x1] =	stream.indirect.gather [hbm4b:s2+s28], $0x80, s8, s28, $0xb8;
	[tilespmem:$0x1D800] =	vst v63  }
0x17e: {  	_ =	swait.ge [sflag:s5], $0x3200  }
0x17f: {  	[sflag:s5] =	ssyncset.done $0x0  }
0x180: {  	s8 =	simm.s32 $0x2B80;
	[sflag:s5] =	ssyncadd.s32 $0xFFFFCE00  }
0x181: {  	[spmem:s3] =	stream.indirect.scatter.add.f32 [tilespmem:s30], [sflag:$0x5], $0x80, s8, s28, $0xb8;
	[tilespmem:$0x1D800] =	vst v63  }
0x182: {  	_ =	swait.ge [sflag:s1], $0x3200  }
0x183: {  	[sflag:s1] =	ssyncset.done $0x0  }
0x184: {  	s8 =	simm.s32 $0x2080;
	[sflag:s1] =	ssyncadd.s32 $0xFFFFCE00  }
0x185: {  	[tilespmem:s30], [sflag:$0x2] =	stream.indirect.gather [hbm4b:s2+s28], $0x80, s8, s28, $0xb8;
	[tilespmem:$0x1D800] =	vst v63  }
0x186: {  	_ =	swait.ge [sflag:s31], $0x3200  }
0x187: {  	[sflag:s31] =	ssyncset.done $0x0  }
0x188: {  	s8 =	simm.s32 $0x2C00;
	[sflag:s31] =	ssyncadd.s32 $0xFFFFCE00  }
0x189: {  	[spmem:s3] =	stream.indirect.scatter.add.f32 [tilespmem:s22], [sflag:$0x5], $0x80, s8, s28, $0xb8;
	[tilespmem:$0x1D800] =	vst v63  }
0x18a: {  	_ =	swait.ge [sflag:s1], $0x3200  }
0x18b: {  	[sflag:s1] =	ssyncset.done $0x0  }
0x18c: {  	s8 =	simm.s32 $0x2100;
	[sflag:s1] =	ssyncadd.s32 $0xFFFFCE00  }
0x18d: {  	[tilespmem:s22], [sflag:$0x1] =	stream.indirect.gather [hbm4b:s2+s28], $0x80, s8, s28, $0xb8;
	[tilespmem:$0x1D800] =	vst v63  }
0x18e: {  	_ =	swait.ge [sflag:s5], $0x3200  }
0x18f: {  	[sflag:s5] =	ssyncset.done $0x0  }
0x190: {  	s8 =	simm.s32 $0x2C80;
	[sflag:s5] =	ssyncadd.s32 $0xFFFFCE00  }
0x191: {  	[spmem:s3] =	stream.indirect.scatter.add.f32 [tilespmem:s30], [sflag:$0x5], $0x80, s8, s28, $0xb8;
	[tilespmem:$0x1D800] =	vst v63  }
0x192: {  	_ =	swait.ge [sflag:s1], $0x3200  }
0x193: {  	[sflag:s1] =	ssyncset.done $0x0  }
0x194: {  	s8 =	simm.s32 $0x2180;
	[sflag:s1] =	ssyncadd.s32 $0xFFFFCE00  }
0x195: {  	[tilespmem:s30], [sflag:$0x2] =	stream.indirect.gather [hbm4b:s2+s28], $0x80, s8, s28, $0xb8;
	[tilespmem:$0x1D800] =	vst v63  }
0x196: {  	_ =	swait.ge [sflag:s31], $0x3200  }
0x197: {  	[sflag:s31] =	ssyncset.done $0x0  }
0x198: {  	s8 =	simm.s32 $0x2D00;
	[sflag:s31] =	ssyncadd.s32 $0xFFFFCE00  }
0x199: {  	[spmem:s3] =	stream.indirect.scatter.add.f32 [tilespmem:s22], [sflag:$0x5], $0x80, s8, s28, $0xb8;
	[tilespmem:$0x1D800] =	vst v63  }
0x19a: {  	_ =	swait.ge [sflag:s1], $0x3200  }
0x19b: {  	[sflag:s1] =	ssyncset.done $0x0  }
0x19c: {  	[sflag:s1] =	ssyncadd.s32 $0xFFFFCE00  }
0x19d: {  	_ =	swait.ge [sflag:s5], $0x3200  }
0x19e: {  	[sflag:s5] =	ssyncset.done $0x0  }
0x19f: {  	s8 =	simm.s32 $0x2D80;
	[sflag:s5] =	ssyncadd.s32 $0xFFFFCE00  }
0x1a0: {  	[spmem:s3] =	stream.indirect.scatter.add.f32 [tilespmem:s30], [sflag:$0x5], $0x80, s8, s28, $0xb8;
	[tilespmem:$0x1D800] =	vst v63  }
0x1a1: {  	_ =	swait.ge [sflag:s1], $0x3200  }
0x1a2: {  	[sflag:s1] =	ssyncset.done $0x0  }
0x1a3: {  	[sflag:s1] =	ssyncadd.s32 $0xFFFFCE00  }
0x1a4: {  	_ =	swait.ge [sflag:s24], $0x1400  }
0x1a5: {  	[sflag:s24] =	ssyncset.done $0x0  }
0x1a6: {  	s8 =	rddreg [dreg:$0x11];
	[sflag:s24] =	ssyncadd.s32 $0xFFFFEC00  }
0x1a7: {  	[tilespmem:s26], [sflag:$0x4] =	stream.linear.gather [hbm4b:s8+s4], $0xA00, $0x38;
	[tilespmem:$0x1D800] =	vst v63  }
0x1a8: {  	s8 =	sadd.s32 $0x180, s8  }
0x1a9: {  	[tilespmem:s6], [sflag:$0x4] =	stream.linear.gather [hbm4b:s8+s4], $0xA00, $0x38;
	[tilespmem:$0x1D800] =	vst v63  }
0x1aa: {  	_ = 	snop  }
0x1ab: {  	[tilespmem:s22], [sflag:$0x1] =	stream.indirect.gather [hbm4b:s2+s28], $0x80, s4, s28, $0xb8;
	[tilespmem:$0x1D800] =	vst v63  }
0x1ac: {  	s8 =	simm.s32 $0x80  }
0x1ad: {  	[tilespmem:s30], [sflag:$0x2] =	stream.indirect.gather [hbm4b:s2+s28], $0x80, s8, s28, $0xb8;
	[tilespmem:$0x1D800] =	vst v63  }
0x1ae: {  	_ =	swait.ge [sflag:s31], $0x3200  }
0x1af: {  	[sflag:s31] =	ssyncset.done $0x0  }
0x1b0: {  	s0 =	simm.s32 $0xC00;
	[sflag:s31] =	ssyncadd.s32 $0xFFFFCE00  }
0x1b1: {  	[spmem:s3] =	stream.indirect.scatter.add.f32 [tilespmem:s22], [sflag:$0x5], $0x80, s0, s28, $0xb8;
	[tilespmem:$0x1D800] =	vst v63  }
0x1b2: {  	_ =	swait.ge [sflag:s1], $0x3200  }
0x1b3: {  	[sflag:s1] =	ssyncset.done $0x0  }
0x1b4: {  	s8 =	simm.s32 $0x100;
	[sflag:s1] =	ssyncadd.s32 $0xFFFFCE00  }
0x1b5: {  	[tilespmem:s22], [sflag:$0x1] =	stream.indirect.gather [hbm4b:s2+s28], $0x80, s8, s28, $0xb8;
	[tilespmem:$0x1D800] =	vst v63  }
0x1b6: {  	_ =	swait.ge [sflag:s5], $0x3200  }
0x1b7: {  	[sflag:s5] =	ssyncset.done $0x0  }
0x1b8: {  	s8 =	simm.s32 $0xC80;
	[sflag:s5] =	ssyncadd.s32 $0xFFFFCE00  }
0x1b9: {  	[spmem:s3] =	stream.indirect.scatter.add.f32 [tilespmem:s30], [sflag:$0x5], $0x80, s8, s28, $0xb8;
	[tilespmem:$0x1D800] =	vst v63  }
0x1ba: {  	_ =	swait.ge [sflag:s1], $0x3200  }
0x1bb: {  	[sflag:s1] =	ssyncset.done $0x0  }
0x1bc: {  	s8 =	simm.s32 $0x180;
	[sflag:s1] =	ssyncadd.s32 $0xFFFFCE00  }
0x1bd: {  	[tilespmem:s30], [sflag:$0x2] =	stream.indirect.gather [hbm4b:s2+s28], $0x80, s8, s28, $0xb8;
	[tilespmem:$0x1D800] =	vst v63  }
0x1be: {  	_ =	swait.ge [sflag:s31], $0x3200  }
0x1bf: {  	[sflag:s31] =	ssyncset.done $0x0  }
0x1c0: {  	s8 =	simm.s32 $0xD00;
	[sflag:s31] =	ssyncadd.s32 $0xFFFFCE00  }
0x1c1: {  	[spmem:s3] =	stream.indirect.scatter.add.f32 [tilespmem:s22], [sflag:$0x5], $0x80, s8, s28, $0xb8;
	[tilespmem:$0x1D800] =	vst v63  }
0x1c2: {  	_ =	swait.ge [sflag:s1], $0x3200  }
0x1c3: {  	[sflag:s1] =	ssyncset.done $0x0  }
0x1c4: {  	s8 =	simm.s32 $0x200;
	[sflag:s1] =	ssyncadd.s32 $0xFFFFCE00  }
0x1c5: {  	[tilespmem:s22], [sflag:$0x1] =	stream.indirect.gather [hbm4b:s2+s28], $0x80, s8, s28, $0xb8;
	[tilespmem:$0x1D800] =	vst v63  }
0x1c6: {  	_ =	swait.ge [sflag:s5], $0x3200  }
0x1c7: {  	[sflag:s5] =	ssyncset.done $0x0  }
0x1c8: {  	s8 =	simm.s32 $0xD80;
	[sflag:s5] =	ssyncadd.s32 $0xFFFFCE00  }
0x1c9: {  	[spmem:s3] =	stream.indirect.scatter.add.f32 [tilespmem:s30], [sflag:$0x5], $0x80, s8, s28, $0xb8;
	[tilespmem:$0x1D800] =	vst v63  }
0x1ca: {  	_ =	swait.ge [sflag:s1], $0x3200  }
0x1cb: {  	[sflag:s1] =	ssyncset.done $0x0  }
0x1cc: {  	s8 =	simm.s32 $0x280;
	[sflag:s1] =	ssyncadd.s32 $0xFFFFCE00  }
0x1cd: {  	[tilespmem:s30], [sflag:$0x2] =	stream.indirect.gather [hbm4b:s2+s28], $0x80, s8, s28, $0xb8;
	[tilespmem:$0x1D800] =	vst v63  }
0x1ce: {  	_ =	swait.ge [sflag:s31], $0x3200  }
0x1cf: {  	[sflag:s31] =	ssyncset.done $0x0  }
0x1d0: {  	s8 =	simm.s32 $0xE00;
	[sflag:s31] =	ssyncadd.s32 $0xFFFFCE00  }
0x1d1: {  	[spmem:s3] =	stream.indirect.scatter.add.f32 [tilespmem:s22], [sflag:$0x5], $0x80, s8, s28, $0xb8;
	[tilespmem:$0x1D800] =	vst v63  }
0x1d2: {  	_ =	swait.ge [sflag:s1], $0x3200  }
0x1d3: {  	[sflag:s1] =	ssyncset.done $0x0  }
0x1d4: {  	s8 =	simm.s32 $0x300;
	[sflag:s1] =	ssyncadd.s32 $0xFFFFCE00  }
0x1d5: {  	[tilespmem:s22], [sflag:$0x1] =	stream.indirect.gather [hbm4b:s2+s28], $0x80, s8, s28, $0xb8;
	[tilespmem:$0x1D800] =	vst v63  }
0x1d6: {  	_ =	swait.ge [sflag:s5], $0x3200  }
0x1d7: {  	[sflag:s5] =	ssyncset.done $0x0  }
0x1d8: {  	s8 =	simm.s32 $0xE80;
	[sflag:s5] =	ssyncadd.s32 $0xFFFFCE00  }
0x1d9: {  	[spmem:s3] =	stream.indirect.scatter.add.f32 [tilespmem:s30], [sflag:$0x5], $0x80, s8, s28, $0xb8;
	[tilespmem:$0x1D800] =	vst v63  }
0x1da: {  	_ =	swait.ge [sflag:s1], $0x3200  }
0x1db: {  	[sflag:s1] =	ssyncset.done $0x0  }
0x1dc: {  	s8 =	simm.s32 $0x380;
	[sflag:s1] =	ssyncadd.s32 $0xFFFFCE00  }
0x1dd: {  	[tilespmem:s30], [sflag:$0x2] =	stream.indirect.gather [hbm4b:s2+s28], $0x80, s8, s28, $0xb8;
	[tilespmem:$0x1D800] =	vst v63  }
0x1de: {  	_ =	swait.ge [sflag:s31], $0x3200  }
0x1df: {  	[sflag:s31] =	ssyncset.done $0x0  }
0x1e0: {  	s8 =	simm.s32 $0xF00;
	[sflag:s31] =	ssyncadd.s32 $0xFFFFCE00  }
0x1e1: {  	[spmem:s3] =	stream.indirect.scatter.add.f32 [tilespmem:s22], [sflag:$0x5], $0x80, s8, s28, $0xb8;
	[tilespmem:$0x1D800] =	vst v63  }
0x1e2: {  	_ =	swait.ge [sflag:s1], $0x3200  }
0x1e3: {  	[sflag:s1] =	ssyncset.done $0x0  }
0x1e4: {  	s8 =	simm.s32 $0x400;
	[sflag:s1] =	ssyncadd.s32 $0xFFFFCE00  }
0x1e5: {  	[tilespmem:s22], [sflag:$0x1] =	stream.indirect.gather [hbm4b:s2+s28], $0x80, s8, s28, $0xb8;
	[tilespmem:$0x1D800] =	vst v63  }
0x1e6: {  	_ =	swait.ge [sflag:s5], $0x3200  }
0x1e7: {  	[sflag:s5] =	ssyncset.done $0x0  }
0x1e8: {  	s8 =	simm.s32 $0xF80;
	[sflag:s5] =	ssyncadd.s32 $0xFFFFCE00  }
0x1e9: {  	[spmem:s3] =	stream.indirect.scatter.add.f32 [tilespmem:s30], [sflag:$0x5], $0x80, s8, s28, $0xb8;
	[tilespmem:$0x1D800] =	vst v63  }
0x1ea: {  	_ =	swait.ge [sflag:s1], $0x3200  }
0x1eb: {  	[sflag:s1] =	ssyncset.done $0x0  }
0x1ec: {  	s8 =	simm.s32 $0x480;
	[sflag:s1] =	ssyncadd.s32 $0xFFFFCE00  }
0x1ed: {  	[tilespmem:s30], [sflag:$0x2] =	stream.indirect.gather [hbm4b:s2+s28], $0x80, s8, s28, $0xb8;
	[tilespmem:$0x1D800] =	vst v63  }
0x1ee: {  	_ =	swait.ge [sflag:s31], $0x3200  }
0x1ef: {  	[sflag:s31] =	ssyncset.done $0x0  }
0x1f0: {  	s8 =	simm.s32 $0x1000;
	[sflag:s31] =	ssyncadd.s32 $0xFFFFCE00  }
0x1f1: {  	[spmem:s3] =	stream.indirect.scatter.add.f32 [tilespmem:s22], [sflag:$0x5], $0x80, s8, s28, $0xb8;
	[tilespmem:$0x1D800] =	vst v63  }
0x1f2: {  	_ =	swait.ge [sflag:s1], $0x3200  }
0x1f3: {  	[sflag:s1] =	ssyncset.done $0x0  }
0x1f4: {  	s8 =	simm.s32 $0x500;
	[sflag:s1] =	ssyncadd.s32 $0xFFFFCE00  }
0x1f5: {  	[tilespmem:s22], [sflag:$0x1] =	stream.indirect.gather [hbm4b:s2+s28], $0x80, s8, s28, $0xb8;
	[tilespmem:$0x1D800] =	vst v63  }
0x1f6: {  	_ =	swait.ge [sflag:s5], $0x3200  }
0x1f7: {  	[sflag:s5] =	ssyncset.done $0x0  }
0x1f8: {  	s8 =	simm.s32 $0x1080;
	[sflag:s5] =	ssyncadd.s32 $0xFFFFCE00  }
0x1f9: {  	[spmem:s3] =	stream.indirect.scatter.add.f32 [tilespmem:s30], [sflag:$0x5], $0x80, s8, s28, $0xb8;
	[tilespmem:$0x1D800] =	vst v63  }
0x1fa: {  	_ =	swait.ge [sflag:s1], $0x3200  }
0x1fb: {  	[sflag:s1] =	ssyncset.done $0x0  }
0x1fc: {  	s8 =	simm.s32 $0x580;
	[sflag:s1] =	ssyncadd.s32 $0xFFFFCE00  }
0x1fd: {  	[tilespmem:s30], [sflag:$0x2] =	stream.indirect.gather [hbm4b:s2+s28], $0x80, s8, s28, $0xb8;
	[tilespmem:$0x1D800] =	vst v63  }
0x1fe: {  	_ =	swait.ge [sflag:s31], $0x3200  }
0x1ff: {  	[sflag:s31] =	ssyncset.done $0x0  }
0x200: {  	s8 =	simm.s32 $0x1100;
	[sflag:s31] =	ssyncadd.s32 $0xFFFFCE00  }
0x201: {  	[spmem:s3] =	stream.indirect.scatter.add.f32 [tilespmem:s22], [sflag:$0x5], $0x80, s8, s28, $0xb8;
	[tilespmem:$0x1D800] =	vst v63  }
0x202: {  	_ =	swait.ge [sflag:s1], $0x3200  }
0x203: {  	[sflag:s1] =	ssyncset.done $0x0  }
0x204: {  	s8 =	simm.s32 $0x600;
	[sflag:s1] =	ssyncadd.s32 $0xFFFFCE00  }
0x205: {  	[tilespmem:s22], [sflag:$0x1] =	stream.indirect.gather [hbm4b:s2+s28], $0x80, s8, s28, $0xb8;
	[tilespmem:$0x1D800] =	vst v63  }
0x206: {  	_ =	swait.ge [sflag:s5], $0x3200  }
0x207: {  	[sflag:s5] =	ssyncset.done $0x0  }
0x208: {  	s8 =	simm.s32 $0x1180;
	[sflag:s5] =	ssyncadd.s32 $0xFFFFCE00  }
0x209: {  	[spmem:s3] =	stream.indirect.scatter.add.f32 [tilespmem:s30], [sflag:$0x5], $0x80, s8, s28, $0xb8;
	[tilespmem:$0x1D800] =	vst v63  }
0x20a: {  	_ =	swait.ge [sflag:s1], $0x3200  }
0x20b: {  	[sflag:s1] =	ssyncset.done $0x0  }
0x20c: {  	s8 =	simm.s32 $0x680;
	[sflag:s1] =	ssyncadd.s32 $0xFFFFCE00  }
0x20d: {  	[tilespmem:s30], [sflag:$0x2] =	stream.indirect.gather [hbm4b:s2+s28], $0x80, s8, s28, $0xb8;
	[tilespmem:$0x1D800] =	vst v63  }
0x20e: {  	_ =	swait.ge [sflag:s31], $0x3200  }
0x20f: {  	[sflag:s31] =	ssyncset.done $0x0  }
0x210: {  	s8 =	simm.s32 $0x1200;
	[sflag:s31] =	ssyncadd.s32 $0xFFFFCE00  }
0x211: {  	[spmem:s3] =	stream.indirect.scatter.add.f32 [tilespmem:s22], [sflag:$0x5], $0x80, s8, s28, $0xb8;
	[tilespmem:$0x1D800] =	vst v63  }
0x212: {  	_ =	swait.ge [sflag:s1], $0x3200  }
0x213: {  	[sflag:s1] =	ssyncset.done $0x0  }
0x214: {  	s8 =	simm.s32 $0x700;
	[sflag:s1] =	ssyncadd.s32 $0xFFFFCE00  }
0x215: {  	[tilespmem:s22], [sflag:$0x1] =	stream.indirect.gather [hbm4b:s2+s28], $0x80, s8, s28, $0xb8;
	[tilespmem:$0x1D800] =	vst v63  }
0x216: {  	_ =	swait.ge [sflag:s5], $0x3200  }
0x217: {  	[sflag:s5] =	ssyncset.done $0x0  }
0x218: {  	s8 =	simm.s32 $0x1280;
	[sflag:s5] =	ssyncadd.s32 $0xFFFFCE00  }
0x219: {  	[spmem:s3] =	stream.indirect.scatter.add.f32 [tilespmem:s30], [sflag:$0x5], $0x80, s8, s28, $0xb8;
	[tilespmem:$0x1D800] =	vst v63  }
0x21a: {  	_ =	swait.ge [sflag:s1], $0x3200  }
0x21b: {  	[sflag:s1] =	ssyncset.done $0x0  }
0x21c: {  	s8 =	simm.s32 $0x780;
	[sflag:s1] =	ssyncadd.s32 $0xFFFFCE00  }
0x21d: {  	[tilespmem:s30], [sflag:$0x2] =	stream.indirect.gather [hbm4b:s2+s28], $0x80, s8, s28, $0xb8;
	[tilespmem:$0x1D800] =	vst v63  }
0x21e: {  	_ =	swait.ge [sflag:s31], $0x3200  }
0x21f: {  	[sflag:s31] =	ssyncset.done $0x0  }
0x220: {  	s8 =	simm.s32 $0x1300;
	[sflag:s31] =	ssyncadd.s32 $0xFFFFCE00  }
0x221: {  	[spmem:s3] =	stream.indirect.scatter.add.f32 [tilespmem:s22], [sflag:$0x5], $0x80, s8, s28, $0xb8;
	[tilespmem:$0x1D800] =	vst v63  }
0x222: {  	_ =	swait.ge [sflag:s1], $0x3200  }
0x223: {  	[sflag:s1] =	ssyncset.done $0x0  }
0x224: {  	s8 =	simm.s32 $0x800;
	[sflag:s1] =	ssyncadd.s32 $0xFFFFCE00  }
0x225: {  	[tilespmem:s22], [sflag:$0x1] =	stream.indirect.gather [hbm4b:s2+s28], $0x80, s8, s28, $0xb8;
	[tilespmem:$0x1D800] =	vst v63  }
0x226: {  	_ =	swait.ge [sflag:s5], $0x3200  }
0x227: {  	[sflag:s5] =	ssyncset.done $0x0  }
0x228: {  	s8 =	simm.s32 $0x1380;
	[sflag:s5] =	ssyncadd.s32 $0xFFFFCE00  }
0x229: {  	[spmem:s3] =	stream.indirect.scatter.add.f32 [tilespmem:s30], [sflag:$0x5], $0x80, s8, s28, $0xb8;
	[tilespmem:$0x1D800] =	vst v63  }
0x22a: {  	_ =	swait.ge [sflag:s1], $0x3200  }
0x22b: {  	[sflag:s1] =	ssyncset.done $0x0  }
0x22c: {  	s8 =	simm.s32 $0x880;
	[sflag:s1] =	ssyncadd.s32 $0xFFFFCE00  }
0x22d: {  	[tilespmem:s30], [sflag:$0x2] =	stream.indirect.gather [hbm4b:s2+s28], $0x80, s8, s28, $0xb8;
	[tilespmem:$0x1D800] =	vst v63  }
0x22e: {  	_ =	swait.ge [sflag:s31], $0x3200  }
0x22f: {  	[sflag:s31] =	ssyncset.done $0x0  }
0x230: {  	s8 =	simm.s32 $0x1400;
	[sflag:s31] =	ssyncadd.s32 $0xFFFFCE00  }
0x231: {  	[spmem:s3] =	stream.indirect.scatter.add.f32 [tilespmem:s22], [sflag:$0x5], $0x80, s8, s28, $0xb8;
	[tilespmem:$0x1D800] =	vst v63  }
0x232: {  	_ =	swait.ge [sflag:s1], $0x3200  }
0x233: {  	[sflag:s1] =	ssyncset.done $0x0  }
0x234: {  	s8 =	simm.s32 $0x900;
	[sflag:s1] =	ssyncadd.s32 $0xFFFFCE00  }
0x235: {  	[tilespmem:s22], [sflag:$0x1] =	stream.indirect.gather [hbm4b:s2+s28], $0x80, s8, s28, $0xb8;
	[tilespmem:$0x1D800] =	vst v63  }
0x236: {  	_ =	swait.ge [sflag:s5], $0x3200  }
0x237: {  	[sflag:s5] =	ssyncset.done $0x0  }
0x238: {  	s8 =	simm.s32 $0x1480;
	[sflag:s5] =	ssyncadd.s32 $0xFFFFCE00  }
0x239: {  	[spmem:s3] =	stream.indirect.scatter.add.f32 [tilespmem:s30], [sflag:$0x5], $0x80, s8, s28, $0xb8;
	[tilespmem:$0x1D800] =	vst v63  }
0x23a: {  	_ =	swait.ge [sflag:s1], $0x3200  }
0x23b: {  	[sflag:s1] =	ssyncset.done $0x0  }
0x23c: {  	s8 =	simm.s32 $0x980;
	[sflag:s1] =	ssyncadd.s32 $0xFFFFCE00  }
0x23d: {  	[tilespmem:s30], [sflag:$0x2] =	stream.indirect.gather [hbm4b:s2+s28], $0x80, s8, s28, $0xb8;
	[tilespmem:$0x1D800] =	vst v63  }
0x23e: {  	_ =	swait.ge [sflag:s31], $0x3200  }
0x23f: {  	[sflag:s31] =	ssyncset.done $0x0  }
0x240: {  	s8 =	simm.s32 $0x1500;
	[sflag:s31] =	ssyncadd.s32 $0xFFFFCE00  }
0x241: {  	[spmem:s3] =	stream.indirect.scatter.add.f32 [tilespmem:s22], [sflag:$0x5], $0x80, s8, s28, $0xb8;
	[tilespmem:$0x1D800] =	vst v63  }
0x242: {  	_ =	swait.ge [sflag:s1], $0x3200  }
0x243: {  	[sflag:s1] =	ssyncset.done $0x0  }
0x244: {  	[sflag:s1] =	ssyncadd.s32 $0xFFFFCE00  }
0x245: {  	_ =	swait.ge [sflag:s5], $0x3200  }
0x246: {  	[sflag:s5] =	ssyncset.done $0x0  }
0x247: {  	s8 =	simm.s32 $0x1580;
	[sflag:s5] =	ssyncadd.s32 $0xFFFFCE00  }
0x248: {  	[spmem:s3] =	stream.indirect.scatter.add.f32 [tilespmem:s30], [sflag:$0x5], $0x80, s8, s28, $0xb8;
	[tilespmem:$0x1D800] =	vst v63  }
0x249: {  	_ =	swait.ge [sflag:s1], $0x3200  }
0x24a: {  	[sflag:s1] =	ssyncset.done $0x0  }
0x24b: {  	[sflag:s1] =	ssyncadd.s32 $0xFFFFCE00  }
0x24c: {  	_ =	swait.ge [sflag:s24], $0x1400  }
0x24d: {  	[sflag:s24] =	ssyncset.done $0x0  }
0x24e: {  	s8 =	rddreg [dreg:$0x12];
	[sflag:s24] =	ssyncadd.s32 $0xFFFFEC00  }
0x24f: {  	[tilespmem:s4], [sflag:$0x4] =	stream.linear.gather [hbm4b:s8+s4], $0xA00, $0x38;
	[tilespmem:$0x1D800] =	vst v63  }
0x250: {  	s8 =	sadd.s32 $0x180, s8  }
0x251: {  	[tilespmem:s0], [sflag:$0x4] =	stream.linear.gather [hbm4b:s8+s4], $0xA00, $0x38;
	[tilespmem:$0x1D800] =	vst v63  }
0x252: {  	_ = 	snop  }
0x253: {  	[tilespmem:s22], [sflag:$0x1] =	stream.indirect.gather [hbm4b:s2+s28], $0x80, s26, s28, $0xb8;
	[tilespmem:$0x1D800] =	vst v63  }
0x254: {  	_ = 	snop  }
0x255: {  	[tilespmem:s30], [sflag:$0x2] =	stream.indirect.gather [hbm4b:s2+s28], $0x80, s9, s28, $0xb8;
	[tilespmem:$0x1D800] =	vst v63  }
0x256: {  	_ =	swait.ge [sflag:s31], $0x3200  }
0x257: {  	[sflag:s31] =	ssyncset.done $0x0  }
0x258: {  	[sflag:s31] =	ssyncadd.s32 $0xFFFFCE00  }
0x259: {  	[spmem:s3] =	stream.indirect.scatter.add.f32 [tilespmem:s22], [sflag:$0x5], $0x80, s6, s28, $0xb8;
	[tilespmem:$0x1D800] =	vst v63  }
0x25a: {  	_ =	swait.ge [sflag:s1], $0x3200  }
0x25b: {  	[sflag:s1] =	ssyncset.done $0x0  }
0x25c: {  	[sflag:s1] =	ssyncadd.s32 $0xFFFFCE00  }
0x25d: {  	[tilespmem:s22], [sflag:$0x1] =	stream.indirect.gather [hbm4b:s2+s28], $0x80, s21, s28, $0xb8;
	[tilespmem:$0x1D800] =	vst v63  }
0x25e: {  	_ =	swait.ge [sflag:s5], $0x3200  }
0x25f: {  	[sflag:s5] =	ssyncset.done $0x0  }
0x260: {  	[sflag:s5] =	ssyncadd.s32 $0xFFFFCE00  }
0x261: {  	[spmem:s3] =	stream.indirect.scatter.add.f32 [tilespmem:s30], [sflag:$0x5], $0x80, s12, s28, $0xb8;
	[tilespmem:$0x1D800] =	vst v63  }
0x262: {  	_ =	swait.ge [sflag:s1], $0x3200  }
0x263: {  	[sflag:s1] =	ssyncset.done $0x0  }
0x264: {  	[sflag:s1] =	ssyncadd.s32 $0xFFFFCE00  }
0x265: {  	[tilespmem:s30], [sflag:$0x2] =	stream.indirect.gather [hbm4b:s2+s28], $0x80, s13, s28, $0xb8;
	[tilespmem:$0x1D800] =	vst v63  }
0x266: {  	_ =	swait.ge [sflag:s31], $0x3200  }
0x267: {  	[sflag:s31] =	ssyncset.done $0x0  }
0x268: {  	[sflag:s31] =	ssyncadd.s32 $0xFFFFCE00  }
0x269: {  	[spmem:s3] =	stream.indirect.scatter.add.f32 [tilespmem:s22], [sflag:$0x5], $0x80, s14, s28, $0xb8;
	[tilespmem:$0x1D800] =	vst v63  }
0x26a: {  	_ =	swait.ge [sflag:s1], $0x3200  }
0x26b: {  	[sflag:s1] =	ssyncset.done $0x0  }
0x26c: {  	[sflag:s1] =	ssyncadd.s32 $0xFFFFCE00  }
0x26d: {  	[tilespmem:s22], [sflag:$0x1] =	stream.indirect.gather [hbm4b:s2+s28], $0x80, s15, s28, $0xb8;
	[tilespmem:$0x1D800] =	vst v63  }
0x26e: {  	_ =	swait.ge [sflag:s5], $0x3200  }
0x26f: {  	[sflag:s5] =	ssyncset.done $0x0  }
0x270: {  	[sflag:s5] =	ssyncadd.s32 $0xFFFFCE00  }
0x271: {  	[spmem:s3] =	stream.indirect.scatter.add.f32 [tilespmem:s30], [sflag:$0x5], $0x80, s16, s28, $0xb8;
	[tilespmem:$0x1D800] =	vst v63  }
0x272: {  	_ =	swait.ge [sflag:s1], $0x3200  }
0x273: {  	[sflag:s1] =	ssyncset.done $0x0  }
0x274: {  	[sflag:s1] =	ssyncadd.s32 $0xFFFFCE00  }
0x275: {  	[tilespmem:s30], [sflag:$0x2] =	stream.indirect.gather [hbm4b:s2+s28], $0x80, s17, s28, $0xb8;
	[tilespmem:$0x1D800] =	vst v63  }
0x276: {  	_ =	swait.ge [sflag:s31], $0x3200  }
0x277: {  	[sflag:s31] =	ssyncset.done $0x0  }
0x278: {  	[sflag:s31] =	ssyncadd.s32 $0xFFFFCE00  }
0x279: {  	[spmem:s3] =	stream.indirect.scatter.add.f32 [tilespmem:s22], [sflag:$0x5], $0x80, s18, s28, $0xb8;
	[tilespmem:$0x1D800] =	vst v63  }
0x27a: {  	_ =	swait.ge [sflag:s1], $0x3200  }
0x27b: {  	[sflag:s1] =	ssyncset.done $0x0  }
0x27c: {  	[sflag:s1] =	ssyncadd.s32 $0xFFFFCE00  }
0x27d: {  	[tilespmem:s22], [sflag:$0x1] =	stream.indirect.gather [hbm4b:s2+s28], $0x80, s19, s28, $0xb8;
	[tilespmem:$0x1D800] =	vst v63  }
0x27e: {  	_ =	swait.ge [sflag:s5], $0x3200  }
0x27f: {  	[sflag:s5] =	ssyncset.done $0x0  }
0x280: {  	[sflag:s5] =	ssyncadd.s32 $0xFFFFCE00  }
0x281: {  	[spmem:s3] =	stream.indirect.scatter.add.f32 [tilespmem:s30], [sflag:$0x5], $0x80, s20, s28, $0xb8;
	[tilespmem:$0x1D800] =	vst v63  }
0x282: {  	_ =	swait.ge [sflag:s1], $0x3200  }
0x283: {  	[sflag:s1] =	ssyncset.done $0x0  }
0x284: {  	[sflag:s1] =	ssyncadd.s32 $0xFFFFCE00  }
0x285: {  	[tilespmem:s30], [sflag:$0x2] =	stream.indirect.gather [hbm4b:s2+s28], $0x80, s25, s28, $0xb8;
	[tilespmem:$0x1D800] =	vst v63  }
0x286: {  	_ =	swait.ge [sflag:s31], $0x3200  }
0x287: {  	[sflag:s31] =	ssyncset.done $0x0  }
0x288: {  	[sflag:s31] =	ssyncadd.s32 $0xFFFFCE00  }
0x289: {  	[spmem:s3] =	stream.indirect.scatter.add.f32 [tilespmem:s22], [sflag:$0x5], $0x80, s29, s28, $0xb8;
	[tilespmem:$0x1D800] =	vst v63  }
0x28a: {  	_ =	swait.ge [sflag:s1], $0x3200  }
0x28b: {  	[sflag:s1] =	ssyncset.done $0x0  }
0x28c: {  	[sflag:s1] =	ssyncadd.s32 $0xFFFFCE00  }
0x28d: {  	[tilespmem:s22], [sflag:$0x1] =	stream.indirect.gather [hbm4b:s2+s28], $0x80, s10, s28, $0xb8;
	[tilespmem:$0x1D800] =	vst v63  }
0x28e: {  	_ =	swait.ge [sflag:s5], $0x3200  }
0x28f: {  	[sflag:s5] =	ssyncset.done $0x0  }
0x290: {  	[sflag:s5] =	ssyncadd.s32 $0xFFFFCE00  }
0x291: {  	[spmem:s3] =	stream.indirect.scatter.add.f32 [tilespmem:s30], [sflag:$0x5], $0x80, s11, s28, $0xb8;
	[tilespmem:$0x1D800] =	vst v63  }
0x292: {  	_ =	swait.ge [sflag:s1], $0x3200  }
0x293: {  	[sflag:s1] =	ssyncset.done $0x0  }
0x294: {  	s8 =	simm.s32 $0x1C80;
	[sflag:s1] =	ssyncadd.s32 $0xFFFFCE00  }
0x295: {  	[tilespmem:s30], [sflag:$0x2] =	stream.indirect.gather [hbm4b:s2+s28], $0x80, s8, s28, $0xb8;
	[tilespmem:$0x1D800] =	vst v63  }
0x296: {  	_ =	swait.ge [sflag:s31], $0x3200  }
0x297: {  	[sflag:s31] =	ssyncset.done $0x0  }
0x298: {  	s9 =	simm.s32 $0x2800;
	[sflag:s31] =	ssyncadd.s32 $0xFFFFCE00  }
0x299: {  	[spmem:s3] =	stream.indirect.scatter.add.f32 [tilespmem:s22], [sflag:$0x5], $0x80, s9, s28, $0xb8;
	[tilespmem:$0x1D800] =	vst v63  }
0x29a: {  	_ =	swait.ge [sflag:s1], $0x3200  }
0x29b: {  	[sflag:s1] =	ssyncset.done $0x0  }
0x29c: {  	s10 =	simm.s32 $0x1D00;
	[sflag:s1] =	ssyncadd.s32 $0xFFFFCE00  }
0x29d: {  	[tilespmem:s22], [sflag:$0x1] =	stream.indirect.gather [hbm4b:s2+s28], $0x80, s10, s28, $0xb8;
	[tilespmem:$0x1D800] =	vst v63  }
0x29e: {  	_ =	swait.ge [sflag:s5], $0x3200  }
0x29f: {  	[sflag:s5] =	ssyncset.done $0x0  }
0x2a0: {  	s11 =	simm.s32 $0x2880;
	[sflag:s5] =	ssyncadd.s32 $0xFFFFCE00  }
0x2a1: {  	[spmem:s3] =	stream.indirect.scatter.add.f32 [tilespmem:s30], [sflag:$0x5], $0x80, s11, s28, $0xb8;
	[tilespmem:$0x1D800] =	vst v63  }
0x2a2: {  	_ =	swait.ge [sflag:s1], $0x3200  }
0x2a3: {  	[sflag:s1] =	ssyncset.done $0x0  }
0x2a4: {  	s8 =	simm.s32 $0x1D80;
	[sflag:s1] =	ssyncadd.s32 $0xFFFFCE00  }
0x2a5: {  	[tilespmem:s30], [sflag:$0x2] =	stream.indirect.gather [hbm4b:s2+s28], $0x80, s8, s28, $0xb8;
	[tilespmem:$0x1D800] =	vst v63  }
0x2a6: {  	_ =	swait.ge [sflag:s31], $0x3200  }
0x2a7: {  	[sflag:s31] =	ssyncset.done $0x0  }
0x2a8: {  	s9 =	simm.s32 $0x2900;
	[sflag:s31] =	ssyncadd.s32 $0xFFFFCE00  }
0x2a9: {  	[spmem:s3] =	stream.indirect.scatter.add.f32 [tilespmem:s22], [sflag:$0x5], $0x80, s9, s28, $0xb8;
	[tilespmem:$0x1D800] =	vst v63  }
0x2aa: {  	_ =	swait.ge [sflag:s1], $0x3200  }
0x2ab: {  	[sflag:s1] =	ssyncset.done $0x0  }
0x2ac: {  	s10 =	simm.s32 $0x1E00;
	[sflag:s1] =	ssyncadd.s32 $0xFFFFCE00  }
0x2ad: {  	[tilespmem:s22], [sflag:$0x1] =	stream.indirect.gather [hbm4b:s2+s28], $0x80, s10, s28, $0xb8;
	[tilespmem:$0x1D800] =	vst v63  }
0x2ae: {  	_ =	swait.ge [sflag:s5], $0x3200  }
0x2af: {  	[sflag:s5] =	ssyncset.done $0x0  }
0x2b0: {  	s11 =	simm.s32 $0x2980;
	[sflag:s5] =	ssyncadd.s32 $0xFFFFCE00  }
0x2b1: {  	[spmem:s3] =	stream.indirect.scatter.add.f32 [tilespmem:s30], [sflag:$0x5], $0x80, s11, s28, $0xb8;
	[tilespmem:$0x1D800] =	vst v63  }
0x2b2: {  	_ =	swait.ge [sflag:s1], $0x3200  }
0x2b3: {  	[sflag:s1] =	ssyncset.done $0x0  }
0x2b4: {  	s8 =	simm.s32 $0x1E80;
	[sflag:s1] =	ssyncadd.s32 $0xFFFFCE00  }
0x2b5: {  	[tilespmem:s30], [sflag:$0x2] =	stream.indirect.gather [hbm4b:s2+s28], $0x80, s8, s28, $0xb8;
	[tilespmem:$0x1D800] =	vst v63  }
0x2b6: {  	_ =	swait.ge [sflag:s31], $0x3200  }
0x2b7: {  	[sflag:s31] =	ssyncset.done $0x0  }
0x2b8: {  	s9 =	simm.s32 $0x2A00;
	[sflag:s31] =	ssyncadd.s32 $0xFFFFCE00  }
0x2b9: {  	[spmem:s3] =	stream.indirect.scatter.add.f32 [tilespmem:s22], [sflag:$0x5], $0x80, s9, s28, $0xb8;
	[tilespmem:$0x1D800] =	vst v63  }
0x2ba: {  	_ =	swait.ge [sflag:s1], $0x3200  }
0x2bb: {  	[sflag:s1] =	ssyncset.done $0x0  }
0x2bc: {  	s10 =	simm.s32 $0x1F00;
	[sflag:s1] =	ssyncadd.s32 $0xFFFFCE00  }
0x2bd: {  	[tilespmem:s22], [sflag:$0x1] =	stream.indirect.gather [hbm4b:s2+s28], $0x80, s10, s28, $0xb8;
	[tilespmem:$0x1D800] =	vst v63  }
0x2be: {  	_ =	swait.ge [sflag:s5], $0x3200  }
0x2bf: {  	[sflag:s5] =	ssyncset.done $0x0  }
0x2c0: {  	s11 =	simm.s32 $0x2A80;
	[sflag:s5] =	ssyncadd.s32 $0xFFFFCE00  }
0x2c1: {  	[spmem:s3] =	stream.indirect.scatter.add.f32 [tilespmem:s30], [sflag:$0x5], $0x80, s11, s28, $0xb8;
	[tilespmem:$0x1D800] =	vst v63  }
0x2c2: {  	_ =	swait.ge [sflag:s1], $0x3200  }
0x2c3: {  	[sflag:s1] =	ssyncset.done $0x0  }
0x2c4: {  	s8 =	simm.s32 $0x1F80;
	[sflag:s1] =	ssyncadd.s32 $0xFFFFCE00  }
0x2c5: {  	[tilespmem:s30], [sflag:$0x2] =	stream.indirect.gather [hbm4b:s2+s28], $0x80, s8, s28, $0xb8;
	[tilespmem:$0x1D800] =	vst v63  }
0x2c6: {  	_ =	swait.ge [sflag:s31], $0x3200  }
0x2c7: {  	[sflag:s31] =	ssyncset.done $0x0  }
0x2c8: {  	s9 =	simm.s32 $0x2B00;
	[sflag:s31] =	ssyncadd.s32 $0xFFFFCE00  }
0x2c9: {  	[spmem:s3] =	stream.indirect.scatter.add.f32 [tilespmem:s22], [sflag:$0x5], $0x80, s9, s28, $0xb8;
	[tilespmem:$0x1D800] =	vst v63  }
0x2ca: {  	_ =	swait.ge [sflag:s1], $0x3200  }
0x2cb: {  	[sflag:s1] =	ssyncset.done $0x0  }
0x2cc: {  	s10 =	simm.s32 $0x2000;
	[sflag:s1] =	ssyncadd.s32 $0xFFFFCE00  }
0x2cd: {  	[tilespmem:s22], [sflag:$0x1] =	stream.indirect.gather [hbm4b:s2+s28], $0x80, s10, s28, $0xb8;
	[tilespmem:$0x1D800] =	vst v63  }
0x2ce: {  	_ =	swait.ge [sflag:s5], $0x3200  }
0x2cf: {  	[sflag:s5] =	ssyncset.done $0x0  }
0x2d0: {  	s11 =	simm.s32 $0x2B80;
	[sflag:s5] =	ssyncadd.s32 $0xFFFFCE00  }
0x2d1: {  	[spmem:s3] =	stream.indirect.scatter.add.f32 [tilespmem:s30], [sflag:$0x5], $0x80, s11, s28, $0xb8;
	[tilespmem:$0x1D800] =	vst v63  }
0x2d2: {  	_ =	swait.ge [sflag:s1], $0x3200  }
0x2d3: {  	[sflag:s1] =	ssyncset.done $0x0  }
0x2d4: {  	s8 =	simm.s32 $0x2080;
	[sflag:s1] =	ssyncadd.s32 $0xFFFFCE00  }
0x2d5: {  	[tilespmem:s30], [sflag:$0x2] =	stream.indirect.gather [hbm4b:s2+s28], $0x80, s8, s28, $0xb8;
	[tilespmem:$0x1D800] =	vst v63  }
0x2d6: {  	_ =	swait.ge [sflag:s31], $0x3200  }
0x2d7: {  	[sflag:s31] =	ssyncset.done $0x0  }
0x2d8: {  	s9 =	simm.s32 $0x2C00;
	[sflag:s31] =	ssyncadd.s32 $0xFFFFCE00  }
0x2d9: {  	[spmem:s3] =	stream.indirect.scatter.add.f32 [tilespmem:s22], [sflag:$0x5], $0x80, s9, s28, $0xb8;
	[tilespmem:$0x1D800] =	vst v63  }
0x2da: {  	_ =	swait.ge [sflag:s1], $0x3200  }
0x2db: {  	[sflag:s1] =	ssyncset.done $0x0  }
0x2dc: {  	s10 =	simm.s32 $0x2100;
	[sflag:s1] =	ssyncadd.s32 $0xFFFFCE00  }
0x2dd: {  	[tilespmem:s22], [sflag:$0x1] =	stream.indirect.gather [hbm4b:s2+s28], $0x80, s10, s28, $0xb8;
	[tilespmem:$0x1D800] =	vst v63  }
0x2de: {  	_ =	swait.ge [sflag:s5], $0x3200  }
0x2df: {  	[sflag:s5] =	ssyncset.done $0x0  }
0x2e0: {  	s11 =	simm.s32 $0x2C80;
	[sflag:s5] =	ssyncadd.s32 $0xFFFFCE00  }
0x2e1: {  	[spmem:s3] =	stream.indirect.scatter.add.f32 [tilespmem:s30], [sflag:$0x5], $0x80, s11, s28, $0xb8;
	[tilespmem:$0x1D800] =	vst v63  }
0x2e2: {  	_ =	swait.ge [sflag:s1], $0x3200  }
0x2e3: {  	[sflag:s1] =	ssyncset.done $0x0  }
0x2e4: {  	s8 =	simm.s32 $0x2180;
	[sflag:s1] =	ssyncadd.s32 $0xFFFFCE00  }
0x2e5: {  	[tilespmem:s30], [sflag:$0x2] =	stream.indirect.gather [hbm4b:s2+s28], $0x80, s8, s28, $0xb8;
	[tilespmem:$0x1D800] =	vst v63  }
0x2e6: {  	_ =	swait.ge [sflag:s31], $0x3200  }
0x2e7: {  	[sflag:s31] =	ssyncset.done $0x0  }
0x2e8: {  	s9 =	simm.s32 $0x2D00;
	[sflag:s31] =	ssyncadd.s32 $0xFFFFCE00  }
0x2e9: {  	[spmem:s3] =	stream.indirect.scatter.add.f32 [tilespmem:s22], [sflag:$0x5], $0x80, s9, s28, $0xb8;
	[tilespmem:$0x1D800] =	vst v63  }
0x2ea: {  	_ =	swait.ge [sflag:s1], $0x3200  }
0x2eb: {  	[sflag:s1] =	ssyncset.done $0x0  }
0x2ec: {  	[sflag:s1] =	ssyncadd.s32 $0xFFFFCE00  }
0x2ed: {  	_ =	swait.ge [sflag:s5], $0x3200  }
0x2ee: {  	[sflag:s5] =	ssyncset.done $0x0  }
0x2ef: {  	s10 =	simm.s32 $0x2D80;
	[sflag:s5] =	ssyncadd.s32 $0xFFFFCE00  }
0x2f0: {  	[spmem:s3] =	stream.indirect.scatter.add.f32 [tilespmem:s30], [sflag:$0x5], $0x80, s10, s28, $0xb8;
	[tilespmem:$0x1D800] =	vst v63  }
0x2f1: {  	_ =	swait.ge [sflag:s1], $0x3200  }
0x2f2: {  	[sflag:s1] =	ssyncset.done $0x0  }
0x2f3: {  	[sflag:s1] =	ssyncadd.s32 $0xFFFFCE00  }
0x2f4: {  	_ =	swait.ge [sflag:s24], $0x1400  }
0x2f5: {  	[sflag:s24] =	ssyncset.done $0x0  }
0x2f6: {  	[sflag:s24] =	ssyncadd.s32 $0xFFFFEC00  }
0x2f7: {  	[tilespmem:s22], [sflag:$0x1] =	stream.indirect.gather [hbm4b:s2+s28], $0x80, s4, s28, $0xb8;
	[tilespmem:$0x1D800] =	vst v63  }
0x2f8: {  	s11 =	simm.s32 $0x80  }
0x2f9: {  	[tilespmem:s30], [sflag:$0x2] =	stream.indirect.gather [hbm4b:s2+s28], $0x80, s11, s28, $0xb8;
	[tilespmem:$0x1D800] =	vst v63  }
0x2fa: {  	_ =	swait.ge [sflag:s31], $0x3200  }
0x2fb: {  	[sflag:s31] =	ssyncset.done $0x0  }
0x2fc: {  	s12 =	simm.s32 $0xC00;
	[sflag:s31] =	ssyncadd.s32 $0xFFFFCE00  }
0x2fd: {  	[spmem:s3] =	stream.indirect.scatter.add.f32 [tilespmem:s22], [sflag:$0x5], $0x80, s12, s28, $0xb8;
	[tilespmem:$0x1D800] =	vst v63  }
0x2fe: {  	_ =	swait.ge [sflag:s1], $0x3200  }
0x2ff: {  	[sflag:s1] =	ssyncset.done $0x0  }
0x300: {  	s8 =	simm.s32 $0x100;
	[sflag:s1] =	ssyncadd.s32 $0xFFFFCE00  }
0x301: {  	[tilespmem:s22], [sflag:$0x1] =	stream.indirect.gather [hbm4b:s2+s28], $0x80, s8, s28, $0xb8;
	[tilespmem:$0x1D800] =	vst v63  }
0x302: {  	_ =	swait.ge [sflag:s5], $0x3200  }
0x303: {  	[sflag:s5] =	ssyncset.done $0x0  }
0x304: {  	s9 =	simm.s32 $0xC80;
	[sflag:s5] =	ssyncadd.s32 $0xFFFFCE00  }
0x305: {  	[spmem:s3] =	stream.indirect.scatter.add.f32 [tilespmem:s30], [sflag:$0x5], $0x80, s9, s28, $0xb8;
	[tilespmem:$0x1D800] =	vst v63  }
0x306: {  	_ =	swait.ge [sflag:s1], $0x3200  }
0x307: {  	[sflag:s1] =	ssyncset.done $0x0  }
0x308: {  	s10 =	simm.s32 $0x180;
	[sflag:s1] =	ssyncadd.s32 $0xFFFFCE00  }
0x309: {  	[tilespmem:s30], [sflag:$0x2] =	stream.indirect.gather [hbm4b:s2+s28], $0x80, s10, s28, $0xb8;
	[tilespmem:$0x1D800] =	vst v63  }
0x30a: {  	_ =	swait.ge [sflag:s31], $0x3200  }
0x30b: {  	[sflag:s31] =	ssyncset.done $0x0  }
0x30c: {  	s11 =	simm.s32 $0xD00;
	[sflag:s31] =	ssyncadd.s32 $0xFFFFCE00  }
0x30d: {  	[spmem:s3] =	stream.indirect.scatter.add.f32 [tilespmem:s22], [sflag:$0x5], $0x80, s11, s28, $0xb8;
	[tilespmem:$0x1D800] =	vst v63  }
0x30e: {  	_ =	swait.ge [sflag:s1], $0x3200  }
0x30f: {  	[sflag:s1] =	ssyncset.done $0x0  }
0x310: {  	s8 =	simm.s32 $0x200;
	[sflag:s1] =	ssyncadd.s32 $0xFFFFCE00  }
0x311: {  	[tilespmem:s22], [sflag:$0x1] =	stream.indirect.gather [hbm4b:s2+s28], $0x80, s8, s28, $0xb8;
	[tilespmem:$0x1D800] =	vst v63  }
0x312: {  	_ =	swait.ge [sflag:s5], $0x3200  }
0x313: {  	[sflag:s5] =	ssyncset.done $0x0  }
0x314: {  	s9 =	simm.s32 $0xD80;
	[sflag:s5] =	ssyncadd.s32 $0xFFFFCE00  }
0x315: {  	[spmem:s3] =	stream.indirect.scatter.add.f32 [tilespmem:s30], [sflag:$0x5], $0x80, s9, s28, $0xb8;
	[tilespmem:$0x1D800] =	vst v63  }
0x316: {  	_ =	swait.ge [sflag:s1], $0x3200  }
0x317: {  	[sflag:s1] =	ssyncset.done $0x0  }
0x318: {  	s10 =	simm.s32 $0x280;
	[sflag:s1] =	ssyncadd.s32 $0xFFFFCE00  }
0x319: {  	[tilespmem:s30], [sflag:$0x2] =	stream.indirect.gather [hbm4b:s2+s28], $0x80, s10, s28, $0xb8;
	[tilespmem:$0x1D800] =	vst v63  }
0x31a: {  	_ =	swait.ge [sflag:s31], $0x3200  }
0x31b: {  	[sflag:s31] =	ssyncset.done $0x0  }
0x31c: {  	s11 =	simm.s32 $0xE00;
	[sflag:s31] =	ssyncadd.s32 $0xFFFFCE00  }
0x31d: {  	[spmem:s3] =	stream.indirect.scatter.add.f32 [tilespmem:s22], [sflag:$0x5], $0x80, s11, s28, $0xb8;
	[tilespmem:$0x1D800] =	vst v63  }
0x31e: {  	_ =	swait.ge [sflag:s1], $0x3200  }
0x31f: {  	[sflag:s1] =	ssyncset.done $0x0  }
0x320: {  	s8 =	simm.s32 $0x300;
	[sflag:s1] =	ssyncadd.s32 $0xFFFFCE00  }
0x321: {  	[tilespmem:s22], [sflag:$0x1] =	stream.indirect.gather [hbm4b:s2+s28], $0x80, s8, s28, $0xb8;
	[tilespmem:$0x1D800] =	vst v63  }
0x322: {  	_ =	swait.ge [sflag:s5], $0x3200  }
0x323: {  	[sflag:s5] =	ssyncset.done $0x0  }
0x324: {  	s9 =	simm.s32 $0xE80;
	[sflag:s5] =	ssyncadd.s32 $0xFFFFCE00  }
0x325: {  	[spmem:s3] =	stream.indirect.scatter.add.f32 [tilespmem:s30], [sflag:$0x5], $0x80, s9, s28, $0xb8;
	[tilespmem:$0x1D800] =	vst v63  }
0x326: {  	_ =	swait.ge [sflag:s1], $0x3200  }
0x327: {  	[sflag:s1] =	ssyncset.done $0x0  }
0x328: {  	s10 =	simm.s32 $0x380;
	[sflag:s1] =	ssyncadd.s32 $0xFFFFCE00  }
0x329: {  	[tilespmem:s30], [sflag:$0x2] =	stream.indirect.gather [hbm4b:s2+s28], $0x80, s10, s28, $0xb8;
	[tilespmem:$0x1D800] =	vst v63  }
0x32a: {  	_ =	swait.ge [sflag:s31], $0x3200  }
0x32b: {  	[sflag:s31] =	ssyncset.done $0x0  }
0x32c: {  	s11 =	simm.s32 $0xF00;
	[sflag:s31] =	ssyncadd.s32 $0xFFFFCE00  }
0x32d: {  	[spmem:s3] =	stream.indirect.scatter.add.f32 [tilespmem:s22], [sflag:$0x5], $0x80, s11, s28, $0xb8;
	[tilespmem:$0x1D800] =	vst v63  }
0x32e: {  	_ =	swait.ge [sflag:s1], $0x3200  }
0x32f: {  	[sflag:s1] =	ssyncset.done $0x0  }
0x330: {  	s8 =	simm.s32 $0x400;
	[sflag:s1] =	ssyncadd.s32 $0xFFFFCE00  }
0x331: {  	[tilespmem:s22], [sflag:$0x1] =	stream.indirect.gather [hbm4b:s2+s28], $0x80, s8, s28, $0xb8;
	[tilespmem:$0x1D800] =	vst v63  }
0x332: {  	_ =	swait.ge [sflag:s5], $0x3200  }
0x333: {  	[sflag:s5] =	ssyncset.done $0x0  }
0x334: {  	s9 =	simm.s32 $0xF80;
	[sflag:s5] =	ssyncadd.s32 $0xFFFFCE00  }
0x335: {  	[spmem:s3] =	stream.indirect.scatter.add.f32 [tilespmem:s30], [sflag:$0x5], $0x80, s9, s28, $0xb8;
	[tilespmem:$0x1D800] =	vst v63  }
0x336: {  	_ =	swait.ge [sflag:s1], $0x3200  }
0x337: {  	[sflag:s1] =	ssyncset.done $0x0  }
0x338: {  	s10 =	simm.s32 $0x480;
	[sflag:s1] =	ssyncadd.s32 $0xFFFFCE00  }
0x339: {  	[tilespmem:s30], [sflag:$0x2] =	stream.indirect.gather [hbm4b:s2+s28], $0x80, s10, s28, $0xb8;
	[tilespmem:$0x1D800] =	vst v63  }
0x33a: {  	_ =	swait.ge [sflag:s31], $0x3200  }
0x33b: {  	[sflag:s31] =	ssyncset.done $0x0  }
0x33c: {  	s11 =	simm.s32 $0x1000;
	[sflag:s31] =	ssyncadd.s32 $0xFFFFCE00  }
0x33d: {  	[spmem:s3] =	stream.indirect.scatter.add.f32 [tilespmem:s22], [sflag:$0x5], $0x80, s11, s28, $0xb8;
	[tilespmem:$0x1D800] =	vst v63  }
0x33e: {  	_ =	swait.ge [sflag:s1], $0x3200  }
0x33f: {  	[sflag:s1] =	ssyncset.done $0x0  }
0x340: {  	s8 =	simm.s32 $0x500;
	[sflag:s1] =	ssyncadd.s32 $0xFFFFCE00  }
0x341: {  	[tilespmem:s22], [sflag:$0x1] =	stream.indirect.gather [hbm4b:s2+s28], $0x80, s8, s28, $0xb8;
	[tilespmem:$0x1D800] =	vst v63  }
0x342: {  	_ =	swait.ge [sflag:s5], $0x3200  }
0x343: {  	[sflag:s5] =	ssyncset.done $0x0  }
0x344: {  	s9 =	simm.s32 $0x1080;
	[sflag:s5] =	ssyncadd.s32 $0xFFFFCE00  }
0x345: {  	[spmem:s3] =	stream.indirect.scatter.add.f32 [tilespmem:s30], [sflag:$0x5], $0x80, s9, s28, $0xb8;
	[tilespmem:$0x1D800] =	vst v63  }
0x346: {  	_ =	swait.ge [sflag:s1], $0x3200  }
0x347: {  	[sflag:s1] =	ssyncset.done $0x0  }
0x348: {  	s10 =	simm.s32 $0x580;
	[sflag:s1] =	ssyncadd.s32 $0xFFFFCE00  }
0x349: {  	[tilespmem:s30], [sflag:$0x2] =	stream.indirect.gather [hbm4b:s2+s28], $0x80, s10, s28, $0xb8;
	[tilespmem:$0x1D800] =	vst v63  }
0x34a: {  	_ =	swait.ge [sflag:s31], $0x3200  }
0x34b: {  	[sflag:s31] =	ssyncset.done $0x0  }
0x34c: {  	s11 =	simm.s32 $0x1100;
	[sflag:s31] =	ssyncadd.s32 $0xFFFFCE00  }
0x34d: {  	[spmem:s3] =	stream.indirect.scatter.add.f32 [tilespmem:s22], [sflag:$0x5], $0x80, s11, s28, $0xb8;
	[tilespmem:$0x1D800] =	vst v63  }
0x34e: {  	_ =	swait.ge [sflag:s1], $0x3200  }
0x34f: {  	[sflag:s1] =	ssyncset.done $0x0  }
0x350: {  	s8 =	simm.s32 $0x600;
	[sflag:s1] =	ssyncadd.s32 $0xFFFFCE00  }
0x351: {  	[tilespmem:s22], [sflag:$0x1] =	stream.indirect.gather [hbm4b:s2+s28], $0x80, s8, s28, $0xb8;
	[tilespmem:$0x1D800] =	vst v63  }
0x352: {  	_ =	swait.ge [sflag:s5], $0x3200  }
0x353: {  	[sflag:s5] =	ssyncset.done $0x0  }
0x354: {  	s9 =	simm.s32 $0x1180;
	[sflag:s5] =	ssyncadd.s32 $0xFFFFCE00  }
0x355: {  	[spmem:s3] =	stream.indirect.scatter.add.f32 [tilespmem:s30], [sflag:$0x5], $0x80, s9, s28, $0xb8;
	[tilespmem:$0x1D800] =	vst v63  }
0x356: {  	_ =	swait.ge [sflag:s1], $0x3200  }
0x357: {  	[sflag:s1] =	ssyncset.done $0x0  }
0x358: {  	s10 =	simm.s32 $0x680;
	[sflag:s1] =	ssyncadd.s32 $0xFFFFCE00  }
0x359: {  	[tilespmem:s30], [sflag:$0x2] =	stream.indirect.gather [hbm4b:s2+s28], $0x80, s10, s28, $0xb8;
	[tilespmem:$0x1D800] =	vst v63  }
0x35a: {  	_ =	swait.ge [sflag:s31], $0x3200  }
0x35b: {  	[sflag:s31] =	ssyncset.done $0x0  }
0x35c: {  	s11 =	simm.s32 $0x1200;
	[sflag:s31] =	ssyncadd.s32 $0xFFFFCE00  }
0x35d: {  	[spmem:s3] =	stream.indirect.scatter.add.f32 [tilespmem:s22], [sflag:$0x5], $0x80, s11, s28, $0xb8;
	[tilespmem:$0x1D800] =	vst v63  }
0x35e: {  	_ =	swait.ge [sflag:s1], $0x3200  }
0x35f: {  	[sflag:s1] =	ssyncset.done $0x0  }
0x360: {  	s8 =	simm.s32 $0x700;
	[sflag:s1] =	ssyncadd.s32 $0xFFFFCE00  }
0x361: {  	[tilespmem:s22], [sflag:$0x1] =	stream.indirect.gather [hbm4b:s2+s28], $0x80, s8, s28, $0xb8;
	[tilespmem:$0x1D800] =	vst v63  }
0x362: {  	_ =	swait.ge [sflag:s5], $0x3200  }
0x363: {  	[sflag:s5] =	ssyncset.done $0x0  }
0x364: {  	s9 =	simm.s32 $0x1280;
	[sflag:s5] =	ssyncadd.s32 $0xFFFFCE00  }
0x365: {  	[spmem:s3] =	stream.indirect.scatter.add.f32 [tilespmem:s30], [sflag:$0x5], $0x80, s9, s28, $0xb8;
	[tilespmem:$0x1D800] =	vst v63  }
0x366: {  	_ =	swait.ge [sflag:s1], $0x3200  }
0x367: {  	[sflag:s1] =	ssyncset.done $0x0  }
0x368: {  	s10 =	simm.s32 $0x780;
	[sflag:s1] =	ssyncadd.s32 $0xFFFFCE00  }
0x369: {  	[tilespmem:s30], [sflag:$0x2] =	stream.indirect.gather [hbm4b:s2+s28], $0x80, s10, s28, $0xb8;
	[tilespmem:$0x1D800] =	vst v63  }
0x36a: {  	_ =	swait.ge [sflag:s31], $0x3200  }
0x36b: {  	[sflag:s31] =	ssyncset.done $0x0  }
0x36c: {  	s11 =	simm.s32 $0x1300;
	[sflag:s31] =	ssyncadd.s32 $0xFFFFCE00  }
0x36d: {  	[spmem:s3] =	stream.indirect.scatter.add.f32 [tilespmem:s22], [sflag:$0x5], $0x80, s11, s28, $0xb8;
	[tilespmem:$0x1D800] =	vst v63  }
0x36e: {  	_ =	swait.ge [sflag:s1], $0x3200  }
0x36f: {  	[sflag:s1] =	ssyncset.done $0x0  }
0x370: {  	s8 =	simm.s32 $0x800;
	[sflag:s1] =	ssyncadd.s32 $0xFFFFCE00  }
0x371: {  	[tilespmem:s22], [sflag:$0x1] =	stream.indirect.gather [hbm4b:s2+s28], $0x80, s8, s28, $0xb8;
	[tilespmem:$0x1D800] =	vst v63  }
0x372: {  	_ =	swait.ge [sflag:s5], $0x3200  }
0x373: {  	[sflag:s5] =	ssyncset.done $0x0  }
0x374: {  	s9 =	simm.s32 $0x1380;
	[sflag:s5] =	ssyncadd.s32 $0xFFFFCE00  }
0x375: {  	[spmem:s3] =	stream.indirect.scatter.add.f32 [tilespmem:s30], [sflag:$0x5], $0x80, s9, s28, $0xb8;
	[tilespmem:$0x1D800] =	vst v63  }
0x376: {  	_ =	swait.ge [sflag:s1], $0x3200  }
0x377: {  	[sflag:s1] =	ssyncset.done $0x0  }
0x378: {  	s10 =	simm.s32 $0x880;
	[sflag:s1] =	ssyncadd.s32 $0xFFFFCE00  }
0x379: {  	[tilespmem:s30], [sflag:$0x2] =	stream.indirect.gather [hbm4b:s2+s28], $0x80, s10, s28, $0xb8;
	[tilespmem:$0x1D800] =	vst v63  }
0x37a: {  	_ =	swait.ge [sflag:s31], $0x3200  }
0x37b: {  	[sflag:s31] =	ssyncset.done $0x0  }
0x37c: {  	s11 =	simm.s32 $0x1400;
	[sflag:s31] =	ssyncadd.s32 $0xFFFFCE00  }
0x37d: {  	[spmem:s3] =	stream.indirect.scatter.add.f32 [tilespmem:s22], [sflag:$0x5], $0x80, s11, s28, $0xb8;
	[tilespmem:$0x1D800] =	vst v63  }
0x37e: {  	_ =	swait.ge [sflag:s1], $0x3200  }
0x37f: {  	[sflag:s1] =	ssyncset.done $0x0  }
0x380: {  	s8 =	simm.s32 $0x900;
	[sflag:s1] =	ssyncadd.s32 $0xFFFFCE00  }
0x381: {  	[tilespmem:s22], [sflag:$0x1] =	stream.indirect.gather [hbm4b:s2+s28], $0x80, s8, s28, $0xb8;
	[tilespmem:$0x1D800] =	vst v63  }
0x382: {  	_ =	swait.ge [sflag:s5], $0x3200  }
0x383: {  	[sflag:s5] =	ssyncset.done $0x0  }
0x384: {  	s9 =	simm.s32 $0x1480;
	[sflag:s5] =	ssyncadd.s32 $0xFFFFCE00  }
0x385: {  	[spmem:s3] =	stream.indirect.scatter.add.f32 [tilespmem:s30], [sflag:$0x5], $0x80, s9, s28, $0xb8;
	[tilespmem:$0x1D800] =	vst v63  }
0x386: {  	_ =	swait.ge [sflag:s1], $0x3200  }
0x387: {  	[sflag:s1] =	ssyncset.done $0x0  }
0x388: {  	s10 =	simm.s32 $0x980;
	[sflag:s1] =	ssyncadd.s32 $0xFFFFCE00  }
0x389: {  	[tilespmem:s30], [sflag:$0x2] =	stream.indirect.gather [hbm4b:s2+s28], $0x80, s10, s28, $0xb8;
	[tilespmem:$0x1D800] =	vst v63  }
0x38a: {  	_ =	swait.ge [sflag:s31], $0x3200  }
0x38b: {  	[sflag:s31] =	ssyncset.done $0x0  }
0x38c: {  	s11 =	simm.s32 $0x1500;
	[sflag:s31] =	ssyncadd.s32 $0xFFFFCE00  }
0x38d: {  	[spmem:s3] =	stream.indirect.scatter.add.f32 [tilespmem:s22], [sflag:$0x5], $0x80, s11, s28, $0xb8;
	[tilespmem:$0x1D800] =	vst v63  }
0x38e: {  	_ =	swait.ge [sflag:s1], $0x3200  }
0x38f: {  	[sflag:s1] =	ssyncset.done $0x0  }
0x390: {  	[sflag:s1] =	ssyncadd.s32 $0xFFFFCE00  }
0x391: {  	_ =	swait.ge [sflag:s5], $0x3200  }
0x392: {  	[sflag:s5] =	ssyncset.done $0x0  }
0x393: {  	s8 =	simm.s32 $0x1580;
	[sflag:s5] =	ssyncadd.s32 $0xFFFFCE00  }
0x394: {  	[spmem:s3] =	stream.indirect.scatter.add.f32 [tilespmem:s30], [sflag:$0x5], $0x80, s8, s28, $0xb8;
	[tilespmem:$0x1D800] =	vst v63  }
0x395: {  	_ =	swait.ge [sflag:s1], $0x3200  }
0x396: {  	[sflag:s1] =	ssyncset.done $0x0  }
0x397: {  	[sflag:s1] =	ssyncadd.s32 $0xFFFFCE00  }
0x398: {  	s9 =	stileid.u32;
	[bflag:$0x0] =	sbarrier.arrive $0xFFFF  }
0x399: {  	s8 =	sshll.u32 s9, $0x6;
	s10 =	rddreg [dreg:$0x13]  }
0x39a: {  	s8 =	sor.u32 $0x1C05, s8;
	s0 =	rddreg [dreg:$0xc];
	s11 =	sshrl.u32 s10, $0x3  }
0x39b: {  	[hbm:s0], [sflag:s8] =	dma.local [spmem:s11], $0x2800  }
0x39c: {  	_ =	swait.ge [sflag:s1], $0x2800  }
0x39d: {  	s7 =	sadd.s32 $0x1, s7;
	s11 =	rddreg [dreg:$0xd]  }
0x39e: {  	p0 =	sne.s32 s7, s11  }
.Ltmp1:
0x39f: {  	_ = 	snop;
	(pc) =	sbr.rel @p0 .LBB2_1-.Ltmp1, $3  }
0x3a0: {  	_ =	sdelay $0x1  }
0x3a1: {  	[sflag:s1] =	ssyncset.done $0x0  }
0x3a2: {  	[sflag:s1] =	ssyncadd.s32 $0xFFFFD800  }
0x3a3: {  	_ =	sfence.sel $0x180000  }
0x3a4: {  	[bflag:$0x0] =	sbarrier.arrive $0xFFFF  }
0x3a5: {  	_ =	strace $0x90000047  }
0x3a6: {  	s0 =	stileid.u32;
	[bflag:$0x2] =	sbarrier.arrive $0xFFFF  }
0x3a7: {  	p0 =	sne.s32 s0, $0x0;
	s0 =	rddreg [dreg:$0x3]  }
0x3a8: {  	s0 =	sadd.s32 @!p0 $0x100000, s0  }
0x3a9: {  	[sflag:s0] =	ssyncadd.tile.s32 @!p0 $0x1;
	_ =	shalt  }
.Lfunc_end2:
_tile_overlayer_lowered:
.L_overlay_start_2:
0x3aa: {  	(tag) =	ssettag $0x2  }
0x3ab: {  	s0 =	rddreg [dreg:$0x0];
	s2 =	stileid.u32  }
0x3ac: {  	s1 =	rddreg [dreg:$0x1];
	p0 =	sne.s32 s2, $0x0  }
0x3ad: {  	s3 =	rddreg [dreg:$0x2];
	[bflag:$0x3] =	sbarrier.arrive $0xFFFF;
	s2 =	simm.s32 @!p0 $0x1C05  }
0x3ae: {  	[timem:s3], [sflag:s2] =	dma.local @!p0 [hbm:s0], s1  }
0x3af: {  	s0 =	simm.s32 @!p0 $0x5  }
0x3b0: {  	_ =	swait.ge @!p0 [sflag:s0], s1  }
0x3b1: {  	s1 =	ssub.s32 @!p0 $0x0, s1;
	[sflag:s0] =	ssyncset.done @!p0 $0x0  }
0x3b2: {  	[sflag:s0] =	ssyncadd.s32 @!p0 s1  }
0x3b3: {  	[bflag:$0x3] =	sbarrier.arrive $0xFFFF  }
0x3b4: {  	_ =	shalt  }

</sc_bundles>
